<compile_context>
chip_gen: v7x
topology: tpu7x:2x2x1
jax: 0.10.2.dev20260603
libtpu: 0.0.44.dev20260713+nightly
codegen_flags: <defaults>
</compile_context>

<pallas_src>
import functools

import jax
import jax.numpy as jnp
from jax import lax
from jax.experimental import pallas as pl
from jax.experimental.pallas import tpu as pltpu
from jax.experimental.pallas import tpu_sc as plsc

N = 10000
E = 320000
D_IN = 128
H = 48

NC = 2
NS = 16
NW = NC * NS
CH = 128
NITER = 80
EPT = NITER * CH
EP = NW * EPT
NP = 10240
RPS = NP // NS
LCAP = EPT + 16

_CPARAMS = dict(needs_layout_passes=False, use_tc_tiling_on_sc=False)


def _vmesh():
    return plsc.VectorSubcoreMesh(
        core_axis_name="c", subcore_axis_name="s",
        num_cores=NC, num_subcores=NS)



@functools.lru_cache(maxsize=None)
def _make_sc_degscan():
  @functools.partial(
      pl.kernel,
      out_type=[
          jax.ShapeDtypeStruct((NW, NP), jnp.float32),
          jax.ShapeDtypeStruct((NW, LCAP), jnp.int32),
          jax.ShapeDtypeStruct((NW, LCAP), jnp.int32),
          jax.ShapeDtypeStruct((NW, 16), jnp.int32),
      ],
      mesh=_vmesh(),
      compiler_params=pltpu.CompilerParams(**_CPARAMS),
      scratch_types=[
          pltpu.VMEM((NITER, CH), jnp.int32),
          pltpu.VMEM((NITER, CH), jnp.int32),
          pltpu.VMEM((NP,), jnp.float32),
          pltpu.VMEM((LCAP,), jnp.int32),
          pltpu.VMEM((LCAP,), jnp.int32),
          pltpu.VMEM((16,), jnp.int32),
          pltpu.VMEM((16,), jnp.int32),
      ],
  )
  def _sc_degscan_k(dst3_hbm, src3_hbm, outf_hbm,
                    degp_hbm, msrc_hbm, mj_hbm, cnt_hbm,
                    dst_v, src_v, deg_v, msrc_v, mj_v, outf_v, cntb_v):
    cid = lax.axis_index("c")
    sid = lax.axis_index("s")
    wid = sid * NC + cid

    def zero_body(i, _):
        deg_v[pl.ds(i * 16, 16)] = jnp.zeros((16,), jnp.float32)
        return 0
    lax.fori_loop(0, NP // 16, zero_body, 0)

    pltpu.sync_copy(dst3_hbm.at[wid], dst_v)
    pltpu.sync_copy(src3_hbm.at[wid], src_v)
    pltpu.sync_copy(outf_hbm, outf_v)

    ones = jnp.ones((16,), jnp.float32)
    lanes = lax.iota(jnp.int32, 16)
    ov = outf_v[...]
    outs = [jnp.sum(jnp.where(lanes == k, ov, 0)) for k in range(9)]

    def body(j, cnt):
        for c in range(CH // 16):
            dstv = dst_v[j, pl.ds(c * 16, 16)]
            plsc.addupdate_scatter(deg_v, [dstv], ones)
            jsel = jnp.full((16,), 15, jnp.int32)
            for k in range(8, -1, -1):
                jsel = jnp.where(dstv == outs[k], jnp.int32(k), jsel)
            mask = jsel < 15
            srcv = src_v[j, pl.ds(c * 16, 16)]
            plsc.store_compressed(msrc_v.at[pl.ds(cnt, 16)], srcv, mask=mask)
            plsc.store_compressed(mj_v.at[pl.ds(cnt, 16)], jsel, mask=mask)
            cnt = cnt + jnp.sum(mask.astype(jnp.int32))
        return cnt
    cnt = lax.fori_loop(0, NITER, body, jnp.int32(0))

    msrc_v[pl.ds(cnt, 16)] = jnp.full((16,), NP - 1, jnp.int32)
    cntb_v[...] = jnp.full((16,), cnt, jnp.int32)

    pltpu.sync_copy(deg_v, degp_hbm.at[wid])
    pltpu.sync_copy(msrc_v, msrc_hbm.at[wid])
    pltpu.sync_copy(mj_v, mj_hbm.at[wid])
    pltpu.sync_copy(cntb_v, cnt_hbm.at[wid])

  return _sc_degscan_k


def _sc_degscan(dst3, src3, outf16):
  return _make_sc_degscan()(dst3, src3, outf16)



@functools.lru_cache(maxsize=None)
def _make_sc_edge():
  @functools.partial(
      pl.kernel,
      out_type=jax.ShapeDtypeStruct((NC, NP, H), jnp.float32),
      mesh=_vmesh(),
      compiler_params=pltpu.CompilerParams(**_CPARAMS),
      scratch_types=[
          pltpu.VMEM((NITER, CH), jnp.int32),
          pltpu.VMEM((NITER, CH), jnp.int32),
          pltpu.VMEM((8, CH, H), jnp.float32),
          pltpu.VMEM_SHARED((NP, H), jnp.float32),
      ] + [pltpu.SemaphoreType.DMA] * 16,
  )
  def _sc_edge_k(src3_hbm, dst3_hbm, table_hbm, zeros_hbm, out_hbm,
                 src_v, dst_v, rowsb, acc_sh, *sems):
    cid = lax.axis_index("c")
    sid = lax.axis_index("s")
    wid = sid * NC + cid

    row0 = pl.multiple_of(sid * RPS, 8)
    pltpu.sync_copy(zeros_hbm.at[pl.ds(row0, RPS)],
                    acc_sh.at[pl.ds(row0, RPS)])
    pltpu.sync_copy(src3_hbm.at[wid], src_v)
    pltpu.sync_copy(dst3_hbm.at[wid], dst_v)
    plsc.subcore_barrier()

    def start_g(j, buf, sem):
        pltpu.async_copy(table_hbm.at[src_v.at[j]], buf, sem)

    def wait_g(j, buf, sem):
        pltpu.make_async_copy(table_hbm.at[src_v.at[j]], buf, sem).wait()

    ND = 8
    bufs = [rowsb.at[b] for b in range(ND)]
    gsems = sems[:ND]
    wsems = sems[ND:]
    for b in range(ND):
        start_g(b, bufs[b], gsems[b])

    def body(jj, _):
        js = [jj * ND + b for b in range(ND)]
        scs = []
        for b in range(ND):
            wait_g(js[b], bufs[b], gsems[b])
            scs.append(pltpu.async_copy(
                bufs[b], acc_sh.at[dst_v.at[js[b]]], wsems[b], add=True))
        for b in range(ND):
            scs[b].wait()

            @pl.when(jj != NITER // ND - 1)
            def _():
                start_g(js[b] + ND, bufs[b], gsems[b])
        return 0
    lax.fori_loop(0, NITER // ND, body, 0)

    plsc.subcore_barrier()
    pltpu.sync_copy(acc_sh.at[pl.ds(row0, RPS)],
                    out_hbm.at[cid, pl.ds(row0, RPS)])

  return _sc_edge_k


def _sc_edge(src3, dst3, table, zeros):
  return _make_sc_edge()(src3, dst3, table, zeros)



@functools.lru_cache(maxsize=None)
def _make_sc_sparse():
  @functools.partial(
      pl.kernel,
      out_type=jax.ShapeDtypeStruct((NW, 16, H), jnp.float32),
      mesh=_vmesh(),
      compiler_params=pltpu.CompilerParams(**_CPARAMS),
      scratch_types=[
          pltpu.VMEM((LCAP,), jnp.int32),
          pltpu.VMEM((LCAP,), jnp.int32),
          pltpu.VMEM((16,), jnp.int32),
          pltpu.VMEM((16, H), jnp.float32),
          pltpu.VMEM((16, H), jnp.float32),
          pltpu.SemaphoreType.DMA,
      ],
  )
  def _sc_sparse_k(msrc_hbm, mj_hbm, cnt_hbm, table_hbm, out_hbm,
                   msrc_v, mj_v, cnt_v, buf_v, t_v, sem):
    cid = lax.axis_index("c")
    sid = lax.axis_index("s")
    wid = sid * NC + cid

    pltpu.sync_copy(msrc_hbm.at[wid], msrc_v)
    pltpu.sync_copy(mj_hbm.at[wid], mj_v)
    pltpu.sync_copy(cnt_hbm.at[wid], cnt_v)

    for r in range(16):
        for m in range(H // 16):
            t_v[r, pl.ds(m * 16, 16)] = jnp.zeros((16,), jnp.float32)

    cnt = jnp.max(cnt_v[...])
    nch = (cnt + 15) // 16
    lanes = lax.iota(jnp.int32, 16)

    def body(c, _):
        base = pl.multiple_of(c * 16, 8)
        pltpu.async_copy(
            table_hbm.at[msrc_v.at[pl.ds(base, 16)]], buf_v, sem).wait()
        jv = mj_v[pl.ds(base, 16)]
        valid = (lanes + base) < cnt
        for m in range(H):
            col = jnp.full((16,), m, jnp.int32)
            vm = plsc.load_gather(buf_v, [lanes, col])
            plsc.addupdate_scatter(t_v, [jv, col], vm, mask=valid)
        return 0
    lax.fori_loop(0, nch, body, 0)

    pltpu.sync_copy(t_v, out_hbm.at[wid])

  return _sc_sparse_k


def _sc_sparse(msrc, mj, cnts, table):
  return _make_sc_sparse()(msrc, mj, cnts, table)



def _tc1_body(degp_ref, x_ref, w1_ref, ptil_ref, dis_ref):
    i = pl.program_id(0)
    blk = x_ref.shape[0]
    deg = jnp.sum(degp_ref[:, pl.ds(i * blk, blk)], axis=0) + 1.0
    dis = lax.rsqrt(deg)
    p = jnp.dot(x_ref[...], w1_ref[...], preferred_element_type=jnp.float32)
    ptil_ref[...] = p * dis[:, None]
    dis_ref[...] = dis[:, None]


def _tc1(degp, x, w1):
    blk = 2048
    grid = NP // blk
    return pl.pallas_call(
        _tc1_body,
        grid=(grid,),
        in_specs=[
            pl.BlockSpec((NW, NP), lambda i: (0, 0)),
            pl.BlockSpec((blk, D_IN), lambda i: (i, 0)),
            pl.BlockSpec((D_IN, H), lambda i: (0, 0)),
        ],
        out_specs=[
            pl.BlockSpec((blk, H), lambda i: (i, 0)),
            pl.BlockSpec((blk, 1), lambda i: (i, 0)),
        ],
        out_shape=[
            jax.ShapeDtypeStruct((NP, H), jnp.float32),
            jax.ShapeDtypeStruct((NP, 1), jnp.float32),
        ],
    )(degp, x, w1)



def _tc2_body(s_ref, ptil_ref, dis_ref, w2_ref, b1_ref, qtil_ref):
    dis = dis_ref[...]
    agg = dis * (s_ref[0] + s_ref[1] + ptil_ref[...]) + b1_ref[...]
    h1 = jnp.maximum(agg, 0.0)
    q = jnp.dot(h1, w2_ref[...], preferred_element_type=jnp.float32)
    qtil_ref[...] = q * dis


def _tc2(s1, ptil, dis, w2, b1):
    blk = 2048
    grid = NP // blk
    return pl.pallas_call(
        _tc2_body,
        grid=(grid,),
        in_specs=[
            pl.BlockSpec((NC, blk, H), lambda i: (0, i, 0)),
            pl.BlockSpec((blk, H), lambda i: (i, 0)),
            pl.BlockSpec((blk, 1), lambda i: (i, 0)),
            pl.BlockSpec((H, H), lambda i: (0, 0)),
            pl.BlockSpec((1, H), lambda i: (0, 0)),
        ],
        out_specs=pl.BlockSpec((blk, H), lambda i: (i, 0)),
        out_shape=jax.ShapeDtypeStruct((NP, H), jnp.float32),
    )(s1, ptil, dis, w2, b1)



def _tc3_body(outf_ref, tsum_ref, qtil_ref, dis_ref, b2_ref, wl_ref, bl_ref,
              out_ref, rows_ref):
    tred = jnp.sum(tsum_ref[...], axis=0)
    rows_ref[...] = jnp.zeros((16, H), jnp.float32)
    for j in range(9):
        idx = outf_ref[j]
        m = jnp.int32(j)
        for k in range(j - 1, -1, -1):
            m = jnp.where(outf_ref[k] == idx, jnp.int32(k), m)
        trow = jnp.zeros((1, H), jnp.float32)
        for k in range(j + 1):
            trow = trow + jnp.where(m == k, 1.0, 0.0) * tred[k:k + 1, :]
        qrow = qtil_ref[pl.ds(idx, 1), :]
        d = dis_ref[pl.ds(idx, 1), :]
        h2 = jnp.maximum(d * (trow + qrow) + b2_ref[...], 0.0)
        rows_ref[pl.ds(j, 1), :] = h2
    z = jnp.dot(rows_ref[...], wl_ref[...], preferred_element_type=jnp.float32)
    out_ref[...] = jax.nn.sigmoid(z + bl_ref[...])


def _tc3(outfall, tsum, qtil, dis, b2, wl, bl):
    return pl.pallas_call(
        _tc3_body,
        in_specs=[
            pl.BlockSpec(memory_space=pltpu.SMEM),
            pl.BlockSpec((NW, 16, H), lambda: (0, 0, 0)),
            pl.BlockSpec((NP, H), lambda: (0, 0)),
            pl.BlockSpec((NP, 1), lambda: (0, 0)),
            pl.BlockSpec((1, H), lambda: (0, 0)),
            pl.BlockSpec((H, 1), lambda: (0, 0)),
            pl.BlockSpec((1, 1), lambda: (0, 0)),
        ],
        out_specs=pl.BlockSpec((16, 1), lambda: (0, 0)),
        out_shape=jax.ShapeDtypeStruct((16, 1), jnp.float32),
        scratch_shapes=[pltpu.VMEM((16, H), jnp.float32)],
    )(outfall, tsum, qtil, dis, b2, wl, bl)


def kernel(x, edge_index, outfall_indices, W1, b1, W2, b2, Wl, bl):
    pad = N + (jnp.arange(EP - E, dtype=jnp.int32) % (NP - N))
    src3 = jnp.concatenate([edge_index[0], pad]).reshape(NW, NITER, CH)
    dst3 = jnp.concatenate([edge_index[1], pad]).reshape(NW, NITER, CH)
    zeros = jnp.zeros((NP, H), jnp.float32)
    x = jnp.concatenate([x, jnp.zeros((NP - N, D_IN), jnp.float32)], axis=0)
    outf16 = jnp.concatenate(
        [outfall_indices, jnp.full((7,), -1, jnp.int32)])

    degp, msrc, mj, cnts = _sc_degscan(dst3, src3, outf16)
    ptil, dis = _tc1(degp, x, W1)
    s1 = _sc_edge(src3, dst3, ptil, zeros)
    qtil = _tc2(s1, ptil, dis, W2, b1.reshape(1, H))
    tsum = _sc_sparse(msrc, mj, cnts, qtil)
    out = _tc3(outfall_indices, tsum, qtil, dis, b2.reshape(1, H),
               Wl, bl.reshape(1, 1))
    return out[:9, 0]

# --- scband reference (transcript-rebuilt; emitter-appended) ---
"""Pipeline reference for scband-gcnflow-predictor-61804579390070 (READ-ONLY COPY).

The authoritative reference and input builder live on the scoring server;
editing this copy changes nothing except your own understanding.
"""

import jax, jax.numpy as jnp
import numpy as np

N = 10000
E = 320000
D_IN = 128
H = 48
D_OUT = 1
N_OUTFALL = 9


def setup_inputs(seed: int = 0) -> dict:
    key = jax.random.key(seed)
    ks = jax.random.split(key, 10)
    x = jax.random.normal(ks[0], (N, D_IN), dtype=jnp.float32)
    edge_index = jax.random.randint(ks[1], (2, E), 0, N, dtype=jnp.int32)
    outfall_indices = jax.random.randint(ks[2], (N_OUTFALL,), 0, N, dtype=jnp.int32)
    W1 = jax.random.normal(ks[3], (D_IN, H), dtype=jnp.float32) * (1.0 / np.sqrt(D_IN))
    b1 = jnp.zeros((H,), dtype=jnp.float32)
    W2 = jax.random.normal(ks[4], (H, H), dtype=jnp.float32) * (1.0 / np.sqrt(H))
    b2 = jnp.zeros((H,), dtype=jnp.float32)
    Wl = jax.random.normal(ks[5], (H, D_OUT), dtype=jnp.float32) * (1.0 / np.sqrt(H))
    bl = jnp.zeros((D_OUT,), dtype=jnp.float32)
    return {"x": x, "edge_index": edge_index, "outfall_indices": outfall_indices,
            "W1": W1, "b1": b1, "W2": W2, "b2": b2, "Wl": Wl, "bl": bl}


def _gcn_conv(x, edge_index, W, b):
    # PyG GCNConv: add self-loops, symmetric normalization D^-1/2 (A+I) D^-1/2 X W + b
    n = x.shape[0]
    loop = jnp.arange(n, dtype=edge_index.dtype)
    src = jnp.concatenate([edge_index[0], loop])
    dst = jnp.concatenate([edge_index[1], loop])
    deg = jax.ops.segment_sum(jnp.ones_like(src, dtype=x.dtype), dst, num_segments=n)
    deg_inv_sqrt = jnp.where(deg > 0, deg ** -0.5, 0.0)
    norm = deg_inv_sqrt[src] * deg_inv_sqrt[dst]
    h = x @ W
    msg = h[src] * norm[:, None]
    out = jax.ops.segment_sum(msg, dst, num_segments=n)
    return out + b


def reference(x, edge_index, outfall_indices, W1, b1, W2, b2, Wl, bl):
    h = _gcn_conv(x, edge_index, W1, b1)
    h = jax.nn.relu(h)
    h = _gcn_conv(h, edge_index, W2, b2)
    h = jax.nn.relu(h)
    outfall_x = h[outfall_indices]
    out = outfall_x @ Wl + bl
    out = jax.nn.sigmoid(out)
    return jnp.squeeze(out, axis=-1)

if __name__ == "__main__":
    import jax
    _d = setup_inputs()
    print(jax.jit(kernel)(*tuple(_d.values())))

</pallas_src>

<mosaic_0001>
#map = affine_map<(d0, d1) -> (0, 0, 0)>
#map1 = affine_map<(d0, d1) -> (0)>
#map2 = affine_map<(d0, d1) -> (0, 0)>
module attributes {stable_mosaic.version = 14 : i64} {
  func.func @_sc_degscan_k(%arg0: i32, %arg1: i32, %arg2: memref<32x80x128xi32, #tpu.memory_space<hbm>>, %arg3: memref<32x80x128xi32, #tpu.memory_space<hbm>>, %arg4: memref<16xi32, #tpu.memory_space<hbm>>, %arg5: memref<32x10240xf32, #tpu.memory_space<hbm>>, %arg6: memref<32x10256xi32, #tpu.memory_space<hbm>>, %arg7: memref<32x10256xi32, #tpu.memory_space<hbm>>, %arg8: memref<32x16xi32, #tpu.memory_space<hbm>>, %arg9: memref<80x128xi32, #tpu.memory_space<vmem>>, %arg10: memref<80x128xi32, #tpu.memory_space<vmem>>, %arg11: memref<10240xf32, #tpu.memory_space<vmem>>, %arg12: memref<10256xi32, #tpu.memory_space<vmem>>, %arg13: memref<10256xi32, #tpu.memory_space<vmem>>, %arg14: memref<16xi32, #tpu.memory_space<vmem>>, %arg15: memref<16xi32, #tpu.memory_space<vmem>>) attributes {dimension_semantics = [#tpu.dimension_semantics<core_parallel>, #tpu.dimension_semantics<subcore_parallel>], iteration_bounds = array<i64: 2, 16>, scalar_prefetch = 0 : i64, scratch_operands = 7 : i64, tpu.core_type = #tpu.core_type<sc_vector_subcore>, window_params = [{transform_indices = #map}, {transform_indices = #map}, {transform_indices = #map1}, {transform_indices = #map2}, {transform_indices = #map2}, {transform_indices = #map2}, {transform_indices = #map2}]} {
    %mul3A = arith.constant 2 : i32
    %mul3A_0 = arith.muli %arg1, %mul3A : i32
    %add3A = arith.addi %mul3A_0, %arg0 : i32
    %scan3A = arith.constant 0 : i32
    %scan3A_1 = arith.constant 0 : i32
    %scan3A_2 = arith.constant 640 : i32
    %scan3A_3 = arith.addi %scan3A_1, %scan3A_2 : i32
    %scan3A_4 = arith.constant 1 : i32
    %scan3A_5 = scf.for %scan3A_108 = %scan3A_1 to %scan3A_3 step %scan3A_4 iter_args(%scan3A_109 = %scan3A) -> (i32)  : i32 {
      %broadcast_in_dim3A_110 = arith.constant 0.000000e+00 : f32
      %broadcast_in_dim3A_111 = vector.broadcast %broadcast_in_dim3A_110 : f32 to vector<16xf32>
      %mul3A_112 = arith.constant 16 : i32
      %mul3A_113 = arith.muli %scan3A_108, %mul3A_112 : i32
      %swap3A_114 = arith.index_cast %mul3A_113 : i32 to index
      %swap3A_115 = tpu.vector_load %arg11[%swap3A_114] {strides = array<i32>} : memref<10240xf32, #tpu.memory_space<vmem>>, vector<16xf32>,
      tpu.vector_store %arg11[%swap3A_114], %broadcast_in_dim3A_111 {strides = array<i32>} : memref<10240xf32, #tpu.memory_space<vmem>>, vector<16xf32>,
      %scan3A_116 = arith.constant 0 : i32
      scf.yield %scan3A_116 : i32
    }
    %scan3A_6 = arith.constant 640 : i32
    "tpu.region"() ({
      %run_scoped3A = tpu.sem_alloc : memref<!tpu.dma_semaphore, #tpu.memory_space<semaphore_mem>>
      %dma_start3A = arith.constant 0 : i32
      %dma_start3A_108 = arith.constant 0 : i32
      %dma_start3A_109 = tpu.memref_slice %arg2[%add3A, %dma_start3A, %dma_start3A_108] : memref<32x80x128xi32, #tpu.memory_space<hbm>> -> memref<1x80x128xi32, #tpu.memory_space<hbm>>
      %dma_start3A_110 = tpu.memref_squeeze %dma_start3A_109 : memref<1x80x128xi32, #tpu.memory_space<hbm>> -> memref<80x128xi32, #tpu.memory_space<hbm>>
      %dma_start3A_111 = arith.constant 0 : i32
      %dma_start3A_112 = arith.constant 0 : i32
      %dma_start3A_113 = tpu.memref_slice %arg2[%add3A, %dma_start3A_111, %dma_start3A_112] : memref<32x80x128xi32, #tpu.memory_space<hbm>> -> memref<1x80x128xi32, #tpu.memory_space<hbm>>
      %dma_start3A_114 = tpu.memref_squeeze %dma_start3A_113 : memref<1x80x128xi32, #tpu.memory_space<hbm>> -> memref<80x128xi32, #tpu.memory_space<hbm>>
      tpu.enqueue_dma source(%dma_start3A_114 : memref<80x128xi32, #tpu.memory_space<hbm>>) target(%arg9 : memref<80x128xi32, #tpu.memory_space<vmem>>) target_semaphore(%run_scoped3A : memref<!tpu.dma_semaphore, #tpu.memory_space<semaphore_mem>>)
      %dma_wait3A = arith.constant 0 : i32
      %dma_wait3A_115 = arith.constant 0 : i32
      %dma_wait3A_116 = tpu.memref_slice %arg2[%add3A, %dma_wait3A, %dma_wait3A_115] : memref<32x80x128xi32, #tpu.memory_space<hbm>> -> memref<1x80x128xi32, #tpu.memory_space<hbm>>
      %dma_wait3A_117 = tpu.memref_squeeze %dma_wait3A_116 : memref<1x80x128xi32, #tpu.memory_space<hbm>> -> memref<80x128xi32, #tpu.memory_space<hbm>>
      %dma_wait3A_118 = arith.constant 0 : i32
      %dma_wait3A_119 = arith.constant 0 : i32
      %dma_wait3A_120 = tpu.memref_slice %arg2[%add3A, %dma_wait3A_118, %dma_wait3A_119] : memref<32x80x128xi32, #tpu.memory_space<hbm>> -> memref<1x80x128xi32, #tpu.memory_space<hbm>>
      %dma_wait3A_121 = tpu.memref_squeeze %dma_wait3A_120 : memref<1x80x128xi32, #tpu.memory_space<hbm>> -> memref<80x128xi32, #tpu.memory_space<hbm>>
      tpu.wait_dma2 semaphore(%run_scoped3A : memref<!tpu.dma_semaphore, #tpu.memory_space<semaphore_mem>>) src(%dma_wait3A_121 : memref<80x128xi32, #tpu.memory_space<hbm>>) dst(%arg9 : memref<80x128xi32, #tpu.memory_space<vmem>>)
      tpu.yield
    }) : () -> ()
    "tpu.region"() ({
      %run_scoped3A = tpu.sem_alloc : memref<!tpu.dma_semaphore, #tpu.memory_space<semaphore_mem>>
      %dma_start3A = arith.constant 0 : i32
      %dma_start3A_108 = arith.constant 0 : i32
      %dma_start3A_109 = tpu.memref_slice %arg3[%add3A, %dma_start3A, %dma_start3A_108] : memref<32x80x128xi32, #tpu.memory_space<hbm>> -> memref<1x80x128xi32, #tpu.memory_space<hbm>>
      %dma_start3A_110 = tpu.memref_squeeze %dma_start3A_109 : memref<1x80x128xi32, #tpu.memory_space<hbm>> -> memref<80x128xi32, #tpu.memory_space<hbm>>
      %dma_start3A_111 = arith.constant 0 : i32
      %dma_start3A_112 = arith.constant 0 : i32
      %dma_start3A_113 = tpu.memref_slice %arg3[%add3A, %dma_start3A_111, %dma_start3A_112] : memref<32x80x128xi32, #tpu.memory_space<hbm>> -> memref<1x80x128xi32, #tpu.memory_space<hbm>>
      %dma_start3A_114 = tpu.memref_squeeze %dma_start3A_113 : memref<1x80x128xi32, #tpu.memory_space<hbm>> -> memref<80x128xi32, #tpu.memory_space<hbm>>
      tpu.enqueue_dma source(%dma_start3A_114 : memref<80x128xi32, #tpu.memory_space<hbm>>) target(%arg10 : memref<80x128xi32, #tpu.memory_space<vmem>>) target_semaphore(%run_scoped3A : memref<!tpu.dma_semaphore, #tpu.memory_space<semaphore_mem>>)
      %dma_wait3A = arith.constant 0 : i32
      %dma_wait3A_115 = arith.constant 0 : i32
      %dma_wait3A_116 = tpu.memref_slice %arg3[%add3A, %dma_wait3A, %dma_wait3A_115] : memref<32x80x128xi32, #tpu.memory_space<hbm>> -> memref<1x80x128xi32, #tpu.memory_space<hbm>>
      %dma_wait3A_117 = tpu.memref_squeeze %dma_wait3A_116 : memref<1x80x128xi32, #tpu.memory_space<hbm>> -> memref<80x128xi32, #tpu.memory_space<hbm>>
      %dma_wait3A_118 = arith.constant 0 : i32
      %dma_wait3A_119 = arith.constant 0 : i32
      %dma_wait3A_120 = tpu.memref_slice %arg3[%add3A, %dma_wait3A_118, %dma_wait3A_119] : memref<32x80x128xi32, #tpu.memory_space<hbm>> -> memref<1x80x128xi32, #tpu.memory_space<hbm>>
      %dma_wait3A_121 = tpu.memref_squeeze %dma_wait3A_120 : memref<1x80x128xi32, #tpu.memory_space<hbm>> -> memref<80x128xi32, #tpu.memory_space<hbm>>
      tpu.wait_dma2 semaphore(%run_scoped3A : memref<!tpu.dma_semaphore, #tpu.memory_space<semaphore_mem>>) src(%dma_wait3A_121 : memref<80x128xi32, #tpu.memory_space<hbm>>) dst(%arg10 : memref<80x128xi32, #tpu.memory_space<vmem>>)
      tpu.yield
    }) : () -> ()
    "tpu.region"() ({
      %run_scoped3A = tpu.sem_alloc : memref<!tpu.dma_semaphore, #tpu.memory_space<semaphore_mem>>
      tpu.enqueue_dma source(%arg4 : memref<16xi32, #tpu.memory_space<hbm>>) target(%arg14 : memref<16xi32, #tpu.memory_space<vmem>>) target_semaphore(%run_scoped3A : memref<!tpu.dma_semaphore, #tpu.memory_space<semaphore_mem>>)
      tpu.wait_dma2 semaphore(%run_scoped3A : memref<!tpu.dma_semaphore, #tpu.memory_space<semaphore_mem>>) src(%arg4 : memref<16xi32, #tpu.memory_space<hbm>>) dst(%arg14 : memref<16xi32, #tpu.memory_space<vmem>>)
      tpu.yield
    }) : () -> ()
    %broadcast_in_dim3A = arith.constant 1.000000e+00 : f32
    %broadcast_in_dim3A_7 = vector.broadcast %broadcast_in_dim3A : f32 to vector<16xf32>
    %iota3A = tpu.iota {dimensions = array<i32: 0>} : vector<16xi32>
    %get3A = arith.constant 0 : index
    %get3A_8 = tpu.vector_load %arg14[%get3A] {strides = array<i32>} : memref<16xi32, #tpu.memory_space<vmem>>, vector<16xi32>,
    %eq3A = arith.constant 0 : i32
    %eq3A_9 = vector.broadcast %eq3A : i32 to vector<16xi32>
    %eq3A_10 = arith.cmpi eq, %iota3A, %eq3A_9 : vector<16xi32>
    %jit3A = arith.constant 0 : i32
    %broadcast_in_dim3A_11 = vector.broadcast %jit3A : i32 to vector<16xi32>
    %select_n3A = arith.select %eq3A_10, %get3A_8, %broadcast_in_dim3A_11 : vector<16xi1>, vector<16xi32>
    %reduce_sum3A = arith.constant true
    %reduce_sum3A_12 = vector.broadcast %reduce_sum3A : i1 to vector<16xi1>
    %reduce_sum3A_13 = tpu.scan <sum>, %select_n3A masked %reduce_sum3A_12 : vector<16xi32>, vector<16xi1> -> vector<16xi32>
    %reduce_sum3A_14 = vector.extract %reduce_sum3A_13[15] : i32 from vector<16xi32>
    %eq3A_15 = arith.constant 1 : i32
    %eq3A_16 = vector.broadcast %eq3A_15 : i32 to vector<16xi32>
    %eq3A_17 = arith.cmpi eq, %iota3A, %eq3A_16 : vector<16xi32>
    %jit3A_18 = arith.constant 0 : i32
    %broadcast_in_dim3A_19 = vector.broadcast %jit3A_18 : i32 to vector<16xi32>
    %select_n3A_20 = arith.select %eq3A_17, %get3A_8, %broadcast_in_dim3A_19 : vector<16xi1>, vector<16xi32>
    %reduce_sum3A_21 = arith.constant true
    %reduce_sum3A_22 = vector.broadcast %reduce_sum3A_21 : i1 to vector<16xi1>
    %reduce_sum3A_23 = tpu.scan <sum>, %select_n3A_20 masked %reduce_sum3A_22 : vector<16xi32>, vector<16xi1> -> vector<16xi32>
    %reduce_sum3A_24 = vector.extract %reduce_sum3A_23[15] : i32 from vector<16xi32>
    %eq3A_25 = arith.constant 2 : i32
    %eq3A_26 = vector.broadcast %eq3A_25 : i32 to vector<16xi32>
    %eq3A_27 = arith.cmpi eq, %iota3A, %eq3A_26 : vector<16xi32>
    %jit3A_28 = arith.constant 0 : i32
    %broadcast_in_dim3A_29 = vector.broadcast %jit3A_28 : i32 to vector<16xi32>
    %select_n3A_30 = arith.select %eq3A_27, %get3A_8, %broadcast_in_dim3A_29 : vector<16xi1>, vector<16xi32>
    %reduce_sum3A_31 = arith.constant true
    %reduce_sum3A_32 = vector.broadcast %reduce_sum3A_31 : i1 to vector<16xi1>
    %reduce_sum3A_33 = tpu.scan <sum>, %select_n3A_30 masked %reduce_sum3A_32 : vector<16xi32>, vector<16xi1> -> vector<16xi32>
    %reduce_sum3A_34 = vector.extract %reduce_sum3A_33[15] : i32 from vector<16xi32>
    %eq3A_35 = arith.constant 3 : i32
    %eq3A_36 = vector.broadcast %eq3A_35 : i32 to vector<16xi32>
    %eq3A_37 = arith.cmpi eq, %iota3A, %eq3A_36 : vector<16xi32>
    %jit3A_38 = arith.constant 0 : i32
    %broadcast_in_dim3A_39 = vector.broadcast %jit3A_38 : i32 to vector<16xi32>
    %select_n3A_40 = arith.select %eq3A_37, %get3A_8, %broadcast_in_dim3A_39 : vector<16xi1>, vector<16xi32>
    %reduce_sum3A_41 = arith.constant true
    %reduce_sum3A_42 = vector.broadcast %reduce_sum3A_41 : i1 to vector<16xi1>
    %reduce_sum3A_43 = tpu.scan <sum>, %select_n3A_40 masked %reduce_sum3A_42 : vector<16xi32>, vector<16xi1> -> vector<16xi32>
    %reduce_sum3A_44 = vector.extract %reduce_sum3A_43[15] : i32 from vector<16xi32>
    %eq3A_45 = arith.constant 4 : i32
    %eq3A_46 = vector.broadcast %eq3A_45 : i32 to vector<16xi32>
    %eq3A_47 = arith.cmpi eq, %iota3A, %eq3A_46 : vector<16xi32>
    %jit3A_48 = arith.constant 0 : i32
    %broadcast_in_dim3A_49 = vector.broadcast %jit3A_48 : i32 to vector<16xi32>
    %select_n3A_50 = arith.select %eq3A_47, %get3A_8, %broadcast_in_dim3A_49 : vector<16xi1>, vector<16xi32>
    %reduce_sum3A_51 = arith.constant true
    %reduce_sum3A_52 = vector.broadcast %reduce_sum3A_51 : i1 to vector<16xi1>
    %reduce_sum3A_53 = tpu.scan <sum>, %select_n3A_50 masked %reduce_sum3A_52 : vector<16xi32>, vector<16xi1> -> vector<16xi32>
    %reduce_sum3A_54 = vector.extract %reduce_sum3A_53[15] : i32 from vector<16xi32>
    %eq3A_55 = arith.constant 5 : i32
    %eq3A_56 = vector.broadcast %eq3A_55 : i32 to vector<16xi32>
    %eq3A_57 = arith.cmpi eq, %iota3A, %eq3A_56 : vector<16xi32>
    %jit3A_58 = arith.constant 0 : i32
    %broadcast_in_dim3A_59 = vector.broadcast %jit3A_58 : i32 to vector<16xi32>
    %select_n3A_60 = arith.select %eq3A_57, %get3A_8, %broadcast_in_dim3A_59 : vector<16xi1>, vector<16xi32>
    %reduce_sum3A_61 = arith.constant true
    %reduce_sum3A_62 = vector.broadcast %reduce_sum3A_61 : i1 to vector<16xi1>
    %reduce_sum3A_63 = tpu.scan <sum>, %select_n3A_60 masked %reduce_sum3A_62 : vector<16xi32>, vector<16xi1> -> vector<16xi32>
    %reduce_sum3A_64 = vector.extract %reduce_sum3A_63[15] : i32 from vector<16xi32>
    %eq3A_65 = arith.constant 6 : i32
    %eq3A_66 = vector.broadcast %eq3A_65 : i32 to vector<16xi32>
    %eq3A_67 = arith.cmpi eq, %iota3A, %eq3A_66 : vector<16xi32>
    %jit3A_68 = arith.constant 0 : i32
    %broadcast_in_dim3A_69 = vector.broadcast %jit3A_68 : i32 to vector<16xi32>
    %select_n3A_70 = arith.select %eq3A_67, %get3A_8, %broadcast_in_dim3A_69 : vector<16xi1>, vector<16xi32>
    %reduce_sum3A_71 = arith.constant true
    %reduce_sum3A_72 = vector.broadcast %reduce_sum3A_71 : i1 to vector<16xi1>
    %reduce_sum3A_73 = tpu.scan <sum>, %select_n3A_70 masked %reduce_sum3A_72 : vector<16xi32>, vector<16xi1> -> vector<16xi32>
    %reduce_sum3A_74 = vector.extract %reduce_sum3A_73[15] : i32 from vector<16xi32>
    %eq3A_75 = arith.constant 7 : i32
    %eq3A_76 = vector.broadcast %eq3A_75 : i32 to vector<16xi32>
    %eq3A_77 = arith.cmpi eq, %iota3A, %eq3A_76 : vector<16xi32>
    %jit3A_78 = arith.constant 0 : i32
    %broadcast_in_dim3A_79 = vector.broadcast %jit3A_78 : i32 to vector<16xi32>
    %select_n3A_80 = arith.select %eq3A_77, %get3A_8, %broadcast_in_dim3A_79 : vector<16xi1>, vector<16xi32>
    %reduce_sum3A_81 = arith.constant true
    %reduce_sum3A_82 = vector.broadcast %reduce_sum3A_81 : i1 to vector<16xi1>
    %reduce_sum3A_83 = tpu.scan <sum>, %select_n3A_80 masked %reduce_sum3A_82 : vector<16xi32>, vector<16xi1> -> vector<16xi32>
    %reduce_sum3A_84 = vector.extract %reduce_sum3A_83[15] : i32 from vector<16xi32>
    %eq3A_85 = arith.constant 8 : i32
    %eq3A_86 = vector.broadcast %eq3A_85 : i32 to vector<16xi32>
    %eq3A_87 = arith.cmpi eq, %iota3A, %eq3A_86 : vector<16xi32>
    %jit3A_88 = arith.constant 0 : i32
    %broadcast_in_dim3A_89 = vector.broadcast %jit3A_88 : i32 to vector<16xi32>
    %select_n3A_90 = arith.select %eq3A_87, %get3A_8, %broadcast_in_dim3A_89 : vector<16xi1>, vector<16xi32>
    %reduce_sum3A_91 = arith.constant true
    %reduce_sum3A_92 = vector.broadcast %reduce_sum3A_91 : i1 to vector<16xi1>
    %reduce_sum3A_93 = tpu.scan <sum>, %select_n3A_90 masked %reduce_sum3A_92 : vector<16xi32>, vector<16xi1> -> vector<16xi32>
    %reduce_sum3A_94 = vector.extract %reduce_sum3A_93[15] : i32 from vector<16xi32>
    %scan3A_95 = arith.constant 0 : i32
    %scan3A_96 = arith.constant 0 : i32
    %scan3A_97 = arith.constant 80 : i32
    %scan3A_98 = arith.addi %scan3A_96, %scan3A_97 : i32
    %scan3A_99 = arith.constant 1 : i32
    %scan3A_100 = scf.for %scan3A_108 = %scan3A_96 to %scan3A_98 step %scan3A_99 iter_args(%scan3A_109 = %scan3A_95) -> (i32)  : i32 {
      %get3A_110 = arith.index_cast %scan3A_108 : i32 to index
      %get3A_111 = arith.constant 0 : index
      %get3A_112 = tpu.vector_load %arg9[%get3A_110, %get3A_111] {strides = array<i32>} : memref<80x128xi32, #tpu.memory_space<vmem>>, vector<16xi32>,
      tpu.vector_store_idx %arg11[%get3A_112], %broadcast_in_dim3A_7 {add = true} : memref<10240xf32, #tpu.memory_space<vmem>>[vector<16xi32>], vector<16xf32>,
      %broadcast_in_dim3A_113 = arith.constant 15 : i32
      %broadcast_in_dim3A_114 = vector.broadcast %broadcast_in_dim3A_113 : i32 to vector<16xi32>
      %eq3A_115 = vector.broadcast %reduce_sum3A_94 : i32 to vector<16xi32>
      %eq3A_116 = arith.cmpi eq, %get3A_112, %eq3A_115 : vector<16xi32>
      %jit3A_117 = arith.constant 8 : i32
      %broadcast_in_dim3A_118 = vector.broadcast %jit3A_117 : i32 to vector<16xi32>
      %select_n3A_119 = arith.select %eq3A_116, %broadcast_in_dim3A_118, %broadcast_in_dim3A_114 : vector<16xi1>, vector<16xi32>
      %eq3A_120 = vector.broadcast %reduce_sum3A_84 : i32 to vector<16xi32>
      %eq3A_121 = arith.cmpi eq, %get3A_112, %eq3A_120 : vector<16xi32>
      %jit3A_122 = arith.constant 7 : i32
      %broadcast_in_dim3A_123 = vector.broadcast %jit3A_122 : i32 to vector<16xi32>
      %select_n3A_124 = arith.select %eq3A_121, %broadcast_in_dim3A_123, %select_n3A_119 : vector<16xi1>, vector<16xi32>
      %eq3A_125 = vector.broadcast %reduce_sum3A_74 : i32 to vector<16xi32>
      %eq3A_126 = arith.cmpi eq, %get3A_112, %eq3A_125 : vector<16xi32>
      %jit3A_127 = arith.constant 6 : i32
      %broadcast_in_dim3A_128 = vector.broadcast %jit3A_127 : i32 to vector<16xi32>
      %select_n3A_129 = arith.select %eq3A_126, %broadcast_in_dim3A_128, %select_n3A_124 : vector<16xi1>, vector<16xi32>
      %eq3A_130 = vector.broadcast %reduce_sum3A_64 : i32 to vector<16xi32>
      %eq3A_131 = arith.cmpi eq, %get3A_112, %eq3A_130 : vector<16xi32>
      %jit3A_132 = arith.constant 5 : i32
      %broadcast_in_dim3A_133 = vector.broadcast %jit3A_132 : i32 to vector<16xi32>
      %select_n3A_134 = arith.select %eq3A_131, %broadcast_in_dim3A_133, %select_n3A_129 : vector<16xi1>, vector<16xi32>
      %eq3A_135 = vector.broadcast %reduce_sum3A_54 : i32 to vector<16xi32>
      %eq3A_136 = arith.cmpi eq, %get3A_112, %eq3A_135 : vector<16xi32>
      %jit3A_137 = arith.constant 4 : i32
      %broadcast_in_dim3A_138 = vector.broadcast %jit3A_137 : i32 to vector<16xi32>
      %select_n3A_139 = arith.select %eq3A_136, %broadcast_in_dim3A_138, %select_n3A_134 : vector<16xi1>, vector<16xi32>
      %eq3A_140 = vector.broadcast %reduce_sum3A_44 : i32 to vector<16xi32>
      %eq3A_141 = arith.cmpi eq, %get3A_112, %eq3A_140 : vector<16xi32>
      %jit3A_142 = arith.constant 3 : i32
      %broadcast_in_dim3A_143 = vector.broadcast %jit3A_142 : i32 to vector<16xi32>
      %select_n3A_144 = arith.select %eq3A_141, %broadcast_in_dim3A_143, %select_n3A_139 : vector<16xi1>, vector<16xi32>
      %eq3A_145 = vector.broadcast %reduce_sum3A_34 : i32 to vector<16xi32>
      %eq3A_146 = arith.cmpi eq, %get3A_112, %eq3A_145 : vector<16xi32>
      %jit3A_147 = arith.constant 2 : i32
      %broadcast_in_dim3A_148 = vector.broadcast %jit3A_147 : i32 to vector<16xi32>
      %select_n3A_149 = arith.select %eq3A_146, %broadcast_in_dim3A_148, %select_n3A_144 : vector<16xi1>, vector<16xi32>
      %eq3A_150 = vector.broadcast %reduce_sum3A_24 : i32 to vector<16xi32>
      %eq3A_151 = arith.cmpi eq, %get3A_112, %eq3A_150 : vector<16xi32>
      %jit3A_152 = arith.constant 1 : i32
      %broadcast_in_dim3A_153 = vector.broadcast %jit3A_152 : i32 to vector<16xi32>
      %select_n3A_154 = arith.select %eq3A_151, %broadcast_in_dim3A_153, %select_n3A_149 : vector<16xi1>, vector<16xi32>
      %eq3A_155 = vector.broadcast %reduce_sum3A_14 : i32 to vector<16xi32>
      %eq3A_156 = arith.cmpi eq, %get3A_112, %eq3A_155 : vector<16xi32>
      %jit3A_157 = arith.constant 0 : i32
      %broadcast_in_dim3A_158 = vector.broadcast %jit3A_157 : i32 to vector<16xi32>
      %select_n3A_159 = arith.select %eq3A_156, %broadcast_in_dim3A_158, %select_n3A_154 : vector<16xi1>, vector<16xi32>
      %lt3A = arith.constant 15 : i32
      %lt3A_160 = vector.broadcast %lt3A : i32 to vector<16xi32>
      %lt3A_161 = arith.cmpi slt, %select_n3A_159, %lt3A_160 : vector<16xi32>
      %get3A_162 = arith.index_cast %scan3A_108 : i32 to index
      %get3A_163 = arith.constant 0 : index
      %get3A_164 = tpu.vector_load %arg10[%get3A_162, %get3A_163] {strides = array<i32>} : memref<80x128xi32, #tpu.memory_space<vmem>>, vector<16xi32>,
      %swap3A_165 = arith.index_cast %scan3A_109 : i32 to index
      %swap3A_166 = tpu.vector_load %arg12[%swap3A_165] masked %lt3A_161 {strides = array<i32>} : memref<10256xi32, #tpu.memory_space<vmem>>, vector<16xi32>, vector<16xi1>
      tpu.vector_store %arg12[%swap3A_165], %get3A_164 masked %lt3A_161 {strides = array<i32>} : memref<10256xi32, #tpu.memory_space<vmem>>, vector<16xi32>, vector<16xi1>
      %swap3A_167 = arith.index_cast %scan3A_109 : i32 to index
      %swap3A_168 = tpu.vector_load %arg13[%swap3A_167] masked %lt3A_161 {strides = array<i32>} : memref<10256xi32, #tpu.memory_space<vmem>>, vector<16xi32>, vector<16xi1>
      tpu.vector_store %arg13[%swap3A_167], %select_n3A_159 masked %lt3A_161 {strides = array<i32>} : memref<10256xi32, #tpu.memory_space<vmem>>, vector<16xi32>, vector<16xi1>
      %convert_element_type3A = arith.extui %lt3A_161 : vector<16xi1> to vector<16xi32>
      %reduce_sum3A_169 = arith.constant true
      %reduce_sum3A_170 = vector.broadcast %reduce_sum3A_169 : i1 to vector<16xi1>
      %reduce_sum3A_171 = tpu.scan <sum>, %convert_element_type3A masked %reduce_sum3A_170 : vector<16xi32>, vector<16xi1> -> vector<16xi32>
      %reduce_sum3A_172 = vector.extract %reduce_sum3A_171[15] : i32 from vector<16xi32>
      %add3A_173 = arith.addi %scan3A_109, %reduce_sum3A_172 : i32
      %get3A_174 = arith.index_cast %scan3A_108 : i32 to index
      %get3A_175 = arith.constant 16 : index
      %get3A_176 = tpu.vector_load %arg9[%get3A_174, %get3A_175] {strides = array<i32>} : memref<80x128xi32, #tpu.memory_space<vmem>>, vector<16xi32>,
      tpu.vector_store_idx %arg11[%get3A_176], %broadcast_in_dim3A_7 {add = true} : memref<10240xf32, #tpu.memory_space<vmem>>[vector<16xi32>], vector<16xf32>,
      %broadcast_in_dim3A_177 = arith.constant 15 : i32
      %broadcast_in_dim3A_178 = vector.broadcast %broadcast_in_dim3A_177 : i32 to vector<16xi32>
      %eq3A_179 = vector.broadcast %reduce_sum3A_94 : i32 to vector<16xi32>
      %eq3A_180 = arith.cmpi eq, %get3A_176, %eq3A_179 : vector<16xi32>
      %jit3A_181 = arith.constant 8 : i32
      %broadcast_in_dim3A_182 = vector.broadcast %jit3A_181 : i32 to vector<16xi32>
      %select_n3A_183 = arith.select %eq3A_180, %broadcast_in_dim3A_182, %broadcast_in_dim3A_178 : vector<16xi1>, vector<16xi32>
      %eq3A_184 = vector.broadcast %reduce_sum3A_84 : i32 to vector<16xi32>
      %eq3A_185 = arith.cmpi eq, %get3A_176, %eq3A_184 : vector<16xi32>
      %jit3A_186 = arith.constant 7 : i32
      %broadcast_in_dim3A_187 = vector.broadcast %jit3A_186 : i32 to vector<16xi32>
      %select_n3A_188 = arith.select %eq3A_185, %broadcast_in_dim3A_187, %select_n3A_183 : vector<16xi1>, vector<16xi32>
      %eq3A_189 = vector.broadcast %reduce_sum3A_74 : i32 to vector<16xi32>
      %eq3A_190 = arith.cmpi eq, %get3A_176, %eq3A_189 : vector<16xi32>
      %jit3A_191 = arith.constant 6 : i32
      %broadcast_in_dim3A_192 = vector.broadcast %jit3A_191 : i32 to vector<16xi32>
      %select_n3A_193 = arith.select %eq3A_190, %broadcast_in_dim3A_192, %select_n3A_188 : vector<16xi1>, vector<16xi32>
      %eq3A_194 = vector.broadcast %reduce_sum3A_64 : i32 to vector<16xi32>
      %eq3A_195 = arith.cmpi eq, %get3A_176, %eq3A_194 : vector<16xi32>
      %jit3A_196 = arith.constant 5 : i32
      %broadcast_in_dim3A_197 = vector.broadcast %jit3A_196 : i32 to vector<16xi32>
      %select_n3A_198 = arith.select %eq3A_195, %broadcast_in_dim3A_197, %select_n3A_193 : vector<16xi1>, vector<16xi32>
      %eq3A_199 = vector.broadcast %reduce_sum3A_54 : i32 to vector<16xi32>
      %eq3A_200 = arith.cmpi eq, %get3A_176, %eq3A_199 : vector<16xi32>
      %jit3A_201 = arith.constant 4 : i32
      %broadcast_in_dim3A_202 = vector.broadcast %jit3A_201 : i32 to vector<16xi32>
      %select_n3A_203 = arith.select %eq3A_200, %broadcast_in_dim3A_202, %select_n3A_198 : vector<16xi1>, vector<16xi32>
      %eq3A_204 = vector.broadcast %reduce_sum3A_44 : i32 to vector<16xi32>
      %eq3A_205 = arith.cmpi eq, %get3A_176, %eq3A_204 : vector<16xi32>
      %jit3A_206 = arith.constant 3 : i32
      %broadcast_in_dim3A_207 = vector.broadcast %jit3A_206 : i32 to vector<16xi32>
      %select_n3A_208 = arith.select %eq3A_205, %broadcast_in_dim3A_207, %select_n3A_203 : vector<16xi1>, vector<16xi32>
      %eq3A_209 = vector.broadcast %reduce_sum3A_34 : i32 to vector<16xi32>
      %eq3A_210 = arith.cmpi eq, %get3A_176, %eq3A_209 : vector<16xi32>
      %jit3A_211 = arith.constant 2 : i32
      %broadcast_in_dim3A_212 = vector.broadcast %jit3A_211 : i32 to vector<16xi32>
      %select_n3A_213 = arith.select %eq3A_210, %broadcast_in_dim3A_212, %select_n3A_208 : vector<16xi1>, vector<16xi32>
      %eq3A_214 = vector.broadcast %reduce_sum3A_24 : i32 to vector<16xi32>
      %eq3A_215 = arith.cmpi eq, %get3A_176, %eq3A_214 : vector<16xi32>
      %jit3A_216 = arith.constant 1 : i32
      %broadcast_in_dim3A_217 = vector.broadcast %jit3A_216 : i32 to vector<16xi32>
      %select_n3A_218 = arith.select %eq3A_215, %broadcast_in_dim3A_217, %select_n3A_213 : vector<16xi1>, vector<16xi32>
      %eq3A_219 = vector.broadcast %reduce_sum3A_14 : i32 to vector<16xi32>
      %eq3A_220 = arith.cmpi eq, %get3A_176, %eq3A_219 : vector<16xi32>
      %jit3A_221 = arith.constant 0 : i32
      %broadcast_in_dim3A_222 = vector.broadcast %jit3A_221 : i32 to vector<16xi32>
      %select_n3A_223 = arith.select %eq3A_220, %broadcast_in_dim3A_222, %select_n3A_218 : vector<16xi1>, vector<16xi32>
      %lt3A_224 = arith.constant 15 : i32
      %lt3A_225 = vector.broadcast %lt3A_224 : i32 to vector<16xi32>
      %lt3A_226 = arith.cmpi slt, %select_n3A_223, %lt3A_225 : vector<16xi32>
      %get3A_227 = arith.index_cast %scan3A_108 : i32 to index
      %get3A_228 = arith.constant 16 : index
      %get3A_229 = tpu.vector_load %arg10[%get3A_227, %get3A_228] {strides = array<i32>} : memref<80x128xi32, #tpu.memory_space<vmem>>, vector<16xi32>,
      %swap3A_230 = arith.index_cast %add3A_173 : i32 to index
      %swap3A_231 = tpu.vector_load %arg12[%swap3A_230] masked %lt3A_226 {strides = array<i32>} : memref<10256xi32, #tpu.memory_space<vmem>>, vector<16xi32>, vector<16xi1>
      tpu.vector_store %arg12[%swap3A_230], %get3A_229 masked %lt3A_226 {strides = array<i32>} : memref<10256xi32, #tpu.memory_space<vmem>>, vector<16xi32>, vector<16xi1>
      %swap3A_232 = arith.index_cast %add3A_173 : i32 to index
      %swap3A_233 = tpu.vector_load %arg13[%swap3A_232] masked %lt3A_226 {strides = array<i32>} : memref<10256xi32, #tpu.memory_space<vmem>>, vector<16xi32>, vector<16xi1>
      tpu.vector_store %arg13[%swap3A_232], %select_n3A_223 masked %lt3A_226 {strides = array<i32>} : memref<10256xi32, #tpu.memory_space<vmem>>, vector<16xi32>, vector<16xi1>
      %convert_element_type3A_234 = arith.extui %lt3A_226 : vector<16xi1> to vector<16xi32>
      %reduce_sum3A_235 = arith.constant true
      %reduce_sum3A_236 = vector.broadcast %reduce_sum3A_235 : i1 to vector<16xi1>
      %reduce_sum3A_237 = tpu.scan <sum>, %convert_element_type3A_234 masked %reduce_sum3A_236 : vector<16xi32>, vector<16xi1> -> vector<16xi32>
      %reduce_sum3A_238 = vector.extract %reduce_sum3A_237[15] : i32 from vector<16xi32>
      %add3A_239 = arith.addi %add3A_173, %reduce_sum3A_238 : i32
      %get3A_240 = arith.index_cast %scan3A_108 : i32 to index
      %get3A_241 = arith.constant 32 : index
      %get3A_242 = tpu.vector_load %arg9[%get3A_240, %get3A_241] {strides = array<i32>} : memref<80x128xi32, #tpu.memory_space<vmem>>, vector<16xi32>,
      tpu.vector_store_idx %arg11[%get3A_242], %broadcast_in_dim3A_7 {add = true} : memref<10240xf32, #tpu.memory_space<vmem>>[vector<16xi32>], vector<16xf32>,
      %broadcast_in_dim3A_243 = arith.constant 15 : i32
      %broadcast_in_dim3A_244 = vector.broadcast %broadcast_in_dim3A_243 : i32 to vector<16xi32>
      %eq3A_245 = vector.broadcast %reduce_sum3A_94 : i32 to vector<16xi32>
      %eq3A_246 = arith.cmpi eq, %get3A_242, %eq3A_245 : vector<16xi32>
      %jit3A_247 = arith.constant 8 : i32
      %broadcast_in_dim3A_248 = vector.broadcast %jit3A_247 : i32 to vector<16xi32>
      %select_n3A_249 = arith.select %eq3A_246, %broadcast_in_dim3A_248, %broadcast_in_dim3A_244 : vector<16xi1>, vector<16xi32>
      %eq3A_250 = vector.broadcast %reduce_sum3A_84 : i32 to vector<16xi32>
      %eq3A_251 = arith.cmpi eq, %get3A_242, %eq3A_250 : vector<16xi32>
      %jit3A_252 = arith.constant 7 : i32
      %broadcast_in_dim3A_253 = vector.broadcast %jit3A_252 : i32 to vector<16xi32>
      %select_n3A_254 = arith.select %eq3A_251, %broadcast_in_dim3A_253, %select_n3A_249 : vector<16xi1>, vector<16xi32>
      %eq3A_255 = vector.broadcast %reduce_sum3A_74 : i32 to vector<16xi32>
      %eq3A_256 = arith.cmpi eq, %get3A_242, %eq3A_255 : vector<16xi32>
      %jit3A_257 = arith.constant 6 : i32
      %broadcast_in_dim3A_258 = vector.broadcast %jit3A_257 : i32 to vector<16xi32>
      %select_n3A_259 = arith.select %eq3A_256, %broadcast_in_dim3A_258, %select_n3A_254 : vector<16xi1>, vector<16xi32>
      %eq3A_260 = vector.broadcast %reduce_sum3A_64 : i32 to vector<16xi32>
      %eq3A_261 = arith.cmpi eq, %get3A_242, %eq3A_260 : vector<16xi32>
      %jit3A_262 = arith.constant 5 : i32
      %broadcast_in_dim3A_263 = vector.broadcast %jit3A_262 : i32 to vector<16xi32>
      %select_n3A_264 = arith.select %eq3A_261, %broadcast_in_dim3A_263, %select_n3A_259 : vector<16xi1>, vector<16xi32>
      %eq3A_265 = vector.broadcast %reduce_sum3A_54 : i32 to vector<16xi32>
      %eq3A_266 = arith.cmpi eq, %get3A_242, %eq3A_265 : vector<16xi32>
      %jit3A_267 = arith.constant 4 : i32
      %broadcast_in_dim3A_268 = vector.broadcast %jit3A_267 : i32 to vector<16xi32>
      %select_n3A_269 = arith.select %eq3A_266, %broadcast_in_dim3A_268, %select_n3A_264 : vector<16xi1>, vector<16xi32>
      %eq3A_270 = vector.broadcast %reduce_sum3A_44 : i32 to vector<16xi32>
      %eq3A_271 = arith.cmpi eq, %get3A_242, %eq3A_270 : vector<16xi32>
      %jit3A_272 = arith.constant 3 : i32
      %broadcast_in_dim3A_273 = vector.broadcast %jit3A_272 : i32 to vector<16xi32>
      %select_n3A_274 = arith.select %eq3A_271, %broadcast_in_dim3A_273, %select_n3A_269 : vector<16xi1>, vector<16xi32>
      %eq3A_275 = vector.broadcast %reduce_sum3A_34 : i32 to vector<16xi32>
      %eq3A_276 = arith.cmpi eq, %get3A_242, %eq3A_275 : vector<16xi32>
      %jit3A_277 = arith.constant 2 : i32
      %broadcast_in_dim3A_278 = vector.broadcast %jit3A_277 : i32 to vector<16xi32>
      %select_n3A_279 = arith.select %eq3A_276, %broadcast_in_dim3A_278, %select_n3A_274 : vector<16xi1>, vector<16xi32>
      %eq3A_280 = vector.broadcast %reduce_sum3A_24 : i32 to vector<16xi32>
      %eq3A_281 = arith.cmpi eq, %get3A_242, %eq3A_280 : vector<16xi32>
      %jit3A_282 = arith.constant 1 : i32
      %broadcast_in_dim3A_283 = vector.broadcast %jit3A_282 : i32 to vector<16xi32>
      %select_n3A_284 = arith.select %eq3A_281, %broadcast_in_dim3A_283, %select_n3A_279 : vector<16xi1>, vector<16xi32>
      %eq3A_285 = vector.broadcast %reduce_sum3A_14 : i32 to vector<16xi32>
      %eq3A_286 = arith.cmpi eq, %get3A_242, %eq3A_285 : vector<16xi32>
      %jit3A_287 = arith.constant 0 : i32
      %broadcast_in_dim3A_288 = vector.broadcast %jit3A_287 : i32 to vector<16xi32>
      %select_n3A_289 = arith.select %eq3A_286, %broadcast_in_dim3A_288, %select_n3A_284 : vector<16xi1>, vector<16xi32>
      %lt3A_290 = arith.constant 15 : i32
      %lt3A_291 = vector.broadcast %lt3A_290 : i32 to vector<16xi32>
      %lt3A_292 = arith.cmpi slt, %select_n3A_289, %lt3A_291 : vector<16xi32>
      %get3A_293 = arith.index_cast %scan3A_108 : i32 to index
      %get3A_294 = arith.constant 32 : index
      %get3A_295 = tpu.vector_load %arg10[%get3A_293, %get3A_294] {strides = array<i32>} : memref<80x128xi32, #tpu.memory_space<vmem>>, vector<16xi32>,
      %swap3A_296 = arith.index_cast %add3A_239 : i32 to index
      %swap3A_297 = tpu.vector_load %arg12[%swap3A_296] masked %lt3A_292 {strides = array<i32>} : memref<10256xi32, #tpu.memory_space<vmem>>, vector<16xi32>, vector<16xi1>
      tpu.vector_store %arg12[%swap3A_296], %get3A_295 masked %lt3A_292 {strides = array<i32>} : memref<10256xi32, #tpu.memory_space<vmem>>, vector<16xi32>, vector<16xi1>
      %swap3A_298 = arith.index_cast %add3A_239 : i32 to index
      %swap3A_299 = tpu.vector_load %arg13[%swap3A_298] masked %lt3A_292 {strides = array<i32>} : memref<10256xi32, #tpu.memory_space<vmem>>, vector<16xi32>, vector<16xi1>
      tpu.vector_store %arg13[%swap3A_298], %select_n3A_289 masked %lt3A_292 {strides = array<i32>} : memref<10256xi32, #tpu.memory_space<vmem>>, vector<16xi32>, vector<16xi1>
      %convert_element_type3A_300 = arith.extui %lt3A_292 : vector<16xi1> to vector<16xi32>
      %reduce_sum3A_301 = arith.constant true
      %reduce_sum3A_302 = vector.broadcast %reduce_sum3A_301 : i1 to vector<16xi1>
      %reduce_sum3A_303 = tpu.scan <sum>, %convert_element_type3A_300 masked %reduce_sum3A_302 : vector<16xi32>, vector<16xi1> -> vector<16xi32>
      %reduce_sum3A_304 = vector.extract %reduce_sum3A_303[15] : i32 from vector<16xi32>
      %add3A_305 = arith.addi %add3A_239, %reduce_sum3A_304 : i32
      %get3A_306 = arith.index_cast %scan3A_108 : i32 to index
      %get3A_307 = arith.constant 48 : index
      %get3A_308 = tpu.vector_load %arg9[%get3A_306, %get3A_307] {strides = array<i32>} : memref<80x128xi32, #tpu.memory_space<vmem>>, vector<16xi32>,
      tpu.vector_store_idx %arg11[%get3A_308], %broadcast_in_dim3A_7 {add = true} : memref<10240xf32, #tpu.memory_space<vmem>>[vector<16xi32>], vector<16xf32>,
      %broadcast_in_dim3A_309 = arith.constant 15 : i32
      %broadcast_in_dim3A_310 = vector.broadcast %broadcast_in_dim3A_309 : i32 to vector<16xi32>
      %eq3A_311 = vector.broadcast %reduce_sum3A_94 : i32 to vector<16xi32>
      %eq3A_312 = arith.cmpi eq, %get3A_308, %eq3A_311 : vector<16xi32>
      %jit3A_313 = arith.constant 8 : i32
      %broadcast_in_dim3A_314 = vector.broadcast %jit3A_313 : i32 to vector<16xi32>
      %select_n3A_315 = arith.select %eq3A_312, %broadcast_in_dim3A_314, %broadcast_in_dim3A_310 : vector<16xi1>, vector<16xi32>
      %eq3A_316 = vector.broadcast %reduce_sum3A_84 : i32 to vector<16xi32>
      %eq3A_317 = arith.cmpi eq, %get3A_308, %eq3A_316 : vector<16xi32>
      %jit3A_318 = arith.constant 7 : i32
      %broadcast_in_dim3A_319 = vector.broadcast %jit3A_318 : i32 to vector<16xi32>
      %select_n3A_320 = arith.select %eq3A_317, %broadcast_in_dim3A_319, %select_n3A_315 : vector<16xi1>, vector<16xi32>
      %eq3A_321 = vector.broadcast %reduce_sum3A_74 : i32 to vector<16xi32>
      %eq3A_322 = arith.cmpi eq, %get3A_308, %eq3A_321 : vector<16xi32>
      %jit3A_323 = arith.constant 6 : i32
      %broadcast_in_dim3A_324 = vector.broadcast %jit3A_323 : i32 to vector<16xi32>
      %select_n3A_325 = arith.select %eq3A_322, %broadcast_in_dim3A_324, %select_n3A_320 : vector<16xi1>, vector<16xi32>
      %eq3A_326 = vector.broadcast %reduce_sum3A_64 : i32 to vector<16xi32>
      %eq3A_327 = arith.cmpi eq, %get3A_308, %eq3A_326 : vector<16xi32>
      %jit3A_328 = arith.constant 5 : i32
      %broadcast_in_dim3A_329 = vector.broadcast %jit3A_328 : i32 to vector<16xi32>
      %select_n3A_330 = arith.select %eq3A_327, %broadcast_in_dim3A_329, %select_n3A_325 : vector<16xi1>, vector<16xi32>
      %eq3A_331 = vector.broadcast %reduce_sum3A_54 : i32 to vector<16xi32>
      %eq3A_332 = arith.cmpi eq, %get3A_308, %eq3A_331 : vector<16xi32>
      %jit3A_333 = arith.constant 4 : i32
      %broadcast_in_dim3A_334 = vector.broadcast %jit3A_333 : i32 to vector<16xi32>
      %select_n3A_335 = arith.select %eq3A_332, %broadcast_in_dim3A_334, %select_n3A_330 : vector<16xi1>, vector<16xi32>
      %eq3A_336 = vector.broadcast %reduce_sum3A_44 : i32 to vector<16xi32>
      %eq3A_337 = arith.cmpi eq, %get3A_308, %eq3A_336 : vector<16xi32>
      %jit3A_338 = arith.constant 3 : i32
      %broadcast_in_dim3A_339 = vector.broadcast %jit3A_338 : i32 to vector<16xi32>
      %select_n3A_340 = arith.select %eq3A_337, %broadcast_in_dim3A_339, %select_n3A_335 : vector<16xi1>, vector<16xi32>
      %eq3A_341 = vector.broadcast %reduce_sum3A_34 : i32 to vector<16xi32>
      %eq3A_342 = arith.cmpi eq, %get3A_308, %eq3A_341 : vector<16xi32>
      %jit3A_343 = arith.constant 2 : i32
      %broadcast_in_dim3A_344 = vector.broadcast %jit3A_343 : i32 to vector<16xi32>
      %select_n3A_345 = arith.select %eq3A_342, %broadcast_in_dim3A_344, %select_n3A_340 : vector<16xi1>, vector<16xi32>
      %eq3A_346 = vector.broadcast %reduce_sum3A_24 : i32 to vector<16xi32>
      %eq3A_347 = arith.cmpi eq, %get3A_308, %eq3A_346 : vector<16xi32>
      %jit3A_348 = arith.constant 1 : i32
      %broadcast_in_dim3A_349 = vector.broadcast %jit3A_348 : i32 to vector<16xi32>
      %select_n3A_350 = arith.select %eq3A_347, %broadcast_in_dim3A_349, %select_n3A_345 : vector<16xi1>, vector<16xi32>
      %eq3A_351 = vector.broadcast %reduce_sum3A_14 : i32 to vector<16xi32>
      %eq3A_352 = arith.cmpi eq, %get3A_308, %eq3A_351 : vector<16xi32>
      %jit3A_353 = arith.constant 0 : i32
      %broadcast_in_dim3A_354 = vector.broadcast %jit3A_353 : i32 to vector<16xi32>
      %select_n3A_355 = arith.select %eq3A_352, %broadcast_in_dim3A_354, %select_n3A_350 : vector<16xi1>, vector<16xi32>
      %lt3A_356 = arith.constant 15 : i32
      %lt3A_357 = vector.broadcast %lt3A_356 : i32 to vector<16xi32>
      %lt3A_358 = arith.cmpi slt, %select_n3A_355, %lt3A_357 : vector<16xi32>
      %get3A_359 = arith.index_cast %scan3A_108 : i32 to index
      %get3A_360 = arith.constant 48 : index
      %get3A_361 = tpu.vector_load %arg10[%get3A_359, %get3A_360] {strides = array<i32>} : memref<80x128xi32, #tpu.memory_space<vmem>>, vector<16xi32>,
      %swap3A_362 = arith.index_cast %add3A_305 : i32 to index
      %swap3A_363 = tpu.vector_load %arg12[%swap3A_362] masked %lt3A_358 {strides = array<i32>} : memref<10256xi32, #tpu.memory_space<vmem>>, vector<16xi32>, vector<16xi1>
      tpu.vector_store %arg12[%swap3A_362], %get3A_361 masked %lt3A_358 {strides = array<i32>} : memref<10256xi32, #tpu.memory_space<vmem>>, vector<16xi32>, vector<16xi1>
      %swap3A_364 = arith.index_cast %add3A_305 : i32 to index
      %swap3A_365 = tpu.vector_load %arg13[%swap3A_364] masked %lt3A_358 {strides = array<i32>} : memref<10256xi32, #tpu.memory_space<vmem>>, vector<16xi32>, vector<16xi1>
      tpu.vector_store %arg13[%swap3A_364], %select_n3A_355 masked %lt3A_358 {strides = array<i32>} : memref<10256xi32, #tpu.memory_space<vmem>>, vector<16xi32>, vector<16xi1>
      %convert_element_type3A_366 = arith.extui %lt3A_358 : vector<16xi1> to vector<16xi32>
      %reduce_sum3A_367 = arith.constant true
      %reduce_sum3A_368 = vector.broadcast %reduce_sum3A_367 : i1 to vector<16xi1>
      %reduce_sum3A_369 = tpu.scan <sum>, %convert_element_type3A_366 masked %reduce_sum3A_368 : vector<16xi32>, vector<16xi1> -> vector<16xi32>
      %reduce_sum3A_370 = vector.extract %reduce_sum3A_369[15] : i32 from vector<16xi32>
      %add3A_371 = arith.addi %add3A_305, %reduce_sum3A_370 : i32
      %get3A_372 = arith.index_cast %scan3A_108 : i32 to index
      %get3A_373 = arith.constant 64 : index
      %get3A_374 = tpu.vector_load %arg9[%get3A_372, %get3A_373] {strides = array<i32>} : memref<80x128xi32, #tpu.memory_space<vmem>>, vector<16xi32>,
      tpu.vector_store_idx %arg11[%get3A_374], %broadcast_in_dim3A_7 {add = true} : memref<10240xf32, #tpu.memory_space<vmem>>[vector<16xi32>], vector<16xf32>,
      %broadcast_in_dim3A_375 = arith.constant 15 : i32
      %broadcast_in_dim3A_376 = vector.broadcast %broadcast_in_dim3A_375 : i32 to vector<16xi32>
      %eq3A_377 = vector.broadcast %reduce_sum3A_94 : i32 to vector<16xi32>
      %eq3A_378 = arith.cmpi eq, %get3A_374, %eq3A_377 : vector<16xi32>
      %jit3A_379 = arith.constant 8 : i32
      %broadcast_in_dim3A_380 = vector.broadcast %jit3A_379 : i32 to vector<16xi32>
      %select_n3A_381 = arith.select %eq3A_378, %broadcast_in_dim3A_380, %broadcast_in_dim3A_376 : vector<16xi1>, vector<16xi32>
      %eq3A_382 = vector.broadcast %reduce_sum3A_84 : i32 to vector<16xi32>
      %eq3A_383 = arith.cmpi eq, %get3A_374, %eq3A_382 : vector<16xi32>
      %jit3A_384 = arith.constant 7 : i32
      %broadcast_in_dim3A_385 = vector.broadcast %jit3A_384 : i32 to vector<16xi32>
      %select_n3A_386 = arith.select %eq3A_383, %broadcast_in_dim3A_385, %select_n3A_381 : vector<16xi1>, vector<16xi32>
      %eq3A_387 = vector.broadcast %reduce_sum3A_74 : i32 to vector<16xi32>
      %eq3A_388 = arith.cmpi eq, %get3A_374, %eq3A_387 : vector<16xi32>
      %jit3A_389 = arith.constant 6 : i32
      %broadcast_in_dim3A_390 = vector.broadcast %jit3A_389 : i32 to vector<16xi32>
      %select_n3A_391 = arith.select %eq3A_388, %broadcast_in_dim3A_390, %select_n3A_386 : vector<16xi1>, vector<16xi32>
      %eq3A_392 = vector.broadcast %reduce_sum3A_64 : i32 to vector<16xi32>
      %eq3A_393 = arith.cmpi eq, %get3A_374, %eq3A_392 : vector<16xi32>
      %jit3A_394 = arith.constant 5 : i32
      %broadcast_in_dim3A_395 = vector.broadcast %jit3A_394 : i32 to vector<16xi32>
      %select_n3A_396 = arith.select %eq3A_393, %broadcast_in_dim3A_395, %select_n3A_391 : vector<16xi1>, vector<16xi32>
      %eq3A_397 = vector.broadcast %reduce_sum3A_54 : i32 to vector<16xi32>
      %eq3A_398 = arith.cmpi eq, %get3A_374, %eq3A_397 : vector<16xi32>
      %jit3A_399 = arith.constant 4 : i32
      %broadcast_in_dim3A_400 = vector.broadcast %jit3A_399 : i32 to vector<16xi32>
      %select_n3A_401 = arith.select %eq3A_398, %broadcast_in_dim3A_400, %select_n3A_396 : vector<16xi1>, vector<16xi32>
      %eq3A_402 = vector.broadcast %reduce_sum3A_44 : i32 to vector<16xi32>
      %eq3A_403 = arith.cmpi eq, %get3A_374, %eq3A_402 : vector<16xi32>
      %jit3A_404 = arith.constant 3 : i32
      %broadcast_in_dim3A_405 = vector.broadcast %jit3A_404 : i32 to vector<16xi32>
      %select_n3A_406 = arith.select %eq3A_403, %broadcast_in_dim3A_405, %select_n3A_401 : vector<16xi1>, vector<16xi32>
      %eq3A_407 = vector.broadcast %reduce_sum3A_34 : i32 to vector<16xi32>
      %eq3A_408 = arith.cmpi eq, %get3A_374, %eq3A_407 : vector<16xi32>
      %jit3A_409 = arith.constant 2 : i32
      %broadcast_in_dim3A_410 = vector.broadcast %jit3A_409 : i32 to vector<16xi32>
      %select_n3A_411 = arith.select %eq3A_408, %broadcast_in_dim3A_410, %select_n3A_406 : vector<16xi1>, vector<16xi32>
      %eq3A_412 = vector.broadcast %reduce_sum3A_24 : i32 to vector<16xi32>
      %eq3A_413 = arith.cmpi eq, %get3A_374, %eq3A_412 : vector<16xi32>
      %jit3A_414 = arith.constant 1 : i32
      %broadcast_in_dim3A_415 = vector.broadcast %jit3A_414 : i32 to vector<16xi32>
      %select_n3A_416 = arith.select %eq3A_413, %broadcast_in_dim3A_415, %select_n3A_411 : vector<16xi1>, vector<16xi32>
      %eq3A_417 = vector.broadcast %reduce_sum3A_14 : i32 to vector<16xi32>
      %eq3A_418 = arith.cmpi eq, %get3A_374, %eq3A_417 : vector<16xi32>
      %jit3A_419 = arith.constant 0 : i32
      %broadcast_in_dim3A_420 = vector.broadcast %jit3A_419 : i32 to vector<16xi32>
      %select_n3A_421 = arith.select %eq3A_418, %broadcast_in_dim3A_420, %select_n3A_416 : vector<16xi1>, vector<16xi32>
      %lt3A_422 = arith.constant 15 : i32
      %lt3A_423 = vector.broadcast %lt3A_422 : i32 to vector<16xi32>
      %lt3A_424 = arith.cmpi slt, %select_n3A_421, %lt3A_423 : vector<16xi32>
      %get3A_425 = arith.index_cast %scan3A_108 : i32 to index
      %get3A_426 = arith.constant 64 : index
      %get3A_427 = tpu.vector_load %arg10[%get3A_425, %get3A_426] {strides = array<i32>} : memref<80x128xi32, #tpu.memory_space<vmem>>, vector<16xi32>,
      %swap3A_428 = arith.index_cast %add3A_371 : i32 to index
      %swap3A_429 = tpu.vector_load %arg12[%swap3A_428] masked %lt3A_424 {strides = array<i32>} : memref<10256xi32, #tpu.memory_space<vmem>>, vector<16xi32>, vector<16xi1>
      tpu.vector_store %arg12[%swap3A_428], %get3A_427 masked %lt3A_424 {strides = array<i32>} : memref<10256xi32, #tpu.memory_space<vmem>>, vector<16xi32>, vector<16xi1>
      %swap3A_430 = arith.index_cast %add3A_371 : i32 to index
      %swap3A_431 = tpu.vector_load %arg13[%swap3A_430] masked %lt3A_424 {strides = array<i32>} : memref<10256xi32, #tpu.memory_space<vmem>>, vector<16xi32>, vector<16xi1>
      tpu.vector_store %arg13[%swap3A_430], %select_n3A_421 masked %lt3A_424 {strides = array<i32>} : memref<10256xi32, #tpu.memory_space<vmem>>, vector<16xi32>, vector<16xi1>
      %convert_element_type3A_432 = arith.extui %lt3A_424 : vector<16xi1> to vector<16xi32>
      %reduce_sum3A_433 = arith.constant true
      %reduce_sum3A_434 = vector.broadcast %reduce_sum3A_433 : i1 to vector<16xi1>
      %reduce_sum3A_435 = tpu.scan <sum>, %convert_element_type3A_432 masked %reduce_sum3A_434 : vector<16xi32>, vector<16xi1> -> vector<16xi32>
      %reduce_sum3A_436 = vector.extract %reduce_sum3A_435[15] : i32 from vector<16xi32>
      %add3A_437 = arith.addi %add3A_371, %reduce_sum3A_436 : i32
      %get3A_438 = arith.index_cast %scan3A_108 : i32 to index
      %get3A_439 = arith.constant 80 : index
      %get3A_440 = tpu.vector_load %arg9[%get3A_438, %get3A_439] {strides = array<i32>} : memref<80x128xi32, #tpu.memory_space<vmem>>, vector<16xi32>,
      tpu.vector_store_idx %arg11[%get3A_440], %broadcast_in_dim3A_7 {add = true} : memref<10240xf32, #tpu.memory_space<vmem>>[vector<16xi32>], vector<16xf32>,
      %broadcast_in_dim3A_441 = arith.constant 15 : i32
      %broadcast_in_dim3A_442 = vector.broadcast %broadcast_in_dim3A_441 : i32 to vector<16xi32>
      %eq3A_443 = vector.broadcast %reduce_sum3A_94 : i32 to vector<16xi32>
      %eq3A_444 = arith.cmpi eq, %get3A_440, %eq3A_443 : vector<16xi32>
      %jit3A_445 = arith.constant 8 : i32
      %broadcast_in_dim3A_446 = vector.broadcast %jit3A_445 : i32 to vector<16xi32>
      %select_n3A_447 = arith.select %eq3A_444, %broadcast_in_dim3A_446, %broadcast_in_dim3A_442 : vector<16xi1>, vector<16xi32>
      %eq3A_448 = vector.broadcast %reduce_sum3A_84 : i32 to vector<16xi32>
      %eq3A_449 = arith.cmpi eq, %get3A_440, %eq3A_448 : vector<16xi32>
      %jit3A_450 = arith.constant 7 : i32
      %broadcast_in_dim3A_451 = vector.broadcast %jit3A_450 : i32 to vector<16xi32>
      %select_n3A_452 = arith.select %eq3A_449, %broadcast_in_dim3A_451, %select_n3A_447 : vector<16xi1>, vector<16xi32>
      %eq3A_453 = vector.broadcast %reduce_sum3A_74 : i32 to vector<16xi32>
      %eq3A_454 = arith.cmpi eq, %get3A_440, %eq3A_453 : vector<16xi32>
      %jit3A_455 = arith.constant 6 : i32
      %broadcast_in_dim3A_456 = vector.broadcast %jit3A_455 : i32 to vector<16xi32>
      %select_n3A_457 = arith.select %eq3A_454, %broadcast_in_dim3A_456, %select_n3A_452 : vector<16xi1>, vector<16xi32>
      %eq3A_458 = vector.broadcast %reduce_sum3A_64 : i32 to vector<16xi32>
      %eq3A_459 = arith.cmpi eq, %get3A_440, %eq3A_458 : vector<16xi32>
      %jit3A_460 = arith.constant 5 : i32
      %broadcast_in_dim3A_461 = vector.broadcast %jit3A_460 : i32 to vector<16xi32>
      %select_n3A_462 = arith.select %eq3A_459, %broadcast_in_dim3A_461, %select_n3A_457 : vector<16xi1>, vector<16xi32>
      %eq3A_463 = vector.broadcast %reduce_sum3A_54 : i32 to vector<16xi32>
      %eq3A_464 = arith.cmpi eq, %get3A_440, %eq3A_463 : vector<16xi32>
      %jit3A_465 = arith.constant 4 : i32
      %broadcast_in_dim3A_466 = vector.broadcast %jit3A_465 : i32 to vector<16xi32>
      %select_n3A_467 = arith.select %eq3A_464, %broadcast_in_dim3A_466, %select_n3A_462 : vector<16xi1>, vector<16xi32>
      %eq3A_468 = vector.broadcast %reduce_sum3A_44 : i32 to vector<16xi32>
      %eq3A_469 = arith.cmpi eq, %get3A_440, %eq3A_468 : vector<16xi32>
      %jit3A_470 = arith.constant 3 : i32
      %broadcast_in_dim3A_471 = vector.broadcast %jit3A_470 : i32 to vector<16xi32>
      %select_n3A_472 = arith.select %eq3A_469, %broadcast_in_dim3A_471, %select_n3A_467 : vector<16xi1>, vector<16xi32>
      %eq3A_473 = vector.broadcast %reduce_sum3A_34 : i32 to vector<16xi32>
      %eq3A_474 = arith.cmpi eq, %get3A_440, %eq3A_473 : vector<16xi32>
      %jit3A_475 = arith.constant 2 : i32
      %broadcast_in_dim3A_476 = vector.broadcast %jit3A_475 : i32 to vector<16xi32>
      %select_n3A_477 = arith.select %eq3A_474, %broadcast_in_dim3A_476, %select_n3A_472 : vector<16xi1>, vector<16xi32>
      %eq3A_478 = vector.broadcast %reduce_sum3A_24 : i32 to vector<16xi32>
      %eq3A_479 = arith.cmpi eq, %get3A_440, %eq3A_478 : vector<16xi32>
      %jit3A_480 = arith.constant 1 : i32
      %broadcast_in_dim3A_481 = vector.broadcast %jit3A_480 : i32 to vector<16xi32>
      %select_n3A_482 = arith.select %eq3A_479, %broadcast_in_dim3A_481, %select_n3A_477 : vector<16xi1>, vector<16xi32>
      %eq3A_483 = vector.broadcast %reduce_sum3A_14 : i32 to vector<16xi32>
      %eq3A_484 = arith.cmpi eq, %get3A_440, %eq3A_483 : vector<16xi32>
      %jit3A_485 = arith.constant 0 : i32
      %broadcast_in_dim3A_486 = vector.broadcast %jit3A_485 : i32 to vector<16xi32>
      %select_n3A_487 = arith.select %eq3A_484, %broadcast_in_dim3A_486, %select_n3A_482 : vector<16xi1>, vector<16xi32>
      %lt3A_488 = arith.constant 15 : i32
      %lt3A_489 = vector.broadcast %lt3A_488 : i32 to vector<16xi32>
      %lt3A_490 = arith.cmpi slt, %select_n3A_487, %lt3A_489 : vector<16xi32>
      %get3A_491 = arith.index_cast %scan3A_108 : i32 to index
      %get3A_492 = arith.constant 80 : index
      %get3A_493 = tpu.vector_load %arg10[%get3A_491, %get3A_492] {strides = array<i32>} : memref<80x128xi32, #tpu.memory_space<vmem>>, vector<16xi32>,
      %swap3A_494 = arith.index_cast %add3A_437 : i32 to index
      %swap3A_495 = tpu.vector_load %arg12[%swap3A_494] masked %lt3A_490 {strides = array<i32>} : memref<10256xi32, #tpu.memory_space<vmem>>, vector<16xi32>, vector<16xi1>
      tpu.vector_store %arg12[%swap3A_494], %get3A_493 masked %lt3A_490 {strides = array<i32>} : memref<10256xi32, #tpu.memory_space<vmem>>, vector<16xi32>, vector<16xi1>
      %swap3A_496 = arith.index_cast %add3A_437 : i32 to index
      %swap3A_497 = tpu.vector_load %arg13[%swap3A_496] masked %lt3A_490 {strides = array<i32>} : memref<10256xi32, #tpu.memory_space<vmem>>, vector<16xi32>, vector<16xi1>
      tpu.vector_store %arg13[%swap3A_496], %select_n3A_487 masked %lt3A_490 {strides = array<i32>} : memref<10256xi32, #tpu.memory_space<vmem>>, vector<16xi32>, vector<16xi1>
      %convert_element_type3A_498 = arith.extui %lt3A_490 : vector<16xi1> to vector<16xi32>
      %reduce_sum3A_499 = arith.constant true
      %reduce_sum3A_500 = vector.broadcast %reduce_sum3A_499 : i1 to vector<16xi1>
      %reduce_sum3A_501 = tpu.scan <sum>, %convert_element_type3A_498 masked %reduce_sum3A_500 : vector<16xi32>, vector<16xi1> -> vector<16xi32>
      %reduce_sum3A_502 = vector.extract %reduce_sum3A_501[15] : i32 from vector<16xi32>
      %add3A_503 = arith.addi %add3A_437, %reduce_sum3A_502 : i32
      %get3A_504 = arith.index_cast %scan3A_108 : i32 to index
      %get3A_505 = arith.constant 96 : index
      %get3A_506 = tpu.vector_load %arg9[%get3A_504, %get3A_505] {strides = array<i32>} : memref<80x128xi32, #tpu.memory_space<vmem>>, vector<16xi32>,
      tpu.vector_store_idx %arg11[%get3A_506], %broadcast_in_dim3A_7 {add = true} : memref<10240xf32, #tpu.memory_space<vmem>>[vector<16xi32>], vector<16xf32>,
      %broadcast_in_dim3A_507 = arith.constant 15 : i32
      %broadcast_in_dim3A_508 = vector.broadcast %broadcast_in_dim3A_507 : i32 to vector<16xi32>
      %eq3A_509 = vector.broadcast %reduce_sum3A_94 : i32 to vector<16xi32>
      %eq3A_510 = arith.cmpi eq, %get3A_506, %eq3A_509 : vector<16xi32>
      %jit3A_511 = arith.constant 8 : i32
      %broadcast_in_dim3A_512 = vector.broadcast %jit3A_511 : i32 to vector<16xi32>
      %select_n3A_513 = arith.select %eq3A_510, %broadcast_in_dim3A_512, %broadcast_in_dim3A_508 : vector<16xi1>, vector<16xi32>
      %eq3A_514 = vector.broadcast %reduce_sum3A_84 : i32 to vector<16xi32>
      %eq3A_515 = arith.cmpi eq, %get3A_506, %eq3A_514 : vector<16xi32>
      %jit3A_516 = arith.constant 7 : i32
      %broadcast_in_dim3A_517 = vector.broadcast %jit3A_516 : i32 to vector<16xi32>
      %select_n3A_518 = arith.select %eq3A_515, %broadcast_in_dim3A_517, %select_n3A_513 : vector<16xi1>, vector<16xi32>
      %eq3A_519 = vector.broadcast %reduce_sum3A_74 : i32 to vector<16xi32>
      %eq3A_520 = arith.cmpi eq, %get3A_506, %eq3A_519 : vector<16xi32>
      %jit3A_521 = arith.constant 6 : i32
      %broadcast_in_dim3A_522 = vector.broadcast %jit3A_521 : i32 to vector<16xi32>
      %select_n3A_523 = arith.select %eq3A_520, %broadcast_in_dim3A_522, %select_n3A_518 : vector<16xi1>, vector<16xi32>
      %eq3A_524 = vector.broadcast %reduce_sum3A_64 : i32 to vector<16xi32>
      %eq3A_525 = arith.cmpi eq, %get3A_506, %eq3A_524 : vector<16xi32>
      %jit3A_526 = arith.constant 5 : i32
      %broadcast_in_dim3A_527 = vector.broadcast %jit3A_526 : i32 to vector<16xi32>
      %select_n3A_528 = arith.select %eq3A_525, %broadcast_in_dim3A_527, %select_n3A_523 : vector<16xi1>, vector<16xi32>
      %eq3A_529 = vector.broadcast %reduce_sum3A_54 : i32 to vector<16xi32>
      %eq3A_530 = arith.cmpi eq, %get3A_506, %eq3A_529 : vector<16xi32>
      %jit3A_531 = arith.constant 4 : i32
      %broadcast_in_dim3A_532 = vector.broadcast %jit3A_531 : i32 to vector<16xi32>
      %select_n3A_533 = arith.select %eq3A_530, %broadcast_in_dim3A_532, %select_n3A_528 : vector<16xi1>, vector<16xi32>
      %eq3A_534 = vector.broadcast %reduce_sum3A_44 : i32 to vector<16xi32>
      %eq3A_535 = arith.cmpi eq, %get3A_506, %eq3A_534 : vector<16xi32>
      %jit3A_536 = arith.constant 3 : i32
      %broadcast_in_dim3A_537 = vector.broadcast %jit3A_536 : i32 to vector<16xi32>
      %select_n3A_538 = arith.select %eq3A_535, %broadcast_in_dim3A_537, %select_n3A_533 : vector<16xi1>, vector<16xi32>
      %eq3A_539 = vector.broadcast %reduce_sum3A_34 : i32 to vector<16xi32>
      %eq3A_540 = arith.cmpi eq, %get3A_506, %eq3A_539 : vector<16xi32>
      %jit3A_541 = arith.constant 2 : i32
      %broadcast_in_dim3A_542 = vector.broadcast %jit3A_541 : i32 to vector<16xi32>
      %select_n3A_543 = arith.select %eq3A_540, %broadcast_in_dim3A_542, %select_n3A_538 : vector<16xi1>, vector<16xi32>
      %eq3A_544 = vector.broadcast %reduce_sum3A_24 : i32 to vector<16xi32>
      %eq3A_545 = arith.cmpi eq, %get3A_506, %eq3A_544 : vector<16xi32>
      %jit3A_546 = arith.constant 1 : i32
      %broadcast_in_dim3A_547 = vector.broadcast %jit3A_546 : i32 to vector<16xi32>
      %select_n3A_548 = arith.select %eq3A_545, %broadcast_in_dim3A_547, %select_n3A_543 : vector<16xi1>, vector<16xi32>
      %eq3A_549 = vector.broadcast %reduce_sum3A_14 : i32 to vector<16xi32>
      %eq3A_550 = arith.cmpi eq, %get3A_506, %eq3A_549 : vector<16xi32>
      %jit3A_551 = arith.constant 0 : i32
      %broadcast_in_dim3A_552 = vector.broadcast %jit3A_551 : i32 to vector<16xi32>
      %select_n3A_553 = arith.select %eq3A_550, %broadcast_in_dim3A_552, %select_n3A_548 : vector<16xi1>, vector<16xi32>
      %lt3A_554 = arith.constant 15 : i32
      %lt3A_555 = vector.broadcast %lt3A_554 : i32 to vector<16xi32>
      %lt3A_556 = arith.cmpi slt, %select_n3A_553, %lt3A_555 : vector<16xi32>
      %get3A_557 = arith.index_cast %scan3A_108 : i32 to index
      %get3A_558 = arith.constant 96 : index
      %get3A_559 = tpu.vector_load %arg10[%get3A_557, %get3A_558] {strides = array<i32>} : memref<80x128xi32, #tpu.memory_space<vmem>>, vector<16xi32>,
      %swap3A_560 = arith.index_cast %add3A_503 : i32 to index
      %swap3A_561 = tpu.vector_load %arg12[%swap3A_560] masked %lt3A_556 {strides = array<i32>} : memref<10256xi32, #tpu.memory_space<vmem>>, vector<16xi32>, vector<16xi1>
      tpu.vector_store %arg12[%swap3A_560], %get3A_559 masked %lt3A_556 {strides = array<i32>} : memref<10256xi32, #tpu.memory_space<vmem>>, vector<16xi32>, vector<16xi1>
      %swap3A_562 = arith.index_cast %add3A_503 : i32 to index
      %swap3A_563 = tpu.vector_load %arg13[%swap3A_562] masked %lt3A_556 {strides = array<i32>} : memref<10256xi32, #tpu.memory_space<vmem>>, vector<16xi32>, vector<16xi1>
      tpu.vector_store %arg13[%swap3A_562], %select_n3A_553 masked %lt3A_556 {strides = array<i32>} : memref<10256xi32, #tpu.memory_space<vmem>>, vector<16xi32>, vector<16xi1>
      %convert_element_type3A_564 = arith.extui %lt3A_556 : vector<16xi1> to vector<16xi32>
      %reduce_sum3A_565 = arith.constant true
      %reduce_sum3A_566 = vector.broadcast %reduce_sum3A_565 : i1 to vector<16xi1>
      %reduce_sum3A_567 = tpu.scan <sum>, %convert_element_type3A_564 masked %reduce_sum3A_566 : vector<16xi32>, vector<16xi1> -> vector<16xi32>
      %reduce_sum3A_568 = vector.extract %reduce_sum3A_567[15] : i32 from vector<16xi32>
      %add3A_569 = arith.addi %add3A_503, %reduce_sum3A_568 : i32
      %get3A_570 = arith.index_cast %scan3A_108 : i32 to index
      %get3A_571 = arith.constant 112 : index
      %get3A_572 = tpu.vector_load %arg9[%get3A_570, %get3A_571] {strides = array<i32>} : memref<80x128xi32, #tpu.memory_space<vmem>>, vector<16xi32>,
      tpu.vector_store_idx %arg11[%get3A_572], %broadcast_in_dim3A_7 {add = true} : memref<10240xf32, #tpu.memory_space<vmem>>[vector<16xi32>], vector<16xf32>,
      %broadcast_in_dim3A_573 = arith.constant 15 : i32
      %broadcast_in_dim3A_574 = vector.broadcast %broadcast_in_dim3A_573 : i32 to vector<16xi32>
      %eq3A_575 = vector.broadcast %reduce_sum3A_94 : i32 to vector<16xi32>
      %eq3A_576 = arith.cmpi eq, %get3A_572, %eq3A_575 : vector<16xi32>
      %jit3A_577 = arith.constant 8 : i32
      %broadcast_in_dim3A_578 = vector.broadcast %jit3A_577 : i32 to vector<16xi32>
      %select_n3A_579 = arith.select %eq3A_576, %broadcast_in_dim3A_578, %broadcast_in_dim3A_574 : vector<16xi1>, vector<16xi32>
      %eq3A_580 = vector.broadcast %reduce_sum3A_84 : i32 to vector<16xi32>
      %eq3A_581 = arith.cmpi eq, %get3A_572, %eq3A_580 : vector<16xi32>
      %jit3A_582 = arith.constant 7 : i32
      %broadcast_in_dim3A_583 = vector.broadcast %jit3A_582 : i32 to vector<16xi32>
      %select_n3A_584 = arith.select %eq3A_581, %broadcast_in_dim3A_583, %select_n3A_579 : vector<16xi1>, vector<16xi32>
      %eq3A_585 = vector.broadcast %reduce_sum3A_74 : i32 to vector<16xi32>
      %eq3A_586 = arith.cmpi eq, %get3A_572, %eq3A_585 : vector<16xi32>
      %jit3A_587 = arith.constant 6 : i32
      %broadcast_in_dim3A_588 = vector.broadcast %jit3A_587 : i32 to vector<16xi32>
      %select_n3A_589 = arith.select %eq3A_586, %broadcast_in_dim3A_588, %select_n3A_584 : vector<16xi1>, vector<16xi32>
      %eq3A_590 = vector.broadcast %reduce_sum3A_64 : i32 to vector<16xi32>
      %eq3A_591 = arith.cmpi eq, %get3A_572, %eq3A_590 : vector<16xi32>
      %jit3A_592 = arith.constant 5 : i32
      %broadcast_in_dim3A_593 = vector.broadcast %jit3A_592 : i32 to vector<16xi32>
      %select_n3A_594 = arith.select %eq3A_591, %broadcast_in_dim3A_593, %select_n3A_589 : vector<16xi1>, vector<16xi32>
      %eq3A_595 = vector.broadcast %reduce_sum3A_54 : i32 to vector<16xi32>
      %eq3A_596 = arith.cmpi eq, %get3A_572, %eq3A_595 : vector<16xi32>
      %jit3A_597 = arith.constant 4 : i32
      %broadcast_in_dim3A_598 = vector.broadcast %jit3A_597 : i32 to vector<16xi32>
      %select_n3A_599 = arith.select %eq3A_596, %broadcast_in_dim3A_598, %select_n3A_594 : vector<16xi1>, vector<16xi32>
      %eq3A_600 = vector.broadcast %reduce_sum3A_44 : i32 to vector<16xi32>
      %eq3A_601 = arith.cmpi eq, %get3A_572, %eq3A_600 : vector<16xi32>
      %jit3A_602 = arith.constant 3 : i32
      %broadcast_in_dim3A_603 = vector.broadcast %jit3A_602 : i32 to vector<16xi32>
      %select_n3A_604 = arith.select %eq3A_601, %broadcast_in_dim3A_603, %select_n3A_599 : vector<16xi1>, vector<16xi32>
      %eq3A_605 = vector.broadcast %reduce_sum3A_34 : i32 to vector<16xi32>
      %eq3A_606 = arith.cmpi eq, %get3A_572, %eq3A_605 : vector<16xi32>
      %jit3A_607 = arith.constant 2 : i32
      %broadcast_in_dim3A_608 = vector.broadcast %jit3A_607 : i32 to vector<16xi32>
      %select_n3A_609 = arith.select %eq3A_606, %broadcast_in_dim3A_608, %select_n3A_604 : vector<16xi1>, vector<16xi32>
      %eq3A_610 = vector.broadcast %reduce_sum3A_24 : i32 to vector<16xi32>
      %eq3A_611 = arith.cmpi eq, %get3A_572, %eq3A_610 : vector<16xi32>
      %jit3A_612 = arith.constant 1 : i32
      %broadcast_in_dim3A_613 = vector.broadcast %jit3A_612 : i32 to vector<16xi32>
      %select_n3A_614 = arith.select %eq3A_611, %broadcast_in_dim3A_613, %select_n3A_609 : vector<16xi1>, vector<16xi32>
      %eq3A_615 = vector.broadcast %reduce_sum3A_14 : i32 to vector<16xi32>
      %eq3A_616 = arith.cmpi eq, %get3A_572, %eq3A_615 : vector<16xi32>
      %jit3A_617 = arith.constant 0 : i32
      %broadcast_in_dim3A_618 = vector.broadcast %jit3A_617 : i32 to vector<16xi32>
      %select_n3A_619 = arith.select %eq3A_616, %broadcast_in_dim3A_618, %select_n3A_614 : vector<16xi1>, vector<16xi32>
      %lt3A_620 = arith.constant 15 : i32
      %lt3A_621 = vector.broadcast %lt3A_620 : i32 to vector<16xi32>
      %lt3A_622 = arith.cmpi slt, %select_n3A_619, %lt3A_621 : vector<16xi32>
      %get3A_623 = arith.index_cast %scan3A_108 : i32 to index
      %get3A_624 = arith.constant 112 : index
      %get3A_625 = tpu.vector_load %arg10[%get3A_623, %get3A_624] {strides = array<i32>} : memref<80x128xi32, #tpu.memory_space<vmem>>, vector<16xi32>,
      %swap3A_626 = arith.index_cast %add3A_569 : i32 to index
      %swap3A_627 = tpu.vector_load %arg12[%swap3A_626] masked %lt3A_622 {strides = array<i32>} : memref<10256xi32, #tpu.memory_space<vmem>>, vector<16xi32>, vector<16xi1>
      tpu.vector_store %arg12[%swap3A_626], %get3A_625 masked %lt3A_622 {strides = array<i32>} : memref<10256xi32, #tpu.memory_space<vmem>>, vector<16xi32>, vector<16xi1>
      %swap3A_628 = arith.index_cast %add3A_569 : i32 to index
      %swap3A_629 = tpu.vector_load %arg13[%swap3A_628] masked %lt3A_622 {strides = array<i32>} : memref<10256xi32, #tpu.memory_space<vmem>>, vector<16xi32>, vector<16xi1>
      tpu.vector_store %arg13[%swap3A_628], %select_n3A_619 masked %lt3A_622 {strides = array<i32>} : memref<10256xi32, #tpu.memory_space<vmem>>, vector<16xi32>, vector<16xi1>
      %convert_element_type3A_630 = arith.extui %lt3A_622 : vector<16xi1> to vector<16xi32>
      %reduce_sum3A_631 = arith.constant true
      %reduce_sum3A_632 = vector.broadcast %reduce_sum3A_631 : i1 to vector<16xi1>
      %reduce_sum3A_633 = tpu.scan <sum>, %convert_element_type3A_630 masked %reduce_sum3A_632 : vector<16xi32>, vector<16xi1> -> vector<16xi32>
      %reduce_sum3A_634 = vector.extract %reduce_sum3A_633[15] : i32 from vector<16xi32>
      %add3A_635 = arith.addi %add3A_569, %reduce_sum3A_634 : i32
      scf.yield %add3A_635 : i32
    }
    %scan3A_101 = arith.constant 80 : i32
    %broadcast_in_dim3A_102 = arith.constant 10239 : i32
    %broadcast_in_dim3A_103 = vector.broadcast %broadcast_in_dim3A_102 : i32 to vector<16xi32>
    %swap3A = arith.index_cast %scan3A_100 : i32 to index
    %swap3A_104 = tpu.vector_load %arg12[%swap3A] {strides = array<i32>} : memref<10256xi32, #tpu.memory_space<vmem>>, vector<16xi32>,
    tpu.vector_store %arg12[%swap3A], %broadcast_in_dim3A_103 {strides = array<i32>} : memref<10256xi32, #tpu.memory_space<vmem>>, vector<16xi32>,
    %broadcast_in_dim3A_105 = vector.broadcast %scan3A_100 : i32 to vector<16xi32>
    %swap3A_106 = arith.constant 0 : index
    %swap3A_107 = tpu.vector_load %arg15[%swap3A_106] {strides = array<i32>} : memref<16xi32, #tpu.memory_space<vmem>>, vector<16xi32>,
    tpu.vector_store %arg15[%swap3A_106], %broadcast_in_dim3A_105 {strides = array<i32>} : memref<16xi32, #tpu.memory_space<vmem>>, vector<16xi32>,
    "tpu.region"() ({
      %run_scoped3A = tpu.sem_alloc : memref<!tpu.dma_semaphore, #tpu.memory_space<semaphore_mem>>
      %dma_start3A = arith.constant 0 : i32
      %dma_start3A_108 = tpu.memref_slice %arg5[%add3A, %dma_start3A] : memref<32x10240xf32, #tpu.memory_space<hbm>> -> memref<1x10240xf32, #tpu.memory_space<hbm>>
      %dma_start3A_109 = tpu.memref_squeeze %dma_start3A_108 : memref<1x10240xf32, #tpu.memory_space<hbm>> -> memref<10240xf32, #tpu.memory_space<hbm>>
      %dma_start3A_110 = arith.constant 0 : i32
      %dma_start3A_111 = tpu.memref_slice %arg5[%add3A, %dma_start3A_110] : memref<32x10240xf32, #tpu.memory_space<hbm>> -> memref<1x10240xf32, #tpu.memory_space<hbm>>
      %dma_start3A_112 = tpu.memref_squeeze %dma_start3A_111 : memref<1x10240xf32, #tpu.memory_space<hbm>> -> memref<10240xf32, #tpu.memory_space<hbm>>
      tpu.enqueue_dma source(%arg11 : memref<10240xf32, #tpu.memory_space<vmem>>) target(%dma_start3A_112 : memref<10240xf32, #tpu.memory_space<hbm>>) target_semaphore(%run_scoped3A : memref<!tpu.dma_semaphore, #tpu.memory_space<semaphore_mem>>)
      %dma_wait3A = arith.constant 0 : i32
      %dma_wait3A_113 = tpu.memref_slice %arg5[%add3A, %dma_wait3A] : memref<32x10240xf32, #tpu.memory_space<hbm>> -> memref<1x10240xf32, #tpu.memory_space<hbm>>
      %dma_wait3A_114 = tpu.memref_squeeze %dma_wait3A_113 : memref<1x10240xf32, #tpu.memory_space<hbm>> -> memref<10240xf32, #tpu.memory_space<hbm>>
      %dma_wait3A_115 = arith.constant 0 : i32
      %dma_wait3A_116 = tpu.memref_slice %arg5[%add3A, %dma_wait3A_115] : memref<32x10240xf32, #tpu.memory_space<hbm>> -> memref<1x10240xf32, #tpu.memory_space<hbm>>
      %dma_wait3A_117 = tpu.memref_squeeze %dma_wait3A_116 : memref<1x10240xf32, #tpu.memory_space<hbm>> -> memref<10240xf32, #tpu.memory_space<hbm>>
      tpu.wait_dma2 semaphore(%run_scoped3A : memref<!tpu.dma_semaphore, #tpu.memory_space<semaphore_mem>>) src(%arg11 : memref<10240xf32, #tpu.memory_space<vmem>>) dst(%dma_wait3A_117 : memref<10240xf32, #tpu.memory_space<hbm>>)
      tpu.yield
    }) : () -> ()
    "tpu.region"() ({
      %run_scoped3A = tpu.sem_alloc : memref<!tpu.dma_semaphore, #tpu.memory_space<semaphore_mem>>
      %dma_start3A = arith.constant 0 : i32
      %dma_start3A_108 = tpu.memref_slice %arg6[%add3A, %dma_start3A] : memref<32x10256xi32, #tpu.memory_space<hbm>> -> memref<1x10256xi32, #tpu.memory_space<hbm>>
      %dma_start3A_109 = tpu.memref_squeeze %dma_start3A_108 : memref<1x10256xi32, #tpu.memory_space<hbm>> -> memref<10256xi32, #tpu.memory_space<hbm>>
      %dma_start3A_110 = arith.constant 0 : i32
      %dma_start3A_111 = tpu.memref_slice %arg6[%add3A, %dma_start3A_110] : memref<32x10256xi32, #tpu.memory_space<hbm>> -> memref<1x10256xi32, #tpu.memory_space<hbm>>
      %dma_start3A_112 = tpu.memref_squeeze %dma_start3A_111 : memref<1x10256xi32, #tpu.memory_space<hbm>> -> memref<10256xi32, #tpu.memory_space<hbm>>
      tpu.enqueue_dma source(%arg12 : memref<10256xi32, #tpu.memory_space<vmem>>) target(%dma_start3A_112 : memref<10256xi32, #tpu.memory_space<hbm>>) target_semaphore(%run_scoped3A : memref<!tpu.dma_semaphore, #tpu.memory_space<semaphore_mem>>)
      %dma_wait3A = arith.constant 0 : i32
      %dma_wait3A_113 = tpu.memref_slice %arg6[%add3A, %dma_wait3A] : memref<32x10256xi32, #tpu.memory_space<hbm>> -> memref<1x10256xi32, #tpu.memory_space<hbm>>
      %dma_wait3A_114 = tpu.memref_squeeze %dma_wait3A_113 : memref<1x10256xi32, #tpu.memory_space<hbm>> -> memref<10256xi32, #tpu.memory_space<hbm>>
      %dma_wait3A_115 = arith.constant 0 : i32
      %dma_wait3A_116 = tpu.memref_slice %arg6[%add3A, %dma_wait3A_115] : memref<32x10256xi32, #tpu.memory_space<hbm>> -> memref<1x10256xi32, #tpu.memory_space<hbm>>
      %dma_wait3A_117 = tpu.memref_squeeze %dma_wait3A_116 : memref<1x10256xi32, #tpu.memory_space<hbm>> -> memref<10256xi32, #tpu.memory_space<hbm>>
      tpu.wait_dma2 semaphore(%run_scoped3A : memref<!tpu.dma_semaphore, #tpu.memory_space<semaphore_mem>>) src(%arg12 : memref<10256xi32, #tpu.memory_space<vmem>>) dst(%dma_wait3A_117 : memref<10256xi32, #tpu.memory_space<hbm>>)
      tpu.yield
    }) : () -> ()
    "tpu.region"() ({
      %run_scoped3A = tpu.sem_alloc : memref<!tpu.dma_semaphore, #tpu.memory_space<semaphore_mem>>
      %dma_start3A = arith.constant 0 : i32
      %dma_start3A_108 = tpu.memref_slice %arg7[%add3A, %dma_start3A] : memref<32x10256xi32, #tpu.memory_space<hbm>> -> memref<1x10256xi32, #tpu.memory_space<hbm>>
      %dma_start3A_109 = tpu.memref_squeeze %dma_start3A_108 : memref<1x10256xi32, #tpu.memory_space<hbm>> -> memref<10256xi32, #tpu.memory_space<hbm>>
      %dma_start3A_110 = arith.constant 0 : i32
      %dma_start3A_111 = tpu.memref_slice %arg7[%add3A, %dma_start3A_110] : memref<32x10256xi32, #tpu.memory_space<hbm>> -> memref<1x10256xi32, #tpu.memory_space<hbm>>
      %dma_start3A_112 = tpu.memref_squeeze %dma_start3A_111 : memref<1x10256xi32, #tpu.memory_space<hbm>> -> memref<10256xi32, #tpu.memory_space<hbm>>
      tpu.enqueue_dma source(%arg13 : memref<10256xi32, #tpu.memory_space<vmem>>) target(%dma_start3A_112 : memref<10256xi32, #tpu.memory_space<hbm>>) target_semaphore(%run_scoped3A : memref<!tpu.dma_semaphore, #tpu.memory_space<semaphore_mem>>)
      %dma_wait3A = arith.constant 0 : i32
      %dma_wait3A_113 = tpu.memref_slice %arg7[%add3A, %dma_wait3A] : memref<32x10256xi32, #tpu.memory_space<hbm>> -> memref<1x10256xi32, #tpu.memory_space<hbm>>
      %dma_wait3A_114 = tpu.memref_squeeze %dma_wait3A_113 : memref<1x10256xi32, #tpu.memory_space<hbm>> -> memref<10256xi32, #tpu.memory_space<hbm>>
      %dma_wait3A_115 = arith.constant 0 : i32
      %dma_wait3A_116 = tpu.memref_slice %arg7[%add3A, %dma_wait3A_115] : memref<32x10256xi32, #tpu.memory_space<hbm>> -> memref<1x10256xi32, #tpu.memory_space<hbm>>
      %dma_wait3A_117 = tpu.memref_squeeze %dma_wait3A_116 : memref<1x10256xi32, #tpu.memory_space<hbm>> -> memref<10256xi32, #tpu.memory_space<hbm>>
      tpu.wait_dma2 semaphore(%run_scoped3A : memref<!tpu.dma_semaphore, #tpu.memory_space<semaphore_mem>>) src(%arg13 : memref<10256xi32, #tpu.memory_space<vmem>>) dst(%dma_wait3A_117 : memref<10256xi32, #tpu.memory_space<hbm>>)
      tpu.yield
    }) : () -> ()
    "tpu.region"() ({
      %run_scoped3A = tpu.sem_alloc : memref<!tpu.dma_semaphore, #tpu.memory_space<semaphore_mem>>
      %dma_start3A = arith.constant 0 : i32
      %dma_start3A_108 = tpu.memref_slice %arg8[%add3A, %dma_start3A] : memref<32x16xi32, #tpu.memory_space<hbm>> -> memref<1x16xi32, #tpu.memory_space<hbm>>
      %dma_start3A_109 = tpu.memref_squeeze %dma_start3A_108 : memref<1x16xi32, #tpu.memory_space<hbm>> -> memref<16xi32, #tpu.memory_space<hbm>>
      %dma_start3A_110 = arith.constant 0 : i32
      %dma_start3A_111 = tpu.memref_slice %arg8[%add3A, %dma_start3A_110] : memref<32x16xi32, #tpu.memory_space<hbm>> -> memref<1x16xi32, #tpu.memory_space<hbm>>
      %dma_start3A_112 = tpu.memref_squeeze %dma_start3A_111 : memref<1x16xi32, #tpu.memory_space<hbm>> -> memref<16xi32, #tpu.memory_space<hbm>>
      tpu.enqueue_dma source(%arg15 : memref<16xi32, #tpu.memory_space<vmem>>) target(%dma_start3A_112 : memref<16xi32, #tpu.memory_space<hbm>>) target_semaphore(%run_scoped3A : memref<!tpu.dma_semaphore, #tpu.memory_space<semaphore_mem>>)
      %dma_wait3A = arith.constant 0 : i32
      %dma_wait3A_113 = tpu.memref_slice %arg8[%add3A, %dma_wait3A] : memref<32x16xi32, #tpu.memory_space<hbm>> -> memref<1x16xi32, #tpu.memory_space<hbm>>
      %dma_wait3A_114 = tpu.memref_squeeze %dma_wait3A_113 : memref<1x16xi32, #tpu.memory_space<hbm>> -> memref<16xi32, #tpu.memory_space<hbm>>
      %dma_wait3A_115 = arith.constant 0 : i32
      %dma_wait3A_116 = tpu.memref_slice %arg8[%add3A, %dma_wait3A_115] : memref<32x16xi32, #tpu.memory_space<hbm>> -> memref<1x16xi32, #tpu.memory_space<hbm>>
      %dma_wait3A_117 = tpu.memref_squeeze %dma_wait3A_116 : memref<1x16xi32, #tpu.memory_space<hbm>> -> memref<16xi32, #tpu.memory_space<hbm>>
      tpu.wait_dma2 semaphore(%run_scoped3A : memref<!tpu.dma_semaphore, #tpu.memory_space<semaphore_mem>>) src(%arg15 : memref<16xi32, #tpu.memory_space<vmem>>) dst(%dma_wait3A_117 : memref<16xi32, #tpu.memory_space<hbm>>)
      tpu.yield
    }) : () -> ()
    return
  }
}

#map = affine_map<(d0, d1) -> (0, 0)>
#map1 = affine_map<(d0, d1) -> (0, 0, 0)>
module attributes {stable_mosaic.version = 14 : i64} {
  func.func @_sc_sparse_k(%arg0: i32, %arg1: i32, %arg2: memref<32x10256xi32, #tpu.memory_space<hbm>>, %arg3: memref<32x10256xi32, #tpu.memory_space<hbm>>, %arg4: memref<32x16xi32, #tpu.memory_space<hbm>>, %arg5: memref<10240x48xf32, #tpu.memory_space<hbm>>, %arg6: memref<32x16x48xf32, #tpu.memory_space<hbm>>, %arg7: memref<10256xi32, #tpu.memory_space<vmem>>, %arg8: memref<10256xi32, #tpu.memory_space<vmem>>, %arg9: memref<16xi32, #tpu.memory_space<vmem>>, %arg10: memref<16x48xf32, #tpu.memory_space<vmem>>, %arg11: memref<16x48xf32, #tpu.memory_space<vmem>>, %arg12: memref<!tpu.dma_semaphore, #tpu.memory_space<semaphore_mem>>) attributes {dimension_semantics = [#tpu.dimension_semantics<core_parallel>, #tpu.dimension_semantics<subcore_parallel>], iteration_bounds = array<i64: 2, 16>, scalar_prefetch = 0 : i64, scratch_operands = 6 : i64, tpu.core_type = #tpu.core_type<sc_vector_subcore>, window_params = [{transform_indices = #map}, {transform_indices = #map}, {transform_indices = #map}, {transform_indices = #map}, {transform_indices = #map1}]} {
    %mul3A = arith.constant 2 : i32
    %mul3A_0 = arith.muli %arg1, %mul3A : i32
    %add3A = arith.addi %mul3A_0, %arg0 : i32
    "tpu.region"() ({
      %run_scoped3A = tpu.sem_alloc : memref<!tpu.dma_semaphore, #tpu.memory_space<semaphore_mem>>
      %dma_start3A = arith.constant 0 : i32
      %dma_start3A_324 = tpu.memref_slice %arg2[%add3A, %dma_start3A] : memref<32x10256xi32, #tpu.memory_space<hbm>> -> memref<1x10256xi32, #tpu.memory_space<hbm>>
      %dma_start3A_325 = tpu.memref_squeeze %dma_start3A_324 : memref<1x10256xi32, #tpu.memory_space<hbm>> -> memref<10256xi32, #tpu.memory_space<hbm>>
      %dma_start3A_326 = arith.constant 0 : i32
      %dma_start3A_327 = tpu.memref_slice %arg2[%add3A, %dma_start3A_326] : memref<32x10256xi32, #tpu.memory_space<hbm>> -> memref<1x10256xi32, #tpu.memory_space<hbm>>
      %dma_start3A_328 = tpu.memref_squeeze %dma_start3A_327 : memref<1x10256xi32, #tpu.memory_space<hbm>> -> memref<10256xi32, #tpu.memory_space<hbm>>
      tpu.enqueue_dma source(%dma_start3A_328 : memref<10256xi32, #tpu.memory_space<hbm>>) target(%arg7 : memref<10256xi32, #tpu.memory_space<vmem>>) target_semaphore(%run_scoped3A : memref<!tpu.dma_semaphore, #tpu.memory_space<semaphore_mem>>)
      %dma_wait3A = arith.constant 0 : i32
      %dma_wait3A_329 = tpu.memref_slice %arg2[%add3A, %dma_wait3A] : memref<32x10256xi32, #tpu.memory_space<hbm>> -> memref<1x10256xi32, #tpu.memory_space<hbm>>
      %dma_wait3A_330 = tpu.memref_squeeze %dma_wait3A_329 : memref<1x10256xi32, #tpu.memory_space<hbm>> -> memref<10256xi32, #tpu.memory_space<hbm>>
      %dma_wait3A_331 = arith.constant 0 : i32
      %dma_wait3A_332 = tpu.memref_slice %arg2[%add3A, %dma_wait3A_331] : memref<32x10256xi32, #tpu.memory_space<hbm>> -> memref<1x10256xi32, #tpu.memory_space<hbm>>
      %dma_wait3A_333 = tpu.memref_squeeze %dma_wait3A_332 : memref<1x10256xi32, #tpu.memory_space<hbm>> -> memref<10256xi32, #tpu.memory_space<hbm>>
      tpu.wait_dma2 semaphore(%run_scoped3A : memref<!tpu.dma_semaphore, #tpu.memory_space<semaphore_mem>>) src(%dma_wait3A_333 : memref<10256xi32, #tpu.memory_space<hbm>>) dst(%arg7 : memref<10256xi32, #tpu.memory_space<vmem>>)
      tpu.yield
    }) : () -> ()
    "tpu.region"() ({
      %run_scoped3A = tpu.sem_alloc : memref<!tpu.dma_semaphore, #tpu.memory_space<semaphore_mem>>
      %dma_start3A = arith.constant 0 : i32
      %dma_start3A_324 = tpu.memref_slice %arg3[%add3A, %dma_start3A] : memref<32x10256xi32, #tpu.memory_space<hbm>> -> memref<1x10256xi32, #tpu.memory_space<hbm>>
      %dma_start3A_325 = tpu.memref_squeeze %dma_start3A_324 : memref<1x10256xi32, #tpu.memory_space<hbm>> -> memref<10256xi32, #tpu.memory_space<hbm>>
      %dma_start3A_326 = arith.constant 0 : i32
      %dma_start3A_327 = tpu.memref_slice %arg3[%add3A, %dma_start3A_326] : memref<32x10256xi32, #tpu.memory_space<hbm>> -> memref<1x10256xi32, #tpu.memory_space<hbm>>
      %dma_start3A_328 = tpu.memref_squeeze %dma_start3A_327 : memref<1x10256xi32, #tpu.memory_space<hbm>> -> memref<10256xi32, #tpu.memory_space<hbm>>
      tpu.enqueue_dma source(%dma_start3A_328 : memref<10256xi32, #tpu.memory_space<hbm>>) target(%arg8 : memref<10256xi32, #tpu.memory_space<vmem>>) target_semaphore(%run_scoped3A : memref<!tpu.dma_semaphore, #tpu.memory_space<semaphore_mem>>)
      %dma_wait3A = arith.constant 0 : i32
      %dma_wait3A_329 = tpu.memref_slice %arg3[%add3A, %dma_wait3A] : memref<32x10256xi32, #tpu.memory_space<hbm>> -> memref<1x10256xi32, #tpu.memory_space<hbm>>
      %dma_wait3A_330 = tpu.memref_squeeze %dma_wait3A_329 : memref<1x10256xi32, #tpu.memory_space<hbm>> -> memref<10256xi32, #tpu.memory_space<hbm>>
      %dma_wait3A_331 = arith.constant 0 : i32
      %dma_wait3A_332 = tpu.memref_slice %arg3[%add3A, %dma_wait3A_331] : memref<32x10256xi32, #tpu.memory_space<hbm>> -> memref<1x10256xi32, #tpu.memory_space<hbm>>
      %dma_wait3A_333 = tpu.memref_squeeze %dma_wait3A_332 : memref<1x10256xi32, #tpu.memory_space<hbm>> -> memref<10256xi32, #tpu.memory_space<hbm>>
      tpu.wait_dma2 semaphore(%run_scoped3A : memref<!tpu.dma_semaphore, #tpu.memory_space<semaphore_mem>>) src(%dma_wait3A_333 : memref<10256xi32, #tpu.memory_space<hbm>>) dst(%arg8 : memref<10256xi32, #tpu.memory_space<vmem>>)
      tpu.yield
    }) : () -> ()
    "tpu.region"() ({
      %run_scoped3A = tpu.sem_alloc : memref<!tpu.dma_semaphore, #tpu.memory_space<semaphore_mem>>
      %dma_start3A = arith.constant 0 : i32
      %dma_start3A_324 = tpu.memref_slice %arg4[%add3A, %dma_start3A] : memref<32x16xi32, #tpu.memory_space<hbm>> -> memref<1x16xi32, #tpu.memory_space<hbm>>
      %dma_start3A_325 = tpu.memref_squeeze %dma_start3A_324 : memref<1x16xi32, #tpu.memory_space<hbm>> -> memref<16xi32, #tpu.memory_space<hbm>>
      %dma_start3A_326 = arith.constant 0 : i32
      %dma_start3A_327 = tpu.memref_slice %arg4[%add3A, %dma_start3A_326] : memref<32x16xi32, #tpu.memory_space<hbm>> -> memref<1x16xi32, #tpu.memory_space<hbm>>
      %dma_start3A_328 = tpu.memref_squeeze %dma_start3A_327 : memref<1x16xi32, #tpu.memory_space<hbm>> -> memref<16xi32, #tpu.memory_space<hbm>>
      tpu.enqueue_dma source(%dma_start3A_328 : memref<16xi32, #tpu.memory_space<hbm>>) target(%arg9 : memref<16xi32, #tpu.memory_space<vmem>>) target_semaphore(%run_scoped3A : memref<!tpu.dma_semaphore, #tpu.memory_space<semaphore_mem>>)
      %dma_wait3A = arith.constant 0 : i32
      %dma_wait3A_329 = tpu.memref_slice %arg4[%add3A, %dma_wait3A] : memref<32x16xi32, #tpu.memory_space<hbm>> -> memref<1x16xi32, #tpu.memory_space<hbm>>
      %dma_wait3A_330 = tpu.memref_squeeze %dma_wait3A_329 : memref<1x16xi32, #tpu.memory_space<hbm>> -> memref<16xi32, #tpu.memory_space<hbm>>
      %dma_wait3A_331 = arith.constant 0 : i32
      %dma_wait3A_332 = tpu.memref_slice %arg4[%add3A, %dma_wait3A_331] : memref<32x16xi32, #tpu.memory_space<hbm>> -> memref<1x16xi32, #tpu.memory_space<hbm>>
      %dma_wait3A_333 = tpu.memref_squeeze %dma_wait3A_332 : memref<1x16xi32, #tpu.memory_space<hbm>> -> memref<16xi32, #tpu.memory_space<hbm>>
      tpu.wait_dma2 semaphore(%run_scoped3A : memref<!tpu.dma_semaphore, #tpu.memory_space<semaphore_mem>>) src(%dma_wait3A_333 : memref<16xi32, #tpu.memory_space<hbm>>) dst(%arg9 : memref<16xi32, #tpu.memory_space<vmem>>)
      tpu.yield
    }) : () -> ()
    %broadcast_in_dim3A = arith.constant 0.000000e+00 : f32
    %broadcast_in_dim3A_1 = vector.broadcast %broadcast_in_dim3A : f32 to vector<16xf32>
    %swap3A = arith.constant 0 : i32
    %swap3A_2 = arith.index_cast %swap3A : i32 to index
    %swap3A_3 = arith.constant 0 : index
    %swap3A_4 = tpu.vector_load %arg11[%swap3A_2, %swap3A_3] {strides = array<i32>} : memref<16x48xf32, #tpu.memory_space<vmem>>, vector<16xf32>,
    tpu.vector_store %arg11[%swap3A_2, %swap3A_3], %broadcast_in_dim3A_1 {strides = array<i32>} : memref<16x48xf32, #tpu.memory_space<vmem>>, vector<16xf32>,
    %broadcast_in_dim3A_5 = arith.constant 0.000000e+00 : f32
    %broadcast_in_dim3A_6 = vector.broadcast %broadcast_in_dim3A_5 : f32 to vector<16xf32>
    %swap3A_7 = arith.constant 0 : i32
    %swap3A_8 = arith.index_cast %swap3A_7 : i32 to index
    %swap3A_9 = arith.constant 16 : index
    %swap3A_10 = tpu.vector_load %arg11[%swap3A_8, %swap3A_9] {strides = array<i32>} : memref<16x48xf32, #tpu.memory_space<vmem>>, vector<16xf32>,
    tpu.vector_store %arg11[%swap3A_8, %swap3A_9], %broadcast_in_dim3A_6 {strides = array<i32>} : memref<16x48xf32, #tpu.memory_space<vmem>>, vector<16xf32>,
    %broadcast_in_dim3A_11 = arith.constant 0.000000e+00 : f32
    %broadcast_in_dim3A_12 = vector.broadcast %broadcast_in_dim3A_11 : f32 to vector<16xf32>
    %swap3A_13 = arith.constant 0 : i32
    %swap3A_14 = arith.index_cast %swap3A_13 : i32 to index
    %swap3A_15 = arith.constant 32 : index
    %swap3A_16 = tpu.vector_load %arg11[%swap3A_14, %swap3A_15] {strides = array<i32>} : memref<16x48xf32, #tpu.memory_space<vmem>>, vector<16xf32>,
    tpu.vector_store %arg11[%swap3A_14, %swap3A_15], %broadcast_in_dim3A_12 {strides = array<i32>} : memref<16x48xf32, #tpu.memory_space<vmem>>, vector<16xf32>,
    %broadcast_in_dim3A_17 = arith.constant 0.000000e+00 : f32
    %broadcast_in_dim3A_18 = vector.broadcast %broadcast_in_dim3A_17 : f32 to vector<16xf32>
    %swap3A_19 = arith.constant 1 : i32
    %swap3A_20 = arith.index_cast %swap3A_19 : i32 to index
    %swap3A_21 = arith.constant 0 : index
    %swap3A_22 = tpu.vector_load %arg11[%swap3A_20, %swap3A_21] {strides = array<i32>} : memref<16x48xf32, #tpu.memory_space<vmem>>, vector<16xf32>,
    tpu.vector_store %arg11[%swap3A_20, %swap3A_21], %broadcast_in_dim3A_18 {strides = array<i32>} : memref<16x48xf32, #tpu.memory_space<vmem>>, vector<16xf32>,
    %broadcast_in_dim3A_23 = arith.constant 0.000000e+00 : f32
    %broadcast_in_dim3A_24 = vector.broadcast %broadcast_in_dim3A_23 : f32 to vector<16xf32>
    %swap3A_25 = arith.constant 1 : i32
    %swap3A_26 = arith.index_cast %swap3A_25 : i32 to index
    %swap3A_27 = arith.constant 16 : index
    %swap3A_28 = tpu.vector_load %arg11[%swap3A_26, %swap3A_27] {strides = array<i32>} : memref<16x48xf32, #tpu.memory_space<vmem>>, vector<16xf32>,
    tpu.vector_store %arg11[%swap3A_26, %swap3A_27], %broadcast_in_dim3A_24 {strides = array<i32>} : memref<16x48xf32, #tpu.memory_space<vmem>>, vector<16xf32>,
    %broadcast_in_dim3A_29 = arith.constant 0.000000e+00 : f32
    %broadcast_in_dim3A_30 = vector.broadcast %broadcast_in_dim3A_29 : f32 to vector<16xf32>
    %swap3A_31 = arith.constant 1 : i32
    %swap3A_32 = arith.index_cast %swap3A_31 : i32 to index
    %swap3A_33 = arith.constant 32 : index
    %swap3A_34 = tpu.vector_load %arg11[%swap3A_32, %swap3A_33] {strides = array<i32>} : memref<16x48xf32, #tpu.memory_space<vmem>>, vector<16xf32>,
    tpu.vector_store %arg11[%swap3A_32, %swap3A_33], %broadcast_in_dim3A_30 {strides = array<i32>} : memref<16x48xf32, #tpu.memory_space<vmem>>, vector<16xf32>,
    %broadcast_in_dim3A_35 = arith.constant 0.000000e+00 : f32
    %broadcast_in_dim3A_36 = vector.broadcast %broadcast_in_dim3A_35 : f32 to vector<16xf32>
    %swap3A_37 = arith.constant 2 : i32
    %swap3A_38 = arith.index_cast %swap3A_37 : i32 to index
    %swap3A_39 = arith.constant 0 : index
    %swap3A_40 = tpu.vector_load %arg11[%swap3A_38, %swap3A_39] {strides = array<i32>} : memref<16x48xf32, #tpu.memory_space<vmem>>, vector<16xf32>,
    tpu.vector_store %arg11[%swap3A_38, %swap3A_39], %broadcast_in_dim3A_36 {strides = array<i32>} : memref<16x48xf32, #tpu.memory_space<vmem>>, vector<16xf32>,
    %broadcast_in_dim3A_41 = arith.constant 0.000000e+00 : f32
    %broadcast_in_dim3A_42 = vector.broadcast %broadcast_in_dim3A_41 : f32 to vector<16xf32>
    %swap3A_43 = arith.constant 2 : i32
    %swap3A_44 = arith.index_cast %swap3A_43 : i32 to index
    %swap3A_45 = arith.constant 16 : index
    %swap3A_46 = tpu.vector_load %arg11[%swap3A_44, %swap3A_45] {strides = array<i32>} : memref<16x48xf32, #tpu.memory_space<vmem>>, vector<16xf32>,
    tpu.vector_store %arg11[%swap3A_44, %swap3A_45], %broadcast_in_dim3A_42 {strides = array<i32>} : memref<16x48xf32, #tpu.memory_space<vmem>>, vector<16xf32>,
    %broadcast_in_dim3A_47 = arith.constant 0.000000e+00 : f32
    %broadcast_in_dim3A_48 = vector.broadcast %broadcast_in_dim3A_47 : f32 to vector<16xf32>
    %swap3A_49 = arith.constant 2 : i32
    %swap3A_50 = arith.index_cast %swap3A_49 : i32 to index
    %swap3A_51 = arith.constant 32 : index
    %swap3A_52 = tpu.vector_load %arg11[%swap3A_50, %swap3A_51] {strides = array<i32>} : memref<16x48xf32, #tpu.memory_space<vmem>>, vector<16xf32>,
    tpu.vector_store %arg11[%swap3A_50, %swap3A_51], %broadcast_in_dim3A_48 {strides = array<i32>} : memref<16x48xf32, #tpu.memory_space<vmem>>, vector<16xf32>,
    %broadcast_in_dim3A_53 = arith.constant 0.000000e+00 : f32
    %broadcast_in_dim3A_54 = vector.broadcast %broadcast_in_dim3A_53 : f32 to vector<16xf32>
    %swap3A_55 = arith.constant 3 : i32
    %swap3A_56 = arith.index_cast %swap3A_55 : i32 to index
    %swap3A_57 = arith.constant 0 : index
    %swap3A_58 = tpu.vector_load %arg11[%swap3A_56, %swap3A_57] {strides = array<i32>} : memref<16x48xf32, #tpu.memory_space<vmem>>, vector<16xf32>,
    tpu.vector_store %arg11[%swap3A_56, %swap3A_57], %broadcast_in_dim3A_54 {strides = array<i32>} : memref<16x48xf32, #tpu.memory_space<vmem>>, vector<16xf32>,
    %broadcast_in_dim3A_59 = arith.constant 0.000000e+00 : f32
    %broadcast_in_dim3A_60 = vector.broadcast %broadcast_in_dim3A_59 : f32 to vector<16xf32>
    %swap3A_61 = arith.constant 3 : i32
    %swap3A_62 = arith.index_cast %swap3A_61 : i32 to index
    %swap3A_63 = arith.constant 16 : index
    %swap3A_64 = tpu.vector_load %arg11[%swap3A_62, %swap3A_63] {strides = array<i32>} : memref<16x48xf32, #tpu.memory_space<vmem>>, vector<16xf32>,
    tpu.vector_store %arg11[%swap3A_62, %swap3A_63], %broadcast_in_dim3A_60 {strides = array<i32>} : memref<16x48xf32, #tpu.memory_space<vmem>>, vector<16xf32>,
    %broadcast_in_dim3A_65 = arith.constant 0.000000e+00 : f32
    %broadcast_in_dim3A_66 = vector.broadcast %broadcast_in_dim3A_65 : f32 to vector<16xf32>
    %swap3A_67 = arith.constant 3 : i32
    %swap3A_68 = arith.index_cast %swap3A_67 : i32 to index
    %swap3A_69 = arith.constant 32 : index
    %swap3A_70 = tpu.vector_load %arg11[%swap3A_68, %swap3A_69] {strides = array<i32>} : memref<16x48xf32, #tpu.memory_space<vmem>>, vector<16xf32>,
    tpu.vector_store %arg11[%swap3A_68, %swap3A_69], %broadcast_in_dim3A_66 {strides = array<i32>} : memref<16x48xf32, #tpu.memory_space<vmem>>, vector<16xf32>,
    %broadcast_in_dim3A_71 = arith.constant 0.000000e+00 : f32
    %broadcast_in_dim3A_72 = vector.broadcast %broadcast_in_dim3A_71 : f32 to vector<16xf32>
    %swap3A_73 = arith.constant 4 : i32
    %swap3A_74 = arith.index_cast %swap3A_73 : i32 to index
    %swap3A_75 = arith.constant 0 : index
    %swap3A_76 = tpu.vector_load %arg11[%swap3A_74, %swap3A_75] {strides = array<i32>} : memref<16x48xf32, #tpu.memory_space<vmem>>, vector<16xf32>,
    tpu.vector_store %arg11[%swap3A_74, %swap3A_75], %broadcast_in_dim3A_72 {strides = array<i32>} : memref<16x48xf32, #tpu.memory_space<vmem>>, vector<16xf32>,
    %broadcast_in_dim3A_77 = arith.constant 0.000000e+00 : f32
    %broadcast_in_dim3A_78 = vector.broadcast %broadcast_in_dim3A_77 : f32 to vector<16xf32>
    %swap3A_79 = arith.constant 4 : i32
    %swap3A_80 = arith.index_cast %swap3A_79 : i32 to index
    %swap3A_81 = arith.constant 16 : index
    %swap3A_82 = tpu.vector_load %arg11[%swap3A_80, %swap3A_81] {strides = array<i32>} : memref<16x48xf32, #tpu.memory_space<vmem>>, vector<16xf32>,
    tpu.vector_store %arg11[%swap3A_80, %swap3A_81], %broadcast_in_dim3A_78 {strides = array<i32>} : memref<16x48xf32, #tpu.memory_space<vmem>>, vector<16xf32>,
    %broadcast_in_dim3A_83 = arith.constant 0.000000e+00 : f32
    %broadcast_in_dim3A_84 = vector.broadcast %broadcast_in_dim3A_83 : f32 to vector<16xf32>
    %swap3A_85 = arith.constant 4 : i32
    %swap3A_86 = arith.index_cast %swap3A_85 : i32 to index
    %swap3A_87 = arith.constant 32 : index
    %swap3A_88 = tpu.vector_load %arg11[%swap3A_86, %swap3A_87] {strides = array<i32>} : memref<16x48xf32, #tpu.memory_space<vmem>>, vector<16xf32>,
    tpu.vector_store %arg11[%swap3A_86, %swap3A_87], %broadcast_in_dim3A_84 {strides = array<i32>} : memref<16x48xf32, #tpu.memory_space<vmem>>, vector<16xf32>,
    %broadcast_in_dim3A_89 = arith.constant 0.000000e+00 : f32
    %broadcast_in_dim3A_90 = vector.broadcast %broadcast_in_dim3A_89 : f32 to vector<16xf32>
    %swap3A_91 = arith.constant 5 : i32
    %swap3A_92 = arith.index_cast %swap3A_91 : i32 to index
    %swap3A_93 = arith.constant 0 : index
    %swap3A_94 = tpu.vector_load %arg11[%swap3A_92, %swap3A_93] {strides = array<i32>} : memref<16x48xf32, #tpu.memory_space<vmem>>, vector<16xf32>,
    tpu.vector_store %arg11[%swap3A_92, %swap3A_93], %broadcast_in_dim3A_90 {strides = array<i32>} : memref<16x48xf32, #tpu.memory_space<vmem>>, vector<16xf32>,
    %broadcast_in_dim3A_95 = arith.constant 0.000000e+00 : f32
    %broadcast_in_dim3A_96 = vector.broadcast %broadcast_in_dim3A_95 : f32 to vector<16xf32>
    %swap3A_97 = arith.constant 5 : i32
    %swap3A_98 = arith.index_cast %swap3A_97 : i32 to index
    %swap3A_99 = arith.constant 16 : index
    %swap3A_100 = tpu.vector_load %arg11[%swap3A_98, %swap3A_99] {strides = array<i32>} : memref<16x48xf32, #tpu.memory_space<vmem>>, vector<16xf32>,
    tpu.vector_store %arg11[%swap3A_98, %swap3A_99], %broadcast_in_dim3A_96 {strides = array<i32>} : memref<16x48xf32, #tpu.memory_space<vmem>>, vector<16xf32>,
    %broadcast_in_dim3A_101 = arith.constant 0.000000e+00 : f32
    %broadcast_in_dim3A_102 = vector.broadcast %broadcast_in_dim3A_101 : f32 to vector<16xf32>
    %swap3A_103 = arith.constant 5 : i32
    %swap3A_104 = arith.index_cast %swap3A_103 : i32 to index
    %swap3A_105 = arith.constant 32 : index
    %swap3A_106 = tpu.vector_load %arg11[%swap3A_104, %swap3A_105] {strides = array<i32>} : memref<16x48xf32, #tpu.memory_space<vmem>>, vector<16xf32>,
    tpu.vector_store %arg11[%swap3A_104, %swap3A_105], %broadcast_in_dim3A_102 {strides = array<i32>} : memref<16x48xf32, #tpu.memory_space<vmem>>, vector<16xf32>,
    %broadcast_in_dim3A_107 = arith.constant 0.000000e+00 : f32
    %broadcast_in_dim3A_108 = vector.broadcast %broadcast_in_dim3A_107 : f32 to vector<16xf32>
    %swap3A_109 = arith.constant 6 : i32
    %swap3A_110 = arith.index_cast %swap3A_109 : i32 to index
    %swap3A_111 = arith.constant 0 : index
    %swap3A_112 = tpu.vector_load %arg11[%swap3A_110, %swap3A_111] {strides = array<i32>} : memref<16x48xf32, #tpu.memory_space<vmem>>, vector<16xf32>,
    tpu.vector_store %arg11[%swap3A_110, %swap3A_111], %broadcast_in_dim3A_108 {strides = array<i32>} : memref<16x48xf32, #tpu.memory_space<vmem>>, vector<16xf32>,
    %broadcast_in_dim3A_113 = arith.constant 0.000000e+00 : f32
    %broadcast_in_dim3A_114 = vector.broadcast %broadcast_in_dim3A_113 : f32 to vector<16xf32>
    %swap3A_115 = arith.constant 6 : i32
    %swap3A_116 = arith.index_cast %swap3A_115 : i32 to index
    %swap3A_117 = arith.constant 16 : index
    %swap3A_118 = tpu.vector_load %arg11[%swap3A_116, %swap3A_117] {strides = array<i32>} : memref<16x48xf32, #tpu.memory_space<vmem>>, vector<16xf32>,
    tpu.vector_store %arg11[%swap3A_116, %swap3A_117], %broadcast_in_dim3A_114 {strides = array<i32>} : memref<16x48xf32, #tpu.memory_space<vmem>>, vector<16xf32>,
    %broadcast_in_dim3A_119 = arith.constant 0.000000e+00 : f32
    %broadcast_in_dim3A_120 = vector.broadcast %broadcast_in_dim3A_119 : f32 to vector<16xf32>
    %swap3A_121 = arith.constant 6 : i32
    %swap3A_122 = arith.index_cast %swap3A_121 : i32 to index
    %swap3A_123 = arith.constant 32 : index
    %swap3A_124 = tpu.vector_load %arg11[%swap3A_122, %swap3A_123] {strides = array<i32>} : memref<16x48xf32, #tpu.memory_space<vmem>>, vector<16xf32>,
    tpu.vector_store %arg11[%swap3A_122, %swap3A_123], %broadcast_in_dim3A_120 {strides = array<i32>} : memref<16x48xf32, #tpu.memory_space<vmem>>, vector<16xf32>,
    %broadcast_in_dim3A_125 = arith.constant 0.000000e+00 : f32
    %broadcast_in_dim3A_126 = vector.broadcast %broadcast_in_dim3A_125 : f32 to vector<16xf32>
    %swap3A_127 = arith.constant 7 : i32
    %swap3A_128 = arith.index_cast %swap3A_127 : i32 to index
    %swap3A_129 = arith.constant 0 : index
    %swap3A_130 = tpu.vector_load %arg11[%swap3A_128, %swap3A_129] {strides = array<i32>} : memref<16x48xf32, #tpu.memory_space<vmem>>, vector<16xf32>,
    tpu.vector_store %arg11[%swap3A_128, %swap3A_129], %broadcast_in_dim3A_126 {strides = array<i32>} : memref<16x48xf32, #tpu.memory_space<vmem>>, vector<16xf32>,
    %broadcast_in_dim3A_131 = arith.constant 0.000000e+00 : f32
    %broadcast_in_dim3A_132 = vector.broadcast %broadcast_in_dim3A_131 : f32 to vector<16xf32>
    %swap3A_133 = arith.constant 7 : i32
    %swap3A_134 = arith.index_cast %swap3A_133 : i32 to index
    %swap3A_135 = arith.constant 16 : index
    %swap3A_136 = tpu.vector_load %arg11[%swap3A_134, %swap3A_135] {strides = array<i32>} : memref<16x48xf32, #tpu.memory_space<vmem>>, vector<16xf32>,
    tpu.vector_store %arg11[%swap3A_134, %swap3A_135], %broadcast_in_dim3A_132 {strides = array<i32>} : memref<16x48xf32, #tpu.memory_space<vmem>>, vector<16xf32>,
    %broadcast_in_dim3A_137 = arith.constant 0.000000e+00 : f32
    %broadcast_in_dim3A_138 = vector.broadcast %broadcast_in_dim3A_137 : f32 to vector<16xf32>
    %swap3A_139 = arith.constant 7 : i32
    %swap3A_140 = arith.index_cast %swap3A_139 : i32 to index
    %swap3A_141 = arith.constant 32 : index
    %swap3A_142 = tpu.vector_load %arg11[%swap3A_140, %swap3A_141] {strides = array<i32>} : memref<16x48xf32, #tpu.memory_space<vmem>>, vector<16xf32>,
    tpu.vector_store %arg11[%swap3A_140, %swap3A_141], %broadcast_in_dim3A_138 {strides = array<i32>} : memref<16x48xf32, #tpu.memory_space<vmem>>, vector<16xf32>,
    %broadcast_in_dim3A_143 = arith.constant 0.000000e+00 : f32
    %broadcast_in_dim3A_144 = vector.broadcast %broadcast_in_dim3A_143 : f32 to vector<16xf32>
    %swap3A_145 = arith.constant 8 : i32
    %swap3A_146 = arith.index_cast %swap3A_145 : i32 to index
    %swap3A_147 = arith.constant 0 : index
    %swap3A_148 = tpu.vector_load %arg11[%swap3A_146, %swap3A_147] {strides = array<i32>} : memref<16x48xf32, #tpu.memory_space<vmem>>, vector<16xf32>,
    tpu.vector_store %arg11[%swap3A_146, %swap3A_147], %broadcast_in_dim3A_144 {strides = array<i32>} : memref<16x48xf32, #tpu.memory_space<vmem>>, vector<16xf32>,
    %broadcast_in_dim3A_149 = arith.constant 0.000000e+00 : f32
    %broadcast_in_dim3A_150 = vector.broadcast %broadcast_in_dim3A_149 : f32 to vector<16xf32>
    %swap3A_151 = arith.constant 8 : i32
    %swap3A_152 = arith.index_cast %swap3A_151 : i32 to index
    %swap3A_153 = arith.constant 16 : index
    %swap3A_154 = tpu.vector_load %arg11[%swap3A_152, %swap3A_153] {strides = array<i32>} : memref<16x48xf32, #tpu.memory_space<vmem>>, vector<16xf32>,
    tpu.vector_store %arg11[%swap3A_152, %swap3A_153], %broadcast_in_dim3A_150 {strides = array<i32>} : memref<16x48xf32, #tpu.memory_space<vmem>>, vector<16xf32>,
    %broadcast_in_dim3A_155 = arith.constant 0.000000e+00 : f32
    %broadcast_in_dim3A_156 = vector.broadcast %broadcast_in_dim3A_155 : f32 to vector<16xf32>
    %swap3A_157 = arith.constant 8 : i32
    %swap3A_158 = arith.index_cast %swap3A_157 : i32 to index
    %swap3A_159 = arith.constant 32 : index
    %swap3A_160 = tpu.vector_load %arg11[%swap3A_158, %swap3A_159] {strides = array<i32>} : memref<16x48xf32, #tpu.memory_space<vmem>>, vector<16xf32>,
    tpu.vector_store %arg11[%swap3A_158, %swap3A_159], %broadcast_in_dim3A_156 {strides = array<i32>} : memref<16x48xf32, #tpu.memory_space<vmem>>, vector<16xf32>,
    %broadcast_in_dim3A_161 = arith.constant 0.000000e+00 : f32
    %broadcast_in_dim3A_162 = vector.broadcast %broadcast_in_dim3A_161 : f32 to vector<16xf32>
    %swap3A_163 = arith.constant 9 : i32
    %swap3A_164 = arith.index_cast %swap3A_163 : i32 to index
    %swap3A_165 = arith.constant 0 : index
    %swap3A_166 = tpu.vector_load %arg11[%swap3A_164, %swap3A_165] {strides = array<i32>} : memref<16x48xf32, #tpu.memory_space<vmem>>, vector<16xf32>,
    tpu.vector_store %arg11[%swap3A_164, %swap3A_165], %broadcast_in_dim3A_162 {strides = array<i32>} : memref<16x48xf32, #tpu.memory_space<vmem>>, vector<16xf32>,
    %broadcast_in_dim3A_167 = arith.constant 0.000000e+00 : f32
    %broadcast_in_dim3A_168 = vector.broadcast %broadcast_in_dim3A_167 : f32 to vector<16xf32>
    %swap3A_169 = arith.constant 9 : i32
    %swap3A_170 = arith.index_cast %swap3A_169 : i32 to index
    %swap3A_171 = arith.constant 16 : index
    %swap3A_172 = tpu.vector_load %arg11[%swap3A_170, %swap3A_171] {strides = array<i32>} : memref<16x48xf32, #tpu.memory_space<vmem>>, vector<16xf32>,
    tpu.vector_store %arg11[%swap3A_170, %swap3A_171], %broadcast_in_dim3A_168 {strides = array<i32>} : memref<16x48xf32, #tpu.memory_space<vmem>>, vector<16xf32>,
    %broadcast_in_dim3A_173 = arith.constant 0.000000e+00 : f32
    %broadcast_in_dim3A_174 = vector.broadcast %broadcast_in_dim3A_173 : f32 to vector<16xf32>
    %swap3A_175 = arith.constant 9 : i32
    %swap3A_176 = arith.index_cast %swap3A_175 : i32 to index
    %swap3A_177 = arith.constant 32 : index
    %swap3A_178 = tpu.vector_load %arg11[%swap3A_176, %swap3A_177] {strides = array<i32>} : memref<16x48xf32, #tpu.memory_space<vmem>>, vector<16xf32>,
    tpu.vector_store %arg11[%swap3A_176, %swap3A_177], %broadcast_in_dim3A_174 {strides = array<i32>} : memref<16x48xf32, #tpu.memory_space<vmem>>, vector<16xf32>,
    %broadcast_in_dim3A_179 = arith.constant 0.000000e+00 : f32
    %broadcast_in_dim3A_180 = vector.broadcast %broadcast_in_dim3A_179 : f32 to vector<16xf32>
    %swap3A_181 = arith.constant 10 : i32
    %swap3A_182 = arith.index_cast %swap3A_181 : i32 to index
    %swap3A_183 = arith.constant 0 : index
    %swap3A_184 = tpu.vector_load %arg11[%swap3A_182, %swap3A_183] {strides = array<i32>} : memref<16x48xf32, #tpu.memory_space<vmem>>, vector<16xf32>,
    tpu.vector_store %arg11[%swap3A_182, %swap3A_183], %broadcast_in_dim3A_180 {strides = array<i32>} : memref<16x48xf32, #tpu.memory_space<vmem>>, vector<16xf32>,
    %broadcast_in_dim3A_185 = arith.constant 0.000000e+00 : f32
    %broadcast_in_dim3A_186 = vector.broadcast %broadcast_in_dim3A_185 : f32 to vector<16xf32>
    %swap3A_187 = arith.constant 10 : i32
    %swap3A_188 = arith.index_cast %swap3A_187 : i32 to index
    %swap3A_189 = arith.constant 16 : index
    %swap3A_190 = tpu.vector_load %arg11[%swap3A_188, %swap3A_189] {strides = array<i32>} : memref<16x48xf32, #tpu.memory_space<vmem>>, vector<16xf32>,
    tpu.vector_store %arg11[%swap3A_188, %swap3A_189], %broadcast_in_dim3A_186 {strides = array<i32>} : memref<16x48xf32, #tpu.memory_space<vmem>>, vector<16xf32>,
    %broadcast_in_dim3A_191 = arith.constant 0.000000e+00 : f32
    %broadcast_in_dim3A_192 = vector.broadcast %broadcast_in_dim3A_191 : f32 to vector<16xf32>
    %swap3A_193 = arith.constant 10 : i32
    %swap3A_194 = arith.index_cast %swap3A_193 : i32 to index
    %swap3A_195 = arith.constant 32 : index
    %swap3A_196 = tpu.vector_load %arg11[%swap3A_194, %swap3A_195] {strides = array<i32>} : memref<16x48xf32, #tpu.memory_space<vmem>>, vector<16xf32>,
    tpu.vector_store %arg11[%swap3A_194, %swap3A_195], %broadcast_in_dim3A_192 {strides = array<i32>} : memref<16x48xf32, #tpu.memory_space<vmem>>, vector<16xf32>,
    %broadcast_in_dim3A_197 = arith.constant 0.000000e+00 : f32
    %broadcast_in_dim3A_198 = vector.broadcast %broadcast_in_dim3A_197 : f32 to vector<16xf32>
    %swap3A_199 = arith.constant 11 : i32
    %swap3A_200 = arith.index_cast %swap3A_199 : i32 to index
    %swap3A_201 = arith.constant 0 : index
    %swap3A_202 = tpu.vector_load %arg11[%swap3A_200, %swap3A_201] {strides = array<i32>} : memref<16x48xf32, #tpu.memory_space<vmem>>, vector<16xf32>,
    tpu.vector_store %arg11[%swap3A_200, %swap3A_201], %broadcast_in_dim3A_198 {strides = array<i32>} : memref<16x48xf32, #tpu.memory_space<vmem>>, vector<16xf32>,
    %broadcast_in_dim3A_203 = arith.constant 0.000000e+00 : f32
    %broadcast_in_dim3A_204 = vector.broadcast %broadcast_in_dim3A_203 : f32 to vector<16xf32>
    %swap3A_205 = arith.constant 11 : i32
    %swap3A_206 = arith.index_cast %swap3A_205 : i32 to index
    %swap3A_207 = arith.constant 16 : index
    %swap3A_208 = tpu.vector_load %arg11[%swap3A_206, %swap3A_207] {strides = array<i32>} : memref<16x48xf32, #tpu.memory_space<vmem>>, vector<16xf32>,
    tpu.vector_store %arg11[%swap3A_206, %swap3A_207], %broadcast_in_dim3A_204 {strides = array<i32>} : memref<16x48xf32, #tpu.memory_space<vmem>>, vector<16xf32>,
    %broadcast_in_dim3A_209 = arith.constant 0.000000e+00 : f32
    %broadcast_in_dim3A_210 = vector.broadcast %broadcast_in_dim3A_209 : f32 to vector<16xf32>
    %swap3A_211 = arith.constant 11 : i32
    %swap3A_212 = arith.index_cast %swap3A_211 : i32 to index
    %swap3A_213 = arith.constant 32 : index
    %swap3A_214 = tpu.vector_load %arg11[%swap3A_212, %swap3A_213] {strides = array<i32>} : memref<16x48xf32, #tpu.memory_space<vmem>>, vector<16xf32>,
    tpu.vector_store %arg11[%swap3A_212, %swap3A_213], %broadcast_in_dim3A_210 {strides = array<i32>} : memref<16x48xf32, #tpu.memory_space<vmem>>, vector<16xf32>,
    %broadcast_in_dim3A_215 = arith.constant 0.000000e+00 : f32
    %broadcast_in_dim3A_216 = vector.broadcast %broadcast_in_dim3A_215 : f32 to vector<16xf32>
    %swap3A_217 = arith.constant 12 : i32
    %swap3A_218 = arith.index_cast %swap3A_217 : i32 to index
    %swap3A_219 = arith.constant 0 : index
    %swap3A_220 = tpu.vector_load %arg11[%swap3A_218, %swap3A_219] {strides = array<i32>} : memref<16x48xf32, #tpu.memory_space<vmem>>, vector<16xf32>,
    tpu.vector_store %arg11[%swap3A_218, %swap3A_219], %broadcast_in_dim3A_216 {strides = array<i32>} : memref<16x48xf32, #tpu.memory_space<vmem>>, vector<16xf32>,
    %broadcast_in_dim3A_221 = arith.constant 0.000000e+00 : f32
    %broadcast_in_dim3A_222 = vector.broadcast %broadcast_in_dim3A_221 : f32 to vector<16xf32>
    %swap3A_223 = arith.constant 12 : i32
    %swap3A_224 = arith.index_cast %swap3A_223 : i32 to index
    %swap3A_225 = arith.constant 16 : index
    %swap3A_226 = tpu.vector_load %arg11[%swap3A_224, %swap3A_225] {strides = array<i32>} : memref<16x48xf32, #tpu.memory_space<vmem>>, vector<16xf32>,
    tpu.vector_store %arg11[%swap3A_224, %swap3A_225], %broadcast_in_dim3A_222 {strides = array<i32>} : memref<16x48xf32, #tpu.memory_space<vmem>>, vector<16xf32>,
    %broadcast_in_dim3A_227 = arith.constant 0.000000e+00 : f32
    %broadcast_in_dim3A_228 = vector.broadcast %broadcast_in_dim3A_227 : f32 to vector<16xf32>
    %swap3A_229 = arith.constant 12 : i32
    %swap3A_230 = arith.index_cast %swap3A_229 : i32 to index
    %swap3A_231 = arith.constant 32 : index
    %swap3A_232 = tpu.vector_load %arg11[%swap3A_230, %swap3A_231] {strides = array<i32>} : memref<16x48xf32, #tpu.memory_space<vmem>>, vector<16xf32>,
    tpu.vector_store %arg11[%swap3A_230, %swap3A_231], %broadcast_in_dim3A_228 {strides = array<i32>} : memref<16x48xf32, #tpu.memory_space<vmem>>, vector<16xf32>,
    %broadcast_in_dim3A_233 = arith.constant 0.000000e+00 : f32
    %broadcast_in_dim3A_234 = vector.broadcast %broadcast_in_dim3A_233 : f32 to vector<16xf32>
    %swap3A_235 = arith.constant 13 : i32
    %swap3A_236 = arith.index_cast %swap3A_235 : i32 to index
    %swap3A_237 = arith.constant 0 : index
    %swap3A_238 = tpu.vector_load %arg11[%swap3A_236, %swap3A_237] {strides = array<i32>} : memref<16x48xf32, #tpu.memory_space<vmem>>, vector<16xf32>,
    tpu.vector_store %arg11[%swap3A_236, %swap3A_237], %broadcast_in_dim3A_234 {strides = array<i32>} : memref<16x48xf32, #tpu.memory_space<vmem>>, vector<16xf32>,
    %broadcast_in_dim3A_239 = arith.constant 0.000000e+00 : f32
    %broadcast_in_dim3A_240 = vector.broadcast %broadcast_in_dim3A_239 : f32 to vector<16xf32>
    %swap3A_241 = arith.constant 13 : i32
    %swap3A_242 = arith.index_cast %swap3A_241 : i32 to index
    %swap3A_243 = arith.constant 16 : index
    %swap3A_244 = tpu.vector_load %arg11[%swap3A_242, %swap3A_243] {strides = array<i32>} : memref<16x48xf32, #tpu.memory_space<vmem>>, vector<16xf32>,
    tpu.vector_store %arg11[%swap3A_242, %swap3A_243], %broadcast_in_dim3A_240 {strides = array<i32>} : memref<16x48xf32, #tpu.memory_space<vmem>>, vector<16xf32>,
    %broadcast_in_dim3A_245 = arith.constant 0.000000e+00 : f32
    %broadcast_in_dim3A_246 = vector.broadcast %broadcast_in_dim3A_245 : f32 to vector<16xf32>
    %swap3A_247 = arith.constant 13 : i32
    %swap3A_248 = arith.index_cast %swap3A_247 : i32 to index
    %swap3A_249 = arith.constant 32 : index
    %swap3A_250 = tpu.vector_load %arg11[%swap3A_248, %swap3A_249] {strides = array<i32>} : memref<16x48xf32, #tpu.memory_space<vmem>>, vector<16xf32>,
    tpu.vector_store %arg11[%swap3A_248, %swap3A_249], %broadcast_in_dim3A_246 {strides = array<i32>} : memref<16x48xf32, #tpu.memory_space<vmem>>, vector<16xf32>,
    %broadcast_in_dim3A_251 = arith.constant 0.000000e+00 : f32
    %broadcast_in_dim3A_252 = vector.broadcast %broadcast_in_dim3A_251 : f32 to vector<16xf32>
    %swap3A_253 = arith.constant 14 : i32
    %swap3A_254 = arith.index_cast %swap3A_253 : i32 to index
    %swap3A_255 = arith.constant 0 : index
    %swap3A_256 = tpu.vector_load %arg11[%swap3A_254, %swap3A_255] {strides = array<i32>} : memref<16x48xf32, #tpu.memory_space<vmem>>, vector<16xf32>,
    tpu.vector_store %arg11[%swap3A_254, %swap3A_255], %broadcast_in_dim3A_252 {strides = array<i32>} : memref<16x48xf32, #tpu.memory_space<vmem>>, vector<16xf32>,
    %broadcast_in_dim3A_257 = arith.constant 0.000000e+00 : f32
    %broadcast_in_dim3A_258 = vector.broadcast %broadcast_in_dim3A_257 : f32 to vector<16xf32>
    %swap3A_259 = arith.constant 14 : i32
    %swap3A_260 = arith.index_cast %swap3A_259 : i32 to index
    %swap3A_261 = arith.constant 16 : index
    %swap3A_262 = tpu.vector_load %arg11[%swap3A_260, %swap3A_261] {strides = array<i32>} : memref<16x48xf32, #tpu.memory_space<vmem>>, vector<16xf32>,
    tpu.vector_store %arg11[%swap3A_260, %swap3A_261], %broadcast_in_dim3A_258 {strides = array<i32>} : memref<16x48xf32, #tpu.memory_space<vmem>>, vector<16xf32>,
    %broadcast_in_dim3A_263 = arith.constant 0.000000e+00 : f32
    %broadcast_in_dim3A_264 = vector.broadcast %broadcast_in_dim3A_263 : f32 to vector<16xf32>
    %swap3A_265 = arith.constant 14 : i32
    %swap3A_266 = arith.index_cast %swap3A_265 : i32 to index
    %swap3A_267 = arith.constant 32 : index
    %swap3A_268 = tpu.vector_load %arg11[%swap3A_266, %swap3A_267] {strides = array<i32>} : memref<16x48xf32, #tpu.memory_space<vmem>>, vector<16xf32>,
    tpu.vector_store %arg11[%swap3A_266, %swap3A_267], %broadcast_in_dim3A_264 {strides = array<i32>} : memref<16x48xf32, #tpu.memory_space<vmem>>, vector<16xf32>,
    %broadcast_in_dim3A_269 = arith.constant 0.000000e+00 : f32
    %broadcast_in_dim3A_270 = vector.broadcast %broadcast_in_dim3A_269 : f32 to vector<16xf32>
    %swap3A_271 = arith.constant 15 : i32
    %swap3A_272 = arith.index_cast %swap3A_271 : i32 to index
    %swap3A_273 = arith.constant 0 : index
    %swap3A_274 = tpu.vector_load %arg11[%swap3A_272, %swap3A_273] {strides = array<i32>} : memref<16x48xf32, #tpu.memory_space<vmem>>, vector<16xf32>,
    tpu.vector_store %arg11[%swap3A_272, %swap3A_273], %broadcast_in_dim3A_270 {strides = array<i32>} : memref<16x48xf32, #tpu.memory_space<vmem>>, vector<16xf32>,
    %broadcast_in_dim3A_275 = arith.constant 0.000000e+00 : f32
    %broadcast_in_dim3A_276 = vector.broadcast %broadcast_in_dim3A_275 : f32 to vector<16xf32>
    %swap3A_277 = arith.constant 15 : i32
    %swap3A_278 = arith.index_cast %swap3A_277 : i32 to index
    %swap3A_279 = arith.constant 16 : index
    %swap3A_280 = tpu.vector_load %arg11[%swap3A_278, %swap3A_279] {strides = array<i32>} : memref<16x48xf32, #tpu.memory_space<vmem>>, vector<16xf32>,
    tpu.vector_store %arg11[%swap3A_278, %swap3A_279], %broadcast_in_dim3A_276 {strides = array<i32>} : memref<16x48xf32, #tpu.memory_space<vmem>>, vector<16xf32>,
    %broadcast_in_dim3A_281 = arith.constant 0.000000e+00 : f32
    %broadcast_in_dim3A_282 = vector.broadcast %broadcast_in_dim3A_281 : f32 to vector<16xf32>
    %swap3A_283 = arith.constant 15 : i32
    %swap3A_284 = arith.index_cast %swap3A_283 : i32 to index
    %swap3A_285 = arith.constant 32 : index
    %swap3A_286 = tpu.vector_load %arg11[%swap3A_284, %swap3A_285] {strides = array<i32>} : memref<16x48xf32, #tpu.memory_space<vmem>>, vector<16xf32>,
    tpu.vector_store %arg11[%swap3A_284, %swap3A_285], %broadcast_in_dim3A_282 {strides = array<i32>} : memref<16x48xf32, #tpu.memory_space<vmem>>, vector<16xf32>,
    %get3A = arith.constant 0 : index
    %get3A_287 = tpu.vector_load %arg9[%get3A] {strides = array<i32>} : memref<16xi32, #tpu.memory_space<vmem>>, vector<16xi32>,
    %reduce_max3A = arith.constant true
    %reduce_max3A_288 = vector.broadcast %reduce_max3A : i1 to vector<16xi1>
    %reduce_max3A_289 = arith.constant -2147483648 : i32
    %reduce_max3A_290 = vector.broadcast %reduce_max3A_289 : i32 to vector<16xi32>
    %reduce_max3A_291 = arith.xori %get3A_287, %reduce_max3A_290 : vector<16xi32>
    %reduce_max3A_292 = tpu.scan <max>, %reduce_max3A_291 masked %reduce_max3A_288 : vector<16xi32>, vector<16xi1> -> vector<16xi32>
    %reduce_max3A_293 = arith.xori %reduce_max3A_292, %reduce_max3A_290 : vector<16xi32>
    %reduce_max3A_294 = vector.extract %reduce_max3A_293[15] : i32 from vector<16xi32>
    %add3A_295 = arith.constant 15 : i32
    %add3A_296 = arith.addi %reduce_max3A_294, %add3A_295 : i32
    %jit3A = arith.constant 16 : i32
    %div3A = arith.divsi %add3A_296, %jit3A : i32
    %sign3A = arith.constant 0 : i32
    %sign3A_297 = arith.cmpi sgt, %add3A_296, %sign3A : i32
    %sign3A_298 = arith.extui %sign3A_297 : i1 to i32
    %sign3A_299 = arith.constant 0 : i32
    %sign3A_300 = arith.cmpi slt, %add3A_296, %sign3A_299 : i32
    %sign3A_301 = arith.extui %sign3A_300 : i1 to i32
    %sign3A_302 = arith.subi %sign3A_298, %sign3A_301 : i32
    %sign3A_303 = arith.constant 0 : i32
    %sign3A_304 = arith.cmpi sgt, %jit3A, %sign3A_303 : i32
    %sign3A_305 = arith.extui %sign3A_304 : i1 to i32
    %sign3A_306 = arith.constant 0 : i32
    %sign3A_307 = arith.cmpi slt, %jit3A, %sign3A_306 : i32
    %sign3A_308 = arith.extui %sign3A_307 : i1 to i32
    %sign3A_309 = arith.subi %sign3A_305, %sign3A_308 : i32
    %ne3A = arith.cmpi ne, %sign3A_302, %sign3A_309 : i32
    %rem3A = arith.remsi %add3A_296, %jit3A : i32
    %ne3A_310 = arith.constant 0 : i32
    %ne3A_311 = arith.cmpi ne, %rem3A, %ne3A_310 : i32
    %and3A = arith.andi %ne3A, %ne3A_311 : i1
    %sub3A = arith.constant 1 : i32
    %sub3A_312 = arith.subi %div3A, %sub3A : i32
    %select_n3A = arith.select %and3A, %sub3A_312, %div3A : i32
    %iota3A = tpu.iota {dimensions = array<i32: 0>} : vector<16xi32>
    %while3A = arith.constant 0 : i32
    %while3A_313 = arith.constant 0 : i32
    %while3A_314 = arith.subi %select_n3A, %while3A : i32
    %while3A_315 = arith.addi %while3A, %while3A_314 : i32
    %while3A_316 = arith.constant 1 : i32
    %while3A_317 = arith.divsi %while3A_314, %while3A_316 : i32
    %while3A_318 = arith.muli %while3A_317, %while3A_316 : i32
    %while3A_319 = arith.addi %while3A, %while3A_318 : i32
    %while3A_320 = arith.constant 1 : i32
    %while3A_321 = scf.for %while3A_324 = %while3A to %while3A_319 step %while3A_320 iter_args(%while3A_325 = %while3A_313) -> (i32)  : i32 {
      %mul3A_326 = arith.constant 16 : i32
      %mul3A_327 = arith.muli %while3A_324, %mul3A_326 : i32
      %multiple_of3A = tpu.assume_multiple %mul3A_327, 8 : i32
      %dma_start3A = tpu.memref_slice %arg7[%multiple_of3A] : memref<10256xi32, #tpu.memory_space<vmem>> -> memref<16xi32, #tpu.memory_space<vmem>>
      %dma_start3A_328 = arith.constant 0 : i32
      %dma_start3A_329 = arith.constant 0 : i32
      %dma_start3A_330 = tpu.memref_slice %arg5[%dma_start3A_328, %dma_start3A_329] : memref<10240x48xf32, #tpu.memory_space<hbm>> -> memref<10240x48xf32, #tpu.memory_space<hbm>>
      tpu.enqueue_indirect_dma source(%dma_start3A_330 : memref<10240x48xf32, #tpu.memory_space<hbm>>) target(%arg10 : memref<16x48xf32, #tpu.memory_space<vmem>>) offsets(%dma_start3A : memref<16xi32, #tpu.memory_space<vmem>>) semaphore(%arg12 : memref<!tpu.dma_semaphore, #tpu.memory_space<semaphore_mem>>)
      %dma_wait3A = tpu.memref_slice %arg7[%multiple_of3A] : memref<10256xi32, #tpu.memory_space<vmem>> -> memref<16xi32, #tpu.memory_space<vmem>>
      %dma_wait3A_331 = arith.constant 0 : i32
      %dma_wait3A_332 = arith.constant 0 : i32
      %dma_wait3A_333 = tpu.memref_slice %arg5[%dma_wait3A_331, %dma_wait3A_332] : memref<10240x48xf32, #tpu.memory_space<hbm>> -> memref<10240x48xf32, #tpu.memory_space<hbm>>
      tpu.wait_indirect_dma semaphore(%arg12 : memref<!tpu.dma_semaphore, #tpu.memory_space<semaphore_mem>>) src(%dma_wait3A_333 : memref<10240x48xf32, #tpu.memory_space<hbm>>) dst(%arg10 : memref<16x48xf32, #tpu.memory_space<vmem>>)
      %get3A_334 = arith.index_cast %multiple_of3A : i32 to index
      %get3A_335 = tpu.vector_load %arg8[%get3A_334] {strides = array<i32>} : memref<10256xi32, #tpu.memory_space<vmem>>, vector<16xi32>,
      %add3A_336 = vector.broadcast %multiple_of3A : i32 to vector<16xi32>
      %add3A_337 = arith.addi %iota3A, %add3A_336 : vector<16xi32>
      %lt3A = vector.broadcast %reduce_max3A_294 : i32 to vector<16xi32>
      %lt3A_338 = arith.cmpi slt, %add3A_337, %lt3A : vector<16xi32>
      %broadcast_in_dim3A_339 = arith.constant 0 : i32
      %broadcast_in_dim3A_340 = vector.broadcast %broadcast_in_dim3A_339 : i32 to vector<16xi32>
      %gather3A = tpu.vector_load_idx %arg10[%iota3A, %broadcast_in_dim3A_340] : memref<16x48xf32, #tpu.memory_space<vmem>>[vector<16xi32>, vector<16xi32>], vector<16xf32>,
      tpu.vector_store_idx %arg11[%get3A_335, %broadcast_in_dim3A_340], %gather3A masked %lt3A_338 {add = true} : memref<16x48xf32, #tpu.memory_space<vmem>>[vector<16xi32>, vector<16xi32>], vector<16xf32>, vector<16xi1>
      %broadcast_in_dim3A_341 = arith.constant 1 : i32
      %broadcast_in_dim3A_342 = vector.broadcast %broadcast_in_dim3A_341 : i32 to vector<16xi32>
      %gather3A_343 = tpu.vector_load_idx %arg10[%iota3A, %broadcast_in_dim3A_342] : memref<16x48xf32, #tpu.memory_space<vmem>>[vector<16xi32>, vector<16xi32>], vector<16xf32>,
      tpu.vector_store_idx %arg11[%get3A_335, %broadcast_in_dim3A_342], %gather3A_343 masked %lt3A_338 {add = true} : memref<16x48xf32, #tpu.memory_space<vmem>>[vector<16xi32>, vector<16xi32>], vector<16xf32>, vector<16xi1>
      %broadcast_in_dim3A_344 = arith.constant 2 : i32
      %broadcast_in_dim3A_345 = vector.broadcast %broadcast_in_dim3A_344 : i32 to vector<16xi32>
      %gather3A_346 = tpu.vector_load_idx %arg10[%iota3A, %broadcast_in_dim3A_345] : memref<16x48xf32, #tpu.memory_space<vmem>>[vector<16xi32>, vector<16xi32>], vector<16xf32>,
      tpu.vector_store_idx %arg11[%get3A_335, %broadcast_in_dim3A_345], %gather3A_346 masked %lt3A_338 {add = true} : memref<16x48xf32, #tpu.memory_space<vmem>>[vector<16xi32>, vector<16xi32>], vector<16xf32>, vector<16xi1>
      %broadcast_in_dim3A_347 = arith.constant 3 : i32
      %broadcast_in_dim3A_348 = vector.broadcast %broadcast_in_dim3A_347 : i32 to vector<16xi32>
      %gather3A_349 = tpu.vector_load_idx %arg10[%iota3A, %broadcast_in_dim3A_348] : memref<16x48xf32, #tpu.memory_space<vmem>>[vector<16xi32>, vector<16xi32>], vector<16xf32>,
      tpu.vector_store_idx %arg11[%get3A_335, %broadcast_in_dim3A_348], %gather3A_349 masked %lt3A_338 {add = true} : memref<16x48xf32, #tpu.memory_space<vmem>>[vector<16xi32>, vector<16xi32>], vector<16xf32>, vector<16xi1>
      %broadcast_in_dim3A_350 = arith.constant 4 : i32
      %broadcast_in_dim3A_351 = vector.broadcast %broadcast_in_dim3A_350 : i32 to vector<16xi32>
      %gather3A_352 = tpu.vector_load_idx %arg10[%iota3A, %broadcast_in_dim3A_351] : memref<16x48xf32, #tpu.memory_space<vmem>>[vector<16xi32>, vector<16xi32>], vector<16xf32>,
      tpu.vector_store_idx %arg11[%get3A_335, %broadcast_in_dim3A_351], %gather3A_352 masked %lt3A_338 {add = true} : memref<16x48xf32, #tpu.memory_space<vmem>>[vector<16xi32>, vector<16xi32>], vector<16xf32>, vector<16xi1>
      %broadcast_in_dim3A_353 = arith.constant 5 : i32
      %broadcast_in_dim3A_354 = vector.broadcast %broadcast_in_dim3A_353 : i32 to vector<16xi32>
      %gather3A_355 = tpu.vector_load_idx %arg10[%iota3A, %broadcast_in_dim3A_354] : memref<16x48xf32, #tpu.memory_space<vmem>>[vector<16xi32>, vector<16xi32>], vector<16xf32>,
      tpu.vector_store_idx %arg11[%get3A_335, %broadcast_in_dim3A_354], %gather3A_355 masked %lt3A_338 {add = true} : memref<16x48xf32, #tpu.memory_space<vmem>>[vector<16xi32>, vector<16xi32>], vector<16xf32>, vector<16xi1>
      %broadcast_in_dim3A_356 = arith.constant 6 : i32
      %broadcast_in_dim3A_357 = vector.broadcast %broadcast_in_dim3A_356 : i32 to vector<16xi32>
      %gather3A_358 = tpu.vector_load_idx %arg10[%iota3A, %broadcast_in_dim3A_357] : memref<16x48xf32, #tpu.memory_space<vmem>>[vector<16xi32>, vector<16xi32>], vector<16xf32>,
      tpu.vector_store_idx %arg11[%get3A_335, %broadcast_in_dim3A_357], %gather3A_358 masked %lt3A_338 {add = true} : memref<16x48xf32, #tpu.memory_space<vmem>>[vector<16xi32>, vector<16xi32>], vector<16xf32>, vector<16xi1>
      %broadcast_in_dim3A_359 = arith.constant 7 : i32
      %broadcast_in_dim3A_360 = vector.broadcast %broadcast_in_dim3A_359 : i32 to vector<16xi32>
      %gather3A_361 = tpu.vector_load_idx %arg10[%iota3A, %broadcast_in_dim3A_360] : memref<16x48xf32, #tpu.memory_space<vmem>>[vector<16xi32>, vector<16xi32>], vector<16xf32>,
      tpu.vector_store_idx %arg11[%get3A_335, %broadcast_in_dim3A_360], %gather3A_361 masked %lt3A_338 {add = true} : memref<16x48xf32, #tpu.memory_space<vmem>>[vector<16xi32>, vector<16xi32>], vector<16xf32>, vector<16xi1>
      %broadcast_in_dim3A_362 = arith.constant 8 : i32
      %broadcast_in_dim3A_363 = vector.broadcast %broadcast_in_dim3A_362 : i32 to vector<16xi32>
      %gather3A_364 = tpu.vector_load_idx %arg10[%iota3A, %broadcast_in_dim3A_363] : memref<16x48xf32, #tpu.memory_space<vmem>>[vector<16xi32>, vector<16xi32>], vector<16xf32>,
      tpu.vector_store_idx %arg11[%get3A_335, %broadcast_in_dim3A_363], %gather3A_364 masked %lt3A_338 {add = true} : memref<16x48xf32, #tpu.memory_space<vmem>>[vector<16xi32>, vector<16xi32>], vector<16xf32>, vector<16xi1>
      %broadcast_in_dim3A_365 = arith.constant 9 : i32
      %broadcast_in_dim3A_366 = vector.broadcast %broadcast_in_dim3A_365 : i32 to vector<16xi32>
      %gather3A_367 = tpu.vector_load_idx %arg10[%iota3A, %broadcast_in_dim3A_366] : memref<16x48xf32, #tpu.memory_space<vmem>>[vector<16xi32>, vector<16xi32>], vector<16xf32>,
      tpu.vector_store_idx %arg11[%get3A_335, %broadcast_in_dim3A_366], %gather3A_367 masked %lt3A_338 {add = true} : memref<16x48xf32, #tpu.memory_space<vmem>>[vector<16xi32>, vector<16xi32>], vector<16xf32>, vector<16xi1>
      %broadcast_in_dim3A_368 = arith.constant 10 : i32
      %broadcast_in_dim3A_369 = vector.broadcast %broadcast_in_dim3A_368 : i32 to vector<16xi32>
      %gather3A_370 = tpu.vector_load_idx %arg10[%iota3A, %broadcast_in_dim3A_369] : memref<16x48xf32, #tpu.memory_space<vmem>>[vector<16xi32>, vector<16xi32>], vector<16xf32>,
      tpu.vector_store_idx %arg11[%get3A_335, %broadcast_in_dim3A_369], %gather3A_370 masked %lt3A_338 {add = true} : memref<16x48xf32, #tpu.memory_space<vmem>>[vector<16xi32>, vector<16xi32>], vector<16xf32>, vector<16xi1>
      %broadcast_in_dim3A_371 = arith.constant 11 : i32
      %broadcast_in_dim3A_372 = vector.broadcast %broadcast_in_dim3A_371 : i32 to vector<16xi32>
      %gather3A_373 = tpu.vector_load_idx %arg10[%iota3A, %broadcast_in_dim3A_372] : memref<16x48xf32, #tpu.memory_space<vmem>>[vector<16xi32>, vector<16xi32>], vector<16xf32>,
      tpu.vector_store_idx %arg11[%get3A_335, %broadcast_in_dim3A_372], %gather3A_373 masked %lt3A_338 {add = true} : memref<16x48xf32, #tpu.memory_space<vmem>>[vector<16xi32>, vector<16xi32>], vector<16xf32>, vector<16xi1>
      %broadcast_in_dim3A_374 = arith.constant 12 : i32
      %broadcast_in_dim3A_375 = vector.broadcast %broadcast_in_dim3A_374 : i32 to vector<16xi32>
      %gather3A_376 = tpu.vector_load_idx %arg10[%iota3A, %broadcast_in_dim3A_375] : memref<16x48xf32, #tpu.memory_space<vmem>>[vector<16xi32>, vector<16xi32>], vector<16xf32>,
      tpu.vector_store_idx %arg11[%get3A_335, %broadcast_in_dim3A_375], %gather3A_376 masked %lt3A_338 {add = true} : memref<16x48xf32, #tpu.memory_space<vmem>>[vector<16xi32>, vector<16xi32>], vector<16xf32>, vector<16xi1>
      %broadcast_in_dim3A_377 = arith.constant 13 : i32
      %broadcast_in_dim3A_378 = vector.broadcast %broadcast_in_dim3A_377 : i32 to vector<16xi32>
      %gather3A_379 = tpu.vector_load_idx %arg10[%iota3A, %broadcast_in_dim3A_378] : memref<16x48xf32, #tpu.memory_space<vmem>>[vector<16xi32>, vector<16xi32>], vector<16xf32>,
      tpu.vector_store_idx %arg11[%get3A_335, %broadcast_in_dim3A_378], %gather3A_379 masked %lt3A_338 {add = true} : memref<16x48xf32, #tpu.memory_space<vmem>>[vector<16xi32>, vector<16xi32>], vector<16xf32>, vector<16xi1>
      %broadcast_in_dim3A_380 = arith.constant 14 : i32
      %broadcast_in_dim3A_381 = vector.broadcast %broadcast_in_dim3A_380 : i32 to vector<16xi32>
      %gather3A_382 = tpu.vector_load_idx %arg10[%iota3A, %broadcast_in_dim3A_381] : memref<16x48xf32, #tpu.memory_space<vmem>>[vector<16xi32>, vector<16xi32>], vector<16xf32>,
      tpu.vector_store_idx %arg11[%get3A_335, %broadcast_in_dim3A_381], %gather3A_382 masked %lt3A_338 {add = true} : memref<16x48xf32, #tpu.memory_space<vmem>>[vector<16xi32>, vector<16xi32>], vector<16xf32>, vector<16xi1>
      %broadcast_in_dim3A_383 = arith.constant 15 : i32
      %broadcast_in_dim3A_384 = vector.broadcast %broadcast_in_dim3A_383 : i32 to vector<16xi32>
      %gather3A_385 = tpu.vector_load_idx %arg10[%iota3A, %broadcast_in_dim3A_384] : memref<16x48xf32, #tpu.memory_space<vmem>>[vector<16xi32>, vector<16xi32>], vector<16xf32>,
      tpu.vector_store_idx %arg11[%get3A_335, %broadcast_in_dim3A_384], %gather3A_385 masked %lt3A_338 {add = true} : memref<16x48xf32, #tpu.memory_space<vmem>>[vector<16xi32>, vector<16xi32>], vector<16xf32>, vector<16xi1>
      %broadcast_in_dim3A_386 = arith.constant 16 : i32
      %broadcast_in_dim3A_387 = vector.broadcast %broadcast_in_dim3A_386 : i32 to vector<16xi32>
      %gather3A_388 = tpu.vector_load_idx %arg10[%iota3A, %broadcast_in_dim3A_387] : memref<16x48xf32, #tpu.memory_space<vmem>>[vector<16xi32>, vector<16xi32>], vector<16xf32>,
      tpu.vector_store_idx %arg11[%get3A_335, %broadcast_in_dim3A_387], %gather3A_388 masked %lt3A_338 {add = true} : memref<16x48xf32, #tpu.memory_space<vmem>>[vector<16xi32>, vector<16xi32>], vector<16xf32>, vector<16xi1>
      %broadcast_in_dim3A_389 = arith.constant 17 : i32
      %broadcast_in_dim3A_390 = vector.broadcast %broadcast_in_dim3A_389 : i32 to vector<16xi32>
      %gather3A_391 = tpu.vector_load_idx %arg10[%iota3A, %broadcast_in_dim3A_390] : memref<16x48xf32, #tpu.memory_space<vmem>>[vector<16xi32>, vector<16xi32>], vector<16xf32>,
      tpu.vector_store_idx %arg11[%get3A_335, %broadcast_in_dim3A_390], %gather3A_391 masked %lt3A_338 {add = true} : memref<16x48xf32, #tpu.memory_space<vmem>>[vector<16xi32>, vector<16xi32>], vector<16xf32>, vector<16xi1>
      %broadcast_in_dim3A_392 = arith.constant 18 : i32
      %broadcast_in_dim3A_393 = vector.broadcast %broadcast_in_dim3A_392 : i32 to vector<16xi32>
      %gather3A_394 = tpu.vector_load_idx %arg10[%iota3A, %broadcast_in_dim3A_393] : memref<16x48xf32, #tpu.memory_space<vmem>>[vector<16xi32>, vector<16xi32>], vector<16xf32>,
      tpu.vector_store_idx %arg11[%get3A_335, %broadcast_in_dim3A_393], %gather3A_394 masked %lt3A_338 {add = true} : memref<16x48xf32, #tpu.memory_space<vmem>>[vector<16xi32>, vector<16xi32>], vector<16xf32>, vector<16xi1>
      %broadcast_in_dim3A_395 = arith.constant 19 : i32
      %broadcast_in_dim3A_396 = vector.broadcast %broadcast_in_dim3A_395 : i32 to vector<16xi32>
      %gather3A_397 = tpu.vector_load_idx %arg10[%iota3A, %broadcast_in_dim3A_396] : memref<16x48xf32, #tpu.memory_space<vmem>>[vector<16xi32>, vector<16xi32>], vector<16xf32>,
      tpu.vector_store_idx %arg11[%get3A_335, %broadcast_in_dim3A_396], %gather3A_397 masked %lt3A_338 {add = true} : memref<16x48xf32, #tpu.memory_space<vmem>>[vector<16xi32>, vector<16xi32>], vector<16xf32>, vector<16xi1>
      %broadcast_in_dim3A_398 = arith.constant 20 : i32
      %broadcast_in_dim3A_399 = vector.broadcast %broadcast_in_dim3A_398 : i32 to vector<16xi32>
      %gather3A_400 = tpu.vector_load_idx %arg10[%iota3A, %broadcast_in_dim3A_399] : memref<16x48xf32, #tpu.memory_space<vmem>>[vector<16xi32>, vector<16xi32>], vector<16xf32>,
      tpu.vector_store_idx %arg11[%get3A_335, %broadcast_in_dim3A_399], %gather3A_400 masked %lt3A_338 {add = true} : memref<16x48xf32, #tpu.memory_space<vmem>>[vector<16xi32>, vector<16xi32>], vector<16xf32>, vector<16xi1>
      %broadcast_in_dim3A_401 = arith.constant 21 : i32
      %broadcast_in_dim3A_402 = vector.broadcast %broadcast_in_dim3A_401 : i32 to vector<16xi32>
      %gather3A_403 = tpu.vector_load_idx %arg10[%iota3A, %broadcast_in_dim3A_402] : memref<16x48xf32, #tpu.memory_space<vmem>>[vector<16xi32>, vector<16xi32>], vector<16xf32>,
      tpu.vector_store_idx %arg11[%get3A_335, %broadcast_in_dim3A_402], %gather3A_403 masked %lt3A_338 {add = true} : memref<16x48xf32, #tpu.memory_space<vmem>>[vector<16xi32>, vector<16xi32>], vector<16xf32>, vector<16xi1>
      %broadcast_in_dim3A_404 = arith.constant 22 : i32
      %broadcast_in_dim3A_405 = vector.broadcast %broadcast_in_dim3A_404 : i32 to vector<16xi32>
      %gather3A_406 = tpu.vector_load_idx %arg10[%iota3A, %broadcast_in_dim3A_405] : memref<16x48xf32, #tpu.memory_space<vmem>>[vector<16xi32>, vector<16xi32>], vector<16xf32>,
      tpu.vector_store_idx %arg11[%get3A_335, %broadcast_in_dim3A_405], %gather3A_406 masked %lt3A_338 {add = true} : memref<16x48xf32, #tpu.memory_space<vmem>>[vector<16xi32>, vector<16xi32>], vector<16xf32>, vector<16xi1>
      %broadcast_in_dim3A_407 = arith.constant 23 : i32
      %broadcast_in_dim3A_408 = vector.broadcast %broadcast_in_dim3A_407 : i32 to vector<16xi32>
      %gather3A_409 = tpu.vector_load_idx %arg10[%iota3A, %broadcast_in_dim3A_408] : memref<16x48xf32, #tpu.memory_space<vmem>>[vector<16xi32>, vector<16xi32>], vector<16xf32>,
      tpu.vector_store_idx %arg11[%get3A_335, %broadcast_in_dim3A_408], %gather3A_409 masked %lt3A_338 {add = true} : memref<16x48xf32, #tpu.memory_space<vmem>>[vector<16xi32>, vector<16xi32>], vector<16xf32>, vector<16xi1>
      %broadcast_in_dim3A_410 = arith.constant 24 : i32
      %broadcast_in_dim3A_411 = vector.broadcast %broadcast_in_dim3A_410 : i32 to vector<16xi32>
      %gather3A_412 = tpu.vector_load_idx %arg10[%iota3A, %broadcast_in_dim3A_411] : memref<16x48xf32, #tpu.memory_space<vmem>>[vector<16xi32>, vector<16xi32>], vector<16xf32>,
      tpu.vector_store_idx %arg11[%get3A_335, %broadcast_in_dim3A_411], %gather3A_412 masked %lt3A_338 {add = true} : memref<16x48xf32, #tpu.memory_space<vmem>>[vector<16xi32>, vector<16xi32>], vector<16xf32>, vector<16xi1>
      %broadcast_in_dim3A_413 = arith.constant 25 : i32
      %broadcast_in_dim3A_414 = vector.broadcast %broadcast_in_dim3A_413 : i32 to vector<16xi32>
      %gather3A_415 = tpu.vector_load_idx %arg10[%iota3A, %broadcast_in_dim3A_414] : memref<16x48xf32, #tpu.memory_space<vmem>>[vector<16xi32>, vector<16xi32>], vector<16xf32>,
      tpu.vector_store_idx %arg11[%get3A_335, %broadcast_in_dim3A_414], %gather3A_415 masked %lt3A_338 {add = true} : memref<16x48xf32, #tpu.memory_space<vmem>>[vector<16xi32>, vector<16xi32>], vector<16xf32>, vector<16xi1>
      %broadcast_in_dim3A_416 = arith.constant 26 : i32
      %broadcast_in_dim3A_417 = vector.broadcast %broadcast_in_dim3A_416 : i32 to vector<16xi32>
      %gather3A_418 = tpu.vector_load_idx %arg10[%iota3A, %broadcast_in_dim3A_417] : memref<16x48xf32, #tpu.memory_space<vmem>>[vector<16xi32>, vector<16xi32>], vector<16xf32>,
      tpu.vector_store_idx %arg11[%get3A_335, %broadcast_in_dim3A_417], %gather3A_418 masked %lt3A_338 {add = true} : memref<16x48xf32, #tpu.memory_space<vmem>>[vector<16xi32>, vector<16xi32>], vector<16xf32>, vector<16xi1>
      %broadcast_in_dim3A_419 = arith.constant 27 : i32
      %broadcast_in_dim3A_420 = vector.broadcast %broadcast_in_dim3A_419 : i32 to vector<16xi32>
      %gather3A_421 = tpu.vector_load_idx %arg10[%iota3A, %broadcast_in_dim3A_420] : memref<16x48xf32, #tpu.memory_space<vmem>>[vector<16xi32>, vector<16xi32>], vector<16xf32>,
      tpu.vector_store_idx %arg11[%get3A_335, %broadcast_in_dim3A_420], %gather3A_421 masked %lt3A_338 {add = true} : memref<16x48xf32, #tpu.memory_space<vmem>>[vector<16xi32>, vector<16xi32>], vector<16xf32>, vector<16xi1>
      %broadcast_in_dim3A_422 = arith.constant 28 : i32
      %broadcast_in_dim3A_423 = vector.broadcast %broadcast_in_dim3A_422 : i32 to vector<16xi32>
      %gather3A_424 = tpu.vector_load_idx %arg10[%iota3A, %broadcast_in_dim3A_423] : memref<16x48xf32, #tpu.memory_space<vmem>>[vector<16xi32>, vector<16xi32>], vector<16xf32>,
      tpu.vector_store_idx %arg11[%get3A_335, %broadcast_in_dim3A_423], %gather3A_424 masked %lt3A_338 {add = true} : memref<16x48xf32, #tpu.memory_space<vmem>>[vector<16xi32>, vector<16xi32>], vector<16xf32>, vector<16xi1>
      %broadcast_in_dim3A_425 = arith.constant 29 : i32
      %broadcast_in_dim3A_426 = vector.broadcast %broadcast_in_dim3A_425 : i32 to vector<16xi32>
      %gather3A_427 = tpu.vector_load_idx %arg10[%iota3A, %broadcast_in_dim3A_426] : memref<16x48xf32, #tpu.memory_space<vmem>>[vector<16xi32>, vector<16xi32>], vector<16xf32>,
      tpu.vector_store_idx %arg11[%get3A_335, %broadcast_in_dim3A_426], %gather3A_427 masked %lt3A_338 {add = true} : memref<16x48xf32, #tpu.memory_space<vmem>>[vector<16xi32>, vector<16xi32>], vector<16xf32>, vector<16xi1>
      %broadcast_in_dim3A_428 = arith.constant 30 : i32
      %broadcast_in_dim3A_429 = vector.broadcast %broadcast_in_dim3A_428 : i32 to vector<16xi32>
      %gather3A_430 = tpu.vector_load_idx %arg10[%iota3A, %broadcast_in_dim3A_429] : memref<16x48xf32, #tpu.memory_space<vmem>>[vector<16xi32>, vector<16xi32>], vector<16xf32>,
      tpu.vector_store_idx %arg11[%get3A_335, %broadcast_in_dim3A_429], %gather3A_430 masked %lt3A_338 {add = true} : memref<16x48xf32, #tpu.memory_space<vmem>>[vector<16xi32>, vector<16xi32>], vector<16xf32>, vector<16xi1>
      %broadcast_in_dim3A_431 = arith.constant 31 : i32
      %broadcast_in_dim3A_432 = vector.broadcast %broadcast_in_dim3A_431 : i32 to vector<16xi32>
      %gather3A_433 = tpu.vector_load_idx %arg10[%iota3A, %broadcast_in_dim3A_432] : memref<16x48xf32, #tpu.memory_space<vmem>>[vector<16xi32>, vector<16xi32>], vector<16xf32>,
      tpu.vector_store_idx %arg11[%get3A_335, %broadcast_in_dim3A_432], %gather3A_433 masked %lt3A_338 {add = true} : memref<16x48xf32, #tpu.memory_space<vmem>>[vector<16xi32>, vector<16xi32>], vector<16xf32>, vector<16xi1>
      %broadcast_in_dim3A_434 = arith.constant 32 : i32
      %broadcast_in_dim3A_435 = vector.broadcast %broadcast_in_dim3A_434 : i32 to vector<16xi32>
      %gather3A_436 = tpu.vector_load_idx %arg10[%iota3A, %broadcast_in_dim3A_435] : memref<16x48xf32, #tpu.memory_space<vmem>>[vector<16xi32>, vector<16xi32>], vector<16xf32>,
      tpu.vector_store_idx %arg11[%get3A_335, %broadcast_in_dim3A_435], %gather3A_436 masked %lt3A_338 {add = true} : memref<16x48xf32, #tpu.memory_space<vmem>>[vector<16xi32>, vector<16xi32>], vector<16xf32>, vector<16xi1>
      %broadcast_in_dim3A_437 = arith.constant 33 : i32
      %broadcast_in_dim3A_438 = vector.broadcast %broadcast_in_dim3A_437 : i32 to vector<16xi32>
      %gather3A_439 = tpu.vector_load_idx %arg10[%iota3A, %broadcast_in_dim3A_438] : memref<16x48xf32, #tpu.memory_space<vmem>>[vector<16xi32>, vector<16xi32>], vector<16xf32>,
      tpu.vector_store_idx %arg11[%get3A_335, %broadcast_in_dim3A_438], %gather3A_439 masked %lt3A_338 {add = true} : memref<16x48xf32, #tpu.memory_space<vmem>>[vector<16xi32>, vector<16xi32>], vector<16xf32>, vector<16xi1>
      %broadcast_in_dim3A_440 = arith.constant 34 : i32
      %broadcast_in_dim3A_441 = vector.broadcast %broadcast_in_dim3A_440 : i32 to vector<16xi32>
      %gather3A_442 = tpu.vector_load_idx %arg10[%iota3A, %broadcast_in_dim3A_441] : memref<16x48xf32, #tpu.memory_space<vmem>>[vector<16xi32>, vector<16xi32>], vector<16xf32>,
      tpu.vector_store_idx %arg11[%get3A_335, %broadcast_in_dim3A_441], %gather3A_442 masked %lt3A_338 {add = true} : memref<16x48xf32, #tpu.memory_space<vmem>>[vector<16xi32>, vector<16xi32>], vector<16xf32>, vector<16xi1>
      %broadcast_in_dim3A_443 = arith.constant 35 : i32
      %broadcast_in_dim3A_444 = vector.broadcast %broadcast_in_dim3A_443 : i32 to vector<16xi32>
      %gather3A_445 = tpu.vector_load_idx %arg10[%iota3A, %broadcast_in_dim3A_444] : memref<16x48xf32, #tpu.memory_space<vmem>>[vector<16xi32>, vector<16xi32>], vector<16xf32>,
      tpu.vector_store_idx %arg11[%get3A_335, %broadcast_in_dim3A_444], %gather3A_445 masked %lt3A_338 {add = true} : memref<16x48xf32, #tpu.memory_space<vmem>>[vector<16xi32>, vector<16xi32>], vector<16xf32>, vector<16xi1>
      %broadcast_in_dim3A_446 = arith.constant 36 : i32
      %broadcast_in_dim3A_447 = vector.broadcast %broadcast_in_dim3A_446 : i32 to vector<16xi32>
      %gather3A_448 = tpu.vector_load_idx %arg10[%iota3A, %broadcast_in_dim3A_447] : memref<16x48xf32, #tpu.memory_space<vmem>>[vector<16xi32>, vector<16xi32>], vector<16xf32>,
      tpu.vector_store_idx %arg11[%get3A_335, %broadcast_in_dim3A_447], %gather3A_448 masked %lt3A_338 {add = true} : memref<16x48xf32, #tpu.memory_space<vmem>>[vector<16xi32>, vector<16xi32>], vector<16xf32>, vector<16xi1>
      %broadcast_in_dim3A_449 = arith.constant 37 : i32
      %broadcast_in_dim3A_450 = vector.broadcast %broadcast_in_dim3A_449 : i32 to vector<16xi32>
      %gather3A_451 = tpu.vector_load_idx %arg10[%iota3A, %broadcast_in_dim3A_450] : memref<16x48xf32, #tpu.memory_space<vmem>>[vector<16xi32>, vector<16xi32>], vector<16xf32>,
      tpu.vector_store_idx %arg11[%get3A_335, %broadcast_in_dim3A_450], %gather3A_451 masked %lt3A_338 {add = true} : memref<16x48xf32, #tpu.memory_space<vmem>>[vector<16xi32>, vector<16xi32>], vector<16xf32>, vector<16xi1>
      %broadcast_in_dim3A_452 = arith.constant 38 : i32
      %broadcast_in_dim3A_453 = vector.broadcast %broadcast_in_dim3A_452 : i32 to vector<16xi32>
      %gather3A_454 = tpu.vector_load_idx %arg10[%iota3A, %broadcast_in_dim3A_453] : memref<16x48xf32, #tpu.memory_space<vmem>>[vector<16xi32>, vector<16xi32>], vector<16xf32>,
      tpu.vector_store_idx %arg11[%get3A_335, %broadcast_in_dim3A_453], %gather3A_454 masked %lt3A_338 {add = true} : memref<16x48xf32, #tpu.memory_space<vmem>>[vector<16xi32>, vector<16xi32>], vector<16xf32>, vector<16xi1>
      %broadcast_in_dim3A_455 = arith.constant 39 : i32
      %broadcast_in_dim3A_456 = vector.broadcast %broadcast_in_dim3A_455 : i32 to vector<16xi32>
      %gather3A_457 = tpu.vector_load_idx %arg10[%iota3A, %broadcast_in_dim3A_456] : memref<16x48xf32, #tpu.memory_space<vmem>>[vector<16xi32>, vector<16xi32>], vector<16xf32>,
      tpu.vector_store_idx %arg11[%get3A_335, %broadcast_in_dim3A_456], %gather3A_457 masked %lt3A_338 {add = true} : memref<16x48xf32, #tpu.memory_space<vmem>>[vector<16xi32>, vector<16xi32>], vector<16xf32>, vector<16xi1>
      %broadcast_in_dim3A_458 = arith.constant 40 : i32
      %broadcast_in_dim3A_459 = vector.broadcast %broadcast_in_dim3A_458 : i32 to vector<16xi32>
      %gather3A_460 = tpu.vector_load_idx %arg10[%iota3A, %broadcast_in_dim3A_459] : memref<16x48xf32, #tpu.memory_space<vmem>>[vector<16xi32>, vector<16xi32>], vector<16xf32>,
      tpu.vector_store_idx %arg11[%get3A_335, %broadcast_in_dim3A_459], %gather3A_460 masked %lt3A_338 {add = true} : memref<16x48xf32, #tpu.memory_space<vmem>>[vector<16xi32>, vector<16xi32>], vector<16xf32>, vector<16xi1>
      %broadcast_in_dim3A_461 = arith.constant 41 : i32
      %broadcast_in_dim3A_462 = vector.broadcast %broadcast_in_dim3A_461 : i32 to vector<16xi32>
      %gather3A_463 = tpu.vector_load_idx %arg10[%iota3A, %broadcast_in_dim3A_462] : memref<16x48xf32, #tpu.memory_space<vmem>>[vector<16xi32>, vector<16xi32>], vector<16xf32>,
      tpu.vector_store_idx %arg11[%get3A_335, %broadcast_in_dim3A_462], %gather3A_463 masked %lt3A_338 {add = true} : memref<16x48xf32, #tpu.memory_space<vmem>>[vector<16xi32>, vector<16xi32>], vector<16xf32>, vector<16xi1>
      %broadcast_in_dim3A_464 = arith.constant 42 : i32
      %broadcast_in_dim3A_465 = vector.broadcast %broadcast_in_dim3A_464 : i32 to vector<16xi32>
      %gather3A_466 = tpu.vector_load_idx %arg10[%iota3A, %broadcast_in_dim3A_465] : memref<16x48xf32, #tpu.memory_space<vmem>>[vector<16xi32>, vector<16xi32>], vector<16xf32>,
      tpu.vector_store_idx %arg11[%get3A_335, %broadcast_in_dim3A_465], %gather3A_466 masked %lt3A_338 {add = true} : memref<16x48xf32, #tpu.memory_space<vmem>>[vector<16xi32>, vector<16xi32>], vector<16xf32>, vector<16xi1>
      %broadcast_in_dim3A_467 = arith.constant 43 : i32
      %broadcast_in_dim3A_468 = vector.broadcast %broadcast_in_dim3A_467 : i32 to vector<16xi32>
      %gather3A_469 = tpu.vector_load_idx %arg10[%iota3A, %broadcast_in_dim3A_468] : memref<16x48xf32, #tpu.memory_space<vmem>>[vector<16xi32>, vector<16xi32>], vector<16xf32>,
      tpu.vector_store_idx %arg11[%get3A_335, %broadcast_in_dim3A_468], %gather3A_469 masked %lt3A_338 {add = true} : memref<16x48xf32, #tpu.memory_space<vmem>>[vector<16xi32>, vector<16xi32>], vector<16xf32>, vector<16xi1>
      %broadcast_in_dim3A_470 = arith.constant 44 : i32
      %broadcast_in_dim3A_471 = vector.broadcast %broadcast_in_dim3A_470 : i32 to vector<16xi32>
      %gather3A_472 = tpu.vector_load_idx %arg10[%iota3A, %broadcast_in_dim3A_471] : memref<16x48xf32, #tpu.memory_space<vmem>>[vector<16xi32>, vector<16xi32>], vector<16xf32>,
      tpu.vector_store_idx %arg11[%get3A_335, %broadcast_in_dim3A_471], %gather3A_472 masked %lt3A_338 {add = true} : memref<16x48xf32, #tpu.memory_space<vmem>>[vector<16xi32>, vector<16xi32>], vector<16xf32>, vector<16xi1>
      %broadcast_in_dim3A_473 = arith.constant 45 : i32
      %broadcast_in_dim3A_474 = vector.broadcast %broadcast_in_dim3A_473 : i32 to vector<16xi32>
      %gather3A_475 = tpu.vector_load_idx %arg10[%iota3A, %broadcast_in_dim3A_474] : memref<16x48xf32, #tpu.memory_space<vmem>>[vector<16xi32>, vector<16xi32>], vector<16xf32>,
      tpu.vector_store_idx %arg11[%get3A_335, %broadcast_in_dim3A_474], %gather3A_475 masked %lt3A_338 {add = true} : memref<16x48xf32, #tpu.memory_space<vmem>>[vector<16xi32>, vector<16xi32>], vector<16xf32>, vector<16xi1>
      %broadcast_in_dim3A_476 = arith.constant 46 : i32
      %broadcast_in_dim3A_477 = vector.broadcast %broadcast_in_dim3A_476 : i32 to vector<16xi32>
      %gather3A_478 = tpu.vector_load_idx %arg10[%iota3A, %broadcast_in_dim3A_477] : memref<16x48xf32, #tpu.memory_space<vmem>>[vector<16xi32>, vector<16xi32>], vector<16xf32>,
      tpu.vector_store_idx %arg11[%get3A_335, %broadcast_in_dim3A_477], %gather3A_478 masked %lt3A_338 {add = true} : memref<16x48xf32, #tpu.memory_space<vmem>>[vector<16xi32>, vector<16xi32>], vector<16xf32>, vector<16xi1>
      %broadcast_in_dim3A_479 = arith.constant 47 : i32
      %broadcast_in_dim3A_480 = vector.broadcast %broadcast_in_dim3A_479 : i32 to vector<16xi32>
      %gather3A_481 = tpu.vector_load_idx %arg10[%iota3A, %broadcast_in_dim3A_480] : memref<16x48xf32, #tpu.memory_space<vmem>>[vector<16xi32>, vector<16xi32>], vector<16xf32>,
      tpu.vector_store_idx %arg11[%get3A_335, %broadcast_in_dim3A_480], %gather3A_481 masked %lt3A_338 {add = true} : memref<16x48xf32, #tpu.memory_space<vmem>>[vector<16xi32>, vector<16xi32>], vector<16xf32>, vector<16xi1>
      %while3A_482 = arith.constant 0 : i32
      scf.yield %while3A_482 : i32
    }
    %while3A_322 = arith.constant 1 : i32
    %while3A_323 = scf.for %while3A_324 = %while3A_319 to %while3A_315 step %while3A_322 iter_args(%while3A_325 = %while3A_321) -> (i32)  : i32 {
      %mul3A_326 = arith.constant 16 : i32
      %mul3A_327 = arith.muli %while3A_324, %mul3A_326 : i32
      %multiple_of3A = tpu.assume_multiple %mul3A_327, 8 : i32
      %dma_start3A = tpu.memref_slice %arg7[%multiple_of3A] : memref<10256xi32, #tpu.memory_space<vmem>> -> memref<16xi32, #tpu.memory_space<vmem>>
      %dma_start3A_328 = arith.constant 0 : i32
      %dma_start3A_329 = arith.constant 0 : i32
      %dma_start3A_330 = tpu.memref_slice %arg5[%dma_start3A_328, %dma_start3A_329] : memref<10240x48xf32, #tpu.memory_space<hbm>> -> memref<10240x48xf32, #tpu.memory_space<hbm>>
      tpu.enqueue_indirect_dma source(%dma_start3A_330 : memref<10240x48xf32, #tpu.memory_space<hbm>>) target(%arg10 : memref<16x48xf32, #tpu.memory_space<vmem>>) offsets(%dma_start3A : memref<16xi32, #tpu.memory_space<vmem>>) semaphore(%arg12 : memref<!tpu.dma_semaphore, #tpu.memory_space<semaphore_mem>>)
      %dma_wait3A = tpu.memref_slice %arg7[%multiple_of3A] : memref<10256xi32, #tpu.memory_space<vmem>> -> memref<16xi32, #tpu.memory_space<vmem>>
      %dma_wait3A_331 = arith.constant 0 : i32
      %dma_wait3A_332 = arith.constant 0 : i32
      %dma_wait3A_333 = tpu.memref_slice %arg5[%dma_wait3A_331, %dma_wait3A_332] : memref<10240x48xf32, #tpu.memory_space<hbm>> -> memref<10240x48xf32, #tpu.memory_space<hbm>>
      tpu.wait_indirect_dma semaphore(%arg12 : memref<!tpu.dma_semaphore, #tpu.memory_space<semaphore_mem>>) src(%dma_wait3A_333 : memref<10240x48xf32, #tpu.memory_space<hbm>>) dst(%arg10 : memref<16x48xf32, #tpu.memory_space<vmem>>)
      %get3A_334 = arith.index_cast %multiple_of3A : i32 to index
      %get3A_335 = tpu.vector_load %arg8[%get3A_334] {strides = array<i32>} : memref<10256xi32, #tpu.memory_space<vmem>>, vector<16xi32>,
      %add3A_336 = vector.broadcast %multiple_of3A : i32 to vector<16xi32>
      %add3A_337 = arith.addi %iota3A, %add3A_336 : vector<16xi32>
      %lt3A = vector.broadcast %reduce_max3A_294 : i32 to vector<16xi32>
      %lt3A_338 = arith.cmpi slt, %add3A_337, %lt3A : vector<16xi32>
      %broadcast_in_dim3A_339 = arith.constant 0 : i32
      %broadcast_in_dim3A_340 = vector.broadcast %broadcast_in_dim3A_339 : i32 to vector<16xi32>
      %gather3A = tpu.vector_load_idx %arg10[%iota3A, %broadcast_in_dim3A_340] : memref<16x48xf32, #tpu.memory_space<vmem>>[vector<16xi32>, vector<16xi32>], vector<16xf32>,
      tpu.vector_store_idx %arg11[%get3A_335, %broadcast_in_dim3A_340], %gather3A masked %lt3A_338 {add = true} : memref<16x48xf32, #tpu.memory_space<vmem>>[vector<16xi32>, vector<16xi32>], vector<16xf32>, vector<16xi1>
      %broadcast_in_dim3A_341 = arith.constant 1 : i32
      %broadcast_in_dim3A_342 = vector.broadcast %broadcast_in_dim3A_341 : i32 to vector<16xi32>
      %gather3A_343 = tpu.vector_load_idx %arg10[%iota3A, %broadcast_in_dim3A_342] : memref<16x48xf32, #tpu.memory_space<vmem>>[vector<16xi32>, vector<16xi32>], vector<16xf32>,
      tpu.vector_store_idx %arg11[%get3A_335, %broadcast_in_dim3A_342], %gather3A_343 masked %lt3A_338 {add = true} : memref<16x48xf32, #tpu.memory_space<vmem>>[vector<16xi32>, vector<16xi32>], vector<16xf32>, vector<16xi1>
      %broadcast_in_dim3A_344 = arith.constant 2 : i32
      %broadcast_in_dim3A_345 = vector.broadcast %broadcast_in_dim3A_344 : i32 to vector<16xi32>
      %gather3A_346 = tpu.vector_load_idx %arg10[%iota3A, %broadcast_in_dim3A_345] : memref<16x48xf32, #tpu.memory_space<vmem>>[vector<16xi32>, vector<16xi32>], vector<16xf32>,
      tpu.vector_store_idx %arg11[%get3A_335, %broadcast_in_dim3A_345], %gather3A_346 masked %lt3A_338 {add = true} : memref<16x48xf32, #tpu.memory_space<vmem>>[vector<16xi32>, vector<16xi32>], vector<16xf32>, vector<16xi1>
      %broadcast_in_dim3A_347 = arith.constant 3 : i32
      %broadcast_in_dim3A_348 = vector.broadcast %broadcast_in_dim3A_347 : i32 to vector<16xi32>
      %gather3A_349 = tpu.vector_load_idx %arg10[%iota3A, %broadcast_in_dim3A_348] : memref<16x48xf32, #tpu.memory_space<vmem>>[vector<16xi32>, vector<16xi32>], vector<16xf32>,
      tpu.vector_store_idx %arg11[%get3A_335, %broadcast_in_dim3A_348], %gather3A_349 masked %lt3A_338 {add = true} : memref<16x48xf32, #tpu.memory_space<vmem>>[vector<16xi32>, vector<16xi32>], vector<16xf32>, vector<16xi1>
      %broadcast_in_dim3A_350 = arith.constant 4 : i32
      %broadcast_in_dim3A_351 = vector.broadcast %broadcast_in_dim3A_350 : i32 to vector<16xi32>
      %gather3A_352 = tpu.vector_load_idx %arg10[%iota3A, %broadcast_in_dim3A_351] : memref<16x48xf32, #tpu.memory_space<vmem>>[vector<16xi32>, vector<16xi32>], vector<16xf32>,
      tpu.vector_store_idx %arg11[%get3A_335, %broadcast_in_dim3A_351], %gather3A_352 masked %lt3A_338 {add = true} : memref<16x48xf32, #tpu.memory_space<vmem>>[vector<16xi32>, vector<16xi32>], vector<16xf32>, vector<16xi1>
      %broadcast_in_dim3A_353 = arith.constant 5 : i32
      %broadcast_in_dim3A_354 = vector.broadcast %broadcast_in_dim3A_353 : i32 to vector<16xi32>
      %gather3A_355 = tpu.vector_load_idx %arg10[%iota3A, %broadcast_in_dim3A_354] : memref<16x48xf32, #tpu.memory_space<vmem>>[vector<16xi32>, vector<16xi32>], vector<16xf32>,
      tpu.vector_store_idx %arg11[%get3A_335, %broadcast_in_dim3A_354], %gather3A_355 masked %lt3A_338 {add = true} : memref<16x48xf32, #tpu.memory_space<vmem>>[vector<16xi32>, vector<16xi32>], vector<16xf32>, vector<16xi1>
      %broadcast_in_dim3A_356 = arith.constant 6 : i32
      %broadcast_in_dim3A_357 = vector.broadcast %broadcast_in_dim3A_356 : i32 to vector<16xi32>
      %gather3A_358 = tpu.vector_load_idx %arg10[%iota3A, %broadcast_in_dim3A_357] : memref<16x48xf32, #tpu.memory_space<vmem>>[vector<16xi32>, vector<16xi32>], vector<16xf32>,
      tpu.vector_store_idx %arg11[%get3A_335, %broadcast_in_dim3A_357], %gather3A_358 masked %lt3A_338 {add = true} : memref<16x48xf32, #tpu.memory_space<vmem>>[vector<16xi32>, vector<16xi32>], vector<16xf32>, vector<16xi1>
      %broadcast_in_dim3A_359 = arith.constant 7 : i32
      %broadcast_in_dim3A_360 = vector.broadcast %broadcast_in_dim3A_359 : i32 to vector<16xi32>
      %gather3A_361 = tpu.vector_load_idx %arg10[%iota3A, %broadcast_in_dim3A_360] : memref<16x48xf32, #tpu.memory_space<vmem>>[vector<16xi32>, vector<16xi32>], vector<16xf32>,
      tpu.vector_store_idx %arg11[%get3A_335, %broadcast_in_dim3A_360], %gather3A_361 masked %lt3A_338 {add = true} : memref<16x48xf32, #tpu.memory_space<vmem>>[vector<16xi32>, vector<16xi32>], vector<16xf32>, vector<16xi1>
      %broadcast_in_dim3A_362 = arith.constant 8 : i32
      %broadcast_in_dim3A_363 = vector.broadcast %broadcast_in_dim3A_362 : i32 to vector<16xi32>
      %gather3A_364 = tpu.vector_load_idx %arg10[%iota3A, %broadcast_in_dim3A_363] : memref<16x48xf32, #tpu.memory_space<vmem>>[vector<16xi32>, vector<16xi32>], vector<16xf32>,
      tpu.vector_store_idx %arg11[%get3A_335, %broadcast_in_dim3A_363], %gather3A_364 masked %lt3A_338 {add = true} : memref<16x48xf32, #tpu.memory_space<vmem>>[vector<16xi32>, vector<16xi32>], vector<16xf32>, vector<16xi1>
      %broadcast_in_dim3A_365 = arith.constant 9 : i32
      %broadcast_in_dim3A_366 = vector.broadcast %broadcast_in_dim3A_365 : i32 to vector<16xi32>
      %gather3A_367 = tpu.vector_load_idx %arg10[%iota3A, %broadcast_in_dim3A_366] : memref<16x48xf32, #tpu.memory_space<vmem>>[vector<16xi32>, vector<16xi32>], vector<16xf32>,
      tpu.vector_store_idx %arg11[%get3A_335, %broadcast_in_dim3A_366], %gather3A_367 masked %lt3A_338 {add = true} : memref<16x48xf32, #tpu.memory_space<vmem>>[vector<16xi32>, vector<16xi32>], vector<16xf32>, vector<16xi1>
      %broadcast_in_dim3A_368 = arith.constant 10 : i32
      %broadcast_in_dim3A_369 = vector.broadcast %broadcast_in_dim3A_368 : i32 to vector<16xi32>
      %gather3A_370 = tpu.vector_load_idx %arg10[%iota3A, %broadcast_in_dim3A_369] : memref<16x48xf32, #tpu.memory_space<vmem>>[vector<16xi32>, vector<16xi32>], vector<16xf32>,
      tpu.vector_store_idx %arg11[%get3A_335, %broadcast_in_dim3A_369], %gather3A_370 masked %lt3A_338 {add = true} : memref<16x48xf32, #tpu.memory_space<vmem>>[vector<16xi32>, vector<16xi32>], vector<16xf32>, vector<16xi1>
      %broadcast_in_dim3A_371 = arith.constant 11 : i32
      %broadcast_in_dim3A_372 = vector.broadcast %broadcast_in_dim3A_371 : i32 to vector<16xi32>
      %gather3A_373 = tpu.vector_load_idx %arg10[%iota3A, %broadcast_in_dim3A_372] : memref<16x48xf32, #tpu.memory_space<vmem>>[vector<16xi32>, vector<16xi32>], vector<16xf32>,
      tpu.vector_store_idx %arg11[%get3A_335, %broadcast_in_dim3A_372], %gather3A_373 masked %lt3A_338 {add = true} : memref<16x48xf32, #tpu.memory_space<vmem>>[vector<16xi32>, vector<16xi32>], vector<16xf32>, vector<16xi1>
      %broadcast_in_dim3A_374 = arith.constant 12 : i32
      %broadcast_in_dim3A_375 = vector.broadcast %broadcast_in_dim3A_374 : i32 to vector<16xi32>
      %gather3A_376 = tpu.vector_load_idx %arg10[%iota3A, %broadcast_in_dim3A_375] : memref<16x48xf32, #tpu.memory_space<vmem>>[vector<16xi32>, vector<16xi32>], vector<16xf32>,
      tpu.vector_store_idx %arg11[%get3A_335, %broadcast_in_dim3A_375], %gather3A_376 masked %lt3A_338 {add = true} : memref<16x48xf32, #tpu.memory_space<vmem>>[vector<16xi32>, vector<16xi32>], vector<16xf32>, vector<16xi1>
      %broadcast_in_dim3A_377 = arith.constant 13 : i32
      %broadcast_in_dim3A_378 = vector.broadcast %broadcast_in_dim3A_377 : i32 to vector<16xi32>
      %gather3A_379 = tpu.vector_load_idx %arg10[%iota3A, %broadcast_in_dim3A_378] : memref<16x48xf32, #tpu.memory_space<vmem>>[vector<16xi32>, vector<16xi32>], vector<16xf32>,
      tpu.vector_store_idx %arg11[%get3A_335, %broadcast_in_dim3A_378], %gather3A_379 masked %lt3A_338 {add = true} : memref<16x48xf32, #tpu.memory_space<vmem>>[vector<16xi32>, vector<16xi32>], vector<16xf32>, vector<16xi1>
      %broadcast_in_dim3A_380 = arith.constant 14 : i32
      %broadcast_in_dim3A_381 = vector.broadcast %broadcast_in_dim3A_380 : i32 to vector<16xi32>
      %gather3A_382 = tpu.vector_load_idx %arg10[%iota3A, %broadcast_in_dim3A_381] : memref<16x48xf32, #tpu.memory_space<vmem>>[vector<16xi32>, vector<16xi32>], vector<16xf32>,
      tpu.vector_store_idx %arg11[%get3A_335, %broadcast_in_dim3A_381], %gather3A_382 masked %lt3A_338 {add = true} : memref<16x48xf32, #tpu.memory_space<vmem>>[vector<16xi32>, vector<16xi32>], vector<16xf32>, vector<16xi1>
      %broadcast_in_dim3A_383 = arith.constant 15 : i32
      %broadcast_in_dim3A_384 = vector.broadcast %broadcast_in_dim3A_383 : i32 to vector<16xi32>
      %gather3A_385 = tpu.vector_load_idx %arg10[%iota3A, %broadcast_in_dim3A_384] : memref<16x48xf32, #tpu.memory_space<vmem>>[vector<16xi32>, vector<16xi32>], vector<16xf32>,
      tpu.vector_store_idx %arg11[%get3A_335, %broadcast_in_dim3A_384], %gather3A_385 masked %lt3A_338 {add = true} : memref<16x48xf32, #tpu.memory_space<vmem>>[vector<16xi32>, vector<16xi32>], vector<16xf32>, vector<16xi1>
      %broadcast_in_dim3A_386 = arith.constant 16 : i32
      %broadcast_in_dim3A_387 = vector.broadcast %broadcast_in_dim3A_386 : i32 to vector<16xi32>
      %gather3A_388 = tpu.vector_load_idx %arg10[%iota3A, %broadcast_in_dim3A_387] : memref<16x48xf32, #tpu.memory_space<vmem>>[vector<16xi32>, vector<16xi32>], vector<16xf32>,
      tpu.vector_store_idx %arg11[%get3A_335, %broadcast_in_dim3A_387], %gather3A_388 masked %lt3A_338 {add = true} : memref<16x48xf32, #tpu.memory_space<vmem>>[vector<16xi32>, vector<16xi32>], vector<16xf32>, vector<16xi1>
      %broadcast_in_dim3A_389 = arith.constant 17 : i32
      %broadcast_in_dim3A_390 = vector.broadcast %broadcast_in_dim3A_389 : i32 to vector<16xi32>
      %gather3A_391 = tpu.vector_load_idx %arg10[%iota3A, %broadcast_in_dim3A_390] : memref<16x48xf32, #tpu.memory_space<vmem>>[vector<16xi32>, vector<16xi32>], vector<16xf32>,
      tpu.vector_store_idx %arg11[%get3A_335, %broadcast_in_dim3A_390], %gather3A_391 masked %lt3A_338 {add = true} : memref<16x48xf32, #tpu.memory_space<vmem>>[vector<16xi32>, vector<16xi32>], vector<16xf32>, vector<16xi1>
      %broadcast_in_dim3A_392 = arith.constant 18 : i32
      %broadcast_in_dim3A_393 = vector.broadcast %broadcast_in_dim3A_392 : i32 to vector<16xi32>
      %gather3A_394 = tpu.vector_load_idx %arg10[%iota3A, %broadcast_in_dim3A_393] : memref<16x48xf32, #tpu.memory_space<vmem>>[vector<16xi32>, vector<16xi32>], vector<16xf32>,
      tpu.vector_store_idx %arg11[%get3A_335, %broadcast_in_dim3A_393], %gather3A_394 masked %lt3A_338 {add = true} : memref<16x48xf32, #tpu.memory_space<vmem>>[vector<16xi32>, vector<16xi32>], vector<16xf32>, vector<16xi1>
      %broadcast_in_dim3A_395 = arith.constant 19 : i32
      %broadcast_in_dim3A_396 = vector.broadcast %broadcast_in_dim3A_395 : i32 to vector<16xi32>
      %gather3A_397 = tpu.vector_load_idx %arg10[%iota3A, %broadcast_in_dim3A_396] : memref<16x48xf32, #tpu.memory_space<vmem>>[vector<16xi32>, vector<16xi32>], vector<16xf32>,
      tpu.vector_store_idx %arg11[%get3A_335, %broadcast_in_dim3A_396], %gather3A_397 masked %lt3A_338 {add = true} : memref<16x48xf32, #tpu.memory_space<vmem>>[vector<16xi32>, vector<16xi32>], vector<16xf32>, vector<16xi1>
      %broadcast_in_dim3A_398 = arith.constant 20 : i32
      %broadcast_in_dim3A_399 = vector.broadcast %broadcast_in_dim3A_398 : i32 to vector<16xi32>
      %gather3A_400 = tpu.vector_load_idx %arg10[%iota3A, %broadcast_in_dim3A_399] : memref<16x48xf32, #tpu.memory_space<vmem>>[vector<16xi32>, vector<16xi32>], vector<16xf32>,
      tpu.vector_store_idx %arg11[%get3A_335, %broadcast_in_dim3A_399], %gather3A_400 masked %lt3A_338 {add = true} : memref<16x48xf32, #tpu.memory_space<vmem>>[vector<16xi32>, vector<16xi32>], vector<16xf32>, vector<16xi1>
      %broadcast_in_dim3A_401 = arith.constant 21 : i32
      %broadcast_in_dim3A_402 = vector.broadcast %broadcast_in_dim3A_401 : i32 to vector<16xi32>
      %gather3A_403 = tpu.vector_load_idx %arg10[%iota3A, %broadcast_in_dim3A_402] : memref<16x48xf32, #tpu.memory_space<vmem>>[vector<16xi32>, vector<16xi32>], vector<16xf32>,
      tpu.vector_store_idx %arg11[%get3A_335, %broadcast_in_dim3A_402], %gather3A_403 masked %lt3A_338 {add = true} : memref<16x48xf32, #tpu.memory_space<vmem>>[vector<16xi32>, vector<16xi32>], vector<16xf32>, vector<16xi1>
      %broadcast_in_dim3A_404 = arith.constant 22 : i32
      %broadcast_in_dim3A_405 = vector.broadcast %broadcast_in_dim3A_404 : i32 to vector<16xi32>
      %gather3A_406 = tpu.vector_load_idx %arg10[%iota3A, %broadcast_in_dim3A_405] : memref<16x48xf32, #tpu.memory_space<vmem>>[vector<16xi32>, vector<16xi32>], vector<16xf32>,
      tpu.vector_store_idx %arg11[%get3A_335, %broadcast_in_dim3A_405], %gather3A_406 masked %lt3A_338 {add = true} : memref<16x48xf32, #tpu.memory_space<vmem>>[vector<16xi32>, vector<16xi32>], vector<16xf32>, vector<16xi1>
      %broadcast_in_dim3A_407 = arith.constant 23 : i32
      %broadcast_in_dim3A_408 = vector.broadcast %broadcast_in_dim3A_407 : i32 to vector<16xi32>
      %gather3A_409 = tpu.vector_load_idx %arg10[%iota3A, %broadcast_in_dim3A_408] : memref<16x48xf32, #tpu.memory_space<vmem>>[vector<16xi32>, vector<16xi32>], vector<16xf32>,
      tpu.vector_store_idx %arg11[%get3A_335, %broadcast_in_dim3A_408], %gather3A_409 masked %lt3A_338 {add = true} : memref<16x48xf32, #tpu.memory_space<vmem>>[vector<16xi32>, vector<16xi32>], vector<16xf32>, vector<16xi1>
      %broadcast_in_dim3A_410 = arith.constant 24 : i32
      %broadcast_in_dim3A_411 = vector.broadcast %broadcast_in_dim3A_410 : i32 to vector<16xi32>
      %gather3A_412 = tpu.vector_load_idx %arg10[%iota3A, %broadcast_in_dim3A_411] : memref<16x48xf32, #tpu.memory_space<vmem>>[vector<16xi32>, vector<16xi32>], vector<16xf32>,
      tpu.vector_store_idx %arg11[%get3A_335, %broadcast_in_dim3A_411], %gather3A_412 masked %lt3A_338 {add = true} : memref<16x48xf32, #tpu.memory_space<vmem>>[vector<16xi32>, vector<16xi32>], vector<16xf32>, vector<16xi1>
      %broadcast_in_dim3A_413 = arith.constant 25 : i32
      %broadcast_in_dim3A_414 = vector.broadcast %broadcast_in_dim3A_413 : i32 to vector<16xi32>
      %gather3A_415 = tpu.vector_load_idx %arg10[%iota3A, %broadcast_in_dim3A_414] : memref<16x48xf32, #tpu.memory_space<vmem>>[vector<16xi32>, vector<16xi32>], vector<16xf32>,
      tpu.vector_store_idx %arg11[%get3A_335, %broadcast_in_dim3A_414], %gather3A_415 masked %lt3A_338 {add = true} : memref<16x48xf32, #tpu.memory_space<vmem>>[vector<16xi32>, vector<16xi32>], vector<16xf32>, vector<16xi1>
      %broadcast_in_dim3A_416 = arith.constant 26 : i32
      %broadcast_in_dim3A_417 = vector.broadcast %broadcast_in_dim3A_416 : i32 to vector<16xi32>
      %gather3A_418 = tpu.vector_load_idx %arg10[%iota3A, %broadcast_in_dim3A_417] : memref<16x48xf32, #tpu.memory_space<vmem>>[vector<16xi32>, vector<16xi32>], vector<16xf32>,
      tpu.vector_store_idx %arg11[%get3A_335, %broadcast_in_dim3A_417], %gather3A_418 masked %lt3A_338 {add = true} : memref<16x48xf32, #tpu.memory_space<vmem>>[vector<16xi32>, vector<16xi32>], vector<16xf32>, vector<16xi1>
      %broadcast_in_dim3A_419 = arith.constant 27 : i32
      %broadcast_in_dim3A_420 = vector.broadcast %broadcast_in_dim3A_419 : i32 to vector<16xi32>
      %gather3A_421 = tpu.vector_load_idx %arg10[%iota3A, %broadcast_in_dim3A_420] : memref<16x48xf32, #tpu.memory_space<vmem>>[vector<16xi32>, vector<16xi32>], vector<16xf32>,
      tpu.vector_store_idx %arg11[%get3A_335, %broadcast_in_dim3A_420], %gather3A_421 masked %lt3A_338 {add = true} : memref<16x48xf32, #tpu.memory_space<vmem>>[vector<16xi32>, vector<16xi32>], vector<16xf32>, vector<16xi1>
      %broadcast_in_dim3A_422 = arith.constant 28 : i32
      %broadcast_in_dim3A_423 = vector.broadcast %broadcast_in_dim3A_422 : i32 to vector<16xi32>
      %gather3A_424 = tpu.vector_load_idx %arg10[%iota3A, %broadcast_in_dim3A_423] : memref<16x48xf32, #tpu.memory_space<vmem>>[vector<16xi32>, vector<16xi32>], vector<16xf32>,
      tpu.vector_store_idx %arg11[%get3A_335, %broadcast_in_dim3A_423], %gather3A_424 masked %lt3A_338 {add = true} : memref<16x48xf32, #tpu.memory_space<vmem>>[vector<16xi32>, vector<16xi32>], vector<16xf32>, vector<16xi1>
      %broadcast_in_dim3A_425 = arith.constant 29 : i32
      %broadcast_in_dim3A_426 = vector.broadcast %broadcast_in_dim3A_425 : i32 to vector<16xi32>
      %gather3A_427 = tpu.vector_load_idx %arg10[%iota3A, %broadcast_in_dim3A_426] : memref<16x48xf32, #tpu.memory_space<vmem>>[vector<16xi32>, vector<16xi32>], vector<16xf32>,
      tpu.vector_store_idx %arg11[%get3A_335, %broadcast_in_dim3A_426], %gather3A_427 masked %lt3A_338 {add = true} : memref<16x48xf32, #tpu.memory_space<vmem>>[vector<16xi32>, vector<16xi32>], vector<16xf32>, vector<16xi1>
      %broadcast_in_dim3A_428 = arith.constant 30 : i32
      %broadcast_in_dim3A_429 = vector.broadcast %broadcast_in_dim3A_428 : i32 to vector<16xi32>
      %gather3A_430 = tpu.vector_load_idx %arg10[%iota3A, %broadcast_in_dim3A_429] : memref<16x48xf32, #tpu.memory_space<vmem>>[vector<16xi32>, vector<16xi32>], vector<16xf32>,
      tpu.vector_store_idx %arg11[%get3A_335, %broadcast_in_dim3A_429], %gather3A_430 masked %lt3A_338 {add = true} : memref<16x48xf32, #tpu.memory_space<vmem>>[vector<16xi32>, vector<16xi32>], vector<16xf32>, vector<16xi1>
      %broadcast_in_dim3A_431 = arith.constant 31 : i32
      %broadcast_in_dim3A_432 = vector.broadcast %broadcast_in_dim3A_431 : i32 to vector<16xi32>
      %gather3A_433 = tpu.vector_load_idx %arg10[%iota3A, %broadcast_in_dim3A_432] : memref<16x48xf32, #tpu.memory_space<vmem>>[vector<16xi32>, vector<16xi32>], vector<16xf32>,
      tpu.vector_store_idx %arg11[%get3A_335, %broadcast_in_dim3A_432], %gather3A_433 masked %lt3A_338 {add = true} : memref<16x48xf32, #tpu.memory_space<vmem>>[vector<16xi32>, vector<16xi32>], vector<16xf32>, vector<16xi1>
      %broadcast_in_dim3A_434 = arith.constant 32 : i32
      %broadcast_in_dim3A_435 = vector.broadcast %broadcast_in_dim3A_434 : i32 to vector<16xi32>
      %gather3A_436 = tpu.vector_load_idx %arg10[%iota3A, %broadcast_in_dim3A_435] : memref<16x48xf32, #tpu.memory_space<vmem>>[vector<16xi32>, vector<16xi32>], vector<16xf32>,
      tpu.vector_store_idx %arg11[%get3A_335, %broadcast_in_dim3A_435], %gather3A_436 masked %lt3A_338 {add = true} : memref<16x48xf32, #tpu.memory_space<vmem>>[vector<16xi32>, vector<16xi32>], vector<16xf32>, vector<16xi1>
      %broadcast_in_dim3A_437 = arith.constant 33 : i32
      %broadcast_in_dim3A_438 = vector.broadcast %broadcast_in_dim3A_437 : i32 to vector<16xi32>
      %gather3A_439 = tpu.vector_load_idx %arg10[%iota3A, %broadcast_in_dim3A_438] : memref<16x48xf32, #tpu.memory_space<vmem>>[vector<16xi32>, vector<16xi32>], vector<16xf32>,
      tpu.vector_store_idx %arg11[%get3A_335, %broadcast_in_dim3A_438], %gather3A_439 masked %lt3A_338 {add = true} : memref<16x48xf32, #tpu.memory_space<vmem>>[vector<16xi32>, vector<16xi32>], vector<16xf32>, vector<16xi1>
      %broadcast_in_dim3A_440 = arith.constant 34 : i32
      %broadcast_in_dim3A_441 = vector.broadcast %broadcast_in_dim3A_440 : i32 to vector<16xi32>
      %gather3A_442 = tpu.vector_load_idx %arg10[%iota3A, %broadcast_in_dim3A_441] : memref<16x48xf32, #tpu.memory_space<vmem>>[vector<16xi32>, vector<16xi32>], vector<16xf32>,
      tpu.vector_store_idx %arg11[%get3A_335, %broadcast_in_dim3A_441], %gather3A_442 masked %lt3A_338 {add = true} : memref<16x48xf32, #tpu.memory_space<vmem>>[vector<16xi32>, vector<16xi32>], vector<16xf32>, vector<16xi1>
      %broadcast_in_dim3A_443 = arith.constant 35 : i32
      %broadcast_in_dim3A_444 = vector.broadcast %broadcast_in_dim3A_443 : i32 to vector<16xi32>
      %gather3A_445 = tpu.vector_load_idx %arg10[%iota3A, %broadcast_in_dim3A_444] : memref<16x48xf32, #tpu.memory_space<vmem>>[vector<16xi32>, vector<16xi32>], vector<16xf32>,
      tpu.vector_store_idx %arg11[%get3A_335, %broadcast_in_dim3A_444], %gather3A_445 masked %lt3A_338 {add = true} : memref<16x48xf32, #tpu.memory_space<vmem>>[vector<16xi32>, vector<16xi32>], vector<16xf32>, vector<16xi1>
      %broadcast_in_dim3A_446 = arith.constant 36 : i32
      %broadcast_in_dim3A_447 = vector.broadcast %broadcast_in_dim3A_446 : i32 to vector<16xi32>
      %gather3A_448 = tpu.vector_load_idx %arg10[%iota3A, %broadcast_in_dim3A_447] : memref<16x48xf32, #tpu.memory_space<vmem>>[vector<16xi32>, vector<16xi32>], vector<16xf32>,
      tpu.vector_store_idx %arg11[%get3A_335, %broadcast_in_dim3A_447], %gather3A_448 masked %lt3A_338 {add = true} : memref<16x48xf32, #tpu.memory_space<vmem>>[vector<16xi32>, vector<16xi32>], vector<16xf32>, vector<16xi1>
      %broadcast_in_dim3A_449 = arith.constant 37 : i32
      %broadcast_in_dim3A_450 = vector.broadcast %broadcast_in_dim3A_449 : i32 to vector<16xi32>
      %gather3A_451 = tpu.vector_load_idx %arg10[%iota3A, %broadcast_in_dim3A_450] : memref<16x48xf32, #tpu.memory_space<vmem>>[vector<16xi32>, vector<16xi32>], vector<16xf32>,
      tpu.vector_store_idx %arg11[%get3A_335, %broadcast_in_dim3A_450], %gather3A_451 masked %lt3A_338 {add = true} : memref<16x48xf32, #tpu.memory_space<vmem>>[vector<16xi32>, vector<16xi32>], vector<16xf32>, vector<16xi1>
      %broadcast_in_dim3A_452 = arith.constant 38 : i32
      %broadcast_in_dim3A_453 = vector.broadcast %broadcast_in_dim3A_452 : i32 to vector<16xi32>
      %gather3A_454 = tpu.vector_load_idx %arg10[%iota3A, %broadcast_in_dim3A_453] : memref<16x48xf32, #tpu.memory_space<vmem>>[vector<16xi32>, vector<16xi32>], vector<16xf32>,
      tpu.vector_store_idx %arg11[%get3A_335, %broadcast_in_dim3A_453], %gather3A_454 masked %lt3A_338 {add = true} : memref<16x48xf32, #tpu.memory_space<vmem>>[vector<16xi32>, vector<16xi32>], vector<16xf32>, vector<16xi1>
      %broadcast_in_dim3A_455 = arith.constant 39 : i32
      %broadcast_in_dim3A_456 = vector.broadcast %broadcast_in_dim3A_455 : i32 to vector<16xi32>
      %gather3A_457 = tpu.vector_load_idx %arg10[%iota3A, %broadcast_in_dim3A_456] : memref<16x48xf32, #tpu.memory_space<vmem>>[vector<16xi32>, vector<16xi32>], vector<16xf32>,
      tpu.vector_store_idx %arg11[%get3A_335, %broadcast_in_dim3A_456], %gather3A_457 masked %lt3A_338 {add = true} : memref<16x48xf32, #tpu.memory_space<vmem>>[vector<16xi32>, vector<16xi32>], vector<16xf32>, vector<16xi1>
      %broadcast_in_dim3A_458 = arith.constant 40 : i32
      %broadcast_in_dim3A_459 = vector.broadcast %broadcast_in_dim3A_458 : i32 to vector<16xi32>
      %gather3A_460 = tpu.vector_load_idx %arg10[%iota3A, %broadcast_in_dim3A_459] : memref<16x48xf32, #tpu.memory_space<vmem>>[vector<16xi32>, vector<16xi32>], vector<16xf32>,
      tpu.vector_store_idx %arg11[%get3A_335, %broadcast_in_dim3A_459], %gather3A_460 masked %lt3A_338 {add = true} : memref<16x48xf32, #tpu.memory_space<vmem>>[vector<16xi32>, vector<16xi32>], vector<16xf32>, vector<16xi1>
      %broadcast_in_dim3A_461 = arith.constant 41 : i32
      %broadcast_in_dim3A_462 = vector.broadcast %broadcast_in_dim3A_461 : i32 to vector<16xi32>
      %gather3A_463 = tpu.vector_load_idx %arg10[%iota3A, %broadcast_in_dim3A_462] : memref<16x48xf32, #tpu.memory_space<vmem>>[vector<16xi32>, vector<16xi32>], vector<16xf32>,
      tpu.vector_store_idx %arg11[%get3A_335, %broadcast_in_dim3A_462], %gather3A_463 masked %lt3A_338 {add = true} : memref<16x48xf32, #tpu.memory_space<vmem>>[vector<16xi32>, vector<16xi32>], vector<16xf32>, vector<16xi1>
      %broadcast_in_dim3A_464 = arith.constant 42 : i32
      %broadcast_in_dim3A_465 = vector.broadcast %broadcast_in_dim3A_464 : i32 to vector<16xi32>
      %gather3A_466 = tpu.vector_load_idx %arg10[%iota3A, %broadcast_in_dim3A_465] : memref<16x48xf32, #tpu.memory_space<vmem>>[vector<16xi32>, vector<16xi32>], vector<16xf32>,
      tpu.vector_store_idx %arg11[%get3A_335, %broadcast_in_dim3A_465], %gather3A_466 masked %lt3A_338 {add = true} : memref<16x48xf32, #tpu.memory_space<vmem>>[vector<16xi32>, vector<16xi32>], vector<16xf32>, vector<16xi1>
      %broadcast_in_dim3A_467 = arith.constant 43 : i32
      %broadcast_in_dim3A_468 = vector.broadcast %broadcast_in_dim3A_467 : i32 to vector<16xi32>
      %gather3A_469 = tpu.vector_load_idx %arg10[%iota3A, %broadcast_in_dim3A_468] : memref<16x48xf32, #tpu.memory_space<vmem>>[vector<16xi32>, vector<16xi32>], vector<16xf32>,
      tpu.vector_store_idx %arg11[%get3A_335, %broadcast_in_dim3A_468], %gather3A_469 masked %lt3A_338 {add = true} : memref<16x48xf32, #tpu.memory_space<vmem>>[vector<16xi32>, vector<16xi32>], vector<16xf32>, vector<16xi1>
      %broadcast_in_dim3A_470 = arith.constant 44 : i32
      %broadcast_in_dim3A_471 = vector.broadcast %broadcast_in_dim3A_470 : i32 to vector<16xi32>
      %gather3A_472 = tpu.vector_load_idx %arg10[%iota3A, %broadcast_in_dim3A_471] : memref<16x48xf32, #tpu.memory_space<vmem>>[vector<16xi32>, vector<16xi32>], vector<16xf32>,
      tpu.vector_store_idx %arg11[%get3A_335, %broadcast_in_dim3A_471], %gather3A_472 masked %lt3A_338 {add = true} : memref<16x48xf32, #tpu.memory_space<vmem>>[vector<16xi32>, vector<16xi32>], vector<16xf32>, vector<16xi1>
      %broadcast_in_dim3A_473 = arith.constant 45 : i32
      %broadcast_in_dim3A_474 = vector.broadcast %broadcast_in_dim3A_473 : i32 to vector<16xi32>
      %gather3A_475 = tpu.vector_load_idx %arg10[%iota3A, %broadcast_in_dim3A_474] : memref<16x48xf32, #tpu.memory_space<vmem>>[vector<16xi32>, vector<16xi32>], vector<16xf32>,
      tpu.vector_store_idx %arg11[%get3A_335, %broadcast_in_dim3A_474], %gather3A_475 masked %lt3A_338 {add = true} : memref<16x48xf32, #tpu.memory_space<vmem>>[vector<16xi32>, vector<16xi32>], vector<16xf32>, vector<16xi1>
      %broadcast_in_dim3A_476 = arith.constant 46 : i32
      %broadcast_in_dim3A_477 = vector.broadcast %broadcast_in_dim3A_476 : i32 to vector<16xi32>
      %gather3A_478 = tpu.vector_load_idx %arg10[%iota3A, %broadcast_in_dim3A_477] : memref<16x48xf32, #tpu.memory_space<vmem>>[vector<16xi32>, vector<16xi32>], vector<16xf32>,
      tpu.vector_store_idx %arg11[%get3A_335, %broadcast_in_dim3A_477], %gather3A_478 masked %lt3A_338 {add = true} : memref<16x48xf32, #tpu.memory_space<vmem>>[vector<16xi32>, vector<16xi32>], vector<16xf32>, vector<16xi1>
      %broadcast_in_dim3A_479 = arith.constant 47 : i32
      %broadcast_in_dim3A_480 = vector.broadcast %broadcast_in_dim3A_479 : i32 to vector<16xi32>
      %gather3A_481 = tpu.vector_load_idx %arg10[%iota3A, %broadcast_in_dim3A_480] : memref<16x48xf32, #tpu.memory_space<vmem>>[vector<16xi32>, vector<16xi32>], vector<16xf32>,
      tpu.vector_store_idx %arg11[%get3A_335, %broadcast_in_dim3A_480], %gather3A_481 masked %lt3A_338 {add = true} : memref<16x48xf32, #tpu.memory_space<vmem>>[vector<16xi32>, vector<16xi32>], vector<16xf32>, vector<16xi1>
      %while3A_482 = arith.constant 0 : i32
      scf.yield %while3A_482 : i32
    }
    "tpu.region"() ({
      %run_scoped3A = tpu.sem_alloc : memref<!tpu.dma_semaphore, #tpu.memory_space<semaphore_mem>>
      %dma_start3A = arith.constant 0 : i32
      %dma_start3A_324 = arith.constant 0 : i32
      %dma_start3A_325 = tpu.memref_slice %arg6[%add3A, %dma_start3A, %dma_start3A_324] : memref<32x16x48xf32, #tpu.memory_space<hbm>> -> memref<1x16x48xf32, #tpu.memory_space<hbm>>
      %dma_start3A_326 = tpu.memref_squeeze %dma_start3A_325 : memref<1x16x48xf32, #tpu.memory_space<hbm>> -> memref<16x48xf32, #tpu.memory_space<hbm>>
      %dma_start3A_327 = arith.constant 0 : i32
      %dma_start3A_328 = arith.constant 0 : i32
      %dma_start3A_329 = tpu.memref_slice %arg6[%add3A, %dma_start3A_327, %dma_start3A_328] : memref<32x16x48xf32, #tpu.memory_space<hbm>> -> memref<1x16x48xf32, #tpu.memory_space<hbm>>
      %dma_start3A_330 = tpu.memref_squeeze %dma_start3A_329 : memref<1x16x48xf32, #tpu.memory_space<hbm>> -> memref<16x48xf32, #tpu.memory_space<hbm>>
      tpu.enqueue_dma source(%arg11 : memref<16x48xf32, #tpu.memory_space<vmem>>) target(%dma_start3A_330 : memref<16x48xf32, #tpu.memory_space<hbm>>) target_semaphore(%run_scoped3A : memref<!tpu.dma_semaphore, #tpu.memory_space<semaphore_mem>>)
      %dma_wait3A = arith.constant 0 : i32
      %dma_wait3A_331 = arith.constant 0 : i32
      %dma_wait3A_332 = tpu.memref_slice %arg6[%add3A, %dma_wait3A, %dma_wait3A_331] : memref<32x16x48xf32, #tpu.memory_space<hbm>> -> memref<1x16x48xf32, #tpu.memory_space<hbm>>
      %dma_wait3A_333 = tpu.memref_squeeze %dma_wait3A_332 : memref<1x16x48xf32, #tpu.memory_space<hbm>> -> memref<16x48xf32, #tpu.memory_space<hbm>>
      %dma_wait3A_334 = arith.constant 0 : i32
      %dma_wait3A_335 = arith.constant 0 : i32
      %dma_wait3A_336 = tpu.memref_slice %arg6[%add3A, %dma_wait3A_334, %dma_wait3A_335] : memref<32x16x48xf32, #tpu.memory_space<hbm>> -> memref<1x16x48xf32, #tpu.memory_space<hbm>>
      %dma_wait3A_337 = tpu.memref_squeeze %dma_wait3A_336 : memref<1x16x48xf32, #tpu.memory_space<hbm>> -> memref<16x48xf32, #tpu.memory_space<hbm>>
      tpu.wait_dma2 semaphore(%run_scoped3A : memref<!tpu.dma_semaphore, #tpu.memory_space<semaphore_mem>>) src(%arg11 : memref<16x48xf32, #tpu.memory_space<vmem>>) dst(%dma_wait3A_337 : memref<16x48xf32, #tpu.memory_space<hbm>>)
      tpu.yield
    }) : () -> ()
    return
  }
}

#map = affine_map<(d0, d1) -> (0, 0, 0)>
#map1 = affine_map<(d0, d1) -> (0, 0)>
module attributes {stable_mosaic.version = 14 : i64} {
  func.func @_sc_edge_k(%arg0: i32, %arg1: i32, %arg2: memref<32x80x128xi32, #tpu.memory_space<hbm>>, %arg3: memref<32x80x128xi32, #tpu.memory_space<hbm>>, %arg4: memref<10240x48xf32, #tpu.memory_space<hbm>>, %arg5: memref<10240x48xf32, #tpu.memory_space<hbm>>, %arg6: memref<2x10240x48xf32, #tpu.memory_space<hbm>>, %arg7: memref<80x128xi32, #tpu.memory_space<vmem>>, %arg8: memref<80x128xi32, #tpu.memory_space<vmem>>, %arg9: memref<8x128x48xf32, #tpu.memory_space<vmem>>, %arg10: memref<10240x48xf32, #tpu.memory_space<vmem_shared>>, %arg11: memref<!tpu.dma_semaphore, #tpu.memory_space<semaphore_mem>>, %arg12: memref<!tpu.dma_semaphore, #tpu.memory_space<semaphore_mem>>, %arg13: memref<!tpu.dma_semaphore, #tpu.memory_space<semaphore_mem>>, %arg14: memref<!tpu.dma_semaphore, #tpu.memory_space<semaphore_mem>>, %arg15: memref<!tpu.dma_semaphore, #tpu.memory_space<semaphore_mem>>, %arg16: memref<!tpu.dma_semaphore, #tpu.memory_space<semaphore_mem>>, %arg17: memref<!tpu.dma_semaphore, #tpu.memory_space<semaphore_mem>>, %arg18: memref<!tpu.dma_semaphore, #tpu.memory_space<semaphore_mem>>, %arg19: memref<!tpu.dma_semaphore, #tpu.memory_space<semaphore_mem>>, %arg20: memref<!tpu.dma_semaphore, #tpu.memory_space<semaphore_mem>>, %arg21: memref<!tpu.dma_semaphore, #tpu.memory_space<semaphore_mem>>, %arg22: memref<!tpu.dma_semaphore, #tpu.memory_space<semaphore_mem>>, %arg23: memref<!tpu.dma_semaphore, #tpu.memory_space<semaphore_mem>>, %arg24: memref<!tpu.dma_semaphore, #tpu.memory_space<semaphore_mem>>, %arg25: memref<!tpu.dma_semaphore, #tpu.memory_space<semaphore_mem>>, %arg26: memref<!tpu.dma_semaphore, #tpu.memory_space<semaphore_mem>>) attributes {dimension_semantics = [#tpu.dimension_semantics<core_parallel>, #tpu.dimension_semantics<subcore_parallel>], iteration_bounds = array<i64: 2, 16>, scalar_prefetch = 0 : i64, scratch_operands = 20 : i64, tpu.core_type = #tpu.core_type<sc_vector_subcore>, window_params = [{transform_indices = #map}, {transform_indices = #map}, {transform_indices = #map1}, {transform_indices = #map1}, {transform_indices = #map}]} {
    %mul3A = arith.constant 2 : i32
    %mul3A_0 = arith.muli %arg1, %mul3A : i32
    %add3A = arith.addi %mul3A_0, %arg0 : i32
    %mul3A_1 = arith.constant 640 : i32
    %mul3A_2 = arith.muli %arg1, %mul3A_1 : i32
    %multiple_of3A = tpu.assume_multiple %mul3A_2, 8 : i32
    "tpu.region"() ({
      %run_scoped3A = tpu.sem_alloc : memref<!tpu.dma_semaphore, #tpu.memory_space<semaphore_mem>>
      %dma_start3A_113 = arith.constant 0 : i32
      %dma_start3A_114 = tpu.memref_slice %arg10[%multiple_of3A, %dma_start3A_113] : memref<10240x48xf32, #tpu.memory_space<vmem_shared>> -> memref<640x48xf32, #tpu.memory_space<vmem_shared>>
      %dma_start3A_115 = arith.constant 0 : i32
      %dma_start3A_116 = tpu.memref_slice %arg5[%multiple_of3A, %dma_start3A_115] : memref<10240x48xf32, #tpu.memory_space<hbm>> -> memref<640x48xf32, #tpu.memory_space<hbm>>
      tpu.enqueue_dma source(%dma_start3A_116 : memref<640x48xf32, #tpu.memory_space<hbm>>) target(%dma_start3A_114 : memref<640x48xf32, #tpu.memory_space<vmem_shared>>) target_semaphore(%run_scoped3A : memref<!tpu.dma_semaphore, #tpu.memory_space<semaphore_mem>>)
      %dma_wait3A = arith.constant 0 : i32
      %dma_wait3A_117 = tpu.memref_slice %arg10[%multiple_of3A, %dma_wait3A] : memref<10240x48xf32, #tpu.memory_space<vmem_shared>> -> memref<640x48xf32, #tpu.memory_space<vmem_shared>>
      %dma_wait3A_118 = arith.constant 0 : i32
      %dma_wait3A_119 = tpu.memref_slice %arg5[%multiple_of3A, %dma_wait3A_118] : memref<10240x48xf32, #tpu.memory_space<hbm>> -> memref<640x48xf32, #tpu.memory_space<hbm>>
      tpu.wait_dma2 semaphore(%run_scoped3A : memref<!tpu.dma_semaphore, #tpu.memory_space<semaphore_mem>>) src(%dma_wait3A_119 : memref<640x48xf32, #tpu.memory_space<hbm>>) dst(%dma_wait3A_117 : memref<640x48xf32, #tpu.memory_space<vmem_shared>>)
      tpu.yield
    }) : () -> ()
    "tpu.region"() ({
      %run_scoped3A = tpu.sem_alloc : memref<!tpu.dma_semaphore, #tpu.memory_space<semaphore_mem>>
      %dma_start3A_113 = arith.constant 0 : i32
      %dma_start3A_114 = arith.constant 0 : i32
      %dma_start3A_115 = tpu.memref_slice %arg2[%add3A, %dma_start3A_113, %dma_start3A_114] : memref<32x80x128xi32, #tpu.memory_space<hbm>> -> memref<1x80x128xi32, #tpu.memory_space<hbm>>
      %dma_start3A_116 = tpu.memref_squeeze %dma_start3A_115 : memref<1x80x128xi32, #tpu.memory_space<hbm>> -> memref<80x128xi32, #tpu.memory_space<hbm>>
      %dma_start3A_117 = arith.constant 0 : i32
      %dma_start3A_118 = arith.constant 0 : i32
      %dma_start3A_119 = tpu.memref_slice %arg2[%add3A, %dma_start3A_117, %dma_start3A_118] : memref<32x80x128xi32, #tpu.memory_space<hbm>> -> memref<1x80x128xi32, #tpu.memory_space<hbm>>
      %dma_start3A_120 = tpu.memref_squeeze %dma_start3A_119 : memref<1x80x128xi32, #tpu.memory_space<hbm>> -> memref<80x128xi32, #tpu.memory_space<hbm>>
      tpu.enqueue_dma source(%dma_start3A_120 : memref<80x128xi32, #tpu.memory_space<hbm>>) target(%arg7 : memref<80x128xi32, #tpu.memory_space<vmem>>) target_semaphore(%run_scoped3A : memref<!tpu.dma_semaphore, #tpu.memory_space<semaphore_mem>>)
      %dma_wait3A = arith.constant 0 : i32
      %dma_wait3A_121 = arith.constant 0 : i32
      %dma_wait3A_122 = tpu.memref_slice %arg2[%add3A, %dma_wait3A, %dma_wait3A_121] : memref<32x80x128xi32, #tpu.memory_space<hbm>> -> memref<1x80x128xi32, #tpu.memory_space<hbm>>
      %dma_wait3A_123 = tpu.memref_squeeze %dma_wait3A_122 : memref<1x80x128xi32, #tpu.memory_space<hbm>> -> memref<80x128xi32, #tpu.memory_space<hbm>>
      %dma_wait3A_124 = arith.constant 0 : i32
      %dma_wait3A_125 = arith.constant 0 : i32
      %dma_wait3A_126 = tpu.memref_slice %arg2[%add3A, %dma_wait3A_124, %dma_wait3A_125] : memref<32x80x128xi32, #tpu.memory_space<hbm>> -> memref<1x80x128xi32, #tpu.memory_space<hbm>>
      %dma_wait3A_127 = tpu.memref_squeeze %dma_wait3A_126 : memref<1x80x128xi32, #tpu.memory_space<hbm>> -> memref<80x128xi32, #tpu.memory_space<hbm>>
      tpu.wait_dma2 semaphore(%run_scoped3A : memref<!tpu.dma_semaphore, #tpu.memory_space<semaphore_mem>>) src(%dma_wait3A_127 : memref<80x128xi32, #tpu.memory_space<hbm>>) dst(%arg7 : memref<80x128xi32, #tpu.memory_space<vmem>>)
      tpu.yield
    }) : () -> ()
    "tpu.region"() ({
      %run_scoped3A = tpu.sem_alloc : memref<!tpu.dma_semaphore, #tpu.memory_space<semaphore_mem>>
      %dma_start3A_113 = arith.constant 0 : i32
      %dma_start3A_114 = arith.constant 0 : i32
      %dma_start3A_115 = tpu.memref_slice %arg3[%add3A, %dma_start3A_113, %dma_start3A_114] : memref<32x80x128xi32, #tpu.memory_space<hbm>> -> memref<1x80x128xi32, #tpu.memory_space<hbm>>
      %dma_start3A_116 = tpu.memref_squeeze %dma_start3A_115 : memref<1x80x128xi32, #tpu.memory_space<hbm>> -> memref<80x128xi32, #tpu.memory_space<hbm>>
      %dma_start3A_117 = arith.constant 0 : i32
      %dma_start3A_118 = arith.constant 0 : i32
      %dma_start3A_119 = tpu.memref_slice %arg3[%add3A, %dma_start3A_117, %dma_start3A_118] : memref<32x80x128xi32, #tpu.memory_space<hbm>> -> memref<1x80x128xi32, #tpu.memory_space<hbm>>
      %dma_start3A_120 = tpu.memref_squeeze %dma_start3A_119 : memref<1x80x128xi32, #tpu.memory_space<hbm>> -> memref<80x128xi32, #tpu.memory_space<hbm>>
      tpu.enqueue_dma source(%dma_start3A_120 : memref<80x128xi32, #tpu.memory_space<hbm>>) target(%arg8 : memref<80x128xi32, #tpu.memory_space<vmem>>) target_semaphore(%run_scoped3A : memref<!tpu.dma_semaphore, #tpu.memory_space<semaphore_mem>>)
      %dma_wait3A = arith.constant 0 : i32
      %dma_wait3A_121 = arith.constant 0 : i32
      %dma_wait3A_122 = tpu.memref_slice %arg3[%add3A, %dma_wait3A, %dma_wait3A_121] : memref<32x80x128xi32, #tpu.memory_space<hbm>> -> memref<1x80x128xi32, #tpu.memory_space<hbm>>
      %dma_wait3A_123 = tpu.memref_squeeze %dma_wait3A_122 : memref<1x80x128xi32, #tpu.memory_space<hbm>> -> memref<80x128xi32, #tpu.memory_space<hbm>>
      %dma_wait3A_124 = arith.constant 0 : i32
      %dma_wait3A_125 = arith.constant 0 : i32
      %dma_wait3A_126 = tpu.memref_slice %arg3[%add3A, %dma_wait3A_124, %dma_wait3A_125] : memref<32x80x128xi32, #tpu.memory_space<hbm>> -> memref<1x80x128xi32, #tpu.memory_space<hbm>>
      %dma_wait3A_127 = tpu.memref_squeeze %dma_wait3A_126 : memref<1x80x128xi32, #tpu.memory_space<hbm>> -> memref<80x128xi32, #tpu.memory_space<hbm>>
      tpu.wait_dma2 semaphore(%run_scoped3A : memref<!tpu.dma_semaphore, #tpu.memory_space<semaphore_mem>>) src(%dma_wait3A_127 : memref<80x128xi32, #tpu.memory_space<hbm>>) dst(%arg8 : memref<80x128xi32, #tpu.memory_space<vmem>>)
      tpu.yield
    }) : () -> ()
    %barrier3A = arith.constant 0 : index
    tpu.barrier barrier_id(%barrier3A)
    %dma_start3A = arith.constant 0 : i32
    %dma_start3A_3 = arith.constant 0 : i32
    %dma_start3A_4 = arith.constant 0 : i32
    %dma_start3A_5 = arith.constant 0 : i32
    %dma_start3A_6 = tpu.memref_slice %arg9[%dma_start3A_3, %dma_start3A_4, %dma_start3A_5] : memref<8x128x48xf32, #tpu.memory_space<vmem>> -> memref<1x128x48xf32, #tpu.memory_space<vmem>>
    %dma_start3A_7 = tpu.memref_squeeze %dma_start3A_6 : memref<1x128x48xf32, #tpu.memory_space<vmem>> -> memref<128x48xf32, #tpu.memory_space<vmem>>
    %dma_start3A_8 = arith.constant 0 : i32
    %dma_start3A_9 = tpu.memref_slice %arg7[%dma_start3A, %dma_start3A_8] : memref<80x128xi32, #tpu.memory_space<vmem>> -> memref<1x128xi32, #tpu.memory_space<vmem>>
    %dma_start3A_10 = tpu.memref_squeeze %dma_start3A_9 : memref<1x128xi32, #tpu.memory_space<vmem>> -> memref<128xi32, #tpu.memory_space<vmem>>
    %dma_start3A_11 = arith.constant 0 : i32
    %dma_start3A_12 = arith.constant 0 : i32
    %dma_start3A_13 = tpu.memref_slice %arg4[%dma_start3A_11, %dma_start3A_12] : memref<10240x48xf32, #tpu.memory_space<hbm>> -> memref<10240x48xf32, #tpu.memory_space<hbm>>
    tpu.enqueue_indirect_dma source(%dma_start3A_13 : memref<10240x48xf32, #tpu.memory_space<hbm>>) target(%dma_start3A_7 : memref<128x48xf32, #tpu.memory_space<vmem>>) offsets(%dma_start3A_10 : memref<128xi32, #tpu.memory_space<vmem>>) semaphore(%arg11 : memref<!tpu.dma_semaphore, #tpu.memory_space<semaphore_mem>>)
    %dma_start3A_14 = arith.constant 1 : i32
    %dma_start3A_15 = arith.constant 1 : i32
    %dma_start3A_16 = arith.constant 0 : i32
    %dma_start3A_17 = arith.constant 0 : i32
    %dma_start3A_18 = tpu.memref_slice %arg9[%dma_start3A_15, %dma_start3A_16, %dma_start3A_17] : memref<8x128x48xf32, #tpu.memory_space<vmem>> -> memref<1x128x48xf32, #tpu.memory_space<vmem>>
    %dma_start3A_19 = tpu.memref_squeeze %dma_start3A_18 : memref<1x128x48xf32, #tpu.memory_space<vmem>> -> memref<128x48xf32, #tpu.memory_space<vmem>>
    %dma_start3A_20 = arith.constant 0 : i32
    %dma_start3A_21 = tpu.memref_slice %arg7[%dma_start3A_14, %dma_start3A_20] : memref<80x128xi32, #tpu.memory_space<vmem>> -> memref<1x128xi32, #tpu.memory_space<vmem>>
    %dma_start3A_22 = tpu.memref_squeeze %dma_start3A_21 : memref<1x128xi32, #tpu.memory_space<vmem>> -> memref<128xi32, #tpu.memory_space<vmem>>
    %dma_start3A_23 = arith.constant 0 : i32
    %dma_start3A_24 = arith.constant 0 : i32
    %dma_start3A_25 = tpu.memref_slice %arg4[%dma_start3A_23, %dma_start3A_24] : memref<10240x48xf32, #tpu.memory_space<hbm>> -> memref<10240x48xf32, #tpu.memory_space<hbm>>
    tpu.enqueue_indirect_dma source(%dma_start3A_25 : memref<10240x48xf32, #tpu.memory_space<hbm>>) target(%dma_start3A_19 : memref<128x48xf32, #tpu.memory_space<vmem>>) offsets(%dma_start3A_22 : memref<128xi32, #tpu.memory_space<vmem>>) semaphore(%arg12 : memref<!tpu.dma_semaphore, #tpu.memory_space<semaphore_mem>>)
    %dma_start3A_26 = arith.constant 2 : i32
    %dma_start3A_27 = arith.constant 2 : i32
    %dma_start3A_28 = arith.constant 0 : i32
    %dma_start3A_29 = arith.constant 0 : i32
    %dma_start3A_30 = tpu.memref_slice %arg9[%dma_start3A_27, %dma_start3A_28, %dma_start3A_29] : memref<8x128x48xf32, #tpu.memory_space<vmem>> -> memref<1x128x48xf32, #tpu.memory_space<vmem>>
    %dma_start3A_31 = tpu.memref_squeeze %dma_start3A_30 : memref<1x128x48xf32, #tpu.memory_space<vmem>> -> memref<128x48xf32, #tpu.memory_space<vmem>>
    %dma_start3A_32 = arith.constant 0 : i32
    %dma_start3A_33 = tpu.memref_slice %arg7[%dma_start3A_26, %dma_start3A_32] : memref<80x128xi32, #tpu.memory_space<vmem>> -> memref<1x128xi32, #tpu.memory_space<vmem>>
    %dma_start3A_34 = tpu.memref_squeeze %dma_start3A_33 : memref<1x128xi32, #tpu.memory_space<vmem>> -> memref<128xi32, #tpu.memory_space<vmem>>
    %dma_start3A_35 = arith.constant 0 : i32
    %dma_start3A_36 = arith.constant 0 : i32
    %dma_start3A_37 = tpu.memref_slice %arg4[%dma_start3A_35, %dma_start3A_36] : memref<10240x48xf32, #tpu.memory_space<hbm>> -> memref<10240x48xf32, #tpu.memory_space<hbm>>
    tpu.enqueue_indirect_dma source(%dma_start3A_37 : memref<10240x48xf32, #tpu.memory_space<hbm>>) target(%dma_start3A_31 : memref<128x48xf32, #tpu.memory_space<vmem>>) offsets(%dma_start3A_34 : memref<128xi32, #tpu.memory_space<vmem>>) semaphore(%arg13 : memref<!tpu.dma_semaphore, #tpu.memory_space<semaphore_mem>>)
    %dma_start3A_38 = arith.constant 3 : i32
    %dma_start3A_39 = arith.constant 3 : i32
    %dma_start3A_40 = arith.constant 0 : i32
    %dma_start3A_41 = arith.constant 0 : i32
    %dma_start3A_42 = tpu.memref_slice %arg9[%dma_start3A_39, %dma_start3A_40, %dma_start3A_41] : memref<8x128x48xf32, #tpu.memory_space<vmem>> -> memref<1x128x48xf32, #tpu.memory_space<vmem>>
    %dma_start3A_43 = tpu.memref_squeeze %dma_start3A_42 : memref<1x128x48xf32, #tpu.memory_space<vmem>> -> memref<128x48xf32, #tpu.memory_space<vmem>>
    %dma_start3A_44 = arith.constant 0 : i32
    %dma_start3A_45 = tpu.memref_slice %arg7[%dma_start3A_38, %dma_start3A_44] : memref<80x128xi32, #tpu.memory_space<vmem>> -> memref<1x128xi32, #tpu.memory_space<vmem>>
    %dma_start3A_46 = tpu.memref_squeeze %dma_start3A_45 : memref<1x128xi32, #tpu.memory_space<vmem>> -> memref<128xi32, #tpu.memory_space<vmem>>
    %dma_start3A_47 = arith.constant 0 : i32
    %dma_start3A_48 = arith.constant 0 : i32
    %dma_start3A_49 = tpu.memref_slice %arg4[%dma_start3A_47, %dma_start3A_48] : memref<10240x48xf32, #tpu.memory_space<hbm>> -> memref<10240x48xf32, #tpu.memory_space<hbm>>
    tpu.enqueue_indirect_dma source(%dma_start3A_49 : memref<10240x48xf32, #tpu.memory_space<hbm>>) target(%dma_start3A_43 : memref<128x48xf32, #tpu.memory_space<vmem>>) offsets(%dma_start3A_46 : memref<128xi32, #tpu.memory_space<vmem>>) semaphore(%arg14 : memref<!tpu.dma_semaphore, #tpu.memory_space<semaphore_mem>>)
    %dma_start3A_50 = arith.constant 4 : i32
    %dma_start3A_51 = arith.constant 4 : i32
    %dma_start3A_52 = arith.constant 0 : i32
    %dma_start3A_53 = arith.constant 0 : i32
    %dma_start3A_54 = tpu.memref_slice %arg9[%dma_start3A_51, %dma_start3A_52, %dma_start3A_53] : memref<8x128x48xf32, #tpu.memory_space<vmem>> -> memref<1x128x48xf32, #tpu.memory_space<vmem>>
    %dma_start3A_55 = tpu.memref_squeeze %dma_start3A_54 : memref<1x128x48xf32, #tpu.memory_space<vmem>> -> memref<128x48xf32, #tpu.memory_space<vmem>>
    %dma_start3A_56 = arith.constant 0 : i32
    %dma_start3A_57 = tpu.memref_slice %arg7[%dma_start3A_50, %dma_start3A_56] : memref<80x128xi32, #tpu.memory_space<vmem>> -> memref<1x128xi32, #tpu.memory_space<vmem>>
    %dma_start3A_58 = tpu.memref_squeeze %dma_start3A_57 : memref<1x128xi32, #tpu.memory_space<vmem>> -> memref<128xi32, #tpu.memory_space<vmem>>
    %dma_start3A_59 = arith.constant 0 : i32
    %dma_start3A_60 = arith.constant 0 : i32
    %dma_start3A_61 = tpu.memref_slice %arg4[%dma_start3A_59, %dma_start3A_60] : memref<10240x48xf32, #tpu.memory_space<hbm>> -> memref<10240x48xf32, #tpu.memory_space<hbm>>
    tpu.enqueue_indirect_dma source(%dma_start3A_61 : memref<10240x48xf32, #tpu.memory_space<hbm>>) target(%dma_start3A_55 : memref<128x48xf32, #tpu.memory_space<vmem>>) offsets(%dma_start3A_58 : memref<128xi32, #tpu.memory_space<vmem>>) semaphore(%arg15 : memref<!tpu.dma_semaphore, #tpu.memory_space<semaphore_mem>>)
    %dma_start3A_62 = arith.constant 5 : i32
    %dma_start3A_63 = arith.constant 5 : i32
    %dma_start3A_64 = arith.constant 0 : i32
    %dma_start3A_65 = arith.constant 0 : i32
    %dma_start3A_66 = tpu.memref_slice %arg9[%dma_start3A_63, %dma_start3A_64, %dma_start3A_65] : memref<8x128x48xf32, #tpu.memory_space<vmem>> -> memref<1x128x48xf32, #tpu.memory_space<vmem>>
    %dma_start3A_67 = tpu.memref_squeeze %dma_start3A_66 : memref<1x128x48xf32, #tpu.memory_space<vmem>> -> memref<128x48xf32, #tpu.memory_space<vmem>>
    %dma_start3A_68 = arith.constant 0 : i32
    %dma_start3A_69 = tpu.memref_slice %arg7[%dma_start3A_62, %dma_start3A_68] : memref<80x128xi32, #tpu.memory_space<vmem>> -> memref<1x128xi32, #tpu.memory_space<vmem>>
    %dma_start3A_70 = tpu.memref_squeeze %dma_start3A_69 : memref<1x128xi32, #tpu.memory_space<vmem>> -> memref<128xi32, #tpu.memory_space<vmem>>
    %dma_start3A_71 = arith.constant 0 : i32
    %dma_start3A_72 = arith.constant 0 : i32
    %dma_start3A_73 = tpu.memref_slice %arg4[%dma_start3A_71, %dma_start3A_72] : memref<10240x48xf32, #tpu.memory_space<hbm>> -> memref<10240x48xf32, #tpu.memory_space<hbm>>
    tpu.enqueue_indirect_dma source(%dma_start3A_73 : memref<10240x48xf32, #tpu.memory_space<hbm>>) target(%dma_start3A_67 : memref<128x48xf32, #tpu.memory_space<vmem>>) offsets(%dma_start3A_70 : memref<128xi32, #tpu.memory_space<vmem>>) semaphore(%arg16 : memref<!tpu.dma_semaphore, #tpu.memory_space<semaphore_mem>>)
    %dma_start3A_74 = arith.constant 6 : i32
    %dma_start3A_75 = arith.constant 6 : i32
    %dma_start3A_76 = arith.constant 0 : i32
    %dma_start3A_77 = arith.constant 0 : i32
    %dma_start3A_78 = tpu.memref_slice %arg9[%dma_start3A_75, %dma_start3A_76, %dma_start3A_77] : memref<8x128x48xf32, #tpu.memory_space<vmem>> -> memref<1x128x48xf32, #tpu.memory_space<vmem>>
    %dma_start3A_79 = tpu.memref_squeeze %dma_start3A_78 : memref<1x128x48xf32, #tpu.memory_space<vmem>> -> memref<128x48xf32, #tpu.memory_space<vmem>>
    %dma_start3A_80 = arith.constant 0 : i32
    %dma_start3A_81 = tpu.memref_slice %arg7[%dma_start3A_74, %dma_start3A_80] : memref<80x128xi32, #tpu.memory_space<vmem>> -> memref<1x128xi32, #tpu.memory_space<vmem>>
    %dma_start3A_82 = tpu.memref_squeeze %dma_start3A_81 : memref<1x128xi32, #tpu.memory_space<vmem>> -> memref<128xi32, #tpu.memory_space<vmem>>
    %dma_start3A_83 = arith.constant 0 : i32
    %dma_start3A_84 = arith.constant 0 : i32
    %dma_start3A_85 = tpu.memref_slice %arg4[%dma_start3A_83, %dma_start3A_84] : memref<10240x48xf32, #tpu.memory_space<hbm>> -> memref<10240x48xf32, #tpu.memory_space<hbm>>
    tpu.enqueue_indirect_dma source(%dma_start3A_85 : memref<10240x48xf32, #tpu.memory_space<hbm>>) target(%dma_start3A_79 : memref<128x48xf32, #tpu.memory_space<vmem>>) offsets(%dma_start3A_82 : memref<128xi32, #tpu.memory_space<vmem>>) semaphore(%arg17 : memref<!tpu.dma_semaphore, #tpu.memory_space<semaphore_mem>>)
    %dma_start3A_86 = arith.constant 7 : i32
    %dma_start3A_87 = arith.constant 7 : i32
    %dma_start3A_88 = arith.constant 0 : i32
    %dma_start3A_89 = arith.constant 0 : i32
    %dma_start3A_90 = tpu.memref_slice %arg9[%dma_start3A_87, %dma_start3A_88, %dma_start3A_89] : memref<8x128x48xf32, #tpu.memory_space<vmem>> -> memref<1x128x48xf32, #tpu.memory_space<vmem>>
    %dma_start3A_91 = tpu.memref_squeeze %dma_start3A_90 : memref<1x128x48xf32, #tpu.memory_space<vmem>> -> memref<128x48xf32, #tpu.memory_space<vmem>>
    %dma_start3A_92 = arith.constant 0 : i32
    %dma_start3A_93 = tpu.memref_slice %arg7[%dma_start3A_86, %dma_start3A_92] : memref<80x128xi32, #tpu.memory_space<vmem>> -> memref<1x128xi32, #tpu.memory_space<vmem>>
    %dma_start3A_94 = tpu.memref_squeeze %dma_start3A_93 : memref<1x128xi32, #tpu.memory_space<vmem>> -> memref<128xi32, #tpu.memory_space<vmem>>
    %dma_start3A_95 = arith.constant 0 : i32
    %dma_start3A_96 = arith.constant 0 : i32
    %dma_start3A_97 = tpu.memref_slice %arg4[%dma_start3A_95, %dma_start3A_96] : memref<10240x48xf32, #tpu.memory_space<hbm>> -> memref<10240x48xf32, #tpu.memory_space<hbm>>
    tpu.enqueue_indirect_dma source(%dma_start3A_97 : memref<10240x48xf32, #tpu.memory_space<hbm>>) target(%dma_start3A_91 : memref<128x48xf32, #tpu.memory_space<vmem>>) offsets(%dma_start3A_94 : memref<128xi32, #tpu.memory_space<vmem>>) semaphore(%arg18 : memref<!tpu.dma_semaphore, #tpu.memory_space<semaphore_mem>>)
    %scan3A = arith.constant 0 : i32
    %scan3A_98 = arith.constant 1 : i32
    %scan3A_99 = arith.constant 2 : i32
    %scan3A_100 = arith.constant 3 : i32
    %scan3A_101 = arith.constant 4 : i32
    %scan3A_102 = arith.constant 5 : i32
    %scan3A_103 = arith.constant 6 : i32
    %scan3A_104 = arith.constant 7 : i32
    %scan3A_105 = arith.constant 0 : i32
    %scan3A_106 = arith.constant 0 : i32
    %scan3A_107 = arith.constant 10 : i32
    %scan3A_108 = arith.addi %scan3A_106, %scan3A_107 : i32
    %scan3A_109 = arith.constant 1 : i32
    %scan3A_110 = scf.for %scan3A_113 = %scan3A_106 to %scan3A_108 step %scan3A_109 iter_args(%scan3A_114 = %scan3A_105) -> (i32)  : i32 {
      %mul3A_115 = arith.constant 8 : i32
      %mul3A_116 = arith.muli %scan3A_113, %mul3A_115 : i32
      %add3A_117 = arith.constant 0 : i32
      %add3A_118 = arith.addi %mul3A_116, %add3A_117 : i32
      %mul3A_119 = arith.constant 8 : i32
      %mul3A_120 = arith.muli %scan3A_113, %mul3A_119 : i32
      %add3A_121 = arith.constant 1 : i32
      %add3A_122 = arith.addi %mul3A_120, %add3A_121 : i32
      %mul3A_123 = arith.constant 8 : i32
      %mul3A_124 = arith.muli %scan3A_113, %mul3A_123 : i32
      %add3A_125 = arith.constant 2 : i32
      %add3A_126 = arith.addi %mul3A_124, %add3A_125 : i32
      %mul3A_127 = arith.constant 8 : i32
      %mul3A_128 = arith.muli %scan3A_113, %mul3A_127 : i32
      %add3A_129 = arith.constant 3 : i32
      %add3A_130 = arith.addi %mul3A_128, %add3A_129 : i32
      %mul3A_131 = arith.constant 8 : i32
      %mul3A_132 = arith.muli %scan3A_113, %mul3A_131 : i32
      %add3A_133 = arith.constant 4 : i32
      %add3A_134 = arith.addi %mul3A_132, %add3A_133 : i32
      %mul3A_135 = arith.constant 8 : i32
      %mul3A_136 = arith.muli %scan3A_113, %mul3A_135 : i32
      %add3A_137 = arith.constant 5 : i32
      %add3A_138 = arith.addi %mul3A_136, %add3A_137 : i32
      %mul3A_139 = arith.constant 8 : i32
      %mul3A_140 = arith.muli %scan3A_113, %mul3A_139 : i32
      %add3A_141 = arith.constant 6 : i32
      %add3A_142 = arith.addi %mul3A_140, %add3A_141 : i32
      %mul3A_143 = arith.constant 8 : i32
      %mul3A_144 = arith.muli %scan3A_113, %mul3A_143 : i32
      %add3A_145 = arith.constant 7 : i32
      %add3A_146 = arith.addi %mul3A_144, %add3A_145 : i32
      %dma_wait3A = arith.constant 0 : i32
      %dma_wait3A_147 = arith.constant 0 : i32
      %dma_wait3A_148 = tpu.memref_slice %arg9[%scan3A, %dma_wait3A, %dma_wait3A_147] : memref<8x128x48xf32, #tpu.memory_space<vmem>> -> memref<1x128x48xf32, #tpu.memory_space<vmem>>
      %dma_wait3A_149 = tpu.memref_squeeze %dma_wait3A_148 : memref<1x128x48xf32, #tpu.memory_space<vmem>> -> memref<128x48xf32, #tpu.memory_space<vmem>>
      %dma_wait3A_150 = arith.constant 0 : i32
      %dma_wait3A_151 = tpu.memref_slice %arg7[%add3A_118, %dma_wait3A_150] : memref<80x128xi32, #tpu.memory_space<vmem>> -> memref<1x128xi32, #tpu.memory_space<vmem>>
      %dma_wait3A_152 = tpu.memref_squeeze %dma_wait3A_151 : memref<1x128xi32, #tpu.memory_space<vmem>> -> memref<128xi32, #tpu.memory_space<vmem>>
      %dma_wait3A_153 = arith.constant 0 : i32
      %dma_wait3A_154 = arith.constant 0 : i32
      %dma_wait3A_155 = tpu.memref_slice %arg4[%dma_wait3A_153, %dma_wait3A_154] : memref<10240x48xf32, #tpu.memory_space<hbm>> -> memref<10240x48xf32, #tpu.memory_space<hbm>>
      tpu.wait_indirect_dma semaphore(%arg11 : memref<!tpu.dma_semaphore, #tpu.memory_space<semaphore_mem>>) src(%dma_wait3A_155 : memref<10240x48xf32, #tpu.memory_space<hbm>>) dst(%dma_wait3A_149 : memref<128x48xf32, #tpu.memory_space<vmem>>)
      %dma_start3A_156 = arith.constant 0 : i32
      %dma_start3A_157 = arith.constant 0 : i32
      %dma_start3A_158 = tpu.memref_slice %arg9[%scan3A, %dma_start3A_156, %dma_start3A_157] : memref<8x128x48xf32, #tpu.memory_space<vmem>> -> memref<1x128x48xf32, #tpu.memory_space<vmem>>
      %dma_start3A_159 = tpu.memref_squeeze %dma_start3A_158 : memref<1x128x48xf32, #tpu.memory_space<vmem>> -> memref<128x48xf32, #tpu.memory_space<vmem>>
      %dma_start3A_160 = arith.constant 0 : i32
      %dma_start3A_161 = tpu.memref_slice %arg8[%add3A_118, %dma_start3A_160] : memref<80x128xi32, #tpu.memory_space<vmem>> -> memref<1x128xi32, #tpu.memory_space<vmem>>
      %dma_start3A_162 = tpu.memref_squeeze %dma_start3A_161 : memref<1x128xi32, #tpu.memory_space<vmem>> -> memref<128xi32, #tpu.memory_space<vmem>>
      %dma_start3A_163 = arith.constant 0 : i32
      %dma_start3A_164 = arith.constant 0 : i32
      %dma_start3A_165 = tpu.memref_slice %arg10[%dma_start3A_163, %dma_start3A_164] : memref<10240x48xf32, #tpu.memory_space<vmem_shared>> -> memref<10240x48xf32, #tpu.memory_space<vmem_shared>>
      tpu.enqueue_indirect_dma source(%dma_start3A_159 : memref<128x48xf32, #tpu.memory_space<vmem>>) target(%dma_start3A_165 : memref<10240x48xf32, #tpu.memory_space<vmem_shared>>) offsets(%dma_start3A_162 : memref<128xi32, #tpu.memory_space<vmem>>) semaphore(%arg19 : memref<!tpu.dma_semaphore, #tpu.memory_space<semaphore_mem>>) {add = true}
      %dma_wait3A_166 = arith.constant 0 : i32
      %dma_wait3A_167 = arith.constant 0 : i32
      %dma_wait3A_168 = tpu.memref_slice %arg9[%scan3A_98, %dma_wait3A_166, %dma_wait3A_167] : memref<8x128x48xf32, #tpu.memory_space<vmem>> -> memref<1x128x48xf32, #tpu.memory_space<vmem>>
      %dma_wait3A_169 = tpu.memref_squeeze %dma_wait3A_168 : memref<1x128x48xf32, #tpu.memory_space<vmem>> -> memref<128x48xf32, #tpu.memory_space<vmem>>
      %dma_wait3A_170 = arith.constant 0 : i32
      %dma_wait3A_171 = tpu.memref_slice %arg7[%add3A_122, %dma_wait3A_170] : memref<80x128xi32, #tpu.memory_space<vmem>> -> memref<1x128xi32, #tpu.memory_space<vmem>>
      %dma_wait3A_172 = tpu.memref_squeeze %dma_wait3A_171 : memref<1x128xi32, #tpu.memory_space<vmem>> -> memref<128xi32, #tpu.memory_space<vmem>>
      %dma_wait3A_173 = arith.constant 0 : i32
      %dma_wait3A_174 = arith.constant 0 : i32
      %dma_wait3A_175 = tpu.memref_slice %arg4[%dma_wait3A_173, %dma_wait3A_174] : memref<10240x48xf32, #tpu.memory_space<hbm>> -> memref<10240x48xf32, #tpu.memory_space<hbm>>
      tpu.wait_indirect_dma semaphore(%arg12 : memref<!tpu.dma_semaphore, #tpu.memory_space<semaphore_mem>>) src(%dma_wait3A_175 : memref<10240x48xf32, #tpu.memory_space<hbm>>) dst(%dma_wait3A_169 : memref<128x48xf32, #tpu.memory_space<vmem>>)
      %dma_start3A_176 = arith.constant 0 : i32
      %dma_start3A_177 = arith.constant 0 : i32
      %dma_start3A_178 = tpu.memref_slice %arg9[%scan3A_98, %dma_start3A_176, %dma_start3A_177] : memref<8x128x48xf32, #tpu.memory_space<vmem>> -> memref<1x128x48xf32, #tpu.memory_space<vmem>>
      %dma_start3A_179 = tpu.memref_squeeze %dma_start3A_178 : memref<1x128x48xf32, #tpu.memory_space<vmem>> -> memref<128x48xf32, #tpu.memory_space<vmem>>
      %dma_start3A_180 = arith.constant 0 : i32
      %dma_start3A_181 = tpu.memref_slice %arg8[%add3A_122, %dma_start3A_180] : memref<80x128xi32, #tpu.memory_space<vmem>> -> memref<1x128xi32, #tpu.memory_space<vmem>>
      %dma_start3A_182 = tpu.memref_squeeze %dma_start3A_181 : memref<1x128xi32, #tpu.memory_space<vmem>> -> memref<128xi32, #tpu.memory_space<vmem>>
      %dma_start3A_183 = arith.constant 0 : i32
      %dma_start3A_184 = arith.constant 0 : i32
      %dma_start3A_185 = tpu.memref_slice %arg10[%dma_start3A_183, %dma_start3A_184] : memref<10240x48xf32, #tpu.memory_space<vmem_shared>> -> memref<10240x48xf32, #tpu.memory_space<vmem_shared>>
      tpu.enqueue_indirect_dma source(%dma_start3A_179 : memref<128x48xf32, #tpu.memory_space<vmem>>) target(%dma_start3A_185 : memref<10240x48xf32, #tpu.memory_space<vmem_shared>>) offsets(%dma_start3A_182 : memref<128xi32, #tpu.memory_space<vmem>>) semaphore(%arg20 : memref<!tpu.dma_semaphore, #tpu.memory_space<semaphore_mem>>) {add = true}
      %dma_wait3A_186 = arith.constant 0 : i32
      %dma_wait3A_187 = arith.constant 0 : i32
      %dma_wait3A_188 = tpu.memref_slice %arg9[%scan3A_99, %dma_wait3A_186, %dma_wait3A_187] : memref<8x128x48xf32, #tpu.memory_space<vmem>> -> memref<1x128x48xf32, #tpu.memory_space<vmem>>
      %dma_wait3A_189 = tpu.memref_squeeze %dma_wait3A_188 : memref<1x128x48xf32, #tpu.memory_space<vmem>> -> memref<128x48xf32, #tpu.memory_space<vmem>>
      %dma_wait3A_190 = arith.constant 0 : i32
      %dma_wait3A_191 = tpu.memref_slice %arg7[%add3A_126, %dma_wait3A_190] : memref<80x128xi32, #tpu.memory_space<vmem>> -> memref<1x128xi32, #tpu.memory_space<vmem>>
      %dma_wait3A_192 = tpu.memref_squeeze %dma_wait3A_191 : memref<1x128xi32, #tpu.memory_space<vmem>> -> memref<128xi32, #tpu.memory_space<vmem>>
      %dma_wait3A_193 = arith.constant 0 : i32
      %dma_wait3A_194 = arith.constant 0 : i32
      %dma_wait3A_195 = tpu.memref_slice %arg4[%dma_wait3A_193, %dma_wait3A_194] : memref<10240x48xf32, #tpu.memory_space<hbm>> -> memref<10240x48xf32, #tpu.memory_space<hbm>>
      tpu.wait_indirect_dma semaphore(%arg13 : memref<!tpu.dma_semaphore, #tpu.memory_space<semaphore_mem>>) src(%dma_wait3A_195 : memref<10240x48xf32, #tpu.memory_space<hbm>>) dst(%dma_wait3A_189 : memref<128x48xf32, #tpu.memory_space<vmem>>)
      %dma_start3A_196 = arith.constant 0 : i32
      %dma_start3A_197 = arith.constant 0 : i32
      %dma_start3A_198 = tpu.memref_slice %arg9[%scan3A_99, %dma_start3A_196, %dma_start3A_197] : memref<8x128x48xf32, #tpu.memory_space<vmem>> -> memref<1x128x48xf32, #tpu.memory_space<vmem>>
      %dma_start3A_199 = tpu.memref_squeeze %dma_start3A_198 : memref<1x128x48xf32, #tpu.memory_space<vmem>> -> memref<128x48xf32, #tpu.memory_space<vmem>>
      %dma_start3A_200 = arith.constant 0 : i32
      %dma_start3A_201 = tpu.memref_slice %arg8[%add3A_126, %dma_start3A_200] : memref<80x128xi32, #tpu.memory_space<vmem>> -> memref<1x128xi32, #tpu.memory_space<vmem>>
      %dma_start3A_202 = tpu.memref_squeeze %dma_start3A_201 : memref<1x128xi32, #tpu.memory_space<vmem>> -> memref<128xi32, #tpu.memory_space<vmem>>
      %dma_start3A_203 = arith.constant 0 : i32
      %dma_start3A_204 = arith.constant 0 : i32
      %dma_start3A_205 = tpu.memref_slice %arg10[%dma_start3A_203, %dma_start3A_204] : memref<10240x48xf32, #tpu.memory_space<vmem_shared>> -> memref<10240x48xf32, #tpu.memory_space<vmem_shared>>
      tpu.enqueue_indirect_dma source(%dma_start3A_199 : memref<128x48xf32, #tpu.memory_space<vmem>>) target(%dma_start3A_205 : memref<10240x48xf32, #tpu.memory_space<vmem_shared>>) offsets(%dma_start3A_202 : memref<128xi32, #tpu.memory_space<vmem>>) semaphore(%arg21 : memref<!tpu.dma_semaphore, #tpu.memory_space<semaphore_mem>>) {add = true}
      %dma_wait3A_206 = arith.constant 0 : i32
      %dma_wait3A_207 = arith.constant 0 : i32
      %dma_wait3A_208 = tpu.memref_slice %arg9[%scan3A_100, %dma_wait3A_206, %dma_wait3A_207] : memref<8x128x48xf32, #tpu.memory_space<vmem>> -> memref<1x128x48xf32, #tpu.memory_space<vmem>>
      %dma_wait3A_209 = tpu.memref_squeeze %dma_wait3A_208 : memref<1x128x48xf32, #tpu.memory_space<vmem>> -> memref<128x48xf32, #tpu.memory_space<vmem>>
      %dma_wait3A_210 = arith.constant 0 : i32
      %dma_wait3A_211 = tpu.memref_slice %arg7[%add3A_130, %dma_wait3A_210] : memref<80x128xi32, #tpu.memory_space<vmem>> -> memref<1x128xi32, #tpu.memory_space<vmem>>
      %dma_wait3A_212 = tpu.memref_squeeze %dma_wait3A_211 : memref<1x128xi32, #tpu.memory_space<vmem>> -> memref<128xi32, #tpu.memory_space<vmem>>
      %dma_wait3A_213 = arith.constant 0 : i32
      %dma_wait3A_214 = arith.constant 0 : i32
      %dma_wait3A_215 = tpu.memref_slice %arg4[%dma_wait3A_213, %dma_wait3A_214] : memref<10240x48xf32, #tpu.memory_space<hbm>> -> memref<10240x48xf32, #tpu.memory_space<hbm>>
      tpu.wait_indirect_dma semaphore(%arg14 : memref<!tpu.dma_semaphore, #tpu.memory_space<semaphore_mem>>) src(%dma_wait3A_215 : memref<10240x48xf32, #tpu.memory_space<hbm>>) dst(%dma_wait3A_209 : memref<128x48xf32, #tpu.memory_space<vmem>>)
      %dma_start3A_216 = arith.constant 0 : i32
      %dma_start3A_217 = arith.constant 0 : i32
      %dma_start3A_218 = tpu.memref_slice %arg9[%scan3A_100, %dma_start3A_216, %dma_start3A_217] : memref<8x128x48xf32, #tpu.memory_space<vmem>> -> memref<1x128x48xf32, #tpu.memory_space<vmem>>
      %dma_start3A_219 = tpu.memref_squeeze %dma_start3A_218 : memref<1x128x48xf32, #tpu.memory_space<vmem>> -> memref<128x48xf32, #tpu.memory_space<vmem>>
      %dma_start3A_220 = arith.constant 0 : i32
      %dma_start3A_221 = tpu.memref_slice %arg8[%add3A_130, %dma_start3A_220] : memref<80x128xi32, #tpu.memory_space<vmem>> -> memref<1x128xi32, #tpu.memory_space<vmem>>
      %dma_start3A_222 = tpu.memref_squeeze %dma_start3A_221 : memref<1x128xi32, #tpu.memory_space<vmem>> -> memref<128xi32, #tpu.memory_space<vmem>>
      %dma_start3A_223 = arith.constant 0 : i32
      %dma_start3A_224 = arith.constant 0 : i32
      %dma_start3A_225 = tpu.memref_slice %arg10[%dma_start3A_223, %dma_start3A_224] : memref<10240x48xf32, #tpu.memory_space<vmem_shared>> -> memref<10240x48xf32, #tpu.memory_space<vmem_shared>>
      tpu.enqueue_indirect_dma source(%dma_start3A_219 : memref<128x48xf32, #tpu.memory_space<vmem>>) target(%dma_start3A_225 : memref<10240x48xf32, #tpu.memory_space<vmem_shared>>) offsets(%dma_start3A_222 : memref<128xi32, #tpu.memory_space<vmem>>) semaphore(%arg22 : memref<!tpu.dma_semaphore, #tpu.memory_space<semaphore_mem>>) {add = true}
      %dma_wait3A_226 = arith.constant 0 : i32
      %dma_wait3A_227 = arith.constant 0 : i32
      %dma_wait3A_228 = tpu.memref_slice %arg9[%scan3A_101, %dma_wait3A_226, %dma_wait3A_227] : memref<8x128x48xf32, #tpu.memory_space<vmem>> -> memref<1x128x48xf32, #tpu.memory_space<vmem>>
      %dma_wait3A_229 = tpu.memref_squeeze %dma_wait3A_228 : memref<1x128x48xf32, #tpu.memory_space<vmem>> -> memref<128x48xf32, #tpu.memory_space<vmem>>
      %dma_wait3A_230 = arith.constant 0 : i32
      %dma_wait3A_231 = tpu.memref_slice %arg7[%add3A_134, %dma_wait3A_230] : memref<80x128xi32, #tpu.memory_space<vmem>> -> memref<1x128xi32, #tpu.memory_space<vmem>>
      %dma_wait3A_232 = tpu.memref_squeeze %dma_wait3A_231 : memref<1x128xi32, #tpu.memory_space<vmem>> -> memref<128xi32, #tpu.memory_space<vmem>>
      %dma_wait3A_233 = arith.constant 0 : i32
      %dma_wait3A_234 = arith.constant 0 : i32
      %dma_wait3A_235 = tpu.memref_slice %arg4[%dma_wait3A_233, %dma_wait3A_234] : memref<10240x48xf32, #tpu.memory_space<hbm>> -> memref<10240x48xf32, #tpu.memory_space<hbm>>
      tpu.wait_indirect_dma semaphore(%arg15 : memref<!tpu.dma_semaphore, #tpu.memory_space<semaphore_mem>>) src(%dma_wait3A_235 : memref<10240x48xf32, #tpu.memory_space<hbm>>) dst(%dma_wait3A_229 : memref<128x48xf32, #tpu.memory_space<vmem>>)
      %dma_start3A_236 = arith.constant 0 : i32
      %dma_start3A_237 = arith.constant 0 : i32
      %dma_start3A_238 = tpu.memref_slice %arg9[%scan3A_101, %dma_start3A_236, %dma_start3A_237] : memref<8x128x48xf32, #tpu.memory_space<vmem>> -> memref<1x128x48xf32, #tpu.memory_space<vmem>>
      %dma_start3A_239 = tpu.memref_squeeze %dma_start3A_238 : memref<1x128x48xf32, #tpu.memory_space<vmem>> -> memref<128x48xf32, #tpu.memory_space<vmem>>
      %dma_start3A_240 = arith.constant 0 : i32
      %dma_start3A_241 = tpu.memref_slice %arg8[%add3A_134, %dma_start3A_240] : memref<80x128xi32, #tpu.memory_space<vmem>> -> memref<1x128xi32, #tpu.memory_space<vmem>>
      %dma_start3A_242 = tpu.memref_squeeze %dma_start3A_241 : memref<1x128xi32, #tpu.memory_space<vmem>> -> memref<128xi32, #tpu.memory_space<vmem>>
      %dma_start3A_243 = arith.constant 0 : i32
      %dma_start3A_244 = arith.constant 0 : i32
      %dma_start3A_245 = tpu.memref_slice %arg10[%dma_start3A_243, %dma_start3A_244] : memref<10240x48xf32, #tpu.memory_space<vmem_shared>> -> memref<10240x48xf32, #tpu.memory_space<vmem_shared>>
      tpu.enqueue_indirect_dma source(%dma_start3A_239 : memref<128x48xf32, #tpu.memory_space<vmem>>) target(%dma_start3A_245 : memref<10240x48xf32, #tpu.memory_space<vmem_shared>>) offsets(%dma_start3A_242 : memref<128xi32, #tpu.memory_space<vmem>>) semaphore(%arg23 : memref<!tpu.dma_semaphore, #tpu.memory_space<semaphore_mem>>) {add = true}
      %dma_wait3A_246 = arith.constant 0 : i32
      %dma_wait3A_247 = arith.constant 0 : i32
      %dma_wait3A_248 = tpu.memref_slice %arg9[%scan3A_102, %dma_wait3A_246, %dma_wait3A_247] : memref<8x128x48xf32, #tpu.memory_space<vmem>> -> memref<1x128x48xf32, #tpu.memory_space<vmem>>
      %dma_wait3A_249 = tpu.memref_squeeze %dma_wait3A_248 : memref<1x128x48xf32, #tpu.memory_space<vmem>> -> memref<128x48xf32, #tpu.memory_space<vmem>>
      %dma_wait3A_250 = arith.constant 0 : i32
      %dma_wait3A_251 = tpu.memref_slice %arg7[%add3A_138, %dma_wait3A_250] : memref<80x128xi32, #tpu.memory_space<vmem>> -> memref<1x128xi32, #tpu.memory_space<vmem>>
      %dma_wait3A_252 = tpu.memref_squeeze %dma_wait3A_251 : memref<1x128xi32, #tpu.memory_space<vmem>> -> memref<128xi32, #tpu.memory_space<vmem>>
      %dma_wait3A_253 = arith.constant 0 : i32
      %dma_wait3A_254 = arith.constant 0 : i32
      %dma_wait3A_255 = tpu.memref_slice %arg4[%dma_wait3A_253, %dma_wait3A_254] : memref<10240x48xf32, #tpu.memory_space<hbm>> -> memref<10240x48xf32, #tpu.memory_space<hbm>>
      tpu.wait_indirect_dma semaphore(%arg16 : memref<!tpu.dma_semaphore, #tpu.memory_space<semaphore_mem>>) src(%dma_wait3A_255 : memref<10240x48xf32, #tpu.memory_space<hbm>>) dst(%dma_wait3A_249 : memref<128x48xf32, #tpu.memory_space<vmem>>)
      %dma_start3A_256 = arith.constant 0 : i32
      %dma_start3A_257 = arith.constant 0 : i32
      %dma_start3A_258 = tpu.memref_slice %arg9[%scan3A_102, %dma_start3A_256, %dma_start3A_257] : memref<8x128x48xf32, #tpu.memory_space<vmem>> -> memref<1x128x48xf32, #tpu.memory_space<vmem>>
      %dma_start3A_259 = tpu.memref_squeeze %dma_start3A_258 : memref<1x128x48xf32, #tpu.memory_space<vmem>> -> memref<128x48xf32, #tpu.memory_space<vmem>>
      %dma_start3A_260 = arith.constant 0 : i32
      %dma_start3A_261 = tpu.memref_slice %arg8[%add3A_138, %dma_start3A_260] : memref<80x128xi32, #tpu.memory_space<vmem>> -> memref<1x128xi32, #tpu.memory_space<vmem>>
      %dma_start3A_262 = tpu.memref_squeeze %dma_start3A_261 : memref<1x128xi32, #tpu.memory_space<vmem>> -> memref<128xi32, #tpu.memory_space<vmem>>
      %dma_start3A_263 = arith.constant 0 : i32
      %dma_start3A_264 = arith.constant 0 : i32
      %dma_start3A_265 = tpu.memref_slice %arg10[%dma_start3A_263, %dma_start3A_264] : memref<10240x48xf32, #tpu.memory_space<vmem_shared>> -> memref<10240x48xf32, #tpu.memory_space<vmem_shared>>
      tpu.enqueue_indirect_dma source(%dma_start3A_259 : memref<128x48xf32, #tpu.memory_space<vmem>>) target(%dma_start3A_265 : memref<10240x48xf32, #tpu.memory_space<vmem_shared>>) offsets(%dma_start3A_262 : memref<128xi32, #tpu.memory_space<vmem>>) semaphore(%arg24 : memref<!tpu.dma_semaphore, #tpu.memory_space<semaphore_mem>>) {add = true}
      %dma_wait3A_266 = arith.constant 0 : i32
      %dma_wait3A_267 = arith.constant 0 : i32
      %dma_wait3A_268 = tpu.memref_slice %arg9[%scan3A_103, %dma_wait3A_266, %dma_wait3A_267] : memref<8x128x48xf32, #tpu.memory_space<vmem>> -> memref<1x128x48xf32, #tpu.memory_space<vmem>>
      %dma_wait3A_269 = tpu.memref_squeeze %dma_wait3A_268 : memref<1x128x48xf32, #tpu.memory_space<vmem>> -> memref<128x48xf32, #tpu.memory_space<vmem>>
      %dma_wait3A_270 = arith.constant 0 : i32
      %dma_wait3A_271 = tpu.memref_slice %arg7[%add3A_142, %dma_wait3A_270] : memref<80x128xi32, #tpu.memory_space<vmem>> -> memref<1x128xi32, #tpu.memory_space<vmem>>
      %dma_wait3A_272 = tpu.memref_squeeze %dma_wait3A_271 : memref<1x128xi32, #tpu.memory_space<vmem>> -> memref<128xi32, #tpu.memory_space<vmem>>
      %dma_wait3A_273 = arith.constant 0 : i32
      %dma_wait3A_274 = arith.constant 0 : i32
      %dma_wait3A_275 = tpu.memref_slice %arg4[%dma_wait3A_273, %dma_wait3A_274] : memref<10240x48xf32, #tpu.memory_space<hbm>> -> memref<10240x48xf32, #tpu.memory_space<hbm>>
      tpu.wait_indirect_dma semaphore(%arg17 : memref<!tpu.dma_semaphore, #tpu.memory_space<semaphore_mem>>) src(%dma_wait3A_275 : memref<10240x48xf32, #tpu.memory_space<hbm>>) dst(%dma_wait3A_269 : memref<128x48xf32, #tpu.memory_space<vmem>>)
      %dma_start3A_276 = arith.constant 0 : i32
      %dma_start3A_277 = arith.constant 0 : i32
      %dma_start3A_278 = tpu.memref_slice %arg9[%scan3A_103, %dma_start3A_276, %dma_start3A_277] : memref<8x128x48xf32, #tpu.memory_space<vmem>> -> memref<1x128x48xf32, #tpu.memory_space<vmem>>
      %dma_start3A_279 = tpu.memref_squeeze %dma_start3A_278 : memref<1x128x48xf32, #tpu.memory_space<vmem>> -> memref<128x48xf32, #tpu.memory_space<vmem>>
      %dma_start3A_280 = arith.constant 0 : i32
      %dma_start3A_281 = tpu.memref_slice %arg8[%add3A_142, %dma_start3A_280] : memref<80x128xi32, #tpu.memory_space<vmem>> -> memref<1x128xi32, #tpu.memory_space<vmem>>
      %dma_start3A_282 = tpu.memref_squeeze %dma_start3A_281 : memref<1x128xi32, #tpu.memory_space<vmem>> -> memref<128xi32, #tpu.memory_space<vmem>>
      %dma_start3A_283 = arith.constant 0 : i32
      %dma_start3A_284 = arith.constant 0 : i32
      %dma_start3A_285 = tpu.memref_slice %arg10[%dma_start3A_283, %dma_start3A_284] : memref<10240x48xf32, #tpu.memory_space<vmem_shared>> -> memref<10240x48xf32, #tpu.memory_space<vmem_shared>>
      tpu.enqueue_indirect_dma source(%dma_start3A_279 : memref<128x48xf32, #tpu.memory_space<vmem>>) target(%dma_start3A_285 : memref<10240x48xf32, #tpu.memory_space<vmem_shared>>) offsets(%dma_start3A_282 : memref<128xi32, #tpu.memory_space<vmem>>) semaphore(%arg25 : memref<!tpu.dma_semaphore, #tpu.memory_space<semaphore_mem>>) {add = true}
      %dma_wait3A_286 = arith.constant 0 : i32
      %dma_wait3A_287 = arith.constant 0 : i32
      %dma_wait3A_288 = tpu.memref_slice %arg9[%scan3A_104, %dma_wait3A_286, %dma_wait3A_287] : memref<8x128x48xf32, #tpu.memory_space<vmem>> -> memref<1x128x48xf32, #tpu.memory_space<vmem>>
      %dma_wait3A_289 = tpu.memref_squeeze %dma_wait3A_288 : memref<1x128x48xf32, #tpu.memory_space<vmem>> -> memref<128x48xf32, #tpu.memory_space<vmem>>
      %dma_wait3A_290 = arith.constant 0 : i32
      %dma_wait3A_291 = tpu.memref_slice %arg7[%add3A_146, %dma_wait3A_290] : memref<80x128xi32, #tpu.memory_space<vmem>> -> memref<1x128xi32, #tpu.memory_space<vmem>>
      %dma_wait3A_292 = tpu.memref_squeeze %dma_wait3A_291 : memref<1x128xi32, #tpu.memory_space<vmem>> -> memref<128xi32, #tpu.memory_space<vmem>>
      %dma_wait3A_293 = arith.constant 0 : i32
      %dma_wait3A_294 = arith.constant 0 : i32
      %dma_wait3A_295 = tpu.memref_slice %arg4[%dma_wait3A_293, %dma_wait3A_294] : memref<10240x48xf32, #tpu.memory_space<hbm>> -> memref<10240x48xf32, #tpu.memory_space<hbm>>
      tpu.wait_indirect_dma semaphore(%arg18 : memref<!tpu.dma_semaphore, #tpu.memory_space<semaphore_mem>>) src(%dma_wait3A_295 : memref<10240x48xf32, #tpu.memory_space<hbm>>) dst(%dma_wait3A_289 : memref<128x48xf32, #tpu.memory_space<vmem>>)
      %dma_start3A_296 = arith.constant 0 : i32
      %dma_start3A_297 = arith.constant 0 : i32
      %dma_start3A_298 = tpu.memref_slice %arg9[%scan3A_104, %dma_start3A_296, %dma_start3A_297] : memref<8x128x48xf32, #tpu.memory_space<vmem>> -> memref<1x128x48xf32, #tpu.memory_space<vmem>>
      %dma_start3A_299 = tpu.memref_squeeze %dma_start3A_298 : memref<1x128x48xf32, #tpu.memory_space<vmem>> -> memref<128x48xf32, #tpu.memory_space<vmem>>
      %dma_start3A_300 = arith.constant 0 : i32
      %dma_start3A_301 = tpu.memref_slice %arg8[%add3A_146, %dma_start3A_300] : memref<80x128xi32, #tpu.memory_space<vmem>> -> memref<1x128xi32, #tpu.memory_space<vmem>>
      %dma_start3A_302 = tpu.memref_squeeze %dma_start3A_301 : memref<1x128xi32, #tpu.memory_space<vmem>> -> memref<128xi32, #tpu.memory_space<vmem>>
      %dma_start3A_303 = arith.constant 0 : i32
      %dma_start3A_304 = arith.constant 0 : i32
      %dma_start3A_305 = tpu.memref_slice %arg10[%dma_start3A_303, %dma_start3A_304] : memref<10240x48xf32, #tpu.memory_space<vmem_shared>> -> memref<10240x48xf32, #tpu.memory_space<vmem_shared>>
      tpu.enqueue_indirect_dma source(%dma_start3A_299 : memref<128x48xf32, #tpu.memory_space<vmem>>) target(%dma_start3A_305 : memref<10240x48xf32, #tpu.memory_space<vmem_shared>>) offsets(%dma_start3A_302 : memref<128xi32, #tpu.memory_space<vmem>>) semaphore(%arg26 : memref<!tpu.dma_semaphore, #tpu.memory_space<semaphore_mem>>) {add = true}
      %dma_wait3A_306 = arith.constant 0 : i32
      %dma_wait3A_307 = arith.constant 0 : i32
      %dma_wait3A_308 = tpu.memref_slice %arg9[%scan3A, %dma_wait3A_306, %dma_wait3A_307] : memref<8x128x48xf32, #tpu.memory_space<vmem>> -> memref<1x128x48xf32, #tpu.memory_space<vmem>>
      %dma_wait3A_309 = tpu.memref_squeeze %dma_wait3A_308 : memref<1x128x48xf32, #tpu.memory_space<vmem>> -> memref<128x48xf32, #tpu.memory_space<vmem>>
      %dma_wait3A_310 = arith.constant 0 : i32
      %dma_wait3A_311 = tpu.memref_slice %arg8[%add3A_118, %dma_wait3A_310] : memref<80x128xi32, #tpu.memory_space<vmem>> -> memref<1x128xi32, #tpu.memory_space<vmem>>
      %dma_wait3A_312 = tpu.memref_squeeze %dma_wait3A_311 : memref<1x128xi32, #tpu.memory_space<vmem>> -> memref<128xi32, #tpu.memory_space<vmem>>
      %dma_wait3A_313 = arith.constant 0 : i32
      %dma_wait3A_314 = arith.constant 0 : i32
      %dma_wait3A_315 = tpu.memref_slice %arg10[%dma_wait3A_313, %dma_wait3A_314] : memref<10240x48xf32, #tpu.memory_space<vmem_shared>> -> memref<10240x48xf32, #tpu.memory_space<vmem_shared>>
      tpu.wait_indirect_dma semaphore(%arg19 : memref<!tpu.dma_semaphore, #tpu.memory_space<semaphore_mem>>) src(%dma_wait3A_309 : memref<128x48xf32, #tpu.memory_space<vmem>>) dst(%dma_wait3A_315 : memref<10240x48xf32, #tpu.memory_space<vmem_shared>>)
      %ne3A = arith.constant 9 : i32
      %ne3A_316 = arith.cmpi ne, %scan3A_113, %ne3A : i32
      %convert_element_type3A = arith.extui %ne3A_316 : i1 to i32
      %cond3A = arith.constant 0 : i32
      %cond3A_317 = arith.cmpi ne, %convert_element_type3A, %cond3A : i32
      scf.if %cond3A_317 {
        %add3A_424 = arith.constant 8 : i32
        %add3A_425 = arith.addi %add3A_118, %add3A_424 : i32
        %dma_start3A_426 = arith.constant 0 : i32
        %dma_start3A_427 = arith.constant 0 : i32
        %dma_start3A_428 = tpu.memref_slice %arg9[%scan3A, %dma_start3A_426, %dma_start3A_427] : memref<8x128x48xf32, #tpu.memory_space<vmem>> -> memref<1x128x48xf32, #tpu.memory_space<vmem>>
        %dma_start3A_429 = tpu.memref_squeeze %dma_start3A_428 : memref<1x128x48xf32, #tpu.memory_space<vmem>> -> memref<128x48xf32, #tpu.memory_space<vmem>>
        %dma_start3A_430 = arith.constant 0 : i32
        %dma_start3A_431 = tpu.memref_slice %arg7[%add3A_425, %dma_start3A_430] : memref<80x128xi32, #tpu.memory_space<vmem>> -> memref<1x128xi32, #tpu.memory_space<vmem>>
        %dma_start3A_432 = tpu.memref_squeeze %dma_start3A_431 : memref<1x128xi32, #tpu.memory_space<vmem>> -> memref<128xi32, #tpu.memory_space<vmem>>
        %dma_start3A_433 = arith.constant 0 : i32
        %dma_start3A_434 = arith.constant 0 : i32
        %dma_start3A_435 = tpu.memref_slice %arg4[%dma_start3A_433, %dma_start3A_434] : memref<10240x48xf32, #tpu.memory_space<hbm>> -> memref<10240x48xf32, #tpu.memory_space<hbm>>
        tpu.enqueue_indirect_dma source(%dma_start3A_435 : memref<10240x48xf32, #tpu.memory_space<hbm>>) target(%dma_start3A_429 : memref<128x48xf32, #tpu.memory_space<vmem>>) offsets(%dma_start3A_432 : memref<128xi32, #tpu.memory_space<vmem>>) semaphore(%arg11 : memref<!tpu.dma_semaphore, #tpu.memory_space<semaphore_mem>>)
      } else {
      }
      %dma_wait3A_318 = arith.constant 0 : i32
      %dma_wait3A_319 = arith.constant 0 : i32
      %dma_wait3A_320 = tpu.memref_slice %arg9[%scan3A_98, %dma_wait3A_318, %dma_wait3A_319] : memref<8x128x48xf32, #tpu.memory_space<vmem>> -> memref<1x128x48xf32, #tpu.memory_space<vmem>>
      %dma_wait3A_321 = tpu.memref_squeeze %dma_wait3A_320 : memref<1x128x48xf32, #tpu.memory_space<vmem>> -> memref<128x48xf32, #tpu.memory_space<vmem>>
      %dma_wait3A_322 = arith.constant 0 : i32
      %dma_wait3A_323 = tpu.memref_slice %arg8[%add3A_122, %dma_wait3A_322] : memref<80x128xi32, #tpu.memory_space<vmem>> -> memref<1x128xi32, #tpu.memory_space<vmem>>
      %dma_wait3A_324 = tpu.memref_squeeze %dma_wait3A_323 : memref<1x128xi32, #tpu.memory_space<vmem>> -> memref<128xi32, #tpu.memory_space<vmem>>
      %dma_wait3A_325 = arith.constant 0 : i32
      %dma_wait3A_326 = arith.constant 0 : i32
      %dma_wait3A_327 = tpu.memref_slice %arg10[%dma_wait3A_325, %dma_wait3A_326] : memref<10240x48xf32, #tpu.memory_space<vmem_shared>> -> memref<10240x48xf32, #tpu.memory_space<vmem_shared>>
      tpu.wait_indirect_dma semaphore(%arg20 : memref<!tpu.dma_semaphore, #tpu.memory_space<semaphore_mem>>) src(%dma_wait3A_321 : memref<128x48xf32, #tpu.memory_space<vmem>>) dst(%dma_wait3A_327 : memref<10240x48xf32, #tpu.memory_space<vmem_shared>>)
      %ne3A_328 = arith.constant 9 : i32
      %ne3A_329 = arith.cmpi ne, %scan3A_113, %ne3A_328 : i32
      %convert_element_type3A_330 = arith.extui %ne3A_329 : i1 to i32
      %cond3A_331 = arith.constant 0 : i32
      %cond3A_332 = arith.cmpi ne, %convert_element_type3A_330, %cond3A_331 : i32
      scf.if %cond3A_332 {
        %add3A_424 = arith.constant 8 : i32
        %add3A_425 = arith.addi %add3A_122, %add3A_424 : i32
        %dma_start3A_426 = arith.constant 0 : i32
        %dma_start3A_427 = arith.constant 0 : i32
        %dma_start3A_428 = tpu.memref_slice %arg9[%scan3A_98, %dma_start3A_426, %dma_start3A_427] : memref<8x128x48xf32, #tpu.memory_space<vmem>> -> memref<1x128x48xf32, #tpu.memory_space<vmem>>
        %dma_start3A_429 = tpu.memref_squeeze %dma_start3A_428 : memref<1x128x48xf32, #tpu.memory_space<vmem>> -> memref<128x48xf32, #tpu.memory_space<vmem>>
        %dma_start3A_430 = arith.constant 0 : i32
        %dma_start3A_431 = tpu.memref_slice %arg7[%add3A_425, %dma_start3A_430] : memref<80x128xi32, #tpu.memory_space<vmem>> -> memref<1x128xi32, #tpu.memory_space<vmem>>
        %dma_start3A_432 = tpu.memref_squeeze %dma_start3A_431 : memref<1x128xi32, #tpu.memory_space<vmem>> -> memref<128xi32, #tpu.memory_space<vmem>>
        %dma_start3A_433 = arith.constant 0 : i32
        %dma_start3A_434 = arith.constant 0 : i32
        %dma_start3A_435 = tpu.memref_slice %arg4[%dma_start3A_433, %dma_start3A_434] : memref<10240x48xf32, #tpu.memory_space<hbm>> -> memref<10240x48xf32, #tpu.memory_space<hbm>>
        tpu.enqueue_indirect_dma source(%dma_start3A_435 : memref<10240x48xf32, #tpu.memory_space<hbm>>) target(%dma_start3A_429 : memref<128x48xf32, #tpu.memory_space<vmem>>) offsets(%dma_start3A_432 : memref<128xi32, #tpu.memory_space<vmem>>) semaphore(%arg12 : memref<!tpu.dma_semaphore, #tpu.memory_space<semaphore_mem>>)
      } else {
      }
      %dma_wait3A_333 = arith.constant 0 : i32
      %dma_wait3A_334 = arith.constant 0 : i32
      %dma_wait3A_335 = tpu.memref_slice %arg9[%scan3A_99, %dma_wait3A_333, %dma_wait3A_334] : memref<8x128x48xf32, #tpu.memory_space<vmem>> -> memref<1x128x48xf32, #tpu.memory_space<vmem>>
      %dma_wait3A_336 = tpu.memref_squeeze %dma_wait3A_335 : memref<1x128x48xf32, #tpu.memory_space<vmem>> -> memref<128x48xf32, #tpu.memory_space<vmem>>
      %dma_wait3A_337 = arith.constant 0 : i32
      %dma_wait3A_338 = tpu.memref_slice %arg8[%add3A_126, %dma_wait3A_337] : memref<80x128xi32, #tpu.memory_space<vmem>> -> memref<1x128xi32, #tpu.memory_space<vmem>>
      %dma_wait3A_339 = tpu.memref_squeeze %dma_wait3A_338 : memref<1x128xi32, #tpu.memory_space<vmem>> -> memref<128xi32, #tpu.memory_space<vmem>>
      %dma_wait3A_340 = arith.constant 0 : i32
      %dma_wait3A_341 = arith.constant 0 : i32
      %dma_wait3A_342 = tpu.memref_slice %arg10[%dma_wait3A_340, %dma_wait3A_341] : memref<10240x48xf32, #tpu.memory_space<vmem_shared>> -> memref<10240x48xf32, #tpu.memory_space<vmem_shared>>
      tpu.wait_indirect_dma semaphore(%arg21 : memref<!tpu.dma_semaphore, #tpu.memory_space<semaphore_mem>>) src(%dma_wait3A_336 : memref<128x48xf32, #tpu.memory_space<vmem>>) dst(%dma_wait3A_342 : memref<10240x48xf32, #tpu.memory_space<vmem_shared>>)
      %ne3A_343 = arith.constant 9 : i32
      %ne3A_344 = arith.cmpi ne, %scan3A_113, %ne3A_343 : i32
      %convert_element_type3A_345 = arith.extui %ne3A_344 : i1 to i32
      %cond3A_346 = arith.constant 0 : i32
      %cond3A_347 = arith.cmpi ne, %convert_element_type3A_345, %cond3A_346 : i32
      scf.if %cond3A_347 {
        %add3A_424 = arith.constant 8 : i32
        %add3A_425 = arith.addi %add3A_126, %add3A_424 : i32
        %dma_start3A_426 = arith.constant 0 : i32
        %dma_start3A_427 = arith.constant 0 : i32
        %dma_start3A_428 = tpu.memref_slice %arg9[%scan3A_99, %dma_start3A_426, %dma_start3A_427] : memref<8x128x48xf32, #tpu.memory_space<vmem>> -> memref<1x128x48xf32, #tpu.memory_space<vmem>>
        %dma_start3A_429 = tpu.memref_squeeze %dma_start3A_428 : memref<1x128x48xf32, #tpu.memory_space<vmem>> -> memref<128x48xf32, #tpu.memory_space<vmem>>
        %dma_start3A_430 = arith.constant 0 : i32
        %dma_start3A_431 = tpu.memref_slice %arg7[%add3A_425, %dma_start3A_430] : memref<80x128xi32, #tpu.memory_space<vmem>> -> memref<1x128xi32, #tpu.memory_space<vmem>>
        %dma_start3A_432 = tpu.memref_squeeze %dma_start3A_431 : memref<1x128xi32, #tpu.memory_space<vmem>> -> memref<128xi32, #tpu.memory_space<vmem>>
        %dma_start3A_433 = arith.constant 0 : i32
        %dma_start3A_434 = arith.constant 0 : i32
        %dma_start3A_435 = tpu.memref_slice %arg4[%dma_start3A_433, %dma_start3A_434] : memref<10240x48xf32, #tpu.memory_space<hbm>> -> memref<10240x48xf32, #tpu.memory_space<hbm>>
        tpu.enqueue_indirect_dma source(%dma_start3A_435 : memref<10240x48xf32, #tpu.memory_space<hbm>>) target(%dma_start3A_429 : memref<128x48xf32, #tpu.memory_space<vmem>>) offsets(%dma_start3A_432 : memref<128xi32, #tpu.memory_space<vmem>>) semaphore(%arg13 : memref<!tpu.dma_semaphore, #tpu.memory_space<semaphore_mem>>)
      } else {
      }
      %dma_wait3A_348 = arith.constant 0 : i32
      %dma_wait3A_349 = arith.constant 0 : i32
      %dma_wait3A_350 = tpu.memref_slice %arg9[%scan3A_100, %dma_wait3A_348, %dma_wait3A_349] : memref<8x128x48xf32, #tpu.memory_space<vmem>> -> memref<1x128x48xf32, #tpu.memory_space<vmem>>
      %dma_wait3A_351 = tpu.memref_squeeze %dma_wait3A_350 : memref<1x128x48xf32, #tpu.memory_space<vmem>> -> memref<128x48xf32, #tpu.memory_space<vmem>>
      %dma_wait3A_352 = arith.constant 0 : i32
      %dma_wait3A_353 = tpu.memref_slice %arg8[%add3A_130, %dma_wait3A_352] : memref<80x128xi32, #tpu.memory_space<vmem>> -> memref<1x128xi32, #tpu.memory_space<vmem>>
      %dma_wait3A_354 = tpu.memref_squeeze %dma_wait3A_353 : memref<1x128xi32, #tpu.memory_space<vmem>> -> memref<128xi32, #tpu.memory_space<vmem>>
      %dma_wait3A_355 = arith.constant 0 : i32
      %dma_wait3A_356 = arith.constant 0 : i32
      %dma_wait3A_357 = tpu.memref_slice %arg10[%dma_wait3A_355, %dma_wait3A_356] : memref<10240x48xf32, #tpu.memory_space<vmem_shared>> -> memref<10240x48xf32, #tpu.memory_space<vmem_shared>>
      tpu.wait_indirect_dma semaphore(%arg22 : memref<!tpu.dma_semaphore, #tpu.memory_space<semaphore_mem>>) src(%dma_wait3A_351 : memref<128x48xf32, #tpu.memory_space<vmem>>) dst(%dma_wait3A_357 : memref<10240x48xf32, #tpu.memory_space<vmem_shared>>)
      %ne3A_358 = arith.constant 9 : i32
      %ne3A_359 = arith.cmpi ne, %scan3A_113, %ne3A_358 : i32
      %convert_element_type3A_360 = arith.extui %ne3A_359 : i1 to i32
      %cond3A_361 = arith.constant 0 : i32
      %cond3A_362 = arith.cmpi ne, %convert_element_type3A_360, %cond3A_361 : i32
      scf.if %cond3A_362 {
        %add3A_424 = arith.constant 8 : i32
        %add3A_425 = arith.addi %add3A_130, %add3A_424 : i32
        %dma_start3A_426 = arith.constant 0 : i32
        %dma_start3A_427 = arith.constant 0 : i32
        %dma_start3A_428 = tpu.memref_slice %arg9[%scan3A_100, %dma_start3A_426, %dma_start3A_427] : memref<8x128x48xf32, #tpu.memory_space<vmem>> -> memref<1x128x48xf32, #tpu.memory_space<vmem>>
        %dma_start3A_429 = tpu.memref_squeeze %dma_start3A_428 : memref<1x128x48xf32, #tpu.memory_space<vmem>> -> memref<128x48xf32, #tpu.memory_space<vmem>>
        %dma_start3A_430 = arith.constant 0 : i32
        %dma_start3A_431 = tpu.memref_slice %arg7[%add3A_425, %dma_start3A_430] : memref<80x128xi32, #tpu.memory_space<vmem>> -> memref<1x128xi32, #tpu.memory_space<vmem>>
        %dma_start3A_432 = tpu.memref_squeeze %dma_start3A_431 : memref<1x128xi32, #tpu.memory_space<vmem>> -> memref<128xi32, #tpu.memory_space<vmem>>
        %dma_start3A_433 = arith.constant 0 : i32
        %dma_start3A_434 = arith.constant 0 : i32
        %dma_start3A_435 = tpu.memref_slice %arg4[%dma_start3A_433, %dma_start3A_434] : memref<10240x48xf32, #tpu.memory_space<hbm>> -> memref<10240x48xf32, #tpu.memory_space<hbm>>
        tpu.enqueue_indirect_dma source(%dma_start3A_435 : memref<10240x48xf32, #tpu.memory_space<hbm>>) target(%dma_start3A_429 : memref<128x48xf32, #tpu.memory_space<vmem>>) offsets(%dma_start3A_432 : memref<128xi32, #tpu.memory_space<vmem>>) semaphore(%arg14 : memref<!tpu.dma_semaphore, #tpu.memory_space<semaphore_mem>>)
      } else {
      }
      %dma_wait3A_363 = arith.constant 0 : i32
      %dma_wait3A_364 = arith.constant 0 : i32
      %dma_wait3A_365 = tpu.memref_slice %arg9[%scan3A_101, %dma_wait3A_363, %dma_wait3A_364] : memref<8x128x48xf32, #tpu.memory_space<vmem>> -> memref<1x128x48xf32, #tpu.memory_space<vmem>>
      %dma_wait3A_366 = tpu.memref_squeeze %dma_wait3A_365 : memref<1x128x48xf32, #tpu.memory_space<vmem>> -> memref<128x48xf32, #tpu.memory_space<vmem>>
      %dma_wait3A_367 = arith.constant 0 : i32
      %dma_wait3A_368 = tpu.memref_slice %arg8[%add3A_134, %dma_wait3A_367] : memref<80x128xi32, #tpu.memory_space<vmem>> -> memref<1x128xi32, #tpu.memory_space<vmem>>
      %dma_wait3A_369 = tpu.memref_squeeze %dma_wait3A_368 : memref<1x128xi32, #tpu.memory_space<vmem>> -> memref<128xi32, #tpu.memory_space<vmem>>
      %dma_wait3A_370 = arith.constant 0 : i32
      %dma_wait3A_371 = arith.constant 0 : i32
      %dma_wait3A_372 = tpu.memref_slice %arg10[%dma_wait3A_370, %dma_wait3A_371] : memref<10240x48xf32, #tpu.memory_space<vmem_shared>> -> memref<10240x48xf32, #tpu.memory_space<vmem_shared>>
      tpu.wait_indirect_dma semaphore(%arg23 : memref<!tpu.dma_semaphore, #tpu.memory_space<semaphore_mem>>) src(%dma_wait3A_366 : memref<128x48xf32, #tpu.memory_space<vmem>>) dst(%dma_wait3A_372 : memref<10240x48xf32, #tpu.memory_space<vmem_shared>>)
      %ne3A_373 = arith.constant 9 : i32
      %ne3A_374 = arith.cmpi ne, %scan3A_113, %ne3A_373 : i32
      %convert_element_type3A_375 = arith.extui %ne3A_374 : i1 to i32
      %cond3A_376 = arith.constant 0 : i32
      %cond3A_377 = arith.cmpi ne, %convert_element_type3A_375, %cond3A_376 : i32
      scf.if %cond3A_377 {
        %add3A_424 = arith.constant 8 : i32
        %add3A_425 = arith.addi %add3A_134, %add3A_424 : i32
        %dma_start3A_426 = arith.constant 0 : i32
        %dma_start3A_427 = arith.constant 0 : i32
        %dma_start3A_428 = tpu.memref_slice %arg9[%scan3A_101, %dma_start3A_426, %dma_start3A_427] : memref<8x128x48xf32, #tpu.memory_space<vmem>> -> memref<1x128x48xf32, #tpu.memory_space<vmem>>
        %dma_start3A_429 = tpu.memref_squeeze %dma_start3A_428 : memref<1x128x48xf32, #tpu.memory_space<vmem>> -> memref<128x48xf32, #tpu.memory_space<vmem>>
        %dma_start3A_430 = arith.constant 0 : i32
        %dma_start3A_431 = tpu.memref_slice %arg7[%add3A_425, %dma_start3A_430] : memref<80x128xi32, #tpu.memory_space<vmem>> -> memref<1x128xi32, #tpu.memory_space<vmem>>
        %dma_start3A_432 = tpu.memref_squeeze %dma_start3A_431 : memref<1x128xi32, #tpu.memory_space<vmem>> -> memref<128xi32, #tpu.memory_space<vmem>>
        %dma_start3A_433 = arith.constant 0 : i32
        %dma_start3A_434 = arith.constant 0 : i32
        %dma_start3A_435 = tpu.memref_slice %arg4[%dma_start3A_433, %dma_start3A_434] : memref<10240x48xf32, #tpu.memory_space<hbm>> -> memref<10240x48xf32, #tpu.memory_space<hbm>>
        tpu.enqueue_indirect_dma source(%dma_start3A_435 : memref<10240x48xf32, #tpu.memory_space<hbm>>) target(%dma_start3A_429 : memref<128x48xf32, #tpu.memory_space<vmem>>) offsets(%dma_start3A_432 : memref<128xi32, #tpu.memory_space<vmem>>) semaphore(%arg15 : memref<!tpu.dma_semaphore, #tpu.memory_space<semaphore_mem>>)
      } else {
      }
      %dma_wait3A_378 = arith.constant 0 : i32
      %dma_wait3A_379 = arith.constant 0 : i32
      %dma_wait3A_380 = tpu.memref_slice %arg9[%scan3A_102, %dma_wait3A_378, %dma_wait3A_379] : memref<8x128x48xf32, #tpu.memory_space<vmem>> -> memref<1x128x48xf32, #tpu.memory_space<vmem>>
      %dma_wait3A_381 = tpu.memref_squeeze %dma_wait3A_380 : memref<1x128x48xf32, #tpu.memory_space<vmem>> -> memref<128x48xf32, #tpu.memory_space<vmem>>
      %dma_wait3A_382 = arith.constant 0 : i32
      %dma_wait3A_383 = tpu.memref_slice %arg8[%add3A_138, %dma_wait3A_382] : memref<80x128xi32, #tpu.memory_space<vmem>> -> memref<1x128xi32, #tpu.memory_space<vmem>>
      %dma_wait3A_384 = tpu.memref_squeeze %dma_wait3A_383 : memref<1x128xi32, #tpu.memory_space<vmem>> -> memref<128xi32, #tpu.memory_space<vmem>>
      %dma_wait3A_385 = arith.constant 0 : i32
      %dma_wait3A_386 = arith.constant 0 : i32
      %dma_wait3A_387 = tpu.memref_slice %arg10[%dma_wait3A_385, %dma_wait3A_386] : memref<10240x48xf32, #tpu.memory_space<vmem_shared>> -> memref<10240x48xf32, #tpu.memory_space<vmem_shared>>
      tpu.wait_indirect_dma semaphore(%arg24 : memref<!tpu.dma_semaphore, #tpu.memory_space<semaphore_mem>>) src(%dma_wait3A_381 : memref<128x48xf32, #tpu.memory_space<vmem>>) dst(%dma_wait3A_387 : memref<10240x48xf32, #tpu.memory_space<vmem_shared>>)
      %ne3A_388 = arith.constant 9 : i32
      %ne3A_389 = arith.cmpi ne, %scan3A_113, %ne3A_388 : i32
      %convert_element_type3A_390 = arith.extui %ne3A_389 : i1 to i32
      %cond3A_391 = arith.constant 0 : i32
      %cond3A_392 = arith.cmpi ne, %convert_element_type3A_390, %cond3A_391 : i32
      scf.if %cond3A_392 {
        %add3A_424 = arith.constant 8 : i32
        %add3A_425 = arith.addi %add3A_138, %add3A_424 : i32
        %dma_start3A_426 = arith.constant 0 : i32
        %dma_start3A_427 = arith.constant 0 : i32
        %dma_start3A_428 = tpu.memref_slice %arg9[%scan3A_102, %dma_start3A_426, %dma_start3A_427] : memref<8x128x48xf32, #tpu.memory_space<vmem>> -> memref<1x128x48xf32, #tpu.memory_space<vmem>>
        %dma_start3A_429 = tpu.memref_squeeze %dma_start3A_428 : memref<1x128x48xf32, #tpu.memory_space<vmem>> -> memref<128x48xf32, #tpu.memory_space<vmem>>
        %dma_start3A_430 = arith.constant 0 : i32
        %dma_start3A_431 = tpu.memref_slice %arg7[%add3A_425, %dma_start3A_430] : memref<80x128xi32, #tpu.memory_space<vmem>> -> memref<1x128xi32, #tpu.memory_space<vmem>>
        %dma_start3A_432 = tpu.memref_squeeze %dma_start3A_431 : memref<1x128xi32, #tpu.memory_space<vmem>> -> memref<128xi32, #tpu.memory_space<vmem>>
        %dma_start3A_433 = arith.constant 0 : i32
        %dma_start3A_434 = arith.constant 0 : i32
        %dma_start3A_435 = tpu.memref_slice %arg4[%dma_start3A_433, %dma_start3A_434] : memref<10240x48xf32, #tpu.memory_space<hbm>> -> memref<10240x48xf32, #tpu.memory_space<hbm>>
        tpu.enqueue_indirect_dma source(%dma_start3A_435 : memref<10240x48xf32, #tpu.memory_space<hbm>>) target(%dma_start3A_429 : memref<128x48xf32, #tpu.memory_space<vmem>>) offsets(%dma_start3A_432 : memref<128xi32, #tpu.memory_space<vmem>>) semaphore(%arg16 : memref<!tpu.dma_semaphore, #tpu.memory_space<semaphore_mem>>)
      } else {
      }
      %dma_wait3A_393 = arith.constant 0 : i32
      %dma_wait3A_394 = arith.constant 0 : i32
      %dma_wait3A_395 = tpu.memref_slice %arg9[%scan3A_103, %dma_wait3A_393, %dma_wait3A_394] : memref<8x128x48xf32, #tpu.memory_space<vmem>> -> memref<1x128x48xf32, #tpu.memory_space<vmem>>
      %dma_wait3A_396 = tpu.memref_squeeze %dma_wait3A_395 : memref<1x128x48xf32, #tpu.memory_space<vmem>> -> memref<128x48xf32, #tpu.memory_space<vmem>>
      %dma_wait3A_397 = arith.constant 0 : i32
      %dma_wait3A_398 = tpu.memref_slice %arg8[%add3A_142, %dma_wait3A_397] : memref<80x128xi32, #tpu.memory_space<vmem>> -> memref<1x128xi32, #tpu.memory_space<vmem>>
      %dma_wait3A_399 = tpu.memref_squeeze %dma_wait3A_398 : memref<1x128xi32, #tpu.memory_space<vmem>> -> memref<128xi32, #tpu.memory_space<vmem>>
      %dma_wait3A_400 = arith.constant 0 : i32
      %dma_wait3A_401 = arith.constant 0 : i32
      %dma_wait3A_402 = tpu.memref_slice %arg10[%dma_wait3A_400, %dma_wait3A_401] : memref<10240x48xf32, #tpu.memory_space<vmem_shared>> -> memref<10240x48xf32, #tpu.memory_space<vmem_shared>>
      tpu.wait_indirect_dma semaphore(%arg25 : memref<!tpu.dma_semaphore, #tpu.memory_space<semaphore_mem>>) src(%dma_wait3A_396 : memref<128x48xf32, #tpu.memory_space<vmem>>) dst(%dma_wait3A_402 : memref<10240x48xf32, #tpu.memory_space<vmem_shared>>)
      %ne3A_403 = arith.constant 9 : i32
      %ne3A_404 = arith.cmpi ne, %scan3A_113, %ne3A_403 : i32
      %convert_element_type3A_405 = arith.extui %ne3A_404 : i1 to i32
      %cond3A_406 = arith.constant 0 : i32
      %cond3A_407 = arith.cmpi ne, %convert_element_type3A_405, %cond3A_406 : i32
      scf.if %cond3A_407 {
        %add3A_424 = arith.constant 8 : i32
        %add3A_425 = arith.addi %add3A_142, %add3A_424 : i32
        %dma_start3A_426 = arith.constant 0 : i32
        %dma_start3A_427 = arith.constant 0 : i32
        %dma_start3A_428 = tpu.memref_slice %arg9[%scan3A_103, %dma_start3A_426, %dma_start3A_427] : memref<8x128x48xf32, #tpu.memory_space<vmem>> -> memref<1x128x48xf32, #tpu.memory_space<vmem>>
        %dma_start3A_429 = tpu.memref_squeeze %dma_start3A_428 : memref<1x128x48xf32, #tpu.memory_space<vmem>> -> memref<128x48xf32, #tpu.memory_space<vmem>>
        %dma_start3A_430 = arith.constant 0 : i32
        %dma_start3A_431 = tpu.memref_slice %arg7[%add3A_425, %dma_start3A_430] : memref<80x128xi32, #tpu.memory_space<vmem>> -> memref<1x128xi32, #tpu.memory_space<vmem>>
        %dma_start3A_432 = tpu.memref_squeeze %dma_start3A_431 : memref<1x128xi32, #tpu.memory_space<vmem>> -> memref<128xi32, #tpu.memory_space<vmem>>
        %dma_start3A_433 = arith.constant 0 : i32
        %dma_start3A_434 = arith.constant 0 : i32
        %dma_start3A_435 = tpu.memref_slice %arg4[%dma_start3A_433, %dma_start3A_434] : memref<10240x48xf32, #tpu.memory_space<hbm>> -> memref<10240x48xf32, #tpu.memory_space<hbm>>
        tpu.enqueue_indirect_dma source(%dma_start3A_435 : memref<10240x48xf32, #tpu.memory_space<hbm>>) target(%dma_start3A_429 : memref<128x48xf32, #tpu.memory_space<vmem>>) offsets(%dma_start3A_432 : memref<128xi32, #tpu.memory_space<vmem>>) semaphore(%arg17 : memref<!tpu.dma_semaphore, #tpu.memory_space<semaphore_mem>>)
      } else {
      }
      %dma_wait3A_408 = arith.constant 0 : i32
      %dma_wait3A_409 = arith.constant 0 : i32
      %dma_wait3A_410 = tpu.memref_slice %arg9[%scan3A_104, %dma_wait3A_408, %dma_wait3A_409] : memref<8x128x48xf32, #tpu.memory_space<vmem>> -> memref<1x128x48xf32, #tpu.memory_space<vmem>>
      %dma_wait3A_411 = tpu.memref_squeeze %dma_wait3A_410 : memref<1x128x48xf32, #tpu.memory_space<vmem>> -> memref<128x48xf32, #tpu.memory_space<vmem>>
      %dma_wait3A_412 = arith.constant 0 : i32
      %dma_wait3A_413 = tpu.memref_slice %arg8[%add3A_146, %dma_wait3A_412] : memref<80x128xi32, #tpu.memory_space<vmem>> -> memref<1x128xi32, #tpu.memory_space<vmem>>
      %dma_wait3A_414 = tpu.memref_squeeze %dma_wait3A_413 : memref<1x128xi32, #tpu.memory_space<vmem>> -> memref<128xi32, #tpu.memory_space<vmem>>
      %dma_wait3A_415 = arith.constant 0 : i32
      %dma_wait3A_416 = arith.constant 0 : i32
      %dma_wait3A_417 = tpu.memref_slice %arg10[%dma_wait3A_415, %dma_wait3A_416] : memref<10240x48xf32, #tpu.memory_space<vmem_shared>> -> memref<10240x48xf32, #tpu.memory_space<vmem_shared>>
      tpu.wait_indirect_dma semaphore(%arg26 : memref<!tpu.dma_semaphore, #tpu.memory_space<semaphore_mem>>) src(%dma_wait3A_411 : memref<128x48xf32, #tpu.memory_space<vmem>>) dst(%dma_wait3A_417 : memref<10240x48xf32, #tpu.memory_space<vmem_shared>>)
      %ne3A_418 = arith.constant 9 : i32
      %ne3A_419 = arith.cmpi ne, %scan3A_113, %ne3A_418 : i32
      %convert_element_type3A_420 = arith.extui %ne3A_419 : i1 to i32
      %cond3A_421 = arith.constant 0 : i32
      %cond3A_422 = arith.cmpi ne, %convert_element_type3A_420, %cond3A_421 : i32
      scf.if %cond3A_422 {
        %add3A_424 = arith.constant 8 : i32
        %add3A_425 = arith.addi %add3A_146, %add3A_424 : i32
        %dma_start3A_426 = arith.constant 0 : i32
        %dma_start3A_427 = arith.constant 0 : i32
        %dma_start3A_428 = tpu.memref_slice %arg9[%scan3A_104, %dma_start3A_426, %dma_start3A_427] : memref<8x128x48xf32, #tpu.memory_space<vmem>> -> memref<1x128x48xf32, #tpu.memory_space<vmem>>
        %dma_start3A_429 = tpu.memref_squeeze %dma_start3A_428 : memref<1x128x48xf32, #tpu.memory_space<vmem>> -> memref<128x48xf32, #tpu.memory_space<vmem>>
        %dma_start3A_430 = arith.constant 0 : i32
        %dma_start3A_431 = tpu.memref_slice %arg7[%add3A_425, %dma_start3A_430] : memref<80x128xi32, #tpu.memory_space<vmem>> -> memref<1x128xi32, #tpu.memory_space<vmem>>
        %dma_start3A_432 = tpu.memref_squeeze %dma_start3A_431 : memref<1x128xi32, #tpu.memory_space<vmem>> -> memref<128xi32, #tpu.memory_space<vmem>>
        %dma_start3A_433 = arith.constant 0 : i32
        %dma_start3A_434 = arith.constant 0 : i32
        %dma_start3A_435 = tpu.memref_slice %arg4[%dma_start3A_433, %dma_start3A_434] : memref<10240x48xf32, #tpu.memory_space<hbm>> -> memref<10240x48xf32, #tpu.memory_space<hbm>>
        tpu.enqueue_indirect_dma source(%dma_start3A_435 : memref<10240x48xf32, #tpu.memory_space<hbm>>) target(%dma_start3A_429 : memref<128x48xf32, #tpu.memory_space<vmem>>) offsets(%dma_start3A_432 : memref<128xi32, #tpu.memory_space<vmem>>) semaphore(%arg18 : memref<!tpu.dma_semaphore, #tpu.memory_space<semaphore_mem>>)
      } else {
      }
      %scan3A_423 = arith.constant 0 : i32
      scf.yield %scan3A_423 : i32
    }
    %scan3A_111 = arith.constant 10 : i32
    %barrier3A_112 = arith.constant 0 : index
    tpu.barrier barrier_id(%barrier3A_112)
    "tpu.region"() ({
      %run_scoped3A = tpu.sem_alloc : memref<!tpu.dma_semaphore, #tpu.memory_space<semaphore_mem>>
      %dma_start3A_113 = arith.constant 0 : i32
      %dma_start3A_114 = tpu.memref_slice %arg6[%arg0, %multiple_of3A, %dma_start3A_113] : memref<2x10240x48xf32, #tpu.memory_space<hbm>> -> memref<1x640x48xf32, #tpu.memory_space<hbm>>
      %dma_start3A_115 = tpu.memref_squeeze %dma_start3A_114 : memref<1x640x48xf32, #tpu.memory_space<hbm>> -> memref<640x48xf32, #tpu.memory_space<hbm>>
      %dma_start3A_116 = arith.constant 0 : i32
      %dma_start3A_117 = tpu.memref_slice %arg10[%multiple_of3A, %dma_start3A_116] : memref<10240x48xf32, #tpu.memory_space<vmem_shared>> -> memref<640x48xf32, #tpu.memory_space<vmem_shared>>
      tpu.enqueue_dma source(%dma_start3A_117 : memref<640x48xf32, #tpu.memory_space<vmem_shared>>) target(%dma_start3A_115 : memref<640x48xf32, #tpu.memory_space<hbm>>) target_semaphore(%run_scoped3A : memref<!tpu.dma_semaphore, #tpu.memory_space<semaphore_mem>>)
      %dma_wait3A = arith.constant 0 : i32
      %dma_wait3A_118 = tpu.memref_slice %arg6[%arg0, %multiple_of3A, %dma_wait3A] : memref<2x10240x48xf32, #tpu.memory_space<hbm>> -> memref<1x640x48xf32, #tpu.memory_space<hbm>>
      %dma_wait3A_119 = tpu.memref_squeeze %dma_wait3A_118 : memref<1x640x48xf32, #tpu.memory_space<hbm>> -> memref<640x48xf32, #tpu.memory_space<hbm>>
      %dma_wait3A_120 = arith.constant 0 : i32
      %dma_wait3A_121 = tpu.memref_slice %arg10[%multiple_of3A, %dma_wait3A_120] : memref<10240x48xf32, #tpu.memory_space<vmem_shared>> -> memref<640x48xf32, #tpu.memory_space<vmem_shared>>
      tpu.wait_dma2 semaphore(%run_scoped3A : memref<!tpu.dma_semaphore, #tpu.memory_space<semaphore_mem>>) src(%dma_wait3A_121 : memref<640x48xf32, #tpu.memory_space<vmem_shared>>) dst(%dma_wait3A_119 : memref<640x48xf32, #tpu.memory_space<hbm>>)
      tpu.yield
    }) : () -> ()
    return
  }
}

module attributes {stable_mosaic.version = 14 : i64} {
  func.func @_tc1_body(%arg0: i32, %arg1: memref<32x10240xf32, #tpu.memory_space<vmem>>, %arg2: memref<2048x128xf32, #tpu.memory_space<vmem>>, %arg3: memref<128x48xf32, #tpu.memory_space<vmem>>, %arg4: memref<2048x48xf32, #tpu.memory_space<vmem>>, %arg5: memref<2048x1xf32, #tpu.memory_space<vmem>>) attributes {dimension_semantics = [#tpu.dimension_semantics<arbitrary>], iteration_bounds = array<i64: 5>, scalar_prefetch = 0 : i64, scratch_operands = 0 : i64, tpu.core_type = #tpu.core_type<tc>, window_params = [{pipeline_mode = #tpu.pipeline_mode<synchronous>, transform_indices = @transform_0, window_bounds = array<i64: 32, 10240>}, {transform_indices = @transform_1, window_bounds = array<i64: 2048, 128>}, {pipeline_mode = #tpu.pipeline_mode<synchronous>, transform_indices = @transform_2, window_bounds = array<i64: 128, 48>}, {transform_indices = @transform_3, window_bounds = array<i64: 2048, 48>}, {transform_indices = @transform_4, window_bounds = array<i64: 2048, 1>}]} {
    %mul3A = arith.constant 2048 : i32
    %mul3A_0 = arith.muli %arg0, %mul3A : i32
    %get3A = arith.constant 0 : index
    %get3A_1 = arith.index_cast %mul3A_0 : i32 to index
    %get3A_2 = vector.load %arg1[%get3A, %get3A_1] : memref<32x10240xf32, #tpu.memory_space<vmem>>, vector<32x2048xf32>
    %reduce_sum3A = arith.constant dense<0.000000e+00> : vector<2048xf32>
    %reduce_sum3A_3 = vector.multi_reduction <add>, %get3A_2, %reduce_sum3A [0] : vector<32x2048xf32> to vector<2048xf32>
    %add3A = arith.constant 1.000000e+00 : f32
    %add3A_4 = vector.broadcast %add3A : f32 to vector<2048xf32>
    %add3A_5 = arith.addf %reduce_sum3A_3, %add3A_4 : vector<2048xf32>
    %rsqrt3A = math.rsqrt %add3A_5 : vector<2048xf32>
    %get3A_6 = arith.constant 0 : index
    %get3A_7 = arith.constant 0 : index
    %get3A_8 = vector.load %arg2[%get3A_6, %get3A_7] : memref<2048x128xf32, #tpu.memory_space<vmem>>, vector<2048x128xf32>
    %get3A_9 = arith.constant 0 : index
    %get3A_10 = arith.constant 0 : index
    %get3A_11 = vector.load %arg3[%get3A_9, %get3A_10] : memref<128x48xf32, #tpu.memory_space<vmem>>, vector<128x48xf32>
    %dot_general3A = arith.constant dense<0.000000e+00> : vector<2048x48xf32>
    %dot_general3A_12 = tpu.matmul %get3A_8, %get3A_11, %dot_general3A {dimension_numbers = #tpu.dot_dimension_numbers<[1], [0], [0], [1], [0, 0, 1, 1], [], []>, transpose_lhs_hint = false} : vector<2048x128xf32>, vector<128x48xf32>, vector<2048x48xf32> -> vector<2048x48xf32>
    %broadcast_in_dim3A = vector.shape_cast %rsqrt3A : vector<2048xf32> to vector<2048x1xf32>
    %mul3A_13 = vector.broadcast %broadcast_in_dim3A : vector<2048x1xf32> to vector<2048x48xf32>
    %mul3A_14 = arith.mulf %dot_general3A_12, %mul3A_13 : vector<2048x48xf32>
    %swap3A = arith.constant 0 : index
    %swap3A_15 = arith.constant 0 : index
    %swap3A_16 = vector.load %arg4[%swap3A, %swap3A_15] : memref<2048x48xf32, #tpu.memory_space<vmem>>, vector<2048x48xf32>
    tpu.vector_store %arg4[%swap3A, %swap3A_15], %mul3A_14 {strides = array<i32>} : memref<2048x48xf32, #tpu.memory_space<vmem>>, vector<2048x48xf32>,
    %broadcast_in_dim3A_17 = vector.shape_cast %rsqrt3A : vector<2048xf32> to vector<2048x1xf32>
    %swap3A_18 = arith.constant 0 : index
    %swap3A_19 = arith.constant 0 : index
    %swap3A_20 = vector.load %arg5[%swap3A_18, %swap3A_19] : memref<2048x1xf32, #tpu.memory_space<vmem>>, vector<2048x1xf32>
    tpu.vector_store %arg5[%swap3A_18, %swap3A_19], %broadcast_in_dim3A_17 {strides = array<i32>} : memref<2048x1xf32, #tpu.memory_space<vmem>>, vector<2048x1xf32>,
    return
  }
  func.func @transform_0(%arg0: i32) -> (i32, i32) {
    %c0_i32 = arith.constant 0 : i32
    %c0_i32_0 = arith.constant 0 : i32
    %c0_i32_1 = arith.constant 0 : i32
    return %c0_i32, %c0_i32_0 : i32, i32
  }
  func.func @transform_1(%arg0: i32) -> (i32, i32) {
    %c0_i32 = arith.constant 0 : i32
    %c0_i32_0 = arith.constant 0 : i32
    return %arg0, %c0_i32 : i32, i32
  }
  func.func @transform_2(%arg0: i32) -> (i32, i32) {
    %c0_i32 = arith.constant 0 : i32
    %c0_i32_0 = arith.constant 0 : i32
    %c0_i32_1 = arith.constant 0 : i32
    return %c0_i32, %c0_i32_0 : i32, i32
  }
  func.func @transform_3(%arg0: i32) -> (i32, i32) {
    %c0_i32 = arith.constant 0 : i32
    %c0_i32_0 = arith.constant 0 : i32
    return %arg0, %c0_i32 : i32, i32
  }
  func.func @transform_4(%arg0: i32) -> (i32, i32) {
    %c0_i32 = arith.constant 0 : i32
    %c0_i32_0 = arith.constant 0 : i32
    return %arg0, %c0_i32 : i32, i32
  }
}

module attributes {stable_mosaic.version = 14 : i64} {
  func.func @_tc2_body(%arg0: i32, %arg1: memref<2x2048x48xf32, #tpu.memory_space<vmem>>, %arg2: memref<2048x48xf32, #tpu.memory_space<vmem>>, %arg3: memref<2048x1xf32, #tpu.memory_space<vmem>>, %arg4: memref<48x48xf32, #tpu.memory_space<vmem>>, %arg5: memref<1x48xf32, #tpu.memory_space<vmem>>, %arg6: memref<2048x48xf32, #tpu.memory_space<vmem>>) attributes {dimension_semantics = [#tpu.dimension_semantics<arbitrary>], iteration_bounds = array<i64: 5>, scalar_prefetch = 0 : i64, scratch_operands = 0 : i64, tpu.core_type = #tpu.core_type<tc>, window_params = [{transform_indices = @transform_0, window_bounds = array<i64: 2, 2048, 48>}, {transform_indices = @transform_1, window_bounds = array<i64: 2048, 48>}, {transform_indices = @transform_2, window_bounds = array<i64: 2048, 1>}, {pipeline_mode = #tpu.pipeline_mode<synchronous>, transform_indices = @transform_3, window_bounds = array<i64: 48, 48>}, {pipeline_mode = #tpu.pipeline_mode<synchronous>, transform_indices = @transform_4, window_bounds = array<i64: 1, 48>}, {transform_indices = @transform_5, window_bounds = array<i64: 2048, 48>}]} {
    %get3A = arith.constant 0 : index
    %get3A_0 = arith.constant 0 : index
    %get3A_1 = vector.load %arg3[%get3A, %get3A_0] : memref<2048x1xf32, #tpu.memory_space<vmem>>, vector<2048x1xf32>
    %get3A_2 = arith.constant 0 : index
    %get3A_3 = arith.constant 0 : index
    %get3A_4 = arith.constant 0 : index
    %get3A_5 = vector.load %arg1[%get3A_2, %get3A_3, %get3A_4] : memref<2x2048x48xf32, #tpu.memory_space<vmem>>, vector<1x2048x48xf32>
    %get3A_6 = vector.shape_cast %get3A_5 : vector<1x2048x48xf32> to vector<2048x48xf32>
    %get3A_7 = arith.constant 1 : index
    %get3A_8 = arith.constant 0 : index
    %get3A_9 = arith.constant 0 : index
    %get3A_10 = vector.load %arg1[%get3A_7, %get3A_8, %get3A_9] : memref<2x2048x48xf32, #tpu.memory_space<vmem>>, vector<1x2048x48xf32>
    %get3A_11 = vector.shape_cast %get3A_10 : vector<1x2048x48xf32> to vector<2048x48xf32>
    %add3A = arith.addf %get3A_6, %get3A_11 : vector<2048x48xf32>
    %get3A_12 = arith.constant 0 : index
    %get3A_13 = arith.constant 0 : index
    %get3A_14 = vector.load %arg2[%get3A_12, %get3A_13] : memref<2048x48xf32, #tpu.memory_space<vmem>>, vector<2048x48xf32>
    %add3A_15 = arith.addf %add3A, %get3A_14 : vector<2048x48xf32>
    %mul3A = vector.broadcast %get3A_1 : vector<2048x1xf32> to vector<2048x48xf32>
    %mul3A_16 = arith.mulf %mul3A, %add3A_15 : vector<2048x48xf32>
    %get3A_17 = arith.constant 0 : index
    %get3A_18 = arith.constant 0 : index
    %get3A_19 = vector.load %arg5[%get3A_17, %get3A_18] : memref<1x48xf32, #tpu.memory_space<vmem>>, vector<1x48xf32>
    %add3A_20 = vector.broadcast %get3A_19 : vector<1x48xf32> to vector<2048x48xf32>
    %add3A_21 = arith.addf %mul3A_16, %add3A_20 : vector<2048x48xf32>
    %max3A = arith.constant 0.000000e+00 : f32
    %max3A_22 = vector.broadcast %max3A : f32 to vector<2048x48xf32>
    %max3A_23 = arith.maximumf %add3A_21, %max3A_22 : vector<2048x48xf32>
    %get3A_24 = arith.constant 0 : index
    %get3A_25 = arith.constant 0 : index
    %get3A_26 = vector.load %arg4[%get3A_24, %get3A_25] : memref<48x48xf32, #tpu.memory_space<vmem>>, vector<48x48xf32>
    %dot_general3A = arith.constant dense<0.000000e+00> : vector<2048x48xf32>
    %dot_general3A_27 = tpu.matmul %max3A_23, %get3A_26, %dot_general3A {dimension_numbers = #tpu.dot_dimension_numbers<[1], [0], [0], [1], [0, 0, 1, 1], [], []>, transpose_lhs_hint = false} : vector<2048x48xf32>, vector<48x48xf32>, vector<2048x48xf32> -> vector<2048x48xf32>
    %mul3A_28 = vector.broadcast %get3A_1 : vector<2048x1xf32> to vector<2048x48xf32>
    %mul3A_29 = arith.mulf %dot_general3A_27, %mul3A_28 : vector<2048x48xf32>
    %swap3A = arith.constant 0 : index
    %swap3A_30 = arith.constant 0 : index
    %swap3A_31 = vector.load %arg6[%swap3A, %swap3A_30] : memref<2048x48xf32, #tpu.memory_space<vmem>>, vector<2048x48xf32>
    tpu.vector_store %arg6[%swap3A, %swap3A_30], %mul3A_29 {strides = array<i32>} : memref<2048x48xf32, #tpu.memory_space<vmem>>, vector<2048x48xf32>,
    return
  }
  func.func @transform_0(%arg0: i32) -> (i32, i32, i32) {
    %c0_i32 = arith.constant 0 : i32
    %c0_i32_0 = arith.constant 0 : i32
    %c0_i32_1 = arith.constant 0 : i32
    return %c0_i32, %arg0, %c0_i32_0 : i32, i32, i32
  }
  func.func @transform_1(%arg0: i32) -> (i32, i32) {
    %c0_i32 = arith.constant 0 : i32
    %c0_i32_0 = arith.constant 0 : i32
    return %arg0, %c0_i32 : i32, i32
  }
  func.func @transform_2(%arg0: i32) -> (i32, i32) {
    %c0_i32 = arith.constant 0 : i32
    %c0_i32_0 = arith.constant 0 : i32
    return %arg0, %c0_i32 : i32, i32
  }
  func.func @transform_3(%arg0: i32) -> (i32, i32) {
    %c0_i32 = arith.constant 0 : i32
    %c0_i32_0 = arith.constant 0 : i32
    %c0_i32_1 = arith.constant 0 : i32
    return %c0_i32, %c0_i32_0 : i32, i32
  }
  func.func @transform_4(%arg0: i32) -> (i32, i32) {
    %c0_i32 = arith.constant 0 : i32
    %c0_i32_0 = arith.constant 0 : i32
    %c0_i32_1 = arith.constant 0 : i32
    return %c0_i32, %c0_i32_0 : i32, i32
  }
  func.func @transform_5(%arg0: i32) -> (i32, i32) {
    %c0_i32 = arith.constant 0 : i32
    %c0_i32_0 = arith.constant 0 : i32
    return %arg0, %c0_i32 : i32, i32
  }
}

module attributes {stable_mosaic.version = 14 : i64} {
  func.func @_tc3_body(%arg0: memref<9xi32, #tpu.memory_space<smem>>, %arg1: memref<32x16x48xf32, #tpu.memory_space<vmem>>, %arg2: memref<10240x48xf32, #tpu.memory_space<vmem>>, %arg3: memref<10240x1xf32, #tpu.memory_space<vmem>>, %arg4: memref<1x48xf32, #tpu.memory_space<vmem>>, %arg5: memref<48x1xf32, #tpu.memory_space<vmem>>, %arg6: memref<1x1xf32, #tpu.memory_space<vmem>>, %arg7: memref<16x1xf32, #tpu.memory_space<vmem>>, %arg8: memref<16x48xf32, #tpu.memory_space<vmem>>) attributes {dimension_semantics = [], scalar_prefetch = 0 : i64, scratch_operands = 1 : i64, tpu.core_type = #tpu.core_type<tc>} {
    %get3A = arith.constant 0 : index
    %get3A_0 = arith.constant 0 : index
    %get3A_1 = arith.constant 0 : index
    %get3A_2 = vector.load %arg1[%get3A, %get3A_0, %get3A_1] : memref<32x16x48xf32, #tpu.memory_space<vmem>>, vector<32x16x48xf32>
    %reduce_sum3A = arith.constant dense<0.000000e+00> : vector<16x48xf32>
    %reduce_sum3A_3 = vector.multi_reduction <add>, %get3A_2, %reduce_sum3A [0] : vector<32x16x48xf32> to vector<16x48xf32>
    %broadcast_in_dim3A = arith.constant 0.000000e+00 : f32
    %broadcast_in_dim3A_4 = vector.broadcast %broadcast_in_dim3A : f32 to vector<16x48xf32>
    %swap3A = arith.constant 0 : index
    %swap3A_5 = arith.constant 0 : index
    %swap3A_6 = vector.load %arg8[%swap3A, %swap3A_5] : memref<16x48xf32, #tpu.memory_space<vmem>>, vector<16x48xf32>
    tpu.vector_store %arg8[%swap3A, %swap3A_5], %broadcast_in_dim3A_4 {strides = array<i32>} : memref<16x48xf32, #tpu.memory_space<vmem>>, vector<16x48xf32>,
    %get3A_7 = arith.constant 0 : index
    %get3A_8 = memref.load %arg0[%get3A_7] : memref<9xi32, #tpu.memory_space<smem>>
    %broadcast_in_dim3A_9 = arith.constant 0.000000e+00 : f32
    %broadcast_in_dim3A_10 = vector.broadcast %broadcast_in_dim3A_9 : f32 to vector<1x48xf32>
    %eq3A = arith.constant 0 : i32
    %eq3A_11 = arith.constant 0 : i32
    %eq3A_12 = arith.cmpi eq, %eq3A, %eq3A_11 : i32
    %jit3A = arith.constant 1.000000e+00 : f32
    %jit3A_13 = arith.constant 0.000000e+00 : f32
    %select_n3A = arith.select %eq3A_12, %jit3A, %jit3A_13 : f32
    %slice3A = vector.extract_strided_slice %reduce_sum3A_3 {offsets = [0, 0], sizes = [1, 48], strides = [1, 1]} : vector<16x48xf32> to vector<1x48xf32>
    %mul3A = vector.broadcast %select_n3A : f32 to vector<1x48xf32>
    %mul3A_14 = arith.mulf %mul3A, %slice3A : vector<1x48xf32>
    %add3A = arith.addf %broadcast_in_dim3A_10, %mul3A_14 : vector<1x48xf32>
    %get3A_15 = arith.index_cast %get3A_8 : i32 to index
    %get3A_16 = arith.constant 0 : index
    %get3A_17 = vector.load %arg2[%get3A_15, %get3A_16] : memref<10240x48xf32, #tpu.memory_space<vmem>>, vector<1x48xf32>
    %get3A_18 = arith.index_cast %get3A_8 : i32 to index
    %get3A_19 = arith.constant 0 : index
    %get3A_20 = vector.load %arg3[%get3A_18, %get3A_19] : memref<10240x1xf32, #tpu.memory_space<vmem>>, vector<1x1xf32>
    %add3A_21 = arith.addf %add3A, %get3A_17 : vector<1x48xf32>
    %mul3A_22 = vector.broadcast %get3A_20 : vector<1x1xf32> to vector<1x48xf32>
    %mul3A_23 = arith.mulf %mul3A_22, %add3A_21 : vector<1x48xf32>
    %get3A_24 = arith.constant 0 : index
    %get3A_25 = arith.constant 0 : index
    %get3A_26 = vector.load %arg4[%get3A_24, %get3A_25] : memref<1x48xf32, #tpu.memory_space<vmem>>, vector<1x48xf32>
    %add3A_27 = arith.addf %mul3A_23, %get3A_26 : vector<1x48xf32>
    %max3A = arith.constant 0.000000e+00 : f32
    %max3A_28 = vector.broadcast %max3A : f32 to vector<1x48xf32>
    %max3A_29 = arith.maximumf %add3A_27, %max3A_28 : vector<1x48xf32>
    %swap3A_30 = arith.constant 0 : index
    %swap3A_31 = arith.constant 0 : index
    %swap3A_32 = vector.load %arg8[%swap3A_30, %swap3A_31] : memref<16x48xf32, #tpu.memory_space<vmem>>, vector<1x48xf32>
    tpu.vector_store %arg8[%swap3A_30, %swap3A_31], %max3A_29 {strides = array<i32>} : memref<16x48xf32, #tpu.memory_space<vmem>>, vector<1x48xf32>,
    %get3A_33 = arith.constant 1 : index
    %get3A_34 = memref.load %arg0[%get3A_33] : memref<9xi32, #tpu.memory_space<smem>>
    %get3A_35 = arith.constant 0 : index
    %get3A_36 = memref.load %arg0[%get3A_35] : memref<9xi32, #tpu.memory_space<smem>>
    %eq3A_37 = arith.cmpi eq, %get3A_36, %get3A_34 : i32
    %jit3A_38 = arith.constant 0 : i32
    %jit3A_39 = arith.constant 1 : i32
    %select_n3A_40 = arith.select %eq3A_37, %jit3A_38, %jit3A_39 : i32
    %broadcast_in_dim3A_41 = arith.constant 0.000000e+00 : f32
    %broadcast_in_dim3A_42 = vector.broadcast %broadcast_in_dim3A_41 : f32 to vector<1x48xf32>
    %eq3A_43 = arith.constant 0 : i32
    %eq3A_44 = arith.cmpi eq, %select_n3A_40, %eq3A_43 : i32
    %jit3A_45 = arith.constant 1.000000e+00 : f32
    %jit3A_46 = arith.constant 0.000000e+00 : f32
    %select_n3A_47 = arith.select %eq3A_44, %jit3A_45, %jit3A_46 : f32
    %slice3A_48 = vector.extract_strided_slice %reduce_sum3A_3 {offsets = [0, 0], sizes = [1, 48], strides = [1, 1]} : vector<16x48xf32> to vector<1x48xf32>
    %mul3A_49 = vector.broadcast %select_n3A_47 : f32 to vector<1x48xf32>
    %mul3A_50 = arith.mulf %mul3A_49, %slice3A_48 : vector<1x48xf32>
    %add3A_51 = arith.addf %broadcast_in_dim3A_42, %mul3A_50 : vector<1x48xf32>
    %eq3A_52 = arith.constant 1 : i32
    %eq3A_53 = arith.cmpi eq, %select_n3A_40, %eq3A_52 : i32
    %jit3A_54 = arith.constant 1.000000e+00 : f32
    %jit3A_55 = arith.constant 0.000000e+00 : f32
    %select_n3A_56 = arith.select %eq3A_53, %jit3A_54, %jit3A_55 : f32
    %slice3A_57 = vector.extract_strided_slice %reduce_sum3A_3 {offsets = [1, 0], sizes = [1, 48], strides = [1, 1]} : vector<16x48xf32> to vector<1x48xf32>
    %mul3A_58 = vector.broadcast %select_n3A_56 : f32 to vector<1x48xf32>
    %mul3A_59 = arith.mulf %mul3A_58, %slice3A_57 : vector<1x48xf32>
    %add3A_60 = arith.addf %add3A_51, %mul3A_59 : vector<1x48xf32>
    %get3A_61 = arith.index_cast %get3A_34 : i32 to index
    %get3A_62 = arith.constant 0 : index
    %get3A_63 = vector.load %arg2[%get3A_61, %get3A_62] : memref<10240x48xf32, #tpu.memory_space<vmem>>, vector<1x48xf32>
    %get3A_64 = arith.index_cast %get3A_34 : i32 to index
    %get3A_65 = arith.constant 0 : index
    %get3A_66 = vector.load %arg3[%get3A_64, %get3A_65] : memref<10240x1xf32, #tpu.memory_space<vmem>>, vector<1x1xf32>
    %add3A_67 = arith.addf %add3A_60, %get3A_63 : vector<1x48xf32>
    %mul3A_68 = vector.broadcast %get3A_66 : vector<1x1xf32> to vector<1x48xf32>
    %mul3A_69 = arith.mulf %mul3A_68, %add3A_67 : vector<1x48xf32>
    %get3A_70 = arith.constant 0 : index
    %get3A_71 = arith.constant 0 : index
    %get3A_72 = vector.load %arg4[%get3A_70, %get3A_71] : memref<1x48xf32, #tpu.memory_space<vmem>>, vector<1x48xf32>
    %add3A_73 = arith.addf %mul3A_69, %get3A_72 : vector<1x48xf32>
    %max3A_74 = arith.constant 0.000000e+00 : f32
    %max3A_75 = vector.broadcast %max3A_74 : f32 to vector<1x48xf32>
    %max3A_76 = arith.maximumf %add3A_73, %max3A_75 : vector<1x48xf32>
    %swap3A_77 = arith.constant 1 : index
    %swap3A_78 = arith.constant 0 : index
    %swap3A_79 = vector.load %arg8[%swap3A_77, %swap3A_78] : memref<16x48xf32, #tpu.memory_space<vmem>>, vector<1x48xf32>
    tpu.vector_store %arg8[%swap3A_77, %swap3A_78], %max3A_76 {strides = array<i32>} : memref<16x48xf32, #tpu.memory_space<vmem>>, vector<1x48xf32>,
    %get3A_80 = arith.constant 2 : index
    %get3A_81 = memref.load %arg0[%get3A_80] : memref<9xi32, #tpu.memory_space<smem>>
    %get3A_82 = arith.constant 1 : index
    %get3A_83 = memref.load %arg0[%get3A_82] : memref<9xi32, #tpu.memory_space<smem>>
    %eq3A_84 = arith.cmpi eq, %get3A_83, %get3A_81 : i32
    %jit3A_85 = arith.constant 1 : i32
    %jit3A_86 = arith.constant 2 : i32
    %select_n3A_87 = arith.select %eq3A_84, %jit3A_85, %jit3A_86 : i32
    %get3A_88 = arith.constant 0 : index
    %get3A_89 = memref.load %arg0[%get3A_88] : memref<9xi32, #tpu.memory_space<smem>>
    %eq3A_90 = arith.cmpi eq, %get3A_89, %get3A_81 : i32
    %jit3A_91 = arith.constant 0 : i32
    %select_n3A_92 = arith.select %eq3A_90, %jit3A_91, %select_n3A_87 : i32
    %broadcast_in_dim3A_93 = arith.constant 0.000000e+00 : f32
    %broadcast_in_dim3A_94 = vector.broadcast %broadcast_in_dim3A_93 : f32 to vector<1x48xf32>
    %eq3A_95 = arith.constant 0 : i32
    %eq3A_96 = arith.cmpi eq, %select_n3A_92, %eq3A_95 : i32
    %jit3A_97 = arith.constant 1.000000e+00 : f32
    %jit3A_98 = arith.constant 0.000000e+00 : f32
    %select_n3A_99 = arith.select %eq3A_96, %jit3A_97, %jit3A_98 : f32
    %slice3A_100 = vector.extract_strided_slice %reduce_sum3A_3 {offsets = [0, 0], sizes = [1, 48], strides = [1, 1]} : vector<16x48xf32> to vector<1x48xf32>
    %mul3A_101 = vector.broadcast %select_n3A_99 : f32 to vector<1x48xf32>
    %mul3A_102 = arith.mulf %mul3A_101, %slice3A_100 : vector<1x48xf32>
    %add3A_103 = arith.addf %broadcast_in_dim3A_94, %mul3A_102 : vector<1x48xf32>
    %eq3A_104 = arith.constant 1 : i32
    %eq3A_105 = arith.cmpi eq, %select_n3A_92, %eq3A_104 : i32
    %jit3A_106 = arith.constant 1.000000e+00 : f32
    %jit3A_107 = arith.constant 0.000000e+00 : f32
    %select_n3A_108 = arith.select %eq3A_105, %jit3A_106, %jit3A_107 : f32
    %slice3A_109 = vector.extract_strided_slice %reduce_sum3A_3 {offsets = [1, 0], sizes = [1, 48], strides = [1, 1]} : vector<16x48xf32> to vector<1x48xf32>
    %mul3A_110 = vector.broadcast %select_n3A_108 : f32 to vector<1x48xf32>
    %mul3A_111 = arith.mulf %mul3A_110, %slice3A_109 : vector<1x48xf32>
    %add3A_112 = arith.addf %add3A_103, %mul3A_111 : vector<1x48xf32>
    %eq3A_113 = arith.constant 2 : i32
    %eq3A_114 = arith.cmpi eq, %select_n3A_92, %eq3A_113 : i32
    %jit3A_115 = arith.constant 1.000000e+00 : f32
    %jit3A_116 = arith.constant 0.000000e+00 : f32
    %select_n3A_117 = arith.select %eq3A_114, %jit3A_115, %jit3A_116 : f32
    %slice3A_118 = vector.extract_strided_slice %reduce_sum3A_3 {offsets = [2, 0], sizes = [1, 48], strides = [1, 1]} : vector<16x48xf32> to vector<1x48xf32>
    %mul3A_119 = vector.broadcast %select_n3A_117 : f32 to vector<1x48xf32>
    %mul3A_120 = arith.mulf %mul3A_119, %slice3A_118 : vector<1x48xf32>
    %add3A_121 = arith.addf %add3A_112, %mul3A_120 : vector<1x48xf32>
    %get3A_122 = arith.index_cast %get3A_81 : i32 to index
    %get3A_123 = arith.constant 0 : index
    %get3A_124 = vector.load %arg2[%get3A_122, %get3A_123] : memref<10240x48xf32, #tpu.memory_space<vmem>>, vector<1x48xf32>
    %get3A_125 = arith.index_cast %get3A_81 : i32 to index
    %get3A_126 = arith.constant 0 : index
    %get3A_127 = vector.load %arg3[%get3A_125, %get3A_126] : memref<10240x1xf32, #tpu.memory_space<vmem>>, vector<1x1xf32>
    %add3A_128 = arith.addf %add3A_121, %get3A_124 : vector<1x48xf32>
    %mul3A_129 = vector.broadcast %get3A_127 : vector<1x1xf32> to vector<1x48xf32>
    %mul3A_130 = arith.mulf %mul3A_129, %add3A_128 : vector<1x48xf32>
    %get3A_131 = arith.constant 0 : index
    %get3A_132 = arith.constant 0 : index
    %get3A_133 = vector.load %arg4[%get3A_131, %get3A_132] : memref<1x48xf32, #tpu.memory_space<vmem>>, vector<1x48xf32>
    %add3A_134 = arith.addf %mul3A_130, %get3A_133 : vector<1x48xf32>
    %max3A_135 = arith.constant 0.000000e+00 : f32
    %max3A_136 = vector.broadcast %max3A_135 : f32 to vector<1x48xf32>
    %max3A_137 = arith.maximumf %add3A_134, %max3A_136 : vector<1x48xf32>
    %swap3A_138 = arith.constant 2 : index
    %swap3A_139 = arith.constant 0 : index
    %swap3A_140 = vector.load %arg8[%swap3A_138, %swap3A_139] : memref<16x48xf32, #tpu.memory_space<vmem>>, vector<1x48xf32>
    tpu.vector_store %arg8[%swap3A_138, %swap3A_139], %max3A_137 {strides = array<i32>} : memref<16x48xf32, #tpu.memory_space<vmem>>, vector<1x48xf32>,
    %get3A_141 = arith.constant 3 : index
    %get3A_142 = memref.load %arg0[%get3A_141] : memref<9xi32, #tpu.memory_space<smem>>
    %get3A_143 = arith.constant 2 : index
    %get3A_144 = memref.load %arg0[%get3A_143] : memref<9xi32, #tpu.memory_space<smem>>
    %eq3A_145 = arith.cmpi eq, %get3A_144, %get3A_142 : i32
    %jit3A_146 = arith.constant 2 : i32
    %jit3A_147 = arith.constant 3 : i32
    %select_n3A_148 = arith.select %eq3A_145, %jit3A_146, %jit3A_147 : i32
    %get3A_149 = arith.constant 1 : index
    %get3A_150 = memref.load %arg0[%get3A_149] : memref<9xi32, #tpu.memory_space<smem>>
    %eq3A_151 = arith.cmpi eq, %get3A_150, %get3A_142 : i32
    %jit3A_152 = arith.constant 1 : i32
    %select_n3A_153 = arith.select %eq3A_151, %jit3A_152, %select_n3A_148 : i32
    %get3A_154 = arith.constant 0 : index
    %get3A_155 = memref.load %arg0[%get3A_154] : memref<9xi32, #tpu.memory_space<smem>>
    %eq3A_156 = arith.cmpi eq, %get3A_155, %get3A_142 : i32
    %jit3A_157 = arith.constant 0 : i32
    %select_n3A_158 = arith.select %eq3A_156, %jit3A_157, %select_n3A_153 : i32
    %broadcast_in_dim3A_159 = arith.constant 0.000000e+00 : f32
    %broadcast_in_dim3A_160 = vector.broadcast %broadcast_in_dim3A_159 : f32 to vector<1x48xf32>
    %eq3A_161 = arith.constant 0 : i32
    %eq3A_162 = arith.cmpi eq, %select_n3A_158, %eq3A_161 : i32
    %jit3A_163 = arith.constant 1.000000e+00 : f32
    %jit3A_164 = arith.constant 0.000000e+00 : f32
    %select_n3A_165 = arith.select %eq3A_162, %jit3A_163, %jit3A_164 : f32
    %slice3A_166 = vector.extract_strided_slice %reduce_sum3A_3 {offsets = [0, 0], sizes = [1, 48], strides = [1, 1]} : vector<16x48xf32> to vector<1x48xf32>
    %mul3A_167 = vector.broadcast %select_n3A_165 : f32 to vector<1x48xf32>
    %mul3A_168 = arith.mulf %mul3A_167, %slice3A_166 : vector<1x48xf32>
    %add3A_169 = arith.addf %broadcast_in_dim3A_160, %mul3A_168 : vector<1x48xf32>
    %eq3A_170 = arith.constant 1 : i32
    %eq3A_171 = arith.cmpi eq, %select_n3A_158, %eq3A_170 : i32
    %jit3A_172 = arith.constant 1.000000e+00 : f32
    %jit3A_173 = arith.constant 0.000000e+00 : f32
    %select_n3A_174 = arith.select %eq3A_171, %jit3A_172, %jit3A_173 : f32
    %slice3A_175 = vector.extract_strided_slice %reduce_sum3A_3 {offsets = [1, 0], sizes = [1, 48], strides = [1, 1]} : vector<16x48xf32> to vector<1x48xf32>
    %mul3A_176 = vector.broadcast %select_n3A_174 : f32 to vector<1x48xf32>
    %mul3A_177 = arith.mulf %mul3A_176, %slice3A_175 : vector<1x48xf32>
    %add3A_178 = arith.addf %add3A_169, %mul3A_177 : vector<1x48xf32>
    %eq3A_179 = arith.constant 2 : i32
    %eq3A_180 = arith.cmpi eq, %select_n3A_158, %eq3A_179 : i32
    %jit3A_181 = arith.constant 1.000000e+00 : f32
    %jit3A_182 = arith.constant 0.000000e+00 : f32
    %select_n3A_183 = arith.select %eq3A_180, %jit3A_181, %jit3A_182 : f32
    %slice3A_184 = vector.extract_strided_slice %reduce_sum3A_3 {offsets = [2, 0], sizes = [1, 48], strides = [1, 1]} : vector<16x48xf32> to vector<1x48xf32>
    %mul3A_185 = vector.broadcast %select_n3A_183 : f32 to vector<1x48xf32>
    %mul3A_186 = arith.mulf %mul3A_185, %slice3A_184 : vector<1x48xf32>
    %add3A_187 = arith.addf %add3A_178, %mul3A_186 : vector<1x48xf32>
    %eq3A_188 = arith.constant 3 : i32
    %eq3A_189 = arith.cmpi eq, %select_n3A_158, %eq3A_188 : i32
    %jit3A_190 = arith.constant 1.000000e+00 : f32
    %jit3A_191 = arith.constant 0.000000e+00 : f32
    %select_n3A_192 = arith.select %eq3A_189, %jit3A_190, %jit3A_191 : f32
    %slice3A_193 = vector.extract_strided_slice %reduce_sum3A_3 {offsets = [3, 0], sizes = [1, 48], strides = [1, 1]} : vector<16x48xf32> to vector<1x48xf32>
    %mul3A_194 = vector.broadcast %select_n3A_192 : f32 to vector<1x48xf32>
    %mul3A_195 = arith.mulf %mul3A_194, %slice3A_193 : vector<1x48xf32>
    %add3A_196 = arith.addf %add3A_187, %mul3A_195 : vector<1x48xf32>
    %get3A_197 = arith.index_cast %get3A_142 : i32 to index
    %get3A_198 = arith.constant 0 : index
    %get3A_199 = vector.load %arg2[%get3A_197, %get3A_198] : memref<10240x48xf32, #tpu.memory_space<vmem>>, vector<1x48xf32>
    %get3A_200 = arith.index_cast %get3A_142 : i32 to index
    %get3A_201 = arith.constant 0 : index
    %get3A_202 = vector.load %arg3[%get3A_200, %get3A_201] : memref<10240x1xf32, #tpu.memory_space<vmem>>, vector<1x1xf32>
    %add3A_203 = arith.addf %add3A_196, %get3A_199 : vector<1x48xf32>
    %mul3A_204 = vector.broadcast %get3A_202 : vector<1x1xf32> to vector<1x48xf32>
    %mul3A_205 = arith.mulf %mul3A_204, %add3A_203 : vector<1x48xf32>
    %get3A_206 = arith.constant 0 : index
    %get3A_207 = arith.constant 0 : index
    %get3A_208 = vector.load %arg4[%get3A_206, %get3A_207] : memref<1x48xf32, #tpu.memory_space<vmem>>, vector<1x48xf32>
    %add3A_209 = arith.addf %mul3A_205, %get3A_208 : vector<1x48xf32>
    %max3A_210 = arith.constant 0.000000e+00 : f32
    %max3A_211 = vector.broadcast %max3A_210 : f32 to vector<1x48xf32>
    %max3A_212 = arith.maximumf %add3A_209, %max3A_211 : vector<1x48xf32>
    %swap3A_213 = arith.constant 3 : index
    %swap3A_214 = arith.constant 0 : index
    %swap3A_215 = vector.load %arg8[%swap3A_213, %swap3A_214] : memref<16x48xf32, #tpu.memory_space<vmem>>, vector<1x48xf32>
    tpu.vector_store %arg8[%swap3A_213, %swap3A_214], %max3A_212 {strides = array<i32>} : memref<16x48xf32, #tpu.memory_space<vmem>>, vector<1x48xf32>,
    %get3A_216 = arith.constant 4 : index
    %get3A_217 = memref.load %arg0[%get3A_216] : memref<9xi32, #tpu.memory_space<smem>>
    %get3A_218 = arith.constant 3 : index
    %get3A_219 = memref.load %arg0[%get3A_218] : memref<9xi32, #tpu.memory_space<smem>>
    %eq3A_220 = arith.cmpi eq, %get3A_219, %get3A_217 : i32
    %jit3A_221 = arith.constant 3 : i32
    %jit3A_222 = arith.constant 4 : i32
    %select_n3A_223 = arith.select %eq3A_220, %jit3A_221, %jit3A_222 : i32
    %get3A_224 = arith.constant 2 : index
    %get3A_225 = memref.load %arg0[%get3A_224] : memref<9xi32, #tpu.memory_space<smem>>
    %eq3A_226 = arith.cmpi eq, %get3A_225, %get3A_217 : i32
    %jit3A_227 = arith.constant 2 : i32
    %select_n3A_228 = arith.select %eq3A_226, %jit3A_227, %select_n3A_223 : i32
    %get3A_229 = arith.constant 1 : index
    %get3A_230 = memref.load %arg0[%get3A_229] : memref<9xi32, #tpu.memory_space<smem>>
    %eq3A_231 = arith.cmpi eq, %get3A_230, %get3A_217 : i32
    %jit3A_232 = arith.constant 1 : i32
    %select_n3A_233 = arith.select %eq3A_231, %jit3A_232, %select_n3A_228 : i32
    %get3A_234 = arith.constant 0 : index
    %get3A_235 = memref.load %arg0[%get3A_234] : memref<9xi32, #tpu.memory_space<smem>>
    %eq3A_236 = arith.cmpi eq, %get3A_235, %get3A_217 : i32
    %jit3A_237 = arith.constant 0 : i32
    %select_n3A_238 = arith.select %eq3A_236, %jit3A_237, %select_n3A_233 : i32
    %broadcast_in_dim3A_239 = arith.constant 0.000000e+00 : f32
    %broadcast_in_dim3A_240 = vector.broadcast %broadcast_in_dim3A_239 : f32 to vector<1x48xf32>
    %eq3A_241 = arith.constant 0 : i32
    %eq3A_242 = arith.cmpi eq, %select_n3A_238, %eq3A_241 : i32
    %jit3A_243 = arith.constant 1.000000e+00 : f32
    %jit3A_244 = arith.constant 0.000000e+00 : f32
    %select_n3A_245 = arith.select %eq3A_242, %jit3A_243, %jit3A_244 : f32
    %slice3A_246 = vector.extract_strided_slice %reduce_sum3A_3 {offsets = [0, 0], sizes = [1, 48], strides = [1, 1]} : vector<16x48xf32> to vector<1x48xf32>
    %mul3A_247 = vector.broadcast %select_n3A_245 : f32 to vector<1x48xf32>
    %mul3A_248 = arith.mulf %mul3A_247, %slice3A_246 : vector<1x48xf32>
    %add3A_249 = arith.addf %broadcast_in_dim3A_240, %mul3A_248 : vector<1x48xf32>
    %eq3A_250 = arith.constant 1 : i32
    %eq3A_251 = arith.cmpi eq, %select_n3A_238, %eq3A_250 : i32
    %jit3A_252 = arith.constant 1.000000e+00 : f32
    %jit3A_253 = arith.constant 0.000000e+00 : f32
    %select_n3A_254 = arith.select %eq3A_251, %jit3A_252, %jit3A_253 : f32
    %slice3A_255 = vector.extract_strided_slice %reduce_sum3A_3 {offsets = [1, 0], sizes = [1, 48], strides = [1, 1]} : vector<16x48xf32> to vector<1x48xf32>
    %mul3A_256 = vector.broadcast %select_n3A_254 : f32 to vector<1x48xf32>
    %mul3A_257 = arith.mulf %mul3A_256, %slice3A_255 : vector<1x48xf32>
    %add3A_258 = arith.addf %add3A_249, %mul3A_257 : vector<1x48xf32>
    %eq3A_259 = arith.constant 2 : i32
    %eq3A_260 = arith.cmpi eq, %select_n3A_238, %eq3A_259 : i32
    %jit3A_261 = arith.constant 1.000000e+00 : f32
    %jit3A_262 = arith.constant 0.000000e+00 : f32
    %select_n3A_263 = arith.select %eq3A_260, %jit3A_261, %jit3A_262 : f32
    %slice3A_264 = vector.extract_strided_slice %reduce_sum3A_3 {offsets = [2, 0], sizes = [1, 48], strides = [1, 1]} : vector<16x48xf32> to vector<1x48xf32>
    %mul3A_265 = vector.broadcast %select_n3A_263 : f32 to vector<1x48xf32>
    %mul3A_266 = arith.mulf %mul3A_265, %slice3A_264 : vector<1x48xf32>
    %add3A_267 = arith.addf %add3A_258, %mul3A_266 : vector<1x48xf32>
    %eq3A_268 = arith.constant 3 : i32
    %eq3A_269 = arith.cmpi eq, %select_n3A_238, %eq3A_268 : i32
    %jit3A_270 = arith.constant 1.000000e+00 : f32
    %jit3A_271 = arith.constant 0.000000e+00 : f32
    %select_n3A_272 = arith.select %eq3A_269, %jit3A_270, %jit3A_271 : f32
    %slice3A_273 = vector.extract_strided_slice %reduce_sum3A_3 {offsets = [3, 0], sizes = [1, 48], strides = [1, 1]} : vector<16x48xf32> to vector<1x48xf32>
    %mul3A_274 = vector.broadcast %select_n3A_272 : f32 to vector<1x48xf32>
    %mul3A_275 = arith.mulf %mul3A_274, %slice3A_273 : vector<1x48xf32>
    %add3A_276 = arith.addf %add3A_267, %mul3A_275 : vector<1x48xf32>
    %eq3A_277 = arith.constant 4 : i32
    %eq3A_278 = arith.cmpi eq, %select_n3A_238, %eq3A_277 : i32
    %jit3A_279 = arith.constant 1.000000e+00 : f32
    %jit3A_280 = arith.constant 0.000000e+00 : f32
    %select_n3A_281 = arith.select %eq3A_278, %jit3A_279, %jit3A_280 : f32
    %slice3A_282 = vector.extract_strided_slice %reduce_sum3A_3 {offsets = [4, 0], sizes = [1, 48], strides = [1, 1]} : vector<16x48xf32> to vector<1x48xf32>
    %mul3A_283 = vector.broadcast %select_n3A_281 : f32 to vector<1x48xf32>
    %mul3A_284 = arith.mulf %mul3A_283, %slice3A_282 : vector<1x48xf32>
    %add3A_285 = arith.addf %add3A_276, %mul3A_284 : vector<1x48xf32>
    %get3A_286 = arith.index_cast %get3A_217 : i32 to index
    %get3A_287 = arith.constant 0 : index
    %get3A_288 = vector.load %arg2[%get3A_286, %get3A_287] : memref<10240x48xf32, #tpu.memory_space<vmem>>, vector<1x48xf32>
    %get3A_289 = arith.index_cast %get3A_217 : i32 to index
    %get3A_290 = arith.constant 0 : index
    %get3A_291 = vector.load %arg3[%get3A_289, %get3A_290] : memref<10240x1xf32, #tpu.memory_space<vmem>>, vector<1x1xf32>
    %add3A_292 = arith.addf %add3A_285, %get3A_288 : vector<1x48xf32>
    %mul3A_293 = vector.broadcast %get3A_291 : vector<1x1xf32> to vector<1x48xf32>
    %mul3A_294 = arith.mulf %mul3A_293, %add3A_292 : vector<1x48xf32>
    %get3A_295 = arith.constant 0 : index
    %get3A_296 = arith.constant 0 : index
    %get3A_297 = vector.load %arg4[%get3A_295, %get3A_296] : memref<1x48xf32, #tpu.memory_space<vmem>>, vector<1x48xf32>
    %add3A_298 = arith.addf %mul3A_294, %get3A_297 : vector<1x48xf32>
    %max3A_299 = arith.constant 0.000000e+00 : f32
    %max3A_300 = vector.broadcast %max3A_299 : f32 to vector<1x48xf32>
    %max3A_301 = arith.maximumf %add3A_298, %max3A_300 : vector<1x48xf32>
    %swap3A_302 = arith.constant 4 : index
    %swap3A_303 = arith.constant 0 : index
    %swap3A_304 = vector.load %arg8[%swap3A_302, %swap3A_303] : memref<16x48xf32, #tpu.memory_space<vmem>>, vector<1x48xf32>
    tpu.vector_store %arg8[%swap3A_302, %swap3A_303], %max3A_301 {strides = array<i32>} : memref<16x48xf32, #tpu.memory_space<vmem>>, vector<1x48xf32>,
    %get3A_305 = arith.constant 5 : index
    %get3A_306 = memref.load %arg0[%get3A_305] : memref<9xi32, #tpu.memory_space<smem>>
    %get3A_307 = arith.constant 4 : index
    %get3A_308 = memref.load %arg0[%get3A_307] : memref<9xi32, #tpu.memory_space<smem>>
    %eq3A_309 = arith.cmpi eq, %get3A_308, %get3A_306 : i32
    %jit3A_310 = arith.constant 4 : i32
    %jit3A_311 = arith.constant 5 : i32
    %select_n3A_312 = arith.select %eq3A_309, %jit3A_310, %jit3A_311 : i32
    %get3A_313 = arith.constant 3 : index
    %get3A_314 = memref.load %arg0[%get3A_313] : memref<9xi32, #tpu.memory_space<smem>>
    %eq3A_315 = arith.cmpi eq, %get3A_314, %get3A_306 : i32
    %jit3A_316 = arith.constant 3 : i32
    %select_n3A_317 = arith.select %eq3A_315, %jit3A_316, %select_n3A_312 : i32
    %get3A_318 = arith.constant 2 : index
    %get3A_319 = memref.load %arg0[%get3A_318] : memref<9xi32, #tpu.memory_space<smem>>
    %eq3A_320 = arith.cmpi eq, %get3A_319, %get3A_306 : i32
    %jit3A_321 = arith.constant 2 : i32
    %select_n3A_322 = arith.select %eq3A_320, %jit3A_321, %select_n3A_317 : i32
    %get3A_323 = arith.constant 1 : index
    %get3A_324 = memref.load %arg0[%get3A_323] : memref<9xi32, #tpu.memory_space<smem>>
    %eq3A_325 = arith.cmpi eq, %get3A_324, %get3A_306 : i32
    %jit3A_326 = arith.constant 1 : i32
    %select_n3A_327 = arith.select %eq3A_325, %jit3A_326, %select_n3A_322 : i32
    %get3A_328 = arith.constant 0 : index
    %get3A_329 = memref.load %arg0[%get3A_328] : memref<9xi32, #tpu.memory_space<smem>>
    %eq3A_330 = arith.cmpi eq, %get3A_329, %get3A_306 : i32
    %jit3A_331 = arith.constant 0 : i32
    %select_n3A_332 = arith.select %eq3A_330, %jit3A_331, %select_n3A_327 : i32
    %broadcast_in_dim3A_333 = arith.constant 0.000000e+00 : f32
    %broadcast_in_dim3A_334 = vector.broadcast %broadcast_in_dim3A_333 : f32 to vector<1x48xf32>
    %eq3A_335 = arith.constant 0 : i32
    %eq3A_336 = arith.cmpi eq, %select_n3A_332, %eq3A_335 : i32
    %jit3A_337 = arith.constant 1.000000e+00 : f32
    %jit3A_338 = arith.constant 0.000000e+00 : f32
    %select_n3A_339 = arith.select %eq3A_336, %jit3A_337, %jit3A_338 : f32
    %slice3A_340 = vector.extract_strided_slice %reduce_sum3A_3 {offsets = [0, 0], sizes = [1, 48], strides = [1, 1]} : vector<16x48xf32> to vector<1x48xf32>
    %mul3A_341 = vector.broadcast %select_n3A_339 : f32 to vector<1x48xf32>
    %mul3A_342 = arith.mulf %mul3A_341, %slice3A_340 : vector<1x48xf32>
    %add3A_343 = arith.addf %broadcast_in_dim3A_334, %mul3A_342 : vector<1x48xf32>
    %eq3A_344 = arith.constant 1 : i32
    %eq3A_345 = arith.cmpi eq, %select_n3A_332, %eq3A_344 : i32
    %jit3A_346 = arith.constant 1.000000e+00 : f32
    %jit3A_347 = arith.constant 0.000000e+00 : f32
    %select_n3A_348 = arith.select %eq3A_345, %jit3A_346, %jit3A_347 : f32
    %slice3A_349 = vector.extract_strided_slice %reduce_sum3A_3 {offsets = [1, 0], sizes = [1, 48], strides = [1, 1]} : vector<16x48xf32> to vector<1x48xf32>
    %mul3A_350 = vector.broadcast %select_n3A_348 : f32 to vector<1x48xf32>
    %mul3A_351 = arith.mulf %mul3A_350, %slice3A_349 : vector<1x48xf32>
    %add3A_352 = arith.addf %add3A_343, %mul3A_351 : vector<1x48xf32>
    %eq3A_353 = arith.constant 2 : i32
    %eq3A_354 = arith.cmpi eq, %select_n3A_332, %eq3A_353 : i32
    %jit3A_355 = arith.constant 1.000000e+00 : f32
    %jit3A_356 = arith.constant 0.000000e+00 : f32
    %select_n3A_357 = arith.select %eq3A_354, %jit3A_355, %jit3A_356 : f32
    %slice3A_358 = vector.extract_strided_slice %reduce_sum3A_3 {offsets = [2, 0], sizes = [1, 48], strides = [1, 1]} : vector<16x48xf32> to vector<1x48xf32>
    %mul3A_359 = vector.broadcast %select_n3A_357 : f32 to vector<1x48xf32>
    %mul3A_360 = arith.mulf %mul3A_359, %slice3A_358 : vector<1x48xf32>
    %add3A_361 = arith.addf %add3A_352, %mul3A_360 : vector<1x48xf32>
    %eq3A_362 = arith.constant 3 : i32
    %eq3A_363 = arith.cmpi eq, %select_n3A_332, %eq3A_362 : i32
    %jit3A_364 = arith.constant 1.000000e+00 : f32
    %jit3A_365 = arith.constant 0.000000e+00 : f32
    %select_n3A_366 = arith.select %eq3A_363, %jit3A_364, %jit3A_365 : f32
    %slice3A_367 = vector.extract_strided_slice %reduce_sum3A_3 {offsets = [3, 0], sizes = [1, 48], strides = [1, 1]} : vector<16x48xf32> to vector<1x48xf32>
    %mul3A_368 = vector.broadcast %select_n3A_366 : f32 to vector<1x48xf32>
    %mul3A_369 = arith.mulf %mul3A_368, %slice3A_367 : vector<1x48xf32>
    %add3A_370 = arith.addf %add3A_361, %mul3A_369 : vector<1x48xf32>
    %eq3A_371 = arith.constant 4 : i32
    %eq3A_372 = arith.cmpi eq, %select_n3A_332, %eq3A_371 : i32
    %jit3A_373 = arith.constant 1.000000e+00 : f32
    %jit3A_374 = arith.constant 0.000000e+00 : f32
    %select_n3A_375 = arith.select %eq3A_372, %jit3A_373, %jit3A_374 : f32
    %slice3A_376 = vector.extract_strided_slice %reduce_sum3A_3 {offsets = [4, 0], sizes = [1, 48], strides = [1, 1]} : vector<16x48xf32> to vector<1x48xf32>
    %mul3A_377 = vector.broadcast %select_n3A_375 : f32 to vector<1x48xf32>
    %mul3A_378 = arith.mulf %mul3A_377, %slice3A_376 : vector<1x48xf32>
    %add3A_379 = arith.addf %add3A_370, %mul3A_378 : vector<1x48xf32>
    %eq3A_380 = arith.constant 5 : i32
    %eq3A_381 = arith.cmpi eq, %select_n3A_332, %eq3A_380 : i32
    %jit3A_382 = arith.constant 1.000000e+00 : f32
    %jit3A_383 = arith.constant 0.000000e+00 : f32
    %select_n3A_384 = arith.select %eq3A_381, %jit3A_382, %jit3A_383 : f32
    %slice3A_385 = vector.extract_strided_slice %reduce_sum3A_3 {offsets = [5, 0], sizes = [1, 48], strides = [1, 1]} : vector<16x48xf32> to vector<1x48xf32>
    %mul3A_386 = vector.broadcast %select_n3A_384 : f32 to vector<1x48xf32>
    %mul3A_387 = arith.mulf %mul3A_386, %slice3A_385 : vector<1x48xf32>
    %add3A_388 = arith.addf %add3A_379, %mul3A_387 : vector<1x48xf32>
    %get3A_389 = arith.index_cast %get3A_306 : i32 to index
    %get3A_390 = arith.constant 0 : index
    %get3A_391 = vector.load %arg2[%get3A_389, %get3A_390] : memref<10240x48xf32, #tpu.memory_space<vmem>>, vector<1x48xf32>
    %get3A_392 = arith.index_cast %get3A_306 : i32 to index
    %get3A_393 = arith.constant 0 : index
    %get3A_394 = vector.load %arg3[%get3A_392, %get3A_393] : memref<10240x1xf32, #tpu.memory_space<vmem>>, vector<1x1xf32>
    %add3A_395 = arith.addf %add3A_388, %get3A_391 : vector<1x48xf32>
    %mul3A_396 = vector.broadcast %get3A_394 : vector<1x1xf32> to vector<1x48xf32>
    %mul3A_397 = arith.mulf %mul3A_396, %add3A_395 : vector<1x48xf32>
    %get3A_398 = arith.constant 0 : index
    %get3A_399 = arith.constant 0 : index
    %get3A_400 = vector.load %arg4[%get3A_398, %get3A_399] : memref<1x48xf32, #tpu.memory_space<vmem>>, vector<1x48xf32>
    %add3A_401 = arith.addf %mul3A_397, %get3A_400 : vector<1x48xf32>
    %max3A_402 = arith.constant 0.000000e+00 : f32
    %max3A_403 = vector.broadcast %max3A_402 : f32 to vector<1x48xf32>
    %max3A_404 = arith.maximumf %add3A_401, %max3A_403 : vector<1x48xf32>
    %swap3A_405 = arith.constant 5 : index
    %swap3A_406 = arith.constant 0 : index
    %swap3A_407 = vector.load %arg8[%swap3A_405, %swap3A_406] : memref<16x48xf32, #tpu.memory_space<vmem>>, vector<1x48xf32>
    tpu.vector_store %arg8[%swap3A_405, %swap3A_406], %max3A_404 {strides = array<i32>} : memref<16x48xf32, #tpu.memory_space<vmem>>, vector<1x48xf32>,
    %get3A_408 = arith.constant 6 : index
    %get3A_409 = memref.load %arg0[%get3A_408] : memref<9xi32, #tpu.memory_space<smem>>
    %get3A_410 = arith.constant 5 : index
    %get3A_411 = memref.load %arg0[%get3A_410] : memref<9xi32, #tpu.memory_space<smem>>
    %eq3A_412 = arith.cmpi eq, %get3A_411, %get3A_409 : i32
    %jit3A_413 = arith.constant 5 : i32
    %jit3A_414 = arith.constant 6 : i32
    %select_n3A_415 = arith.select %eq3A_412, %jit3A_413, %jit3A_414 : i32
    %get3A_416 = arith.constant 4 : index
    %get3A_417 = memref.load %arg0[%get3A_416] : memref<9xi32, #tpu.memory_space<smem>>
    %eq3A_418 = arith.cmpi eq, %get3A_417, %get3A_409 : i32
    %jit3A_419 = arith.constant 4 : i32
    %select_n3A_420 = arith.select %eq3A_418, %jit3A_419, %select_n3A_415 : i32
    %get3A_421 = arith.constant 3 : index
    %get3A_422 = memref.load %arg0[%get3A_421] : memref<9xi32, #tpu.memory_space<smem>>
    %eq3A_423 = arith.cmpi eq, %get3A_422, %get3A_409 : i32
    %jit3A_424 = arith.constant 3 : i32
    %select_n3A_425 = arith.select %eq3A_423, %jit3A_424, %select_n3A_420 : i32
    %get3A_426 = arith.constant 2 : index
    %get3A_427 = memref.load %arg0[%get3A_426] : memref<9xi32, #tpu.memory_space<smem>>
    %eq3A_428 = arith.cmpi eq, %get3A_427, %get3A_409 : i32
    %jit3A_429 = arith.constant 2 : i32
    %select_n3A_430 = arith.select %eq3A_428, %jit3A_429, %select_n3A_425 : i32
    %get3A_431 = arith.constant 1 : index
    %get3A_432 = memref.load %arg0[%get3A_431] : memref<9xi32, #tpu.memory_space<smem>>
    %eq3A_433 = arith.cmpi eq, %get3A_432, %get3A_409 : i32
    %jit3A_434 = arith.constant 1 : i32
    %select_n3A_435 = arith.select %eq3A_433, %jit3A_434, %select_n3A_430 : i32
    %get3A_436 = arith.constant 0 : index
    %get3A_437 = memref.load %arg0[%get3A_436] : memref<9xi32, #tpu.memory_space<smem>>
    %eq3A_438 = arith.cmpi eq, %get3A_437, %get3A_409 : i32
    %jit3A_439 = arith.constant 0 : i32
    %select_n3A_440 = arith.select %eq3A_438, %jit3A_439, %select_n3A_435 : i32
    %broadcast_in_dim3A_441 = arith.constant 0.000000e+00 : f32
    %broadcast_in_dim3A_442 = vector.broadcast %broadcast_in_dim3A_441 : f32 to vector<1x48xf32>
    %eq3A_443 = arith.constant 0 : i32
    %eq3A_444 = arith.cmpi eq, %select_n3A_440, %eq3A_443 : i32
    %jit3A_445 = arith.constant 1.000000e+00 : f32
    %jit3A_446 = arith.constant 0.000000e+00 : f32
    %select_n3A_447 = arith.select %eq3A_444, %jit3A_445, %jit3A_446 : f32
    %slice3A_448 = vector.extract_strided_slice %reduce_sum3A_3 {offsets = [0, 0], sizes = [1, 48], strides = [1, 1]} : vector<16x48xf32> to vector<1x48xf32>
    %mul3A_449 = vector.broadcast %select_n3A_447 : f32 to vector<1x48xf32>
    %mul3A_450 = arith.mulf %mul3A_449, %slice3A_448 : vector<1x48xf32>
    %add3A_451 = arith.addf %broadcast_in_dim3A_442, %mul3A_450 : vector<1x48xf32>
    %eq3A_452 = arith.constant 1 : i32
    %eq3A_453 = arith.cmpi eq, %select_n3A_440, %eq3A_452 : i32
    %jit3A_454 = arith.constant 1.000000e+00 : f32
    %jit3A_455 = arith.constant 0.000000e+00 : f32
    %select_n3A_456 = arith.select %eq3A_453, %jit3A_454, %jit3A_455 : f32
    %slice3A_457 = vector.extract_strided_slice %reduce_sum3A_3 {offsets = [1, 0], sizes = [1, 48], strides = [1, 1]} : vector<16x48xf32> to vector<1x48xf32>
    %mul3A_458 = vector.broadcast %select_n3A_456 : f32 to vector<1x48xf32>
    %mul3A_459 = arith.mulf %mul3A_458, %slice3A_457 : vector<1x48xf32>
    %add3A_460 = arith.addf %add3A_451, %mul3A_459 : vector<1x48xf32>
    %eq3A_461 = arith.constant 2 : i32
    %eq3A_462 = arith.cmpi eq, %select_n3A_440, %eq3A_461 : i32
    %jit3A_463 = arith.constant 1.000000e+00 : f32
    %jit3A_464 = arith.constant 0.000000e+00 : f32
    %select_n3A_465 = arith.select %eq3A_462, %jit3A_463, %jit3A_464 : f32
    %slice3A_466 = vector.extract_strided_slice %reduce_sum3A_3 {offsets = [2, 0], sizes = [1, 48], strides = [1, 1]} : vector<16x48xf32> to vector<1x48xf32>
    %mul3A_467 = vector.broadcast %select_n3A_465 : f32 to vector<1x48xf32>
    %mul3A_468 = arith.mulf %mul3A_467, %slice3A_466 : vector<1x48xf32>
    %add3A_469 = arith.addf %add3A_460, %mul3A_468 : vector<1x48xf32>
    %eq3A_470 = arith.constant 3 : i32
    %eq3A_471 = arith.cmpi eq, %select_n3A_440, %eq3A_470 : i32
    %jit3A_472 = arith.constant 1.000000e+00 : f32
    %jit3A_473 = arith.constant 0.000000e+00 : f32
    %select_n3A_474 = arith.select %eq3A_471, %jit3A_472, %jit3A_473 : f32
    %slice3A_475 = vector.extract_strided_slice %reduce_sum3A_3 {offsets = [3, 0], sizes = [1, 48], strides = [1, 1]} : vector<16x48xf32> to vector<1x48xf32>
    %mul3A_476 = vector.broadcast %select_n3A_474 : f32 to vector<1x48xf32>
    %mul3A_477 = arith.mulf %mul3A_476, %slice3A_475 : vector<1x48xf32>
    %add3A_478 = arith.addf %add3A_469, %mul3A_477 : vector<1x48xf32>
    %eq3A_479 = arith.constant 4 : i32
    %eq3A_480 = arith.cmpi eq, %select_n3A_440, %eq3A_479 : i32
    %jit3A_481 = arith.constant 1.000000e+00 : f32
    %jit3A_482 = arith.constant 0.000000e+00 : f32
    %select_n3A_483 = arith.select %eq3A_480, %jit3A_481, %jit3A_482 : f32
    %slice3A_484 = vector.extract_strided_slice %reduce_sum3A_3 {offsets = [4, 0], sizes = [1, 48], strides = [1, 1]} : vector<16x48xf32> to vector<1x48xf32>
    %mul3A_485 = vector.broadcast %select_n3A_483 : f32 to vector<1x48xf32>
    %mul3A_486 = arith.mulf %mul3A_485, %slice3A_484 : vector<1x48xf32>
    %add3A_487 = arith.addf %add3A_478, %mul3A_486 : vector<1x48xf32>
    %eq3A_488 = arith.constant 5 : i32
    %eq3A_489 = arith.cmpi eq, %select_n3A_440, %eq3A_488 : i32
    %jit3A_490 = arith.constant 1.000000e+00 : f32
    %jit3A_491 = arith.constant 0.000000e+00 : f32
    %select_n3A_492 = arith.select %eq3A_489, %jit3A_490, %jit3A_491 : f32
    %slice3A_493 = vector.extract_strided_slice %reduce_sum3A_3 {offsets = [5, 0], sizes = [1, 48], strides = [1, 1]} : vector<16x48xf32> to vector<1x48xf32>
    %mul3A_494 = vector.broadcast %select_n3A_492 : f32 to vector<1x48xf32>
    %mul3A_495 = arith.mulf %mul3A_494, %slice3A_493 : vector<1x48xf32>
    %add3A_496 = arith.addf %add3A_487, %mul3A_495 : vector<1x48xf32>
    %eq3A_497 = arith.constant 6 : i32
    %eq3A_498 = arith.cmpi eq, %select_n3A_440, %eq3A_497 : i32
    %jit3A_499 = arith.constant 1.000000e+00 : f32
    %jit3A_500 = arith.constant 0.000000e+00 : f32
    %select_n3A_501 = arith.select %eq3A_498, %jit3A_499, %jit3A_500 : f32
    %slice3A_502 = vector.extract_strided_slice %reduce_sum3A_3 {offsets = [6, 0], sizes = [1, 48], strides = [1, 1]} : vector<16x48xf32> to vector<1x48xf32>
    %mul3A_503 = vector.broadcast %select_n3A_501 : f32 to vector<1x48xf32>
    %mul3A_504 = arith.mulf %mul3A_503, %slice3A_502 : vector<1x48xf32>
    %add3A_505 = arith.addf %add3A_496, %mul3A_504 : vector<1x48xf32>
    %get3A_506 = arith.index_cast %get3A_409 : i32 to index
    %get3A_507 = arith.constant 0 : index
    %get3A_508 = vector.load %arg2[%get3A_506, %get3A_507] : memref<10240x48xf32, #tpu.memory_space<vmem>>, vector<1x48xf32>
    %get3A_509 = arith.index_cast %get3A_409 : i32 to index
    %get3A_510 = arith.constant 0 : index
    %get3A_511 = vector.load %arg3[%get3A_509, %get3A_510] : memref<10240x1xf32, #tpu.memory_space<vmem>>, vector<1x1xf32>
    %add3A_512 = arith.addf %add3A_505, %get3A_508 : vector<1x48xf32>
    %mul3A_513 = vector.broadcast %get3A_511 : vector<1x1xf32> to vector<1x48xf32>
    %mul3A_514 = arith.mulf %mul3A_513, %add3A_512 : vector<1x48xf32>
    %get3A_515 = arith.constant 0 : index
    %get3A_516 = arith.constant 0 : index
    %get3A_517 = vector.load %arg4[%get3A_515, %get3A_516] : memref<1x48xf32, #tpu.memory_space<vmem>>, vector<1x48xf32>
    %add3A_518 = arith.addf %mul3A_514, %get3A_517 : vector<1x48xf32>
    %max3A_519 = arith.constant 0.000000e+00 : f32
    %max3A_520 = vector.broadcast %max3A_519 : f32 to vector<1x48xf32>
    %max3A_521 = arith.maximumf %add3A_518, %max3A_520 : vector<1x48xf32>
    %swap3A_522 = arith.constant 6 : index
    %swap3A_523 = arith.constant 0 : index
    %swap3A_524 = vector.load %arg8[%swap3A_522, %swap3A_523] : memref<16x48xf32, #tpu.memory_space<vmem>>, vector<1x48xf32>
    tpu.vector_store %arg8[%swap3A_522, %swap3A_523], %max3A_521 {strides = array<i32>} : memref<16x48xf32, #tpu.memory_space<vmem>>, vector<1x48xf32>,
    %get3A_525 = arith.constant 7 : index
    %get3A_526 = memref.load %arg0[%get3A_525] : memref<9xi32, #tpu.memory_space<smem>>
    %get3A_527 = arith.constant 6 : index
    %get3A_528 = memref.load %arg0[%get3A_527] : memref<9xi32, #tpu.memory_space<smem>>
    %eq3A_529 = arith.cmpi eq, %get3A_528, %get3A_526 : i32
    %jit3A_530 = arith.constant 6 : i32
    %jit3A_531 = arith.constant 7 : i32
    %select_n3A_532 = arith.select %eq3A_529, %jit3A_530, %jit3A_531 : i32
    %get3A_533 = arith.constant 5 : index
    %get3A_534 = memref.load %arg0[%get3A_533] : memref<9xi32, #tpu.memory_space<smem>>
    %eq3A_535 = arith.cmpi eq, %get3A_534, %get3A_526 : i32
    %jit3A_536 = arith.constant 5 : i32
    %select_n3A_537 = arith.select %eq3A_535, %jit3A_536, %select_n3A_532 : i32
    %get3A_538 = arith.constant 4 : index
    %get3A_539 = memref.load %arg0[%get3A_538] : memref<9xi32, #tpu.memory_space<smem>>
    %eq3A_540 = arith.cmpi eq, %get3A_539, %get3A_526 : i32
    %jit3A_541 = arith.constant 4 : i32
    %select_n3A_542 = arith.select %eq3A_540, %jit3A_541, %select_n3A_537 : i32
    %get3A_543 = arith.constant 3 : index
    %get3A_544 = memref.load %arg0[%get3A_543] : memref<9xi32, #tpu.memory_space<smem>>
    %eq3A_545 = arith.cmpi eq, %get3A_544, %get3A_526 : i32
    %jit3A_546 = arith.constant 3 : i32
    %select_n3A_547 = arith.select %eq3A_545, %jit3A_546, %select_n3A_542 : i32
    %get3A_548 = arith.constant 2 : index
    %get3A_549 = memref.load %arg0[%get3A_548] : memref<9xi32, #tpu.memory_space<smem>>
    %eq3A_550 = arith.cmpi eq, %get3A_549, %get3A_526 : i32
    %jit3A_551 = arith.constant 2 : i32
    %select_n3A_552 = arith.select %eq3A_550, %jit3A_551, %select_n3A_547 : i32
    %get3A_553 = arith.constant 1 : index
    %get3A_554 = memref.load %arg0[%get3A_553] : memref<9xi32, #tpu.memory_space<smem>>
    %eq3A_555 = arith.cmpi eq, %get3A_554, %get3A_526 : i32
    %jit3A_556 = arith.constant 1 : i32
    %select_n3A_557 = arith.select %eq3A_555, %jit3A_556, %select_n3A_552 : i32
    %get3A_558 = arith.constant 0 : index
    %get3A_559 = memref.load %arg0[%get3A_558] : memref<9xi32, #tpu.memory_space<smem>>
    %eq3A_560 = arith.cmpi eq, %get3A_559, %get3A_526 : i32
    %jit3A_561 = arith.constant 0 : i32
    %select_n3A_562 = arith.select %eq3A_560, %jit3A_561, %select_n3A_557 : i32
    %broadcast_in_dim3A_563 = arith.constant 0.000000e+00 : f32
    %broadcast_in_dim3A_564 = vector.broadcast %broadcast_in_dim3A_563 : f32 to vector<1x48xf32>
    %eq3A_565 = arith.constant 0 : i32
    %eq3A_566 = arith.cmpi eq, %select_n3A_562, %eq3A_565 : i32
    %jit3A_567 = arith.constant 1.000000e+00 : f32
    %jit3A_568 = arith.constant 0.000000e+00 : f32
    %select_n3A_569 = arith.select %eq3A_566, %jit3A_567, %jit3A_568 : f32
    %slice3A_570 = vector.extract_strided_slice %reduce_sum3A_3 {offsets = [0, 0], sizes = [1, 48], strides = [1, 1]} : vector<16x48xf32> to vector<1x48xf32>
    %mul3A_571 = vector.broadcast %select_n3A_569 : f32 to vector<1x48xf32>
    %mul3A_572 = arith.mulf %mul3A_571, %slice3A_570 : vector<1x48xf32>
    %add3A_573 = arith.addf %broadcast_in_dim3A_564, %mul3A_572 : vector<1x48xf32>
    %eq3A_574 = arith.constant 1 : i32
    %eq3A_575 = arith.cmpi eq, %select_n3A_562, %eq3A_574 : i32
    %jit3A_576 = arith.constant 1.000000e+00 : f32
    %jit3A_577 = arith.constant 0.000000e+00 : f32
    %select_n3A_578 = arith.select %eq3A_575, %jit3A_576, %jit3A_577 : f32
    %slice3A_579 = vector.extract_strided_slice %reduce_sum3A_3 {offsets = [1, 0], sizes = [1, 48], strides = [1, 1]} : vector<16x48xf32> to vector<1x48xf32>
    %mul3A_580 = vector.broadcast %select_n3A_578 : f32 to vector<1x48xf32>
    %mul3A_581 = arith.mulf %mul3A_580, %slice3A_579 : vector<1x48xf32>
    %add3A_582 = arith.addf %add3A_573, %mul3A_581 : vector<1x48xf32>
    %eq3A_583 = arith.constant 2 : i32
    %eq3A_584 = arith.cmpi eq, %select_n3A_562, %eq3A_583 : i32
    %jit3A_585 = arith.constant 1.000000e+00 : f32
    %jit3A_586 = arith.constant 0.000000e+00 : f32
    %select_n3A_587 = arith.select %eq3A_584, %jit3A_585, %jit3A_586 : f32
    %slice3A_588 = vector.extract_strided_slice %reduce_sum3A_3 {offsets = [2, 0], sizes = [1, 48], strides = [1, 1]} : vector<16x48xf32> to vector<1x48xf32>
    %mul3A_589 = vector.broadcast %select_n3A_587 : f32 to vector<1x48xf32>
    %mul3A_590 = arith.mulf %mul3A_589, %slice3A_588 : vector<1x48xf32>
    %add3A_591 = arith.addf %add3A_582, %mul3A_590 : vector<1x48xf32>
    %eq3A_592 = arith.constant 3 : i32
    %eq3A_593 = arith.cmpi eq, %select_n3A_562, %eq3A_592 : i32
    %jit3A_594 = arith.constant 1.000000e+00 : f32
    %jit3A_595 = arith.constant 0.000000e+00 : f32
    %select_n3A_596 = arith.select %eq3A_593, %jit3A_594, %jit3A_595 : f32
    %slice3A_597 = vector.extract_strided_slice %reduce_sum3A_3 {offsets = [3, 0], sizes = [1, 48], strides = [1, 1]} : vector<16x48xf32> to vector<1x48xf32>
    %mul3A_598 = vector.broadcast %select_n3A_596 : f32 to vector<1x48xf32>
    %mul3A_599 = arith.mulf %mul3A_598, %slice3A_597 : vector<1x48xf32>
    %add3A_600 = arith.addf %add3A_591, %mul3A_599 : vector<1x48xf32>
    %eq3A_601 = arith.constant 4 : i32
    %eq3A_602 = arith.cmpi eq, %select_n3A_562, %eq3A_601 : i32
    %jit3A_603 = arith.constant 1.000000e+00 : f32
    %jit3A_604 = arith.constant 0.000000e+00 : f32
    %select_n3A_605 = arith.select %eq3A_602, %jit3A_603, %jit3A_604 : f32
    %slice3A_606 = vector.extract_strided_slice %reduce_sum3A_3 {offsets = [4, 0], sizes = [1, 48], strides = [1, 1]} : vector<16x48xf32> to vector<1x48xf32>
    %mul3A_607 = vector.broadcast %select_n3A_605 : f32 to vector<1x48xf32>
    %mul3A_608 = arith.mulf %mul3A_607, %slice3A_606 : vector<1x48xf32>
    %add3A_609 = arith.addf %add3A_600, %mul3A_608 : vector<1x48xf32>
    %eq3A_610 = arith.constant 5 : i32
    %eq3A_611 = arith.cmpi eq, %select_n3A_562, %eq3A_610 : i32
    %jit3A_612 = arith.constant 1.000000e+00 : f32
    %jit3A_613 = arith.constant 0.000000e+00 : f32
    %select_n3A_614 = arith.select %eq3A_611, %jit3A_612, %jit3A_613 : f32
    %slice3A_615 = vector.extract_strided_slice %reduce_sum3A_3 {offsets = [5, 0], sizes = [1, 48], strides = [1, 1]} : vector<16x48xf32> to vector<1x48xf32>
    %mul3A_616 = vector.broadcast %select_n3A_614 : f32 to vector<1x48xf32>
    %mul3A_617 = arith.mulf %mul3A_616, %slice3A_615 : vector<1x48xf32>
    %add3A_618 = arith.addf %add3A_609, %mul3A_617 : vector<1x48xf32>
    %eq3A_619 = arith.constant 6 : i32
    %eq3A_620 = arith.cmpi eq, %select_n3A_562, %eq3A_619 : i32
    %jit3A_621 = arith.constant 1.000000e+00 : f32
    %jit3A_622 = arith.constant 0.000000e+00 : f32
    %select_n3A_623 = arith.select %eq3A_620, %jit3A_621, %jit3A_622 : f32
    %slice3A_624 = vector.extract_strided_slice %reduce_sum3A_3 {offsets = [6, 0], sizes = [1, 48], strides = [1, 1]} : vector<16x48xf32> to vector<1x48xf32>
    %mul3A_625 = vector.broadcast %select_n3A_623 : f32 to vector<1x48xf32>
    %mul3A_626 = arith.mulf %mul3A_625, %slice3A_624 : vector<1x48xf32>
    %add3A_627 = arith.addf %add3A_618, %mul3A_626 : vector<1x48xf32>
    %eq3A_628 = arith.constant 7 : i32
    %eq3A_629 = arith.cmpi eq, %select_n3A_562, %eq3A_628 : i32
    %jit3A_630 = arith.constant 1.000000e+00 : f32
    %jit3A_631 = arith.constant 0.000000e+00 : f32
    %select_n3A_632 = arith.select %eq3A_629, %jit3A_630, %jit3A_631 : f32
    %slice3A_633 = vector.extract_strided_slice %reduce_sum3A_3 {offsets = [7, 0], sizes = [1, 48], strides = [1, 1]} : vector<16x48xf32> to vector<1x48xf32>
    %mul3A_634 = vector.broadcast %select_n3A_632 : f32 to vector<1x48xf32>
    %mul3A_635 = arith.mulf %mul3A_634, %slice3A_633 : vector<1x48xf32>
    %add3A_636 = arith.addf %add3A_627, %mul3A_635 : vector<1x48xf32>
    %get3A_637 = arith.index_cast %get3A_526 : i32 to index
    %get3A_638 = arith.constant 0 : index
    %get3A_639 = vector.load %arg2[%get3A_637, %get3A_638] : memref<10240x48xf32, #tpu.memory_space<vmem>>, vector<1x48xf32>
    %get3A_640 = arith.index_cast %get3A_526 : i32 to index
    %get3A_641 = arith.constant 0 : index
    %get3A_642 = vector.load %arg3[%get3A_640, %get3A_641] : memref<10240x1xf32, #tpu.memory_space<vmem>>, vector<1x1xf32>
    %add3A_643 = arith.addf %add3A_636, %get3A_639 : vector<1x48xf32>
    %mul3A_644 = vector.broadcast %get3A_642 : vector<1x1xf32> to vector<1x48xf32>
    %mul3A_645 = arith.mulf %mul3A_644, %add3A_643 : vector<1x48xf32>
    %get3A_646 = arith.constant 0 : index
    %get3A_647 = arith.constant 0 : index
    %get3A_648 = vector.load %arg4[%get3A_646, %get3A_647] : memref<1x48xf32, #tpu.memory_space<vmem>>, vector<1x48xf32>
    %add3A_649 = arith.addf %mul3A_645, %get3A_648 : vector<1x48xf32>
    %max3A_650 = arith.constant 0.000000e+00 : f32
    %max3A_651 = vector.broadcast %max3A_650 : f32 to vector<1x48xf32>
    %max3A_652 = arith.maximumf %add3A_649, %max3A_651 : vector<1x48xf32>
    %swap3A_653 = arith.constant 7 : index
    %swap3A_654 = arith.constant 0 : index
    %swap3A_655 = vector.load %arg8[%swap3A_653, %swap3A_654] : memref<16x48xf32, #tpu.memory_space<vmem>>, vector<1x48xf32>
    tpu.vector_store %arg8[%swap3A_653, %swap3A_654], %max3A_652 {strides = array<i32>} : memref<16x48xf32, #tpu.memory_space<vmem>>, vector<1x48xf32>,
    %get3A_656 = arith.constant 8 : index
    %get3A_657 = memref.load %arg0[%get3A_656] : memref<9xi32, #tpu.memory_space<smem>>
    %get3A_658 = arith.constant 7 : index
    %get3A_659 = memref.load %arg0[%get3A_658] : memref<9xi32, #tpu.memory_space<smem>>
    %eq3A_660 = arith.cmpi eq, %get3A_659, %get3A_657 : i32
    %jit3A_661 = arith.constant 7 : i32
    %jit3A_662 = arith.constant 8 : i32
    %select_n3A_663 = arith.select %eq3A_660, %jit3A_661, %jit3A_662 : i32
    %get3A_664 = arith.constant 6 : index
    %get3A_665 = memref.load %arg0[%get3A_664] : memref<9xi32, #tpu.memory_space<smem>>
    %eq3A_666 = arith.cmpi eq, %get3A_665, %get3A_657 : i32
    %jit3A_667 = arith.constant 6 : i32
    %select_n3A_668 = arith.select %eq3A_666, %jit3A_667, %select_n3A_663 : i32
    %get3A_669 = arith.constant 5 : index
    %get3A_670 = memref.load %arg0[%get3A_669] : memref<9xi32, #tpu.memory_space<smem>>
    %eq3A_671 = arith.cmpi eq, %get3A_670, %get3A_657 : i32
    %jit3A_672 = arith.constant 5 : i32
    %select_n3A_673 = arith.select %eq3A_671, %jit3A_672, %select_n3A_668 : i32
    %get3A_674 = arith.constant 4 : index
    %get3A_675 = memref.load %arg0[%get3A_674] : memref<9xi32, #tpu.memory_space<smem>>
    %eq3A_676 = arith.cmpi eq, %get3A_675, %get3A_657 : i32
    %jit3A_677 = arith.constant 4 : i32
    %select_n3A_678 = arith.select %eq3A_676, %jit3A_677, %select_n3A_673 : i32
    %get3A_679 = arith.constant 3 : index
    %get3A_680 = memref.load %arg0[%get3A_679] : memref<9xi32, #tpu.memory_space<smem>>
    %eq3A_681 = arith.cmpi eq, %get3A_680, %get3A_657 : i32
    %jit3A_682 = arith.constant 3 : i32
    %select_n3A_683 = arith.select %eq3A_681, %jit3A_682, %select_n3A_678 : i32
    %get3A_684 = arith.constant 2 : index
    %get3A_685 = memref.load %arg0[%get3A_684] : memref<9xi32, #tpu.memory_space<smem>>
    %eq3A_686 = arith.cmpi eq, %get3A_685, %get3A_657 : i32
    %jit3A_687 = arith.constant 2 : i32
    %select_n3A_688 = arith.select %eq3A_686, %jit3A_687, %select_n3A_683 : i32
    %get3A_689 = arith.constant 1 : index
    %get3A_690 = memref.load %arg0[%get3A_689] : memref<9xi32, #tpu.memory_space<smem>>
    %eq3A_691 = arith.cmpi eq, %get3A_690, %get3A_657 : i32
    %jit3A_692 = arith.constant 1 : i32
    %select_n3A_693 = arith.select %eq3A_691, %jit3A_692, %select_n3A_688 : i32
    %get3A_694 = arith.constant 0 : index
    %get3A_695 = memref.load %arg0[%get3A_694] : memref<9xi32, #tpu.memory_space<smem>>
    %eq3A_696 = arith.cmpi eq, %get3A_695, %get3A_657 : i32
    %jit3A_697 = arith.constant 0 : i32
    %select_n3A_698 = arith.select %eq3A_696, %jit3A_697, %select_n3A_693 : i32
    %broadcast_in_dim3A_699 = arith.constant 0.000000e+00 : f32
    %broadcast_in_dim3A_700 = vector.broadcast %broadcast_in_dim3A_699 : f32 to vector<1x48xf32>
    %eq3A_701 = arith.constant 0 : i32
    %eq3A_702 = arith.cmpi eq, %select_n3A_698, %eq3A_701 : i32
    %jit3A_703 = arith.constant 1.000000e+00 : f32
    %jit3A_704 = arith.constant 0.000000e+00 : f32
    %select_n3A_705 = arith.select %eq3A_702, %jit3A_703, %jit3A_704 : f32
    %slice3A_706 = vector.extract_strided_slice %reduce_sum3A_3 {offsets = [0, 0], sizes = [1, 48], strides = [1, 1]} : vector<16x48xf32> to vector<1x48xf32>
    %mul3A_707 = vector.broadcast %select_n3A_705 : f32 to vector<1x48xf32>
    %mul3A_708 = arith.mulf %mul3A_707, %slice3A_706 : vector<1x48xf32>
    %add3A_709 = arith.addf %broadcast_in_dim3A_700, %mul3A_708 : vector<1x48xf32>
    %eq3A_710 = arith.constant 1 : i32
    %eq3A_711 = arith.cmpi eq, %select_n3A_698, %eq3A_710 : i32
    %jit3A_712 = arith.constant 1.000000e+00 : f32
    %jit3A_713 = arith.constant 0.000000e+00 : f32
    %select_n3A_714 = arith.select %eq3A_711, %jit3A_712, %jit3A_713 : f32
    %slice3A_715 = vector.extract_strided_slice %reduce_sum3A_3 {offsets = [1, 0], sizes = [1, 48], strides = [1, 1]} : vector<16x48xf32> to vector<1x48xf32>
    %mul3A_716 = vector.broadcast %select_n3A_714 : f32 to vector<1x48xf32>
    %mul3A_717 = arith.mulf %mul3A_716, %slice3A_715 : vector<1x48xf32>
    %add3A_718 = arith.addf %add3A_709, %mul3A_717 : vector<1x48xf32>
    %eq3A_719 = arith.constant 2 : i32
    %eq3A_720 = arith.cmpi eq, %select_n3A_698, %eq3A_719 : i32
    %jit3A_721 = arith.constant 1.000000e+00 : f32
    %jit3A_722 = arith.constant 0.000000e+00 : f32
    %select_n3A_723 = arith.select %eq3A_720, %jit3A_721, %jit3A_722 : f32
    %slice3A_724 = vector.extract_strided_slice %reduce_sum3A_3 {offsets = [2, 0], sizes = [1, 48], strides = [1, 1]} : vector<16x48xf32> to vector<1x48xf32>
    %mul3A_725 = vector.broadcast %select_n3A_723 : f32 to vector<1x48xf32>
    %mul3A_726 = arith.mulf %mul3A_725, %slice3A_724 : vector<1x48xf32>
    %add3A_727 = arith.addf %add3A_718, %mul3A_726 : vector<1x48xf32>
    %eq3A_728 = arith.constant 3 : i32
    %eq3A_729 = arith.cmpi eq, %select_n3A_698, %eq3A_728 : i32
    %jit3A_730 = arith.constant 1.000000e+00 : f32
    %jit3A_731 = arith.constant 0.000000e+00 : f32
    %select_n3A_732 = arith.select %eq3A_729, %jit3A_730, %jit3A_731 : f32
    %slice3A_733 = vector.extract_strided_slice %reduce_sum3A_3 {offsets = [3, 0], sizes = [1, 48], strides = [1, 1]} : vector<16x48xf32> to vector<1x48xf32>
    %mul3A_734 = vector.broadcast %select_n3A_732 : f32 to vector<1x48xf32>
    %mul3A_735 = arith.mulf %mul3A_734, %slice3A_733 : vector<1x48xf32>
    %add3A_736 = arith.addf %add3A_727, %mul3A_735 : vector<1x48xf32>
    %eq3A_737 = arith.constant 4 : i32
    %eq3A_738 = arith.cmpi eq, %select_n3A_698, %eq3A_737 : i32
    %jit3A_739 = arith.constant 1.000000e+00 : f32
    %jit3A_740 = arith.constant 0.000000e+00 : f32
    %select_n3A_741 = arith.select %eq3A_738, %jit3A_739, %jit3A_740 : f32
    %slice3A_742 = vector.extract_strided_slice %reduce_sum3A_3 {offsets = [4, 0], sizes = [1, 48], strides = [1, 1]} : vector<16x48xf32> to vector<1x48xf32>
    %mul3A_743 = vector.broadcast %select_n3A_741 : f32 to vector<1x48xf32>
    %mul3A_744 = arith.mulf %mul3A_743, %slice3A_742 : vector<1x48xf32>
    %add3A_745 = arith.addf %add3A_736, %mul3A_744 : vector<1x48xf32>
    %eq3A_746 = arith.constant 5 : i32
    %eq3A_747 = arith.cmpi eq, %select_n3A_698, %eq3A_746 : i32
    %jit3A_748 = arith.constant 1.000000e+00 : f32
    %jit3A_749 = arith.constant 0.000000e+00 : f32
    %select_n3A_750 = arith.select %eq3A_747, %jit3A_748, %jit3A_749 : f32
    %slice3A_751 = vector.extract_strided_slice %reduce_sum3A_3 {offsets = [5, 0], sizes = [1, 48], strides = [1, 1]} : vector<16x48xf32> to vector<1x48xf32>
    %mul3A_752 = vector.broadcast %select_n3A_750 : f32 to vector<1x48xf32>
    %mul3A_753 = arith.mulf %mul3A_752, %slice3A_751 : vector<1x48xf32>
    %add3A_754 = arith.addf %add3A_745, %mul3A_753 : vector<1x48xf32>
    %eq3A_755 = arith.constant 6 : i32
    %eq3A_756 = arith.cmpi eq, %select_n3A_698, %eq3A_755 : i32
    %jit3A_757 = arith.constant 1.000000e+00 : f32
    %jit3A_758 = arith.constant 0.000000e+00 : f32
    %select_n3A_759 = arith.select %eq3A_756, %jit3A_757, %jit3A_758 : f32
    %slice3A_760 = vector.extract_strided_slice %reduce_sum3A_3 {offsets = [6, 0], sizes = [1, 48], strides = [1, 1]} : vector<16x48xf32> to vector<1x48xf32>
    %mul3A_761 = vector.broadcast %select_n3A_759 : f32 to vector<1x48xf32>
    %mul3A_762 = arith.mulf %mul3A_761, %slice3A_760 : vector<1x48xf32>
    %add3A_763 = arith.addf %add3A_754, %mul3A_762 : vector<1x48xf32>
    %eq3A_764 = arith.constant 7 : i32
    %eq3A_765 = arith.cmpi eq, %select_n3A_698, %eq3A_764 : i32
    %jit3A_766 = arith.constant 1.000000e+00 : f32
    %jit3A_767 = arith.constant 0.000000e+00 : f32
    %select_n3A_768 = arith.select %eq3A_765, %jit3A_766, %jit3A_767 : f32
    %slice3A_769 = vector.extract_strided_slice %reduce_sum3A_3 {offsets = [7, 0], sizes = [1, 48], strides = [1, 1]} : vector<16x48xf32> to vector<1x48xf32>
    %mul3A_770 = vector.broadcast %select_n3A_768 : f32 to vector<1x48xf32>
    %mul3A_771 = arith.mulf %mul3A_770, %slice3A_769 : vector<1x48xf32>
    %add3A_772 = arith.addf %add3A_763, %mul3A_771 : vector<1x48xf32>
    %eq3A_773 = arith.constant 8 : i32
    %eq3A_774 = arith.cmpi eq, %select_n3A_698, %eq3A_773 : i32
    %jit3A_775 = arith.constant 1.000000e+00 : f32
    %jit3A_776 = arith.constant 0.000000e+00 : f32
    %select_n3A_777 = arith.select %eq3A_774, %jit3A_775, %jit3A_776 : f32
    %slice3A_778 = vector.extract_strided_slice %reduce_sum3A_3 {offsets = [8, 0], sizes = [1, 48], strides = [1, 1]} : vector<16x48xf32> to vector<1x48xf32>
    %mul3A_779 = vector.broadcast %select_n3A_777 : f32 to vector<1x48xf32>
    %mul3A_780 = arith.mulf %mul3A_779, %slice3A_778 : vector<1x48xf32>
    %add3A_781 = arith.addf %add3A_772, %mul3A_780 : vector<1x48xf32>
    %get3A_782 = arith.index_cast %get3A_657 : i32 to index
    %get3A_783 = arith.constant 0 : index
    %get3A_784 = vector.load %arg2[%get3A_782, %get3A_783] : memref<10240x48xf32, #tpu.memory_space<vmem>>, vector<1x48xf32>
    %get3A_785 = arith.index_cast %get3A_657 : i32 to index
    %get3A_786 = arith.constant 0 : index
    %get3A_787 = vector.load %arg3[%get3A_785, %get3A_786] : memref<10240x1xf32, #tpu.memory_space<vmem>>, vector<1x1xf32>
    %add3A_788 = arith.addf %add3A_781, %get3A_784 : vector<1x48xf32>
    %mul3A_789 = vector.broadcast %get3A_787 : vector<1x1xf32> to vector<1x48xf32>
    %mul3A_790 = arith.mulf %mul3A_789, %add3A_788 : vector<1x48xf32>
    %get3A_791 = arith.constant 0 : index
    %get3A_792 = arith.constant 0 : index
    %get3A_793 = vector.load %arg4[%get3A_791, %get3A_792] : memref<1x48xf32, #tpu.memory_space<vmem>>, vector<1x48xf32>
    %add3A_794 = arith.addf %mul3A_790, %get3A_793 : vector<1x48xf32>
    %max3A_795 = arith.constant 0.000000e+00 : f32
    %max3A_796 = vector.broadcast %max3A_795 : f32 to vector<1x48xf32>
    %max3A_797 = arith.maximumf %add3A_794, %max3A_796 : vector<1x48xf32>
    %swap3A_798 = arith.constant 8 : index
    %swap3A_799 = arith.constant 0 : index
    %swap3A_800 = vector.load %arg8[%swap3A_798, %swap3A_799] : memref<16x48xf32, #tpu.memory_space<vmem>>, vector<1x48xf32>
    tpu.vector_store %arg8[%swap3A_798, %swap3A_799], %max3A_797 {strides = array<i32>} : memref<16x48xf32, #tpu.memory_space<vmem>>, vector<1x48xf32>,
    %get3A_801 = arith.constant 0 : index
    %get3A_802 = arith.constant 0 : index
    %get3A_803 = vector.load %arg8[%get3A_801, %get3A_802] : memref<16x48xf32, #tpu.memory_space<vmem>>, vector<16x48xf32>
    %get3A_804 = arith.constant 0 : index
    %get3A_805 = arith.constant 0 : index
    %get3A_806 = vector.load %arg5[%get3A_804, %get3A_805] : memref<48x1xf32, #tpu.memory_space<vmem>>, vector<48x1xf32>
    %dot_general3A = arith.constant dense<0.000000e+00> : vector<16x1xf32>
    %dot_general3A_807 = tpu.matmul %get3A_803, %get3A_806, %dot_general3A {dimension_numbers = #tpu.dot_dimension_numbers<[1], [0], [0], [1], [0, 0, 1, 1], [], []>, transpose_lhs_hint = false} : vector<16x48xf32>, vector<48x1xf32>, vector<16x1xf32> -> vector<16x1xf32>
    %get3A_808 = arith.constant 0 : index
    %get3A_809 = arith.constant 0 : index
    %get3A_810 = vector.load %arg6[%get3A_808, %get3A_809] : memref<1x1xf32, #tpu.memory_space<vmem>>, vector<1x1xf32>
    %add3A_811 = vector.broadcast %get3A_810 : vector<1x1xf32> to vector<16x1xf32>
    %add3A_812 = arith.addf %dot_general3A_807, %add3A_811 : vector<16x1xf32>
    %logistic3A = arith.negf %add3A_812 : vector<16x1xf32>
    %logistic3A_813 = math.exp %logistic3A : vector<16x1xf32>
    %logistic3A_814 = arith.constant 1.000000e+00 : f32
    %logistic3A_815 = vector.broadcast %logistic3A_814 : f32 to vector<16x1xf32>
    %logistic3A_816 = arith.addf %logistic3A_815, %logistic3A_813 : vector<16x1xf32>
    %logistic3A_817 = arith.divf %logistic3A_815, %logistic3A_816 : vector<16x1xf32>
    %swap3A_818 = arith.constant 0 : index
    %swap3A_819 = arith.constant 0 : index
    %swap3A_820 = vector.load %arg7[%swap3A_818, %swap3A_819] : memref<16x1xf32, #tpu.memory_space<vmem>>, vector<16x1xf32>
    tpu.vector_store %arg7[%swap3A_818, %swap3A_819], %logistic3A_817 {strides = array<i32>} : memref<16x1xf32, #tpu.memory_space<vmem>>, vector<16x1xf32>,
    return
  }
}

</mosaic_0001>

<sc_bundles>
// kernel: kernel.11.cloned.1.call-start
scs
__scs_entry_jumppad:
0x0: {  	(pc) =	sbr.rel $0x88, $3  }
0x1: {  	(tag) =	ssettag $0x0;
	lr =	simm.s32 $0x1  }
0x2: {  	[smem:$0x3F98] =	sst lr;
	_ =	strace $0xD0000000  }
0x3: {  	_ = 	snop  }
0x4: {  	_ = 	snop  }
0x5: {  	_ = 	snop  }
0x6: {  	_ = 	snop  }
0x7: {  	_ = 	snop  }
__scs_overlays_trampoline_lowered:
0x8: {  	[smem:$0x3FA7] =	sst s0  }
0x9: {  	[smem:$0x3FA8] =	sst s1  }
0xa: {  	[smem:$0x3FA9] =	sst s2  }
0xb: {  	[smem:$0x3FAA] =	sst s3  }
0xc: {  	[smem:$0x3FAB] =	sst s4  }
0xd: {  	[smem:$0x3FAC] =	sst s5  }
0xe: {  	[smem:$0x3FAD] =	sst s6  }
0xf: {  	[smem:$0x3FAE] =	sst s7  }
0x10: {  	[smem:$0x3FAF] =	sst s8  }
0x11: {  	[smem:$0x3FB0] =	sst s9;
	s0 =	simm.s32 @!p0 $0x0  }
0x12: {  	s1 =	sld [smem:$0x3F96];
	s0 =	simm.s32 @p0 $0x1  }
0x13: {  	[smem:$0x3FB1] =	sst s0;
	s0 =	simm.s32 @!p1 $0x0  }
0x14: {  	s2 =	sld [smem:$0x3F95];
	s0 =	simm.s32 @p1 $0x1  }
0x15: {  	[smem:$0x3FB2] =	sst s0;
	s0 =	simm.s32 @!p2 $0x0  }
0x16: {  	s3 =	sld [smem:$0x3FDB];
	s0 =	simm.s32 @p2 $0x1  }
0x17: {  	s4 =	simm.s32 $0x1BF5;
	[smem:$0x3FB4] =	sst s0  }
0x18: {  	s0 =	sld [smem:$0x3F97];
	_ =	swait.ge [sflag:s4], $0x0  }
0x19: {  	s7 =	sld [smem:$0x3F98]  }
0x1a: {  	s8 =	sadd.s32 $0xFFFFE003, lr  }
0x1b: {  	s9 =	sadd.s32 $0xFFFFFEF7, lr;
	s5 =	simm.s32 $0xFFFFFFFF;
	p2 =	slt.u32 s8, $0xFFFFF086  }
0x1c: {  	p1 =	slt.u32 s9, $0xF7A;
	s5 =	simm.s32 @!p2 $0x0  }
0x1d: {  	s5 =	simm.s32 @p1 $0x1;
	p0 =	seq.s32 s7, s2  }
0x1e: {  	s7 =	smul.u32 @!p0 $0xF7A, s2;
	p2 =	seq.s32 @!p0 s5, $0x0  }
0x1f: {  	s9 =	smul.u32 $0xF7A, s1;
	s8 =	simm.s32 @!p0 $0x1BF5;
	p2 =	por !p2, p0  }
0x20: {  	[sflag:s8] =	ssyncset.s32 @!p0 $0xFFFFF086;
	s6 =	sadd.s32 @!p0 s3, s7;
	s7 =	simm.s32 @!p0 $0x108  }
0x21: {  	s3 =	sadd.s32 s3, s9;
	s6 =	sadd.s32 @!p0 $0x88, s6;
	s7 =	simm.s32 @p2 $0x1082  }
0x22: {  	[simem:s7], [sflag:s8] =	dma.local @!p0 [hbm:s6], $0xF7A  }
0x23: {  	s9 =	sor.u32 $0xD0000000, s2;
	s6 =	simm.s32 $0x108;
	_ =	swait.ge @!p0 [sflag:s8], $0x0  }
0x24: {  	s3 =	sadd.s32 $0x88, s3;
	s6 =	simm.s32 @!p1 $0x1082;
	[sflag:s4] =	ssyncset.s32 $0xFFFFF086  }
0x25: {  	[simem:s6], [sflag:s4] =	dma.local [hbm:s3], $0xF7A  }
0x26: {  	[smem:$0x3F98] =	sst s1;
	(tag) =	ssettag s2;
	_ =	strace s9  }
0x27: {  	s1 =	sld [smem:$0x3FA8]  }
0x28: {  	s2 =	sld [smem:$0x3FA9]  }
0x29: {  	s4 =	sld [smem:$0x3FAB]  }
0x2a: {  	p0 =	seq.s32 s5, $0x0;
	s5 =	sld [smem:$0x3FAC]  }
0x2b: {  	s6 =	sld [smem:$0x3FAD]  }
0x2c: {  	s7 =	sld [smem:$0x3FAE]  }
0x2d: {  	s3 =	simm.s32 $0x108;
	s8 =	sld [smem:$0x3FAF]  }
0x2e: {  	s3 =	simm.s32 @!p0 $0x1082;
	s9 =	sld [smem:$0x3FB0]  }
0x2f: {  	lr =	sadd.s32 s0, s3;
	s0 =	sld [smem:$0x3FA7]  }
0x30: {  	s3 =	sld [smem:$0x3FAA]  }
0x31: {  	[smem:$0x3FB3] =	sst s10  }
0x32: {  	s10 =	sld [smem:$0x3FB1];
	_ =	sdelay $0x3  }
0x33: {  	p0 =	seq.s32 s10, $0x1;
	s10 =	sld [smem:$0x3FB3];
	_ =	sdelay $0x3  }
0x34: {  	[smem:$0x3FB3] =	sst s10  }
0x35: {  	s10 =	sld [smem:$0x3FB2];
	_ =	sdelay $0x3  }
0x36: {  	p1 =	seq.s32 s10, $0x1;
	s10 =	sld [smem:$0x3FB3];
	_ =	sdelay $0x3  }
0x37: {  	[smem:$0x3FB3] =	sst s10  }
0x38: {  	s10 =	sld [smem:$0x3FB4]  }
0x39: {  	_ = 	snop;
	(pc) =	sbr.ind lr, $3  }
0x3a: {  	_ = 	snop  }
0x3b: {  	_ = 	snop  }
0x3c: {  	p2 =	seq.s32 s10, $0x1;
	s10 =	sld [smem:$0x3FB3]  }
0x3d: {  	_ =	shalt  }
0x3e: {  	_ =	shalt  }
0x3f: {  	_ =	shalt  }
0x40: {  	_ =	shalt  }
0x41: {  	_ =	shalt  }
0x42: {  	_ =	shalt  }
0x43: {  	_ =	shalt  }
0x44: {  	_ =	shalt  }
0x45: {  	_ =	shalt  }
0x46: {  	_ =	shalt  }
0x47: {  	_ =	shalt  }
0x48: {  	_ =	shalt  }
0x49: {  	_ =	shalt  }
0x4a: {  	_ =	shalt  }
0x4b: {  	_ =	shalt  }
0x4c: {  	_ =	shalt  }
0x4d: {  	_ =	shalt  }
0x4e: {  	_ =	shalt  }
0x4f: {  	_ =	shalt  }
0x50: {  	_ =	shalt  }
0x51: {  	_ =	shalt  }
0x52: {  	_ =	shalt  }
0x53: {  	_ =	shalt  }
0x54: {  	_ =	shalt  }
0x55: {  	_ =	shalt  }
0x56: {  	_ =	shalt  }
0x57: {  	_ =	shalt  }
0x58: {  	_ =	shalt  }
0x59: {  	_ =	shalt  }
0x5a: {  	_ =	shalt  }
0x5b: {  	_ =	shalt  }
0x5c: {  	_ =	shalt  }
0x5d: {  	_ =	shalt  }
0x5e: {  	_ =	shalt  }
0x5f: {  	_ =	shalt  }
0x60: {  	_ =	shalt  }
0x61: {  	_ =	shalt  }
0x62: {  	_ =	shalt  }
0x63: {  	_ =	shalt  }
0x64: {  	_ =	shalt  }
0x65: {  	_ =	shalt  }
0x66: {  	_ =	shalt  }
0x67: {  	_ =	shalt  }
0x68: {  	_ =	shalt  }
0x69: {  	_ =	shalt  }
0x6a: {  	_ =	shalt  }
0x6b: {  	_ =	shalt  }
0x6c: {  	_ =	shalt  }
0x6d: {  	_ =	shalt  }
0x6e: {  	_ =	shalt  }
0x6f: {  	_ =	shalt  }
0x70: {  	_ =	shalt  }
0x71: {  	_ =	shalt  }
0x72: {  	_ =	shalt  }
0x73: {  	_ =	shalt  }
0x74: {  	_ =	shalt  }
0x75: {  	_ =	shalt  }
0x76: {  	_ =	shalt  }
0x77: {  	_ =	shalt  }
0x78: {  	_ =	shalt  }
0x79: {  	_ =	shalt  }
0x7a: {  	_ =	shalt  }
0x7b: {  	_ =	shalt  }
0x7c: {  	_ =	shalt  }
0x7d: {  	_ =	shalt  }
0x7e: {  	_ =	shalt  }
0x7f: {  	_ =	shalt  }
0x80: {  	_ =	shalt  }
0x81: {  	_ =	shalt  }
0x82: {  	_ =	shalt  }
0x83: {  	_ =	shalt  }
0x84: {  	_ =	shalt  }
0x85: {  	_ =	shalt  }
0x86: {  	_ =	shalt  }
0x87: {  	_ =	shalt  }
.Lfunc_end0:
.L_simem_size_0:
called_computation.1_lowered:
.L_overlay_start_0:
0x88: {  	s2 =	sld [smem:$0x3FD9]  }
0x89: {  	s3 =	sld [smem:$0x3FFE];
	_ =	sdelay $0x1  }
0x8a: {  	s1 =	srdreg.scid  }
0x8b: {  	s0 =	sand.u32 $0x1, s1  }
0x8c: {  	s16 =	sshll.u32 s0, $0xA;
	s2 =	sadd.s32 s3, s2  }
0x8d: {  	s2 =	sadd.s32 s2, s16  }
0x8e: {  	[smem:$0x3FBF] =	sst s2  }
0x8f: {  	_ = 	snop  }
0x90: {  	(tm) =	ssettm $0x1  }
0x91: {  	s17 =	sld [smem:$0x3FFB];
	_ =	sdelay $0x3  }
0x92: {  	_ =	strace s17  }
0x93: {  	s2 =	sld [smem:$0x3FFC];
	_ =	sdelay $0x3  }
0x94: {  	_ =	strace s2  }
0x95: {  	s2 =	sld [smem:$0x3FFD];
	_ =	sdelay $0x3  }
0x96: {  	_ =	strace s2  }
0x97: {  	_ =	strace $0x8FFFFFFF  }
0x98: {  	s18 =	sld [smem:$0x3FDB];
	_ =	sdelay $0x1  }
0x99: {  	s19 =	simm.s32 $_scs_section_size  }
0x9a: {  	s4 =	simm.s32 $_size__tile_overlayer_lowered;
	s5 =	simm.s32 $_tile_overlayer_lowered  }
0x9b: {  	s22 =	simm.s32 $0x1BFF;
	s21 =	sshll.u32 s5, $0x1;
	s2 =	sadd.s32 s19, s18  }
0x9c: {  	s6 =	simm.s32 $0x0;
	s20 =	sshll.u32 s4, $0x1;
	s4 =	sadd.s32 s21, s2  }
0x9d: {  	[timem:s6], [sflag:s22] =	dma.local [hbm:s4], s20  }
0x9e: {  	_ =	swait.ge [sflag:s22], s20  }
0x9f: {  	s3 =	ssub.s32 $0x0, s20;
	[sflag:s22] =	ssyncset.done $0x0  }
0xa0: {  	[sflag:s22] =	ssyncadd.s32 s3;
	_ =	sdelay $0x1  }
0xa1: {  	s23 =	simm.s32 $0x1B8B  }
0xa2: {  	_ =	swait.ge [sflag:s23], $0x1  }
0xa3: {  	[sflag:s23] =	ssyncset.done $0x0  }
0xa4: {  	s25 =	simm.s32 $0x1B8E;
	s24 =	sld [smem:$0x3FFE];
	[sflag:s23] =	ssyncadd.s32 $0xFFFFFFFF  }
0xa5: {  	s26 =	simm.s32 $execute0_lowered;
	[smem:$0x3FD2] =	sst s25  }
0xa6: {  	s4 =	sshll.u32 s26, $0x1;
	_ =	strace $0x80000049;
	[dreg:$0x1] =	wrdreg $0xFFFFFFFF  }
0xa7: {  	s28 =	simm.s32 $_size_execute0_lowered;
	s2 =	sadd.s32 s2, s4;
	[dreg:$0x0] =	wrdreg $0x0  }
0xa8: {  	s4 =	sshll.u32 s28, $0x1;
	[dreg:$0x2] =	wrdreg s2  }
0xa9: {  	[dreg:$0x3] =	wrdreg s4  }
0xaa: {  	[dreg:$0x4] =	wrdreg $0xC0  }
0xab: {  	_ =	task [dreg:s6], $0x5FFFF  }
0xac: {  	[dreg:$0x1] =	wrdreg $0xFFFFFFFF  }
0xad: {  	[dreg:$0x0] =	wrdreg $0x60  }
0xae: {  	[dreg:$0x2] =	wrdreg s24  }
0xaf: {  	[dreg:$0x3] =	wrdreg $0x110000  }
0xb0: {  	[dreg:$0x4] =	wrdreg $0x9  }
0xb1: {  	_ =	task.clear_ibuf [dreg:s6], $0x5FFFF;
	_ =	strace $0x90000049  }
0xb2: {  	s29 =	simm.s32 $0x9;
	_ =	strace $0x8000004B  }
0xb3: {  	_ =	swait.ge [sflag:s29], $0x1  }
0xb4: {  	[sflag:s29] =	ssyncadd.s32 $0xFFFFFFFF  }
0xb5: {  	_ =	strace $0x9000004B  }
0xb6: {  	_ =	sfence  }
0xb7: {  	s30 =	sld [smem:$0x0];
	_ =	sdelay $0x2  }
0xb8: {  	s31 =	sshll.u32 s1, $0xD;
	s1 =	sshrl.u32 s1, $0x2  }
0xb9: {  	s3 =	sand.u32 $0x4000, s31;
	s1 =	sadd.s32 s1, s30  }
0xba: {  	s0 =	sor.u32 s3, s0;
	s1 =	sshll.u32 s1, $0x11  }
0xbb: {  	s0 =	sor.u32 s1, s0  }
0xbc: {  	s0 =	sadd.s32 $0x8F2B, s0  }
0xbd: {  	[sflag:s0] =	ssyncadd.remote.s32 $0x1  }
0xbe: {  	_ =	sfence.sel $0xFFFF  }
0xbf: {  	[dreg:$0x0] =	wrdreg $0xFFFFFFFF;
	(pc) =	sbr.abs _section_cstart, $3  }
0xc0: {  	[dreg:$0x1] =	wrdreg $0xFFFFFFFF  }
0xc1: {  	_ =	task.clear_ibuf [dreg:s6], $0x2FFFF;
	_ =	strace $0x9FFFFFFF  }
0xc2: {  	(tm) =	ssettm $0x7FFFFFFF  }
0xc3: {  	_ =	shalt  }
tec
execute0_lowered:
.L_overlay_start_1:
0x0: {  	(tag) =	ssettag $0x1  }
0x1: {  	s0 =	srdreg.scid;
	s3 =	rddreg [dreg:$0x0]  }
0x2: {  	s9 =	stileid.u32;
	s2 =	rddreg [dreg:$0x1]  }
0x3: {  	s4 =	simm.s32 $0x0;
	s14 =	simm.s32 $0x80;
	s15 =	simm.s32 $0x5000  }
0x4: {  	s16 =	simm.s32 $0x6800;
	s18 =	simm.s32 $0x8000;
	s20 =	simm.s32 $0x9800  }
0x5: {  	s22 =	simm.s32 $0xB000;
	s24 =	simm.s32 $0xC800;
	s29 =	simm.s32 $0xF800  }
0x6: {  	s30 =	simm.s32 $0x1;
	s31 =	simm.s32 $0x2;
	s13 =	simm.s32 $0x5  }
0x7: {  	s17 =	simm.s32 $0x6;
	s19 =	simm.s32 $0x7;
	s21 =	simm.s32 $0x8  }
0x8: {  	s23 =	simm.s32 $0x9;
	s28 =	simm.s32 $0xB;
	s10 =	simm.s32 $0x10  }
0x9: {  	s0 =	sand.u32 $0x1, s0;
	s1 =	sshll.u32 s9, $0x1;
	s5 =	smul.u32 $0x7800, s9  }
0xa: {  	[smem:$0x7FF] =	sst s4;
	s4 =	sadd.s32 $0x34000, s3;
	s25 =	sshll.u32 s9, $0x6  }
0xb: {  	s9 =	simm.s32 $0xF;
	s1 =	sor.u32 s0, s1;
	s6 =	smul.u32 $0x78000, s0  }
0xc: {  	_ =	strace $0x8000004A;
	s0 =	ssub.s32 $0x2, s0;
	s11 =	sor.u32 $0x1C11, s25  }
0xd: {  	s25 =	simm.s32 $0xA;
	s1 =	smul.u32 $0x500, s1;
	s7 =	sshrl.u32 s5, $0x3  }
0xe: {  	s8 =	sshrl.u32 s0, $0x1;
	[dreg:$0x4] =	wrdreg s11;
	s6 =	sadd.s32 s5, s6  }
0xf: {  	s7 =	sadd.s32 s7, s3;
	s0 =	ssub.s32 s0, s8;
	s5 =	sadd.s32 s5, s2  }
0x10: {  	s8 =	simm.s32 $0xE;
	s1 =	sadd.s32 s1, s3;
	s7 =	sadd.s32 $0x43000, s7  }
0x11: {  	s6 =	sshrl.u32 s6, $0x3;
	s0 =	smax.u32 s0, $0x1;
	[dreg:$0x3] =	wrdreg s7  }
0x12: {  	s12 =	sshrl.u32 s5, $0x3;
	s5 =	simm.s32 $0xC;
	[dreg:$0x8] =	wrdreg s0  }
.Ltmp0:
0x13: {  	s26 =	sadd.s32 $0x1A00, s1;
	[dreg:$0x9] =	wrdreg s12;
	(pc) =	sbr.rel .LBB2_1-.Ltmp0, $4  }
0x14: {  	s3 =	sadd.s32 s6, s3;
	s1 =	sadd.s32 $0xBA00, s1;
	[dreg:$0x5] =	wrdreg s26  }
0x15: {  	s0 =	simm.s32 $0x4;
	s6 =	simm.s32 $0x0;
	[dreg:$0x6] =	wrdreg s1  }
0x16: {  	s7 =	simm.s32 $0xD;
	s3 =	sadd.s32 $0x52000, s3;
	[dreg:$0xa] =	wrdreg s6  }
0x17: {  	s26 =	simm.s32 $0xE000;
	s1 =	simm.s32 $0x3;
	[dreg:$0x7] =	wrdreg s3  }
.LBB2_4:
0x18: {  	_ =	swait.ge [sflag:s25], $0x1800  }
0x19: {  	[sflag:s25] =	ssyncset.done $0x0  }
0x1a: {  	[sflag:s25] =	ssyncadd.s32 $0xFFFFE800  }
0x1b: {  	_ =	swait.ge [sflag:s28], $0x1800  }
0x1c: {  	[sflag:s28] =	ssyncset.done $0x0  }
0x1d: {  	[sflag:s28] =	ssyncadd.s32 $0xFFFFE800  }
0x1e: {  	_ =	swait.ge [sflag:s5], $0x1800  }
0x1f: {  	[sflag:s5] =	ssyncset.done $0x0  }
0x20: {  	[sflag:s5] =	ssyncadd.s32 $0xFFFFE800  }
0x21: {  	_ =	swait.ge [sflag:s7], $0x1800  }
0x22: {  	[sflag:s7] =	ssyncset.done $0x0  }
0x23: {  	[sflag:s7] =	ssyncadd.s32 $0xFFFFE800  }
0x24: {  	_ =	swait.ge [sflag:s8], $0x1800  }
0x25: {  	[sflag:s8] =	ssyncset.done $0x0  }
0x26: {  	[sflag:s8] =	ssyncadd.s32 $0xFFFFE800  }
0x27: {  	_ =	swait.ge [sflag:s9], $0x1800  }
0x28: {  	[sflag:s9] =	ssyncset.done $0x0  }
0x29: {  	[sflag:s9] =	ssyncadd.s32 $0xFFFFE800  }
0x2a: {  	_ =	swait.ge [sflag:s10], $0x1800  }
0x2b: {  	[sflag:s10] =	ssyncset.done $0x0  }
0x2c: {  	[sflag:s10] =	ssyncadd.s32 $0xFFFFE800  }
0x2d: {  	[bflag:$0x0] =	sbarrier.arrive $0xFFFF  }
0x2e: {  	s11 =	rddreg [dreg:$0x4]  }
0x2f: {  	s6 =	rddreg [dreg:$0x7]  }
0x30: {  	s12 =	rddreg [dreg:$0x9]  }
0x31: {  	[hbm:s6], [sflag:s11] =	dma.local [spmem:s12], $0xF00  }
0x32: {  	s6 =	simm.s32 $0x11  }
0x33: {  	_ =	swait.ge [sflag:s6], $0xF00  }
0x34: {  	s3 =	rddreg [dreg:$0xa]  }
0x35: {  	[sflag:s6] =	ssyncset.done $0x0;
	s6 =	rddreg [dreg:$0x8];
	s3 =	sadd.s32 $0x1, s3  }
0x36: {  	p0 =	sne.s32 s3, s6  }
.Ltmp1:
0x37: {  	_ = 	snop;
	(pc) =	sbr.rel @!p0 .LBB2_5-.Ltmp1, $3  }
0x38: {  	_ =	sdelay $0x1  }
0x39: {  	s6 =	simm.s32 $0x11  }
0x3a: {  	[dreg:$0xa] =	wrdreg s3;
	[sflag:s6] =	ssyncadd.s32 $0xFFFFF100  }
.LBB2_1:
0x3b: {  	s3 =	simm.s32 $0x11;
	s6 =	rddreg [dreg:$0x3]  }
0x3c: {  	[spmem:s12], [sflag:s11] =	dma.local [hbm:s6], $0xF00  }
0x3d: {  	_ =	swait.ge [sflag:s3], $0xF00  }
0x3e: {  	[sflag:s3] =	ssyncset.done $0x0  }
0x3f: {  	s6 =	simm.s32 $0x0;
	s12 =	rddreg [dreg:$0x5];
	[sflag:s3] =	ssyncadd.s32 $0xFFFFF100  }
0x40: {  	[tilespmem:s6], [sflag:$0x11] =	stream.linear.gather [hbm4b:s12+s6], $0x2800, $0x38;
	[tilespmem:$0x18800] =	vst v63  }
0x41: {  	_ =	swait.ge [sflag:s3], $0x2800  }
0x42: {  	[sflag:s3] =	ssyncset.done $0x0  }
0x43: {  	s12 =	simm.s32 $0x2800;
	s11 =	rddreg [dreg:$0x6];
	[sflag:s3] =	ssyncadd.s32 $0xFFFFD800  }
0x44: {  	[tilespmem:s12], [sflag:$0x11] =	stream.linear.gather [hbm4b:s11+s6], $0x2800, $0x38;
	[tilespmem:$0x18800] =	vst v63  }
0x45: {  	_ =	swait.ge [sflag:s3], $0x2800  }
0x46: {  	[sflag:s3] =	ssyncset.done $0x0  }
0x47: {  	[sflag:s3] =	ssyncadd.s32 $0xFFFFD800  }
0x48: {  	[bflag:$0x0] =	sbarrier.arrive $0xFFFF  }
0x49: {  	[tilespmem:s15], [sflag:$0x1] =	stream.indirect.gather [hbm4b:s4+s14], $0x30, s6, s14, $0xb8;
	[tilespmem:$0x18800] =	vst v63  }
0x4a: {  	_ = 	snop  }
0x4b: {  	[tilespmem:s16], [sflag:$0x2] =	stream.indirect.gather [hbm4b:s4+s14], $0x30, s14, s14, $0xb8;
	[tilespmem:$0x18800] =	vst v63  }
0x4c: {  	s6 =	simm.s32 $0x100  }
0x4d: {  	[tilespmem:s18], [sflag:$0x3] =	stream.indirect.gather [hbm4b:s4+s14], $0x30, s6, s14, $0xb8;
	[tilespmem:$0x18800] =	vst v63  }
0x4e: {  	s11 =	simm.s32 $0x180  }
0x4f: {  	[tilespmem:s20], [sflag:$0x4] =	stream.indirect.gather [hbm4b:s4+s14], $0x30, s11, s14, $0xb8;
	[tilespmem:$0x18800] =	vst v63  }
0x50: {  	s12 =	simm.s32 $0x200  }
0x51: {  	[tilespmem:s22], [sflag:$0x5] =	stream.indirect.gather [hbm4b:s4+s14], $0x30, s12, s14, $0xb8;
	[tilespmem:$0x18800] =	vst v63  }
0x52: {  	s6 =	simm.s32 $0x280  }
0x53: {  	[tilespmem:s24], [sflag:$0x6] =	stream.indirect.gather [hbm4b:s4+s14], $0x30, s6, s14, $0xb8;
	[tilespmem:$0x18800] =	vst v63  }
0x54: {  	s11 =	simm.s32 $0x300  }
0x55: {  	[tilespmem:s26], [sflag:$0x7] =	stream.indirect.gather [hbm4b:s4+s14], $0x30, s11, s14, $0xb8;
	[tilespmem:$0x18800] =	vst v63  }
0x56: {  	s12 =	simm.s32 $0x380;
	s6 =	simm.s32 $0x0  }
0x57: {  	[tilespmem:s29], [sflag:$0x8] =	stream.indirect.gather [hbm4b:s4+s14], $0x30, s12, s14, $0xb8;
	[tilespmem:$0x18800] =	vst v63  }
.LBB2_2:
0x58: {  	_ =	swait.ge [sflag:s30], $0x1800  }
0x59: {  	s11 =	sshra.s32 s6, $0x2;
	[sflag:s30] =	ssyncset.done $0x0  }
0x5a: {  	s12 =	sadd.s32 $0x2800, s11;
	[sflag:s30] =	ssyncadd.s32 $0xFFFFE800  }
0x5b: {  	[spmem:s2] =	stream.indirect.scatter.add.f32 [tilespmem:s15], [sflag:$0x9], $0x30, s12, s14, $0xb8;
	[tilespmem:$0x18800] =	vst v63  }
0x5c: {  	_ =	swait.ge [sflag:s31], $0x1800  }
0x5d: {  	[sflag:s31] =	ssyncset.done $0x0  }
0x5e: {  	s3 =	sadd.s32 $0x2880, s11;
	[sflag:s31] =	ssyncadd.s32 $0xFFFFE800  }
0x5f: {  	[spmem:s2] =	stream.indirect.scatter.add.f32 [tilespmem:s16], [sflag:$0xA], $0x30, s3, s14, $0xb8;
	[tilespmem:$0x18800] =	vst v63  }
0x60: {  	_ =	swait.ge [sflag:s1], $0x1800  }
0x61: {  	[sflag:s1] =	ssyncset.done $0x0  }
0x62: {  	s3 =	sadd.s32 $0x2900, s11;
	[sflag:s1] =	ssyncadd.s32 $0xFFFFE800  }
0x63: {  	[spmem:s2] =	stream.indirect.scatter.add.f32 [tilespmem:s18], [sflag:$0xB], $0x30, s3, s14, $0xb8;
	[tilespmem:$0x18800] =	vst v63  }
0x64: {  	_ =	swait.ge [sflag:s0], $0x1800  }
0x65: {  	[sflag:s0] =	ssyncset.done $0x0  }
0x66: {  	s3 =	sadd.s32 $0x2980, s11;
	[sflag:s0] =	ssyncadd.s32 $0xFFFFE800  }
0x67: {  	[spmem:s2] =	stream.indirect.scatter.add.f32 [tilespmem:s20], [sflag:$0xC], $0x30, s3, s14, $0xb8;
	[tilespmem:$0x18800] =	vst v63  }
0x68: {  	_ =	swait.ge [sflag:s13], $0x1800  }
0x69: {  	[sflag:s13] =	ssyncset.done $0x0  }
0x6a: {  	s3 =	sadd.s32 $0x2A00, s11;
	[sflag:s13] =	ssyncadd.s32 $0xFFFFE800  }
0x6b: {  	[spmem:s2] =	stream.indirect.scatter.add.f32 [tilespmem:s22], [sflag:$0xD], $0x30, s3, s14, $0xb8;
	[tilespmem:$0x18800] =	vst v63  }
0x6c: {  	_ =	swait.ge [sflag:s17], $0x1800  }
0x6d: {  	[sflag:s17] =	ssyncset.done $0x0  }
0x6e: {  	s3 =	sadd.s32 $0x2A80, s11;
	[sflag:s17] =	ssyncadd.s32 $0xFFFFE800  }
0x6f: {  	[spmem:s2] =	stream.indirect.scatter.add.f32 [tilespmem:s24], [sflag:$0xE], $0x30, s3, s14, $0xb8;
	[tilespmem:$0x18800] =	vst v63  }
0x70: {  	_ =	swait.ge [sflag:s19], $0x1800  }
0x71: {  	[sflag:s19] =	ssyncset.done $0x0  }
0x72: {  	s3 =	sadd.s32 $0x2B00, s11;
	[sflag:s19] =	ssyncadd.s32 $0xFFFFE800  }
0x73: {  	[spmem:s2] =	stream.indirect.scatter.add.f32 [tilespmem:s26], [sflag:$0xF], $0x30, s3, s14, $0xb8;
	[tilespmem:$0x18800] =	vst v63  }
0x74: {  	_ =	swait.ge [sflag:s21], $0x1800  }
0x75: {  	p0 =	seq.s32 s6, $0x9000;
	[sflag:s21] =	ssyncset.done $0x0  }
.Ltmp2:
0x76: {  	s3 =	sadd.s32 $0x2B80, s11;
	[sflag:s21] =	ssyncadd.s32 $0xFFFFE800;
	(pc) =	sbr.rel @p0 .LBB2_4-.Ltmp2, $4  }
0x77: {  	[spmem:s2] =	stream.indirect.scatter.add.f32 [tilespmem:s29], [sflag:$0x10], $0x30, s3, s14, $0xb8;
	[tilespmem:$0x18800] =	vst v63  }
0x78: {  	_ =	swait.ge [sflag:s23], $0x1800  }
0x79: {  	[sflag:s23] =	ssyncset.done $0x0  }
0x7a: {  	[sflag:s23] =	ssyncadd.s32 $0xFFFFE800  }
0x7b: {  	s12 =	sadd.s32 $0x400, s11  }
0x7c: {  	[tilespmem:s15], [sflag:$0x1] =	stream.indirect.gather [hbm4b:s4+s14], $0x30, s12, s14, $0xb8;
	[tilespmem:$0x18800] =	vst v63  }
0x7d: {  	_ =	swait.ge [sflag:s25], $0x1800  }
0x7e: {  	[sflag:s25] =	ssyncset.done $0x0  }
0x7f: {  	s3 =	sadd.s32 $0x480, s11;
	[sflag:s25] =	ssyncadd.s32 $0xFFFFE800  }
0x80: {  	[tilespmem:s16], [sflag:$0x2] =	stream.indirect.gather [hbm4b:s4+s14], $0x30, s3, s14, $0xb8;
	[tilespmem:$0x18800] =	vst v63  }
0x81: {  	_ =	swait.ge [sflag:s28], $0x1800  }
0x82: {  	[sflag:s28] =	ssyncset.done $0x0  }
0x83: {  	s3 =	sadd.s32 $0x500, s11;
	[sflag:s28] =	ssyncadd.s32 $0xFFFFE800  }
0x84: {  	[tilespmem:s18], [sflag:$0x3] =	stream.indirect.gather [hbm4b:s4+s14], $0x30, s3, s14, $0xb8;
	[tilespmem:$0x18800] =	vst v63  }
0x85: {  	_ =	swait.ge [sflag:s5], $0x1800  }
0x86: {  	[sflag:s5] =	ssyncset.done $0x0  }
0x87: {  	s3 =	sadd.s32 $0x580, s11;
	[sflag:s5] =	ssyncadd.s32 $0xFFFFE800  }
0x88: {  	[tilespmem:s20], [sflag:$0x4] =	stream.indirect.gather [hbm4b:s4+s14], $0x30, s3, s14, $0xb8;
	[tilespmem:$0x18800] =	vst v63  }
0x89: {  	_ =	swait.ge [sflag:s7], $0x1800  }
0x8a: {  	[sflag:s7] =	ssyncset.done $0x0  }
0x8b: {  	s3 =	sadd.s32 $0x600, s11;
	[sflag:s7] =	ssyncadd.s32 $0xFFFFE800  }
0x8c: {  	[tilespmem:s22], [sflag:$0x5] =	stream.indirect.gather [hbm4b:s4+s14], $0x30, s3, s14, $0xb8;
	[tilespmem:$0x18800] =	vst v63  }
0x8d: {  	_ =	swait.ge [sflag:s8], $0x1800  }
0x8e: {  	[sflag:s8] =	ssyncset.done $0x0  }
0x8f: {  	s3 =	sadd.s32 $0x680, s11;
	[sflag:s8] =	ssyncadd.s32 $0xFFFFE800  }
0x90: {  	[tilespmem:s24], [sflag:$0x6] =	stream.indirect.gather [hbm4b:s4+s14], $0x30, s3, s14, $0xb8;
	[tilespmem:$0x18800] =	vst v63  }
0x91: {  	_ =	swait.ge [sflag:s9], $0x1800  }
0x92: {  	[sflag:s9] =	ssyncset.done $0x0  }
0x93: {  	s3 =	sadd.s32 $0x700, s11;
	[sflag:s9] =	ssyncadd.s32 $0xFFFFE800  }
0x94: {  	[tilespmem:s26], [sflag:$0x7] =	stream.indirect.gather [hbm4b:s4+s14], $0x30, s3, s14, $0xb8;
	[tilespmem:$0x18800] =	vst v63  }
.Ltmp3:
0x95: {  	_ = 	snop;
	(pc) =	sbr.rel .LBB2_2-.Ltmp3, $4  }
0x96: {  	_ =	swait.ge [sflag:s10], $0x1800  }
0x97: {  	[sflag:s10] =	ssyncset.done $0x0  }
0x98: {  	s6 =	sadd.s32 $0x1000, s6;
	s12 =	sadd.s32 $0x780, s11;
	[sflag:s10] =	ssyncadd.s32 $0xFFFFE800  }
0x99: {  	[tilespmem:s29], [sflag:$0x8] =	stream.indirect.gather [hbm4b:s4+s14], $0x30, s12, s14, $0xb8;
	[tilespmem:$0x18800] =	vst v63  }
.LBB2_5:
0x9a: {  	_ =	sfence.sel $0x180000  }
0x9b: {  	[bflag:$0x0] =	sbarrier.arrive $0xFFFF  }
0x9c: {  	_ =	strace $0x9000004A  }
0x9d: {  	s0 =	stileid.u32;
	[bflag:$0x2] =	sbarrier.arrive $0xFFFF  }
0x9e: {  	p0 =	sne.s32 s0, $0x0;
	s0 =	rddreg [dreg:$0x2]  }
0x9f: {  	s0 =	sadd.s32 @!p0 $0x100000, s0  }
0xa0: {  	[sflag:s0] =	ssyncadd.tile.s32 @!p0 $0x1;
	_ =	shalt  }
.Lfunc_end2:
_tile_overlayer_lowered:
.L_overlay_start_2:
0xa1: {  	(tag) =	ssettag $0x2  }
0xa2: {  	s0 =	rddreg [dreg:$0x0];
	s2 =	stileid.u32  }
0xa3: {  	s1 =	rddreg [dreg:$0x1];
	p0 =	sne.s32 s2, $0x0  }
0xa4: {  	s3 =	rddreg [dreg:$0x2];
	[bflag:$0x3] =	sbarrier.arrive $0xFFFF;
	s2 =	simm.s32 @!p0 $0x1C11  }
0xa5: {  	[timem:s3], [sflag:s2] =	dma.local @!p0 [hbm:s0], s1  }
0xa6: {  	s0 =	simm.s32 @!p0 $0x11  }
0xa7: {  	_ =	swait.ge @!p0 [sflag:s0], s1  }
0xa8: {  	s1 =	ssub.s32 @!p0 $0x0, s1;
	[sflag:s0] =	ssyncset.done @!p0 $0x0  }
0xa9: {  	[sflag:s0] =	ssyncadd.s32 @!p0 s1  }
0xaa: {  	[bflag:$0x3] =	sbarrier.arrive $0xFFFF  }
0xab: {  	_ =	shalt  }

// kernel: kernel.14.cloned.1.call-start
scs
__scs_entry_jumppad:
0x0: {  	(pc) =	sbr.rel $0x88, $3  }
0x1: {  	(tag) =	ssettag $0x0;
	lr =	simm.s32 $0x1  }
0x2: {  	[smem:$0x3F98] =	sst lr;
	_ =	strace $0xD0000000  }
0x3: {  	_ = 	snop  }
0x4: {  	_ = 	snop  }
0x5: {  	_ = 	snop  }
0x6: {  	_ = 	snop  }
0x7: {  	_ = 	snop  }
__scs_overlays_trampoline_lowered:
0x8: {  	[smem:$0x3FA7] =	sst s0  }
0x9: {  	[smem:$0x3FA8] =	sst s1  }
0xa: {  	[smem:$0x3FA9] =	sst s2  }
0xb: {  	[smem:$0x3FAA] =	sst s3  }
0xc: {  	[smem:$0x3FAB] =	sst s4  }
0xd: {  	[smem:$0x3FAC] =	sst s5  }
0xe: {  	[smem:$0x3FAD] =	sst s6  }
0xf: {  	[smem:$0x3FAE] =	sst s7  }
0x10: {  	[smem:$0x3FAF] =	sst s8  }
0x11: {  	[smem:$0x3FB0] =	sst s9;
	s0 =	simm.s32 @!p0 $0x0  }
0x12: {  	s1 =	sld [smem:$0x3F96];
	s0 =	simm.s32 @p0 $0x1  }
0x13: {  	[smem:$0x3FB1] =	sst s0;
	s0 =	simm.s32 @!p1 $0x0  }
0x14: {  	s2 =	sld [smem:$0x3F95];
	s0 =	simm.s32 @p1 $0x1  }
0x15: {  	[smem:$0x3FB2] =	sst s0;
	s0 =	simm.s32 @!p2 $0x0  }
0x16: {  	s3 =	sld [smem:$0x3FDB];
	s0 =	simm.s32 @p2 $0x1  }
0x17: {  	s4 =	simm.s32 $0x1BF5;
	[smem:$0x3FB4] =	sst s0  }
0x18: {  	s0 =	sld [smem:$0x3F97];
	_ =	swait.ge [sflag:s4], $0x0  }
0x19: {  	s7 =	sld [smem:$0x3F98]  }
0x1a: {  	s8 =	sadd.s32 $0xFFFFE003, lr  }
0x1b: {  	s9 =	sadd.s32 $0xFFFFFEF7, lr;
	s5 =	simm.s32 $0xFFFFFFFF;
	p2 =	slt.u32 s8, $0xFFFFF086  }
0x1c: {  	p1 =	slt.u32 s9, $0xF7A;
	s5 =	simm.s32 @!p2 $0x0  }
0x1d: {  	s5 =	simm.s32 @p1 $0x1;
	p0 =	seq.s32 s7, s2  }
0x1e: {  	s7 =	smul.u32 @!p0 $0xF7A, s2;
	p2 =	seq.s32 @!p0 s5, $0x0  }
0x1f: {  	s9 =	smul.u32 $0xF7A, s1;
	s8 =	simm.s32 @!p0 $0x1BF5;
	p2 =	por !p2, p0  }
0x20: {  	[sflag:s8] =	ssyncset.s32 @!p0 $0xFFFFF086;
	s6 =	sadd.s32 @!p0 s3, s7;
	s7 =	simm.s32 @!p0 $0x108  }
0x21: {  	s3 =	sadd.s32 s3, s9;
	s6 =	sadd.s32 @!p0 $0x88, s6;
	s7 =	simm.s32 @p2 $0x1082  }
0x22: {  	[simem:s7], [sflag:s8] =	dma.local @!p0 [hbm:s6], $0xF7A  }
0x23: {  	s9 =	sor.u32 $0xD0000000, s2;
	s6 =	simm.s32 $0x108;
	_ =	swait.ge @!p0 [sflag:s8], $0x0  }
0x24: {  	s3 =	sadd.s32 $0x88, s3;
	s6 =	simm.s32 @!p1 $0x1082;
	[sflag:s4] =	ssyncset.s32 $0xFFFFF086  }
0x25: {  	[simem:s6], [sflag:s4] =	dma.local [hbm:s3], $0xF7A  }
0x26: {  	[smem:$0x3F98] =	sst s1;
	(tag) =	ssettag s2;
	_ =	strace s9  }
0x27: {  	s1 =	sld [smem:$0x3FA8]  }
0x28: {  	s2 =	sld [smem:$0x3FA9]  }
0x29: {  	s4 =	sld [smem:$0x3FAB]  }
0x2a: {  	p0 =	seq.s32 s5, $0x0;
	s5 =	sld [smem:$0x3FAC]  }
0x2b: {  	s6 =	sld [smem:$0x3FAD]  }
0x2c: {  	s7 =	sld [smem:$0x3FAE]  }
0x2d: {  	s3 =	simm.s32 $0x108;
	s8 =	sld [smem:$0x3FAF]  }
0x2e: {  	s3 =	simm.s32 @!p0 $0x1082;
	s9 =	sld [smem:$0x3FB0]  }
0x2f: {  	lr =	sadd.s32 s0, s3;
	s0 =	sld [smem:$0x3FA7]  }
0x30: {  	s3 =	sld [smem:$0x3FAA]  }
0x31: {  	[smem:$0x3FB3] =	sst s10  }
0x32: {  	s10 =	sld [smem:$0x3FB1];
	_ =	sdelay $0x3  }
0x33: {  	p0 =	seq.s32 s10, $0x1;
	s10 =	sld [smem:$0x3FB3];
	_ =	sdelay $0x3  }
0x34: {  	[smem:$0x3FB3] =	sst s10  }
0x35: {  	s10 =	sld [smem:$0x3FB2];
	_ =	sdelay $0x3  }
0x36: {  	p1 =	seq.s32 s10, $0x1;
	s10 =	sld [smem:$0x3FB3];
	_ =	sdelay $0x3  }
0x37: {  	[smem:$0x3FB3] =	sst s10  }
0x38: {  	s10 =	sld [smem:$0x3FB4]  }
0x39: {  	_ = 	snop;
	(pc) =	sbr.ind lr, $3  }
0x3a: {  	_ = 	snop  }
0x3b: {  	_ = 	snop  }
0x3c: {  	p2 =	seq.s32 s10, $0x1;
	s10 =	sld [smem:$0x3FB3]  }
0x3d: {  	_ =	shalt  }
0x3e: {  	_ =	shalt  }
0x3f: {  	_ =	shalt  }
0x40: {  	_ =	shalt  }
0x41: {  	_ =	shalt  }
0x42: {  	_ =	shalt  }
0x43: {  	_ =	shalt  }
0x44: {  	_ =	shalt  }
0x45: {  	_ =	shalt  }
0x46: {  	_ =	shalt  }
0x47: {  	_ =	shalt  }
0x48: {  	_ =	shalt  }
0x49: {  	_ =	shalt  }
0x4a: {  	_ =	shalt  }
0x4b: {  	_ =	shalt  }
0x4c: {  	_ =	shalt  }
0x4d: {  	_ =	shalt  }
0x4e: {  	_ =	shalt  }
0x4f: {  	_ =	shalt  }
0x50: {  	_ =	shalt  }
0x51: {  	_ =	shalt  }
0x52: {  	_ =	shalt  }
0x53: {  	_ =	shalt  }
0x54: {  	_ =	shalt  }
0x55: {  	_ =	shalt  }
0x56: {  	_ =	shalt  }
0x57: {  	_ =	shalt  }
0x58: {  	_ =	shalt  }
0x59: {  	_ =	shalt  }
0x5a: {  	_ =	shalt  }
0x5b: {  	_ =	shalt  }
0x5c: {  	_ =	shalt  }
0x5d: {  	_ =	shalt  }
0x5e: {  	_ =	shalt  }
0x5f: {  	_ =	shalt  }
0x60: {  	_ =	shalt  }
0x61: {  	_ =	shalt  }
0x62: {  	_ =	shalt  }
0x63: {  	_ =	shalt  }
0x64: {  	_ =	shalt  }
0x65: {  	_ =	shalt  }
0x66: {  	_ =	shalt  }
0x67: {  	_ =	shalt  }
0x68: {  	_ =	shalt  }
0x69: {  	_ =	shalt  }
0x6a: {  	_ =	shalt  }
0x6b: {  	_ =	shalt  }
0x6c: {  	_ =	shalt  }
0x6d: {  	_ =	shalt  }
0x6e: {  	_ =	shalt  }
0x6f: {  	_ =	shalt  }
0x70: {  	_ =	shalt  }
0x71: {  	_ =	shalt  }
0x72: {  	_ =	shalt  }
0x73: {  	_ =	shalt  }
0x74: {  	_ =	shalt  }
0x75: {  	_ =	shalt  }
0x76: {  	_ =	shalt  }
0x77: {  	_ =	shalt  }
0x78: {  	_ =	shalt  }
0x79: {  	_ =	shalt  }
0x7a: {  	_ =	shalt  }
0x7b: {  	_ =	shalt  }
0x7c: {  	_ =	shalt  }
0x7d: {  	_ =	shalt  }
0x7e: {  	_ =	shalt  }
0x7f: {  	_ =	shalt  }
0x80: {  	_ =	shalt  }
0x81: {  	_ =	shalt  }
0x82: {  	_ =	shalt  }
0x83: {  	_ =	shalt  }
0x84: {  	_ =	shalt  }
0x85: {  	_ =	shalt  }
0x86: {  	_ =	shalt  }
0x87: {  	_ =	shalt  }
.Lfunc_end0:
.L_simem_size_0:
called_computation.2_lowered:
.L_overlay_start_0:
0x88: {  	s2 =	sld [smem:$0x3FD9]  }
0x89: {  	s3 =	sld [smem:$0x3FFE];
	_ =	sdelay $0x1  }
0x8a: {  	s1 =	srdreg.scid  }
0x8b: {  	s0 =	sand.u32 $0x1, s1  }
0x8c: {  	s16 =	sshll.u32 s0, $0xA;
	s2 =	sadd.s32 s3, s2  }
0x8d: {  	s2 =	sadd.s32 s2, s16  }
0x8e: {  	[smem:$0x3FBF] =	sst s2  }
0x8f: {  	_ = 	snop  }
0x90: {  	(tm) =	ssettm $0x1  }
0x91: {  	s17 =	sld [smem:$0x3FFB];
	_ =	sdelay $0x3  }
0x92: {  	_ =	strace s17  }
0x93: {  	s2 =	sld [smem:$0x3FFC];
	_ =	sdelay $0x3  }
0x94: {  	_ =	strace s2  }
0x95: {  	s2 =	sld [smem:$0x3FFD];
	_ =	sdelay $0x3  }
0x96: {  	_ =	strace s2  }
0x97: {  	_ =	strace $0x8FFFFFFF  }
0x98: {  	s18 =	sld [smem:$0x3FDB];
	_ =	sdelay $0x1  }
0x99: {  	s19 =	simm.s32 $_scs_section_size  }
0x9a: {  	s4 =	simm.s32 $_size__tile_overlayer_lowered;
	s5 =	simm.s32 $_tile_overlayer_lowered  }
0x9b: {  	s22 =	simm.s32 $0x1BFF;
	s21 =	sshll.u32 s5, $0x1;
	s2 =	sadd.s32 s19, s18  }
0x9c: {  	s6 =	simm.s32 $0x0;
	s20 =	sshll.u32 s4, $0x1;
	s4 =	sadd.s32 s21, s2  }
0x9d: {  	[timem:s6], [sflag:s22] =	dma.local [hbm:s4], s20  }
0x9e: {  	_ =	swait.ge [sflag:s22], s20  }
0x9f: {  	s3 =	ssub.s32 $0x0, s20;
	[sflag:s22] =	ssyncset.done $0x0  }
0xa0: {  	[sflag:s22] =	ssyncadd.s32 s3;
	_ =	sdelay $0x1  }
0xa1: {  	s23 =	simm.s32 $0x1B8B  }
0xa2: {  	_ =	swait.ge [sflag:s23], $0x1  }
0xa3: {  	[sflag:s23] =	ssyncset.done $0x0  }
0xa4: {  	s25 =	simm.s32 $0x1B8E;
	s24 =	sld [smem:$0x3FFE];
	[sflag:s23] =	ssyncadd.s32 $0xFFFFFFFF  }
0xa5: {  	s26 =	simm.s32 $execute0_lowered;
	[smem:$0x3FD2] =	sst s25  }
0xa6: {  	s4 =	sshll.u32 s26, $0x1;
	_ =	strace $0x8000004C;
	[dreg:$0x1] =	wrdreg $0xFFFFFFFF  }
0xa7: {  	s28 =	simm.s32 $_size_execute0_lowered;
	s2 =	sadd.s32 s2, s4;
	[dreg:$0x0] =	wrdreg $0x0  }
0xa8: {  	s4 =	sshll.u32 s28, $0x1;
	[dreg:$0x2] =	wrdreg s2  }
0xa9: {  	[dreg:$0x3] =	wrdreg s4  }
0xaa: {  	[dreg:$0x4] =	wrdreg $0xC0  }
0xab: {  	_ =	task [dreg:s6], $0x5FFFF  }
0xac: {  	[dreg:$0x1] =	wrdreg $0xFFFFFFFF  }
0xad: {  	[dreg:$0x0] =	wrdreg $0x60  }
0xae: {  	[dreg:$0x2] =	wrdreg s24  }
0xaf: {  	[dreg:$0x3] =	wrdreg $0x9  }
0xb0: {  	_ =	task.clear_ibuf [dreg:s6], $0x4FFFF;
	_ =	strace $0x9000004C  }
0xb1: {  	s29 =	simm.s32 $0x9;
	_ =	strace $0x8000004E  }
0xb2: {  	_ =	swait.ge [sflag:s29], $0x1  }
0xb3: {  	[sflag:s29] =	ssyncadd.s32 $0xFFFFFFFF  }
0xb4: {  	_ =	strace $0x9000004E  }
0xb5: {  	_ =	sfence  }
0xb6: {  	s30 =	sld [smem:$0x0];
	_ =	sdelay $0x2  }
0xb7: {  	s31 =	sshll.u32 s1, $0xD;
	s1 =	sshrl.u32 s1, $0x2  }
0xb8: {  	s3 =	sand.u32 $0x4000, s31;
	s1 =	sadd.s32 s1, s30  }
0xb9: {  	s0 =	sor.u32 s3, s0;
	s1 =	sshll.u32 s1, $0x11  }
0xba: {  	s0 =	sor.u32 s1, s0  }
0xbb: {  	s0 =	sadd.s32 $0x8F2B, s0  }
0xbc: {  	[sflag:s0] =	ssyncadd.remote.s32 $0x1  }
0xbd: {  	_ =	sfence.sel $0xFFFF  }
0xbe: {  	[dreg:$0x0] =	wrdreg $0xFFFFFFFF;
	(pc) =	sbr.abs _section_cstart, $3  }
0xbf: {  	[dreg:$0x1] =	wrdreg $0xFFFFFFFF  }
0xc0: {  	_ =	task.clear_ibuf [dreg:s6], $0x2FFFF;
	_ =	strace $0x9FFFFFFF  }
0xc1: {  	(tm) =	ssettm $0x7FFFFFFF  }
tec
execute0_lowered:
.L_overlay_start_1:
0x0: {  	(tag) =	ssettag $0x1  }
0x1: {  	v0 =	vlaneseq.u32  }
0x2: {  	v1 =	vmul.u32 $0x30, v0;
	_ =	sdelay $0x1  }
0x3: {  	v2 =	vimm.f32 $0.0e+00;
	v3 =	vor.u32 $0x1, v1;
	v4 =	vor.u32 $0x2, v1  }
0x4: {  	v5 =	vor.u32 $0x3, v1;
	v6 =	vor.u32 $0x4, v1;
	v7 =	vor.u32 $0x5, v1  }
0x5: {  	v8 =	vor.u32 $0x6, v1;
	v9 =	vor.u32 $0x7, v1;
	v10 =	vor.u32 $0x8, v1  }
0x6: {  	v11 =	vor.u32 $0x9, v1;
	v12 =	vor.u32 $0xA, v1;
	v13 =	vor.u32 $0xB, v1  }
0x7: {  	s1 =	srdreg.scid;
	v14 =	vor.u32 $0xC, v1;
	v15 =	vor.u32 $0xD, v1;
	v16 =	vor.u32 $0xE, v1  }
0x8: {  	s0 =	stileid.u32;
	s4 =	rddreg [dreg:$0x0];
	s2 =	simm.s32 $0x0;
	v17 =	vor.u32 $0xF, v1;
	v18 =	vadd.s32 $0x10, v1;
	v19 =	vadd.s32 $0x11, v1  }
0x9: {  	s11 =	simm.s32 $0x5020;
	s12 =	simm.s32 $0x1;
	s13 =	simm.s32 $0x10;
	v20 =	vadd.s32 $0x12, v1;
	v21 =	vadd.s32 $0x13, v1;
	v22 =	vadd.s32 $0x14, v1  }
0xa: {  	s14 =	simm.s32 $0x5030;
	s3 =	sand.u32 $0x1, s1;
	s31 =	sshll.u32 s0, $0x1;
	v23 =	vadd.s32 $0x15, v1;
	v24 =	vadd.s32 $0x16, v1;
	v25 =	vadd.s32 $0x17, v1  }
0xb: {  	s15 =	simm.s32 $0x5330;
	s1 =	rddreg [dreg:$0x1];
	s5 =	sor.u32 s3, s31;
	v26 =	vadd.s32 $0x18, v1;
	v27 =	vadd.s32 $0x19, v1;
	v28 =	vadd.s32 $0x1A, v1  }
0xc: {  	s16 =	simm.s32 $0x0;
	[smem:$0x7FF] =	sst s2;
	s6 =	smul.u32 $0x502, s5;
	v29 =	vadd.s32 $0x1B, v1;
	v30 =	vadd.s32 $0x1C, v1;
	v31 =	vadd.s32 $0x1D, v1  }
0xd: {  	s8 =	ssub.s32 $0x2, s3;
	s7 =	sshll.u32 s5, $0x1;
	s5 =	smul.u32 $0x60, s5;
	v32 =	vadd.s32 $0x1E, v1;
	v33 =	vadd.s32 $0x1F, v1;
	v34 =	vadd.s32 $0x20, v1  }
.Ltmp0:
0xe: {  	_ =	strace $0x8000004D;
	s9 =	sshrl.u32 s8, $0x1;
	v35 =	vadd.s32 $0x21, v1;
	v36 =	vadd.s32 $0x22, v1;
	v37 =	vadd.s32 $0x23, v1;
	(pc) =	sbr.rel .LBB2_1-.Ltmp0, $4  }
0xf: {  	s3 =	sadd.s32 $0x1A00, s4;
	v38 =	vadd.s32 $0x24, v1;
	v39 =	vadd.s32 $0x25, v1;
	v40 =	vadd.s32 $0x26, v1;
	s7 =	sadd.s32 s7, s4;
	s8 =	ssub.s32 s8, s9  }
0x10: {  	v41 =	vadd.s32 $0x27, v1;
	v42 =	vadd.s32 $0x28, v1;
	v43 =	vadd.s32 $0x29, v1;
	s9 =	simm.s32 $0x2;
	s6 =	sadd.s32 s6, s4;
	s10 =	sadd.s32 s5, s4  }
0x11: {  	v44 =	vadd.s32 $0x2A, v1;
	v45 =	vadd.s32 $0x2B, v1;
	v46 =	vadd.s32 $0x2C, v1;
	s8 =	smax.u32 s8, $0x1;
	s4 =	sadd.s32 $0x1FA00, s6;
	s5 =	sadd.s32 $0x29C00, s6  }
0x12: {  	v47 =	vadd.s32 $0x2D, v1;
	v48 =	vadd.s32 $0x2E, v1;
	v49 =	vadd.s32 $0x2F, v1;
	s6 =	sadd.s32 $0x33E00, s7;
	s7 =	sadd.s32 $0x10A00, s10;
	s10 =	simm.s32 $0x2810  }
.LBB2_4:
0x13: {  	_ =	sdelay $0x4  }
0x14: {  	[tilespmem:v51+s15+$0x0] =	vst.idx.add.f32.msk vm0, v52  }
.LBB2_5:
0x15: {  	s16 =	sadd.s32 $0x1, s16  }
0x16: {  	p0 =	sne.s32 s16, s8  }
.Ltmp1:
0x17: {  	_ = 	snop;
	(pc) =	sbr.rel @!p0 .LBB2_6-.Ltmp1, $4  }
0x18: {  	[hbm4b:s7+s2] =	stream.linear.scatter [tilespmem:s15], [sflag:$0x2], $0x300, $0x38;
	[tilespmem:$0x5630] =	vst v63  }
0x19: {  	_ =	swait.ge [sflag:s9], $0x300  }
0x1a: {  	[sflag:s9] =	ssyncset.done $0x0  }
0x1b: {  	[sflag:s9] =	ssyncadd.s32 $0xFFFFFD00  }
.LBB2_1:
0x1c: {  	[tilespmem:s2], [sflag:$0x2] =	stream.linear.gather [hbm4b:s4+s2], $0x2810, $0x38;
	[tilespmem:$0x5630] =	vst v63  }
0x1d: {  	_ =	swait.ge [sflag:s9], $0x2810  }
0x1e: {  	[sflag:s9] =	ssyncset.done $0x0  }
0x1f: {  	[sflag:s9] =	ssyncadd.s32 $0xFFFFD7F0  }
0x20: {  	[tilespmem:s10], [sflag:$0x2] =	stream.linear.gather [hbm4b:s5+s2], $0x2810, $0x38;
	[tilespmem:$0x5630] =	vst v63  }
0x21: {  	_ =	swait.ge [sflag:s9], $0x2810  }
0x22: {  	[sflag:s9] =	ssyncset.done $0x0  }
0x23: {  	[sflag:s9] =	ssyncadd.s32 $0xFFFFD7F0  }
0x24: {  	[tilespmem:s11], [sflag:$0x2] =	stream.linear.gather [hbm4b:s6+s2], $0x10, $0x38;
	[tilespmem:$0x5630] =	vst v63  }
0x25: {  	_ =	swait.ge [sflag:s9], $0x10  }
0x26: {  	[sflag:s9] =	ssyncset.done $0x0  }
0x27: {  	[sflag:s9] =	ssyncadd.s32 $0xFFFFFFF0  }
0x28: {  	[tilespmem:$0x5330] =	vst v2  }
0x29: {  	[tilespmem:$0x5340] =	vst v2  }
0x2a: {  	[tilespmem:$0x5350] =	vst v2  }
0x2b: {  	[tilespmem:$0x5360] =	vst v2  }
0x2c: {  	[tilespmem:$0x5370] =	vst v2  }
0x2d: {  	[tilespmem:$0x5380] =	vst v2  }
0x2e: {  	[tilespmem:$0x5390] =	vst v2;
	v50 =	vld [tilespmem:$0x5020]  }
0x2f: {  	[tilespmem:$0x53A0] =	vst v2  }
0x30: {  	[tilespmem:$0x53B0] =	vst v2  }
0x31: {  	[tilespmem:$0x53C0] =	vst v2  }
0x32: {  	[tilespmem:$0x53D0] =	vst v2  }
0x33: {  	[tilespmem:$0x53E0] =	vst v2;
	v50 =	vxor.u32 $0x80000000, v50  }
0x34: {  	[tilespmem:$0x53F0] =	vst v2;
	(xrf0) =	vmax.scan.msk.u32 $0xffff, v50  }
0x35: {  	[tilespmem:$0x5400] =	vst v2  }
0x36: {  	[tilespmem:$0x5410] =	vst v2  }
0x37: {  	[tilespmem:$0x5420] =	vst v2  }
0x38: {  	[tilespmem:$0x5430] =	vst v2  }
0x39: {  	[tilespmem:$0x5440] =	vst v2  }
0x3a: {  	[tilespmem:$0x5450] =	vst v2;
	v50, _, _ =	vpop (xrf0)  }
0x3b: {  	[tilespmem:$0x5460] =	vst v2;
	(v2sf) =	vpush v50, $0xF  }
0x3c: {  	[tilespmem:$0x5470] =	vst v2  }
0x3d: {  	[tilespmem:$0x5480] =	vst v2  }
0x3e: {  	[tilespmem:$0x5490] =	vst v2  }
0x3f: {  	[tilespmem:$0x54A0] =	vst v2  }
0x40: {  	[tilespmem:$0x54B0] =	vst v2  }
0x41: {  	[tilespmem:$0x54C0] =	vst v2  }
0x42: {  	[tilespmem:$0x54D0] =	vst v2  }
0x43: {  	[tilespmem:$0x54E0] =	vst v2  }
0x44: {  	[tilespmem:$0x54F0] =	vst v2  }
0x45: {  	[tilespmem:$0x5500] =	vst v2  }
0x46: {  	[tilespmem:$0x5510] =	vst v2  }
0x47: {  	[tilespmem:$0x5520] =	vst v2  }
0x48: {  	[tilespmem:$0x5530] =	vst v2  }
0x49: {  	[tilespmem:$0x5540] =	vst v2  }
0x4a: {  	[tilespmem:$0x5550] =	vst v2;
	s20 =	spop (v2sf)  }
0x4b: {  	[tilespmem:$0x5560] =	vst v2;
	s17 =	sadd.s32 $0x8000000F, s20  }
0x4c: {  	[tilespmem:$0x5570] =	vst v2;
	s18 =	sand.u32 $0xF, s17  }
0x4d: {  	[tilespmem:$0x5580] =	vst v2;
	s31 =	sshra.s32 s17, $0x1F;
	p1 =	slt.s32 s17, $0x1;
	p0 =	sne.s32 s18, $0x0  }
0x4e: {  	[tilespmem:$0x5590] =	vst v2;
	s18 =	sshrl.u32 s31, $0x1C;
	p0 =	por !p1, !p0  }
0x4f: {  	[tilespmem:$0x55A0] =	vst v2;
	s17 =	sadd.s32 s18, s17;
	s18 =	simm.s32 $0x1;
	p0 =	por !p0, !p0  }
0x50: {  	[tilespmem:$0x55B0] =	vst v2;
	s17 =	sshra.s32 s17, $0x4;
	s18 =	simm.s32 @!p0 $0x0  }
0x51: {  	[tilespmem:$0x55C0] =	vst v2;
	s19 =	ssub.s32 s17, s18  }
0x52: {  	[tilespmem:$0x55D0] =	vst v2;
	p0 =	slt.s32 s19, $0x1  }
.Ltmp2:
0x53: {  	[tilespmem:$0x55E0] =	vst v2;
	(pc) =	sbr.rel @p0 .LBB2_5-.Ltmp2, $4  }
0x54: {  	[tilespmem:$0x55F0] =	vst v2  }
0x55: {  	[tilespmem:$0x5600] =	vst v2  }
0x56: {  	[tilespmem:$0x5610] =	vst v2  }
0x57: {  	[tilespmem:$0x5620] =	vst v2  }
0x58: {  	s17 =	simm.s32 $0x0  }
0x59: {  	[tilespmem:s14], [sflag:$0x1] =	stream.indirect.gather [hbm4b:s3+s13], $0x30, s17, s13, $0xb8;
	[tilespmem:$0x5630] =	vst v63  }
0x5a: {  	_ =	swait.ge [sflag:s12], $0x300  }
0x5b: {  	[sflag:s12] =	ssyncset.done $0x0  }
0x5c: {  	s18 =	simm.s32 $0x2810;
	[sflag:s12] =	ssyncadd.s32 $0xFFFFFD00  }
0x5d: {  	v51 =	vld [tilespmem:s18+$0x0];
	_ =	sdelay $0x2  }
0x5e: {  	s20 =	sxor.u32 $0x80000000, s20  }
0x5f: {  	v50 =	vmov s20;
	v52 =	vor.u32 s17, v0  }
0x60: {  	vm0 =	vlt.s32 v52, v50;
	v51 =	vmul.u32 $0x30, v51  }
0x61: {  	v58 =	vld.idx.msk [tilespmem:v1+s14+$0x0], $0xffff;
	_ =	sdelay $0x4  }
0x62: {  	[tilespmem:v51+s15+$0x0] =	vst.idx.add.f32.msk vm0, v58  }
0x63: {  	v53 =	vor.u32 $0x1, v51;
	v52 =	vld.idx.msk [tilespmem:v3+s14+$0x0], $0xffff;
	_ =	sdelay $0x4  }
0x64: {  	[tilespmem:v53+s15+$0x0] =	vst.idx.add.f32.msk vm0, v52  }
0x65: {  	v59 =	vor.u32 $0x2, v51;
	v52 =	vld.idx.msk [tilespmem:v4+s14+$0x0], $0xffff;
	_ =	sdelay $0x4  }
0x66: {  	[tilespmem:v59+s15+$0x0] =	vst.idx.add.f32.msk vm0, v52  }
0x67: {  	v60 =	vor.u32 $0x3, v51;
	v52 =	vld.idx.msk [tilespmem:v5+s14+$0x0], $0xffff;
	_ =	sdelay $0x4  }
0x68: {  	[tilespmem:v60+s15+$0x0] =	vst.idx.add.f32.msk vm0, v52  }
0x69: {  	v61 =	vor.u32 $0x4, v51;
	v52 =	vld.idx.msk [tilespmem:v6+s14+$0x0], $0xffff;
	_ =	sdelay $0x4  }
0x6a: {  	[tilespmem:v61+s15+$0x0] =	vst.idx.add.f32.msk vm0, v52  }
0x6b: {  	v62 =	vor.u32 $0x5, v51;
	v52 =	vld.idx.msk [tilespmem:v7+s14+$0x0], $0xffff;
	_ =	sdelay $0x4  }
0x6c: {  	[tilespmem:v62+s15+$0x0] =	vst.idx.add.f32.msk vm0, v52  }
0x6d: {  	v63 =	vor.u32 $0x6, v51;
	v52 =	vld.idx.msk [tilespmem:v8+s14+$0x0], $0xffff;
	_ =	sdelay $0x4  }
0x6e: {  	[tilespmem:v63+s15+$0x0] =	vst.idx.add.f32.msk vm0, v52  }
0x6f: {  	v56 =	vor.u32 $0x7, v51;
	v52 =	vld.idx.msk [tilespmem:v9+s14+$0x0], $0xffff;
	_ =	sdelay $0x4  }
0x70: {  	[tilespmem:v56+s15+$0x0] =	vst.idx.add.f32.msk vm0, v52  }
0x71: {  	v57 =	vor.u32 $0x8, v51;
	v52 =	vld.idx.msk [tilespmem:v10+s14+$0x0], $0xffff;
	_ =	sdelay $0x4  }
0x72: {  	[tilespmem:v57+s15+$0x0] =	vst.idx.add.f32.msk vm0, v52  }
0x73: {  	v58 =	vor.u32 $0x9, v51;
	v52 =	vld.idx.msk [tilespmem:v11+s14+$0x0], $0xffff;
	_ =	sdelay $0x4  }
0x74: {  	[tilespmem:v58+s15+$0x0] =	vst.idx.add.f32.msk vm0, v52  }
0x75: {  	v59 =	vor.u32 $0xA, v51;
	v52 =	vld.idx.msk [tilespmem:v12+s14+$0x0], $0xffff;
	_ =	sdelay $0x4  }
0x76: {  	[tilespmem:v59+s15+$0x0] =	vst.idx.add.f32.msk vm0, v52  }
0x77: {  	v60 =	vor.u32 $0xB, v51;
	v52 =	vld.idx.msk [tilespmem:v13+s14+$0x0], $0xffff;
	_ =	sdelay $0x4  }
0x78: {  	[tilespmem:v60+s15+$0x0] =	vst.idx.add.f32.msk vm0, v52  }
0x79: {  	v61 =	vor.u32 $0xC, v51;
	v52 =	vld.idx.msk [tilespmem:v14+s14+$0x0], $0xffff;
	_ =	sdelay $0x4  }
0x7a: {  	[tilespmem:v61+s15+$0x0] =	vst.idx.add.f32.msk vm0, v52  }
0x7b: {  	v62 =	vor.u32 $0xD, v51;
	v52 =	vld.idx.msk [tilespmem:v15+s14+$0x0], $0xffff;
	_ =	sdelay $0x4  }
0x7c: {  	[tilespmem:v62+s15+$0x0] =	vst.idx.add.f32.msk vm0, v52  }
0x7d: {  	v63 =	vor.u32 $0xE, v51;
	v52 =	vld.idx.msk [tilespmem:v16+s14+$0x0], $0xffff;
	_ =	sdelay $0x4  }
0x7e: {  	[tilespmem:v63+s15+$0x0] =	vst.idx.add.f32.msk vm0, v52  }
0x7f: {  	v56 =	vor.u32 $0xF, v51;
	v52 =	vld.idx.msk [tilespmem:v17+s14+$0x0], $0xffff;
	_ =	sdelay $0x4  }
0x80: {  	[tilespmem:v56+s15+$0x0] =	vst.idx.add.f32.msk vm0, v52  }
0x81: {  	v57 =	vadd.s32 $0x10, v51;
	v52 =	vld.idx.msk [tilespmem:v18+s14+$0x0], $0xffff;
	_ =	sdelay $0x4  }
0x82: {  	[tilespmem:v57+s15+$0x0] =	vst.idx.add.f32.msk vm0, v52  }
0x83: {  	v58 =	vadd.s32 $0x11, v51;
	v52 =	vld.idx.msk [tilespmem:v19+s14+$0x0], $0xffff;
	_ =	sdelay $0x4  }
0x84: {  	[tilespmem:v58+s15+$0x0] =	vst.idx.add.f32.msk vm0, v52  }
0x85: {  	v59 =	vadd.s32 $0x12, v51;
	v52 =	vld.idx.msk [tilespmem:v20+s14+$0x0], $0xffff;
	_ =	sdelay $0x4  }
0x86: {  	[tilespmem:v59+s15+$0x0] =	vst.idx.add.f32.msk vm0, v52  }
0x87: {  	v60 =	vadd.s32 $0x13, v51;
	v52 =	vld.idx.msk [tilespmem:v21+s14+$0x0], $0xffff;
	_ =	sdelay $0x4  }
0x88: {  	[tilespmem:v60+s15+$0x0] =	vst.idx.add.f32.msk vm0, v52  }
0x89: {  	v61 =	vadd.s32 $0x14, v51;
	v52 =	vld.idx.msk [tilespmem:v22+s14+$0x0], $0xffff;
	_ =	sdelay $0x4  }
0x8a: {  	[tilespmem:v61+s15+$0x0] =	vst.idx.add.f32.msk vm0, v52  }
0x8b: {  	v62 =	vadd.s32 $0x15, v51;
	v52 =	vld.idx.msk [tilespmem:v23+s14+$0x0], $0xffff;
	_ =	sdelay $0x4  }
0x8c: {  	[tilespmem:v62+s15+$0x0] =	vst.idx.add.f32.msk vm0, v52  }
0x8d: {  	v63 =	vadd.s32 $0x16, v51;
	v52 =	vld.idx.msk [tilespmem:v24+s14+$0x0], $0xffff;
	_ =	sdelay $0x4  }
0x8e: {  	[tilespmem:v63+s15+$0x0] =	vst.idx.add.f32.msk vm0, v52  }
0x8f: {  	v56 =	vadd.s32 $0x17, v51;
	v52 =	vld.idx.msk [tilespmem:v25+s14+$0x0], $0xffff;
	_ =	sdelay $0x4  }
0x90: {  	[tilespmem:v56+s15+$0x0] =	vst.idx.add.f32.msk vm0, v52  }
0x91: {  	v57 =	vadd.s32 $0x18, v51;
	v52 =	vld.idx.msk [tilespmem:v26+s14+$0x0], $0xffff;
	_ =	sdelay $0x4  }
0x92: {  	[tilespmem:v57+s15+$0x0] =	vst.idx.add.f32.msk vm0, v52  }
0x93: {  	v58 =	vadd.s32 $0x19, v51;
	v52 =	vld.idx.msk [tilespmem:v27+s14+$0x0], $0xffff;
	_ =	sdelay $0x4  }
0x94: {  	[tilespmem:v58+s15+$0x0] =	vst.idx.add.f32.msk vm0, v52  }
0x95: {  	v59 =	vadd.s32 $0x1A, v51;
	v52 =	vld.idx.msk [tilespmem:v28+s14+$0x0], $0xffff;
	_ =	sdelay $0x4  }
0x96: {  	[tilespmem:v59+s15+$0x0] =	vst.idx.add.f32.msk vm0, v52  }
0x97: {  	v60 =	vadd.s32 $0x1B, v51;
	v52 =	vld.idx.msk [tilespmem:v29+s14+$0x0], $0xffff;
	_ =	sdelay $0x4  }
0x98: {  	[tilespmem:v60+s15+$0x0] =	vst.idx.add.f32.msk vm0, v52  }
0x99: {  	v61 =	vadd.s32 $0x1C, v51;
	v52 =	vld.idx.msk [tilespmem:v30+s14+$0x0], $0xffff;
	_ =	sdelay $0x4  }
0x9a: {  	[tilespmem:v61+s15+$0x0] =	vst.idx.add.f32.msk vm0, v52  }
0x9b: {  	v62 =	vadd.s32 $0x1D, v51;
	v52 =	vld.idx.msk [tilespmem:v31+s14+$0x0], $0xffff;
	_ =	sdelay $0x4  }
0x9c: {  	[tilespmem:v62+s15+$0x0] =	vst.idx.add.f32.msk vm0, v52  }
0x9d: {  	v63 =	vadd.s32 $0x1E, v51;
	v52 =	vld.idx.msk [tilespmem:v32+s14+$0x0], $0xffff;
	_ =	sdelay $0x4  }
0x9e: {  	[tilespmem:v63+s15+$0x0] =	vst.idx.add.f32.msk vm0, v52  }
0x9f: {  	v56 =	vadd.s32 $0x1F, v51;
	v52 =	vld.idx.msk [tilespmem:v33+s14+$0x0], $0xffff;
	_ =	sdelay $0x4  }
0xa0: {  	[tilespmem:v56+s15+$0x0] =	vst.idx.add.f32.msk vm0, v52  }
0xa1: {  	v57 =	vadd.s32 $0x20, v51;
	v52 =	vld.idx.msk [tilespmem:v34+s14+$0x0], $0xffff;
	_ =	sdelay $0x4  }
0xa2: {  	[tilespmem:v57+s15+$0x0] =	vst.idx.add.f32.msk vm0, v52  }
0xa3: {  	v58 =	vadd.s32 $0x21, v51;
	v52 =	vld.idx.msk [tilespmem:v35+s14+$0x0], $0xffff;
	_ =	sdelay $0x4  }
0xa4: {  	[tilespmem:v58+s15+$0x0] =	vst.idx.add.f32.msk vm0, v52  }
0xa5: {  	v59 =	vadd.s32 $0x22, v51;
	v52 =	vld.idx.msk [tilespmem:v36+s14+$0x0], $0xffff;
	_ =	sdelay $0x4  }
0xa6: {  	[tilespmem:v59+s15+$0x0] =	vst.idx.add.f32.msk vm0, v52  }
0xa7: {  	v60 =	vadd.s32 $0x23, v51;
	v52 =	vld.idx.msk [tilespmem:v37+s14+$0x0], $0xffff;
	_ =	sdelay $0x4  }
0xa8: {  	[tilespmem:v60+s15+$0x0] =	vst.idx.add.f32.msk vm0, v52  }
0xa9: {  	v61 =	vadd.s32 $0x24, v51;
	v52 =	vld.idx.msk [tilespmem:v38+s14+$0x0], $0xffff;
	_ =	sdelay $0x4  }
0xaa: {  	[tilespmem:v61+s15+$0x0] =	vst.idx.add.f32.msk vm0, v52  }
0xab: {  	v62 =	vadd.s32 $0x25, v51;
	v52 =	vld.idx.msk [tilespmem:v39+s14+$0x0], $0xffff;
	_ =	sdelay $0x4  }
0xac: {  	[tilespmem:v62+s15+$0x0] =	vst.idx.add.f32.msk vm0, v52  }
0xad: {  	v63 =	vadd.s32 $0x26, v51;
	v52 =	vld.idx.msk [tilespmem:v40+s14+$0x0], $0xffff;
	_ =	sdelay $0x4  }
0xae: {  	[tilespmem:v63+s15+$0x0] =	vst.idx.add.f32.msk vm0, v52  }
0xaf: {  	v56 =	vadd.s32 $0x27, v51;
	v52 =	vld.idx.msk [tilespmem:v41+s14+$0x0], $0xffff;
	_ =	sdelay $0x4  }
0xb0: {  	[tilespmem:v56+s15+$0x0] =	vst.idx.add.f32.msk vm0, v52  }
0xb1: {  	v57 =	vadd.s32 $0x28, v51;
	v52 =	vld.idx.msk [tilespmem:v42+s14+$0x0], $0xffff;
	_ =	sdelay $0x4  }
0xb2: {  	[tilespmem:v57+s15+$0x0] =	vst.idx.add.f32.msk vm0, v52  }
0xb3: {  	v58 =	vadd.s32 $0x29, v51;
	v52 =	vld.idx.msk [tilespmem:v43+s14+$0x0], $0xffff;
	_ =	sdelay $0x4  }
0xb4: {  	[tilespmem:v58+s15+$0x0] =	vst.idx.add.f32.msk vm0, v52  }
0xb5: {  	v59 =	vadd.s32 $0x2A, v51;
	v52 =	vld.idx.msk [tilespmem:v44+s14+$0x0], $0xffff;
	_ =	sdelay $0x4  }
0xb6: {  	[tilespmem:v59+s15+$0x0] =	vst.idx.add.f32.msk vm0, v52  }
0xb7: {  	v60 =	vadd.s32 $0x2B, v51;
	v52 =	vld.idx.msk [tilespmem:v45+s14+$0x0], $0xffff;
	_ =	sdelay $0x4  }
0xb8: {  	[tilespmem:v60+s15+$0x0] =	vst.idx.add.f32.msk vm0, v52  }
0xb9: {  	v61 =	vadd.s32 $0x2C, v51;
	v52 =	vld.idx.msk [tilespmem:v46+s14+$0x0], $0xffff;
	_ =	sdelay $0x4  }
0xba: {  	[tilespmem:v61+s15+$0x0] =	vst.idx.add.f32.msk vm0, v52  }
0xbb: {  	v62 =	vadd.s32 $0x2D, v51;
	v52 =	vld.idx.msk [tilespmem:v47+s14+$0x0], $0xffff;
	_ =	sdelay $0x4  }
0xbc: {  	[tilespmem:v62+s15+$0x0] =	vst.idx.add.f32.msk vm0, v52  }
0xbd: {  	v63 =	vadd.s32 $0x2E, v51;
	v52 =	vld.idx.msk [tilespmem:v48+s14+$0x0], $0xffff;
	_ =	sdelay $0x4  }
0xbe: {  	p0 =	sne.s32 s19, $0x1;
	[tilespmem:v63+s15+$0x0] =	vst.idx.add.f32.msk vm0, v52  }
.Ltmp3:
0xbf: {  	v51 =	vadd.s32 $0x2F, v51;
	v52 =	vld.idx.msk [tilespmem:v49+s14+$0x0], $0xffff;
	(pc) =	sbr.rel @!p0 .LBB2_4-.Ltmp3, $2  }
0xc0: {  	_ =	sdelay $0x2  }
0xc1: {  	s19 =	sadd.s32 $0xFFFFFFFF, s19;
	s20 =	simm.s32 $0x0  }
.LBB2_3:
0xc2: {  	[tilespmem:v51+s15+$0x0] =	vst.idx.add.f32.msk vm0, v52;
	s17 =	sadd.s32 $0x10, s17;
	s18 =	sadd.s32 $0x10, s18;
	s20 =	sadd.s32 $0x10, s20  }
0xc3: {  	[tilespmem:s14], [sflag:$0x1] =	stream.indirect.gather [hbm4b:s3+s13], $0x30, s17, s13, $0xb8;
	[tilespmem:$0x5630] =	vst v63  }
0xc4: {  	p0 =	sne.s32 s19, $0x1;
	s19 =	sadd.s32 $0xFFFFFFFF, s19;
	_ =	swait.ge [sflag:s12], $0x300  }
0xc5: {  	[sflag:s12] =	ssyncset.done $0x0  }
0xc6: {  	[sflag:s12] =	ssyncadd.s32 $0xFFFFFD00  }
0xc7: {  	v51 =	vld [tilespmem:s18+$0x0];
	_ =	sdelay $0x3  }
0xc8: {  	v52 =	vor.u32 s20, v0  }
0xc9: {  	vm0 =	vlt.s32 v52, v50;
	v52 =	vld.idx.msk [tilespmem:v1+s14+$0x0], $0xffff;
	v51 =	vmul.u32 $0x30, v51;
	_ =	sdelay $0x5  }
0xca: {  	[tilespmem:v51+s15+$0x0] =	vst.idx.add.f32.msk vm0, v52  }
0xcb: {  	v52 =	vld.idx.msk [tilespmem:v3+s14+$0x0], $0xffff  }
0xcc: {  	v53 =	vor.u32 $0x1, v51;
	_ =	sdelay $0x4  }
0xcd: {  	[tilespmem:v53+s15+$0x0] =	vst.idx.add.f32.msk vm0, v52  }
0xce: {  	v52 =	vld.idx.msk [tilespmem:v4+s14+$0x0], $0xffff  }
0xcf: {  	v53 =	vor.u32 $0x2, v51;
	_ =	sdelay $0x4  }
0xd0: {  	[tilespmem:v53+s15+$0x0] =	vst.idx.add.f32.msk vm0, v52  }
0xd1: {  	v52 =	vld.idx.msk [tilespmem:v5+s14+$0x0], $0xffff  }
0xd2: {  	v53 =	vor.u32 $0x3, v51;
	_ =	sdelay $0x4  }
0xd3: {  	[tilespmem:v53+s15+$0x0] =	vst.idx.add.f32.msk vm0, v52  }
0xd4: {  	v52 =	vld.idx.msk [tilespmem:v6+s14+$0x0], $0xffff  }
0xd5: {  	v53 =	vor.u32 $0x4, v51;
	_ =	sdelay $0x4  }
0xd6: {  	[tilespmem:v53+s15+$0x0] =	vst.idx.add.f32.msk vm0, v52  }
0xd7: {  	v52 =	vld.idx.msk [tilespmem:v7+s14+$0x0], $0xffff  }
0xd8: {  	v53 =	vor.u32 $0x5, v51;
	_ =	sdelay $0x4  }
0xd9: {  	[tilespmem:v53+s15+$0x0] =	vst.idx.add.f32.msk vm0, v52  }
0xda: {  	v52 =	vld.idx.msk [tilespmem:v8+s14+$0x0], $0xffff  }
0xdb: {  	v53 =	vor.u32 $0x6, v51;
	_ =	sdelay $0x4  }
0xdc: {  	[tilespmem:v53+s15+$0x0] =	vst.idx.add.f32.msk vm0, v52  }
0xdd: {  	v52 =	vld.idx.msk [tilespmem:v9+s14+$0x0], $0xffff  }
0xde: {  	v53 =	vor.u32 $0x7, v51;
	_ =	sdelay $0x4  }
0xdf: {  	[tilespmem:v53+s15+$0x0] =	vst.idx.add.f32.msk vm0, v52  }
0xe0: {  	v52 =	vld.idx.msk [tilespmem:v10+s14+$0x0], $0xffff  }
0xe1: {  	v53 =	vor.u32 $0x8, v51;
	_ =	sdelay $0x4  }
0xe2: {  	[tilespmem:v53+s15+$0x0] =	vst.idx.add.f32.msk vm0, v52  }
0xe3: {  	v52 =	vld.idx.msk [tilespmem:v11+s14+$0x0], $0xffff  }
0xe4: {  	v53 =	vor.u32 $0x9, v51;
	_ =	sdelay $0x4  }
0xe5: {  	[tilespmem:v53+s15+$0x0] =	vst.idx.add.f32.msk vm0, v52  }
0xe6: {  	v52 =	vld.idx.msk [tilespmem:v12+s14+$0x0], $0xffff  }
0xe7: {  	v53 =	vor.u32 $0xA, v51;
	_ =	sdelay $0x4  }
0xe8: {  	[tilespmem:v53+s15+$0x0] =	vst.idx.add.f32.msk vm0, v52  }
0xe9: {  	v52 =	vld.idx.msk [tilespmem:v13+s14+$0x0], $0xffff  }
0xea: {  	v53 =	vor.u32 $0xB, v51;
	_ =	sdelay $0x4  }
0xeb: {  	[tilespmem:v53+s15+$0x0] =	vst.idx.add.f32.msk vm0, v52  }
0xec: {  	v52 =	vld.idx.msk [tilespmem:v14+s14+$0x0], $0xffff  }
0xed: {  	v53 =	vor.u32 $0xC, v51;
	_ =	sdelay $0x4  }
0xee: {  	[tilespmem:v53+s15+$0x0] =	vst.idx.add.f32.msk vm0, v52  }
0xef: {  	v52 =	vld.idx.msk [tilespmem:v15+s14+$0x0], $0xffff  }
0xf0: {  	v53 =	vor.u32 $0xD, v51;
	_ =	sdelay $0x4  }
0xf1: {  	[tilespmem:v53+s15+$0x0] =	vst.idx.add.f32.msk vm0, v52  }
0xf2: {  	v52 =	vld.idx.msk [tilespmem:v16+s14+$0x0], $0xffff  }
0xf3: {  	v53 =	vor.u32 $0xE, v51;
	_ =	sdelay $0x4  }
0xf4: {  	[tilespmem:v53+s15+$0x0] =	vst.idx.add.f32.msk vm0, v52  }
0xf5: {  	v52 =	vld.idx.msk [tilespmem:v17+s14+$0x0], $0xffff  }
0xf6: {  	v53 =	vor.u32 $0xF, v51;
	_ =	sdelay $0x4  }
0xf7: {  	[tilespmem:v53+s15+$0x0] =	vst.idx.add.f32.msk vm0, v52  }
0xf8: {  	v52 =	vld.idx.msk [tilespmem:v18+s14+$0x0], $0xffff  }
0xf9: {  	v53 =	vadd.s32 $0x10, v51;
	_ =	sdelay $0x4  }
0xfa: {  	[tilespmem:v53+s15+$0x0] =	vst.idx.add.f32.msk vm0, v52  }
0xfb: {  	v52 =	vld.idx.msk [tilespmem:v19+s14+$0x0], $0xffff  }
0xfc: {  	v53 =	vadd.s32 $0x11, v51;
	_ =	sdelay $0x4  }
0xfd: {  	[tilespmem:v53+s15+$0x0] =	vst.idx.add.f32.msk vm0, v52  }
0xfe: {  	v52 =	vld.idx.msk [tilespmem:v20+s14+$0x0], $0xffff  }
0xff: {  	v53 =	vadd.s32 $0x12, v51;
	_ =	sdelay $0x4  }
0x100: {  	[tilespmem:v53+s15+$0x0] =	vst.idx.add.f32.msk vm0, v52  }
0x101: {  	v52 =	vld.idx.msk [tilespmem:v21+s14+$0x0], $0xffff  }
0x102: {  	v53 =	vadd.s32 $0x13, v51;
	_ =	sdelay $0x4  }
0x103: {  	[tilespmem:v53+s15+$0x0] =	vst.idx.add.f32.msk vm0, v52  }
0x104: {  	v52 =	vld.idx.msk [tilespmem:v22+s14+$0x0], $0xffff  }
0x105: {  	v53 =	vadd.s32 $0x14, v51;
	_ =	sdelay $0x4  }
0x106: {  	[tilespmem:v53+s15+$0x0] =	vst.idx.add.f32.msk vm0, v52  }
0x107: {  	v52 =	vld.idx.msk [tilespmem:v23+s14+$0x0], $0xffff  }
0x108: {  	v53 =	vadd.s32 $0x15, v51;
	_ =	sdelay $0x4  }
0x109: {  	[tilespmem:v53+s15+$0x0] =	vst.idx.add.f32.msk vm0, v52  }
0x10a: {  	v52 =	vld.idx.msk [tilespmem:v24+s14+$0x0], $0xffff  }
0x10b: {  	v53 =	vadd.s32 $0x16, v51;
	_ =	sdelay $0x4  }
0x10c: {  	[tilespmem:v53+s15+$0x0] =	vst.idx.add.f32.msk vm0, v52  }
0x10d: {  	v52 =	vld.idx.msk [tilespmem:v25+s14+$0x0], $0xffff  }
0x10e: {  	v53 =	vadd.s32 $0x17, v51;
	_ =	sdelay $0x4  }
0x10f: {  	[tilespmem:v53+s15+$0x0] =	vst.idx.add.f32.msk vm0, v52  }
0x110: {  	v52 =	vld.idx.msk [tilespmem:v26+s14+$0x0], $0xffff  }
0x111: {  	v53 =	vadd.s32 $0x18, v51;
	_ =	sdelay $0x4  }
0x112: {  	[tilespmem:v53+s15+$0x0] =	vst.idx.add.f32.msk vm0, v52  }
0x113: {  	v52 =	vld.idx.msk [tilespmem:v27+s14+$0x0], $0xffff  }
0x114: {  	v53 =	vadd.s32 $0x19, v51;
	_ =	sdelay $0x4  }
0x115: {  	[tilespmem:v53+s15+$0x0] =	vst.idx.add.f32.msk vm0, v52  }
0x116: {  	v52 =	vld.idx.msk [tilespmem:v28+s14+$0x0], $0xffff  }
0x117: {  	v53 =	vadd.s32 $0x1A, v51;
	_ =	sdelay $0x4  }
0x118: {  	[tilespmem:v53+s15+$0x0] =	vst.idx.add.f32.msk vm0, v52  }
0x119: {  	v52 =	vld.idx.msk [tilespmem:v29+s14+$0x0], $0xffff  }
0x11a: {  	v53 =	vadd.s32 $0x1B, v51;
	_ =	sdelay $0x4  }
0x11b: {  	[tilespmem:v53+s15+$0x0] =	vst.idx.add.f32.msk vm0, v52  }
0x11c: {  	v52 =	vld.idx.msk [tilespmem:v30+s14+$0x0], $0xffff  }
0x11d: {  	v53 =	vadd.s32 $0x1C, v51;
	_ =	sdelay $0x4  }
0x11e: {  	[tilespmem:v53+s15+$0x0] =	vst.idx.add.f32.msk vm0, v52  }
0x11f: {  	v52 =	vld.idx.msk [tilespmem:v31+s14+$0x0], $0xffff  }
0x120: {  	v53 =	vadd.s32 $0x1D, v51;
	_ =	sdelay $0x4  }
0x121: {  	[tilespmem:v53+s15+$0x0] =	vst.idx.add.f32.msk vm0, v52  }
0x122: {  	v52 =	vld.idx.msk [tilespmem:v32+s14+$0x0], $0xffff  }
0x123: {  	v53 =	vadd.s32 $0x1E, v51;
	_ =	sdelay $0x4  }
0x124: {  	[tilespmem:v53+s15+$0x0] =	vst.idx.add.f32.msk vm0, v52  }
0x125: {  	v52 =	vld.idx.msk [tilespmem:v33+s14+$0x0], $0xffff  }
0x126: {  	v53 =	vadd.s32 $0x1F, v51;
	_ =	sdelay $0x4  }
0x127: {  	[tilespmem:v53+s15+$0x0] =	vst.idx.add.f32.msk vm0, v52  }
0x128: {  	v52 =	vld.idx.msk [tilespmem:v34+s14+$0x0], $0xffff  }
0x129: {  	v53 =	vadd.s32 $0x20, v51;
	_ =	sdelay $0x4  }
0x12a: {  	[tilespmem:v53+s15+$0x0] =	vst.idx.add.f32.msk vm0, v52  }
0x12b: {  	v52 =	vld.idx.msk [tilespmem:v35+s14+$0x0], $0xffff  }
0x12c: {  	v53 =	vadd.s32 $0x21, v51;
	_ =	sdelay $0x4  }
0x12d: {  	[tilespmem:v53+s15+$0x0] =	vst.idx.add.f32.msk vm0, v52  }
0x12e: {  	v52 =	vld.idx.msk [tilespmem:v36+s14+$0x0], $0xffff  }
0x12f: {  	v53 =	vadd.s32 $0x22, v51;
	_ =	sdelay $0x4  }
0x130: {  	[tilespmem:v53+s15+$0x0] =	vst.idx.add.f32.msk vm0, v52  }
0x131: {  	v52 =	vld.idx.msk [tilespmem:v37+s14+$0x0], $0xffff  }
0x132: {  	v53 =	vadd.s32 $0x23, v51;
	_ =	sdelay $0x4  }
0x133: {  	[tilespmem:v53+s15+$0x0] =	vst.idx.add.f32.msk vm0, v52  }
0x134: {  	v52 =	vld.idx.msk [tilespmem:v38+s14+$0x0], $0xffff  }
0x135: {  	v53 =	vadd.s32 $0x24, v51;
	_ =	sdelay $0x4  }
0x136: {  	[tilespmem:v53+s15+$0x0] =	vst.idx.add.f32.msk vm0, v52  }
0x137: {  	v52 =	vld.idx.msk [tilespmem:v39+s14+$0x0], $0xffff  }
0x138: {  	v53 =	vadd.s32 $0x25, v51;
	_ =	sdelay $0x4  }
0x139: {  	[tilespmem:v53+s15+$0x0] =	vst.idx.add.f32.msk vm0, v52  }
0x13a: {  	v52 =	vld.idx.msk [tilespmem:v40+s14+$0x0], $0xffff  }
0x13b: {  	v53 =	vadd.s32 $0x26, v51;
	_ =	sdelay $0x4  }
0x13c: {  	[tilespmem:v53+s15+$0x0] =	vst.idx.add.f32.msk vm0, v52  }
0x13d: {  	v52 =	vld.idx.msk [tilespmem:v41+s14+$0x0], $0xffff  }
0x13e: {  	v53 =	vadd.s32 $0x27, v51;
	_ =	sdelay $0x4  }
0x13f: {  	[tilespmem:v53+s15+$0x0] =	vst.idx.add.f32.msk vm0, v52  }
0x140: {  	v52 =	vld.idx.msk [tilespmem:v42+s14+$0x0], $0xffff  }
0x141: {  	v53 =	vadd.s32 $0x28, v51;
	_ =	sdelay $0x4  }
0x142: {  	[tilespmem:v53+s15+$0x0] =	vst.idx.add.f32.msk vm0, v52  }
0x143: {  	v52 =	vld.idx.msk [tilespmem:v43+s14+$0x0], $0xffff  }
0x144: {  	v53 =	vadd.s32 $0x29, v51;
	_ =	sdelay $0x4  }
0x145: {  	[tilespmem:v53+s15+$0x0] =	vst.idx.add.f32.msk vm0, v52  }
0x146: {  	v52 =	vld.idx.msk [tilespmem:v44+s14+$0x0], $0xffff  }
0x147: {  	v53 =	vadd.s32 $0x2A, v51;
	_ =	sdelay $0x4  }
0x148: {  	[tilespmem:v53+s15+$0x0] =	vst.idx.add.f32.msk vm0, v52  }
0x149: {  	v52 =	vld.idx.msk [tilespmem:v45+s14+$0x0], $0xffff  }
0x14a: {  	v53 =	vadd.s32 $0x2B, v51;
	_ =	sdelay $0x4  }
0x14b: {  	[tilespmem:v53+s15+$0x0] =	vst.idx.add.f32.msk vm0, v52  }
0x14c: {  	v52 =	vld.idx.msk [tilespmem:v46+s14+$0x0], $0xffff  }
0x14d: {  	v53 =	vadd.s32 $0x2C, v51;
	_ =	sdelay $0x4  }
0x14e: {  	[tilespmem:v53+s15+$0x0] =	vst.idx.add.f32.msk vm0, v52  }
0x14f: {  	v52 =	vld.idx.msk [tilespmem:v47+s14+$0x0], $0xffff  }
0x150: {  	v53 =	vadd.s32 $0x2D, v51;
	_ =	sdelay $0x4  }
0x151: {  	[tilespmem:v53+s15+$0x0] =	vst.idx.add.f32.msk vm0, v52  }
0x152: {  	v52 =	vld.idx.msk [tilespmem:v48+s14+$0x0], $0xffff  }
0x153: {  	v53 =	vadd.s32 $0x2E, v51;
	_ =	sdelay $0x2  }
.Ltmp4:
0x154: {  	(pc) =	sbr.rel @p0 .LBB2_3-.Ltmp4, $4  }
0x155: {  	_ = 	snop  }
0x156: {  	[tilespmem:v53+s15+$0x0] =	vst.idx.add.f32.msk vm0, v52  }
0x157: {  	v52 =	vld.idx.msk [tilespmem:v49+s14+$0x0], $0xffff  }
0x158: {  	v51 =	vadd.s32 $0x2F, v51  }
.Ltmp5:
0x159: {  	_ = 	snop;
	(pc) =	sbr.rel .LBB2_4-.Ltmp5, $1  }
0x15a: {  	_ =	sdelay $0x3  }
.LBB2_6:
0x15b: {  	_ =	sfence.sel $0x180000  }
0x15c: {  	[bflag:$0x0] =	sbarrier.arrive $0xFFFF  }
0x15d: {  	p0 =	sne.s32 s0, $0x0;
	_ =	strace $0x9000004D  }
0x15e: {  	s0 =	sadd.s32 @!p0 $0x100000, s1;
	[bflag:$0x2] =	sbarrier.arrive $0xFFFF  }
0x15f: {  	[sflag:s0] =	ssyncadd.tile.s32 @!p0 $0x1;
	_ =	shalt  }
.Lfunc_end2:
_tile_overlayer_lowered:
.L_overlay_start_2:
0x160: {  	(tag) =	ssettag $0x2  }
0x161: {  	s0 =	rddreg [dreg:$0x0];
	s2 =	stileid.u32  }
0x162: {  	s1 =	rddreg [dreg:$0x1];
	p0 =	sne.s32 s2, $0x0  }
0x163: {  	s3 =	rddreg [dreg:$0x2];
	[bflag:$0x3] =	sbarrier.arrive $0xFFFF;
	s2 =	simm.s32 @!p0 $0x1C02  }
0x164: {  	[timem:s3], [sflag:s2] =	dma.local @!p0 [hbm:s0], s1  }
0x165: {  	s0 =	simm.s32 @!p0 $0x2  }
0x166: {  	_ =	swait.ge @!p0 [sflag:s0], s1  }
0x167: {  	s1 =	ssub.s32 @!p0 $0x0, s1;
	[sflag:s0] =	ssyncset.done @!p0 $0x0  }
0x168: {  	[sflag:s0] =	ssyncadd.s32 @!p0 s1  }
0x169: {  	[bflag:$0x3] =	sbarrier.arrive $0xFFFF  }
0x16a: {  	_ =	shalt  }

// kernel: kernel.8.cloned.1.call-start
scs
__scs_entry_jumppad:
0x0: {  	(pc) =	sbr.rel $0x88, $3  }
0x1: {  	(tag) =	ssettag $0x0;
	lr =	simm.s32 $0x1  }
0x2: {  	[smem:$0x3F98] =	sst lr;
	_ =	strace $0xD0000000  }
0x3: {  	_ = 	snop  }
0x4: {  	_ = 	snop  }
0x5: {  	_ = 	snop  }
0x6: {  	_ = 	snop  }
0x7: {  	_ = 	snop  }
__scs_overlays_trampoline_lowered:
0x8: {  	[smem:$0x3FA7] =	sst s0  }
0x9: {  	[smem:$0x3FA8] =	sst s1  }
0xa: {  	[smem:$0x3FA9] =	sst s2  }
0xb: {  	[smem:$0x3FAA] =	sst s3  }
0xc: {  	[smem:$0x3FAB] =	sst s4  }
0xd: {  	[smem:$0x3FAC] =	sst s5  }
0xe: {  	[smem:$0x3FAD] =	sst s6  }
0xf: {  	[smem:$0x3FAE] =	sst s7  }
0x10: {  	[smem:$0x3FAF] =	sst s8  }
0x11: {  	[smem:$0x3FB0] =	sst s9;
	s0 =	simm.s32 @!p0 $0x0  }
0x12: {  	s1 =	sld [smem:$0x3F96];
	s0 =	simm.s32 @p0 $0x1  }
0x13: {  	[smem:$0x3FB1] =	sst s0;
	s0 =	simm.s32 @!p1 $0x0  }
0x14: {  	s2 =	sld [smem:$0x3F95];
	s0 =	simm.s32 @p1 $0x1  }
0x15: {  	[smem:$0x3FB2] =	sst s0;
	s0 =	simm.s32 @!p2 $0x0  }
0x16: {  	s3 =	sld [smem:$0x3FDB];
	s0 =	simm.s32 @p2 $0x1  }
0x17: {  	s4 =	simm.s32 $0x1BF5;
	[smem:$0x3FB4] =	sst s0  }
0x18: {  	s0 =	sld [smem:$0x3F97];
	_ =	swait.ge [sflag:s4], $0x0  }
0x19: {  	s7 =	sld [smem:$0x3F98]  }
0x1a: {  	s8 =	sadd.s32 $0xFFFFE003, lr  }
0x1b: {  	s9 =	sadd.s32 $0xFFFFFEF7, lr;
	s5 =	simm.s32 $0xFFFFFFFF;
	p2 =	slt.u32 s8, $0xFFFFF086  }
0x1c: {  	p1 =	slt.u32 s9, $0xF7A;
	s5 =	simm.s32 @!p2 $0x0  }
0x1d: {  	s5 =	simm.s32 @p1 $0x1;
	p0 =	seq.s32 s7, s2  }
0x1e: {  	s7 =	smul.u32 @!p0 $0xF7A, s2;
	p2 =	seq.s32 @!p0 s5, $0x0  }
0x1f: {  	s9 =	smul.u32 $0xF7A, s1;
	s8 =	simm.s32 @!p0 $0x1BF5;
	p2 =	por !p2, p0  }
0x20: {  	[sflag:s8] =	ssyncset.s32 @!p0 $0xFFFFF086;
	s6 =	sadd.s32 @!p0 s3, s7;
	s7 =	simm.s32 @!p0 $0x108  }
0x21: {  	s3 =	sadd.s32 s3, s9;
	s6 =	sadd.s32 @!p0 $0x88, s6;
	s7 =	simm.s32 @p2 $0x1082  }
0x22: {  	[simem:s7], [sflag:s8] =	dma.local @!p0 [hbm:s6], $0xF7A  }
0x23: {  	s9 =	sor.u32 $0xD0000000, s2;
	s6 =	simm.s32 $0x108;
	_ =	swait.ge @!p0 [sflag:s8], $0x0  }
0x24: {  	s3 =	sadd.s32 $0x88, s3;
	s6 =	simm.s32 @!p1 $0x1082;
	[sflag:s4] =	ssyncset.s32 $0xFFFFF086  }
0x25: {  	[simem:s6], [sflag:s4] =	dma.local [hbm:s3], $0xF7A  }
0x26: {  	[smem:$0x3F98] =	sst s1;
	(tag) =	ssettag s2;
	_ =	strace s9  }
0x27: {  	s1 =	sld [smem:$0x3FA8]  }
0x28: {  	s2 =	sld [smem:$0x3FA9]  }
0x29: {  	s4 =	sld [smem:$0x3FAB]  }
0x2a: {  	p0 =	seq.s32 s5, $0x0;
	s5 =	sld [smem:$0x3FAC]  }
0x2b: {  	s6 =	sld [smem:$0x3FAD]  }
0x2c: {  	s7 =	sld [smem:$0x3FAE]  }
0x2d: {  	s3 =	simm.s32 $0x108;
	s8 =	sld [smem:$0x3FAF]  }
0x2e: {  	s3 =	simm.s32 @!p0 $0x1082;
	s9 =	sld [smem:$0x3FB0]  }
0x2f: {  	lr =	sadd.s32 s0, s3;
	s0 =	sld [smem:$0x3FA7]  }
0x30: {  	s3 =	sld [smem:$0x3FAA]  }
0x31: {  	[smem:$0x3FB3] =	sst s10  }
0x32: {  	s10 =	sld [smem:$0x3FB1];
	_ =	sdelay $0x3  }
0x33: {  	p0 =	seq.s32 s10, $0x1;
	s10 =	sld [smem:$0x3FB3];
	_ =	sdelay $0x3  }
0x34: {  	[smem:$0x3FB3] =	sst s10  }
0x35: {  	s10 =	sld [smem:$0x3FB2];
	_ =	sdelay $0x3  }
0x36: {  	p1 =	seq.s32 s10, $0x1;
	s10 =	sld [smem:$0x3FB3];
	_ =	sdelay $0x3  }
0x37: {  	[smem:$0x3FB3] =	sst s10  }
0x38: {  	s10 =	sld [smem:$0x3FB4]  }
0x39: {  	_ = 	snop;
	(pc) =	sbr.ind lr, $3  }
0x3a: {  	_ = 	snop  }
0x3b: {  	_ = 	snop  }
0x3c: {  	p2 =	seq.s32 s10, $0x1;
	s10 =	sld [smem:$0x3FB3]  }
0x3d: {  	_ =	shalt  }
0x3e: {  	_ =	shalt  }
0x3f: {  	_ =	shalt  }
0x40: {  	_ =	shalt  }
0x41: {  	_ =	shalt  }
0x42: {  	_ =	shalt  }
0x43: {  	_ =	shalt  }
0x44: {  	_ =	shalt  }
0x45: {  	_ =	shalt  }
0x46: {  	_ =	shalt  }
0x47: {  	_ =	shalt  }
0x48: {  	_ =	shalt  }
0x49: {  	_ =	shalt  }
0x4a: {  	_ =	shalt  }
0x4b: {  	_ =	shalt  }
0x4c: {  	_ =	shalt  }
0x4d: {  	_ =	shalt  }
0x4e: {  	_ =	shalt  }
0x4f: {  	_ =	shalt  }
0x50: {  	_ =	shalt  }
0x51: {  	_ =	shalt  }
0x52: {  	_ =	shalt  }
0x53: {  	_ =	shalt  }
0x54: {  	_ =	shalt  }
0x55: {  	_ =	shalt  }
0x56: {  	_ =	shalt  }
0x57: {  	_ =	shalt  }
0x58: {  	_ =	shalt  }
0x59: {  	_ =	shalt  }
0x5a: {  	_ =	shalt  }
0x5b: {  	_ =	shalt  }
0x5c: {  	_ =	shalt  }
0x5d: {  	_ =	shalt  }
0x5e: {  	_ =	shalt  }
0x5f: {  	_ =	shalt  }
0x60: {  	_ =	shalt  }
0x61: {  	_ =	shalt  }
0x62: {  	_ =	shalt  }
0x63: {  	_ =	shalt  }
0x64: {  	_ =	shalt  }
0x65: {  	_ =	shalt  }
0x66: {  	_ =	shalt  }
0x67: {  	_ =	shalt  }
0x68: {  	_ =	shalt  }
0x69: {  	_ =	shalt  }
0x6a: {  	_ =	shalt  }
0x6b: {  	_ =	shalt  }
0x6c: {  	_ =	shalt  }
0x6d: {  	_ =	shalt  }
0x6e: {  	_ =	shalt  }
0x6f: {  	_ =	shalt  }
0x70: {  	_ =	shalt  }
0x71: {  	_ =	shalt  }
0x72: {  	_ =	shalt  }
0x73: {  	_ =	shalt  }
0x74: {  	_ =	shalt  }
0x75: {  	_ =	shalt  }
0x76: {  	_ =	shalt  }
0x77: {  	_ =	shalt  }
0x78: {  	_ =	shalt  }
0x79: {  	_ =	shalt  }
0x7a: {  	_ =	shalt  }
0x7b: {  	_ =	shalt  }
0x7c: {  	_ =	shalt  }
0x7d: {  	_ =	shalt  }
0x7e: {  	_ =	shalt  }
0x7f: {  	_ =	shalt  }
0x80: {  	_ =	shalt  }
0x81: {  	_ =	shalt  }
0x82: {  	_ =	shalt  }
0x83: {  	_ =	shalt  }
0x84: {  	_ =	shalt  }
0x85: {  	_ =	shalt  }
0x86: {  	_ =	shalt  }
0x87: {  	_ =	shalt  }
.Lfunc_end0:
.L_simem_size_0:
called_computation_lowered:
.L_overlay_start_0:
0x88: {  	s2 =	sld [smem:$0x3FD9]  }
0x89: {  	s3 =	sld [smem:$0x3FFE];
	_ =	sdelay $0x1  }
0x8a: {  	s1 =	srdreg.scid  }
0x8b: {  	s0 =	sand.u32 $0x1, s1  }
0x8c: {  	s17 =	sshll.u32 s0, $0xA;
	s2 =	sadd.s32 s3, s2  }
0x8d: {  	s2 =	sadd.s32 s2, s17  }
0x8e: {  	[smem:$0x3FBF] =	sst s2  }
0x8f: {  	_ = 	snop  }
0x90: {  	s2 =	sld [smem:$0x3FD0];
	(tm) =	ssettm $0x1  }
0x91: {  	s18 =	sld [smem:$0x3FFB];
	_ =	sdelay $0x3  }
0x92: {  	_ =	strace s18  }
0x93: {  	s3 =	sld [smem:$0x3FFC];
	_ =	sdelay $0x3  }
0x94: {  	_ =	strace s3  }
0x95: {  	s3 =	sld [smem:$0x3FFD];
	_ =	sdelay $0x3  }
0x96: {  	_ =	strace s3  }
0x97: {  	_ =	strace $0x8FFFFFFF  }
0x98: {  	s19 =	sld [smem:$0x3FDB];
	_ =	sdelay $0x1  }
0x99: {  	s4 =	simm.s32 $_scs_section_size  }
0x9a: {  	s5 =	simm.s32 $_size__tile_overlayer_lowered;
	s6 =	simm.s32 $_tile_overlayer_lowered  }
0x9b: {  	s22 =	simm.s32 $0x1BFF;
	s21 =	sshll.u32 s6, $0x1;
	s3 =	sadd.s32 s4, s19  }
0x9c: {  	s7 =	simm.s32 $0x0;
	s20 =	sshll.u32 s5, $0x1;
	s5 =	sadd.s32 s21, s3  }
0x9d: {  	[timem:s7], [sflag:s22] =	dma.local [hbm:s5], s20  }
0x9e: {  	_ =	swait.ge [sflag:s22], s20  }
0x9f: {  	s4 =	ssub.s32 $0x0, s20;
	[sflag:s22] =	ssyncset.done $0x0  }
0xa0: {  	[sflag:s22] =	ssyncadd.s32 s4;
	_ =	sdelay $0x1  }
0xa1: {  	s23 =	simm.s32 $0x1B8B  }
0xa2: {  	_ =	swait.ge [sflag:s23], $0x1  }
0xa3: {  	[sflag:s23] =	ssyncset.done $0x0  }
0xa4: {  	s25 =	simm.s32 $0x1B8E;
	s24 =	sld [smem:$0x3FFE];
	[sflag:s23] =	ssyncadd.s32 $0xFFFFFFFF  }
0xa5: {  	s26 =	simm.s32 $execute0_lowered;
	[smem:$0x3FD2] =	sst s25  }
0xa6: {  	s5 =	sshll.u32 s26, $0x1;
	_ =	strace $0x80000046;
	[dreg:$0x1] =	wrdreg $0xFFFFFFFF  }
0xa7: {  	s28 =	simm.s32 $_size_execute0_lowered;
	s3 =	sadd.s32 s3, s5;
	[dreg:$0x0] =	wrdreg $0x0  }
0xa8: {  	s5 =	sshll.u32 s28, $0x1;
	[dreg:$0x2] =	wrdreg s3  }
0xa9: {  	[dreg:$0x3] =	wrdreg s5  }
0xaa: {  	[dreg:$0x4] =	wrdreg $0xC0  }
0xab: {  	_ =	task [dreg:s7], $0x5FFFF  }
0xac: {  	[dreg:$0x1] =	wrdreg $0xFFFFFFFF  }
0xad: {  	[dreg:$0x0] =	wrdreg $0x60  }
0xae: {  	[dreg:$0x2] =	wrdreg s24  }
0xaf: {  	[dreg:$0x3] =	wrdreg s2  }
0xb0: {  	[dreg:$0x4] =	wrdreg $0x9  }
0xb1: {  	_ =	task.clear_ibuf [dreg:s7], $0x5FFFF;
	_ =	strace $0x90000046  }
0xb2: {  	s29 =	simm.s32 $0x9;
	_ =	strace $0x80000048  }
0xb3: {  	_ =	swait.ge [sflag:s29], $0x1  }
0xb4: {  	[sflag:s29] =	ssyncadd.s32 $0xFFFFFFFF  }
0xb5: {  	_ =	strace $0x90000048  }
0xb6: {  	_ =	sfence  }
0xb7: {  	s30 =	sld [smem:$0x0];
	_ =	sdelay $0x2  }
0xb8: {  	s31 =	sshll.u32 s1, $0xD;
	s1 =	sshrl.u32 s1, $0x2  }
0xb9: {  	s3 =	sand.u32 $0x4000, s31;
	s1 =	sadd.s32 s1, s30  }
0xba: {  	s0 =	sor.u32 s3, s0;
	s1 =	sshll.u32 s1, $0x11  }
0xbb: {  	s0 =	sor.u32 s1, s0  }
0xbc: {  	s0 =	sadd.s32 $0x8F2B, s0  }
0xbd: {  	[sflag:s0] =	ssyncadd.remote.s32 $0x1  }
0xbe: {  	_ =	sfence.sel $0xFFFF  }
0xbf: {  	[dreg:$0x0] =	wrdreg $0xFFFFFFFF;
	(pc) =	sbr.abs _section_cstart, $3  }
0xc0: {  	[dreg:$0x1] =	wrdreg $0xFFFFFFFF  }
0xc1: {  	_ =	task.clear_ibuf [dreg:s7], $0x2FFFF;
	_ =	strace $0x9FFFFFFF  }
0xc2: {  	(tm) =	ssettm $0x7FFFFFFF  }
0xc3: {  	_ =	shalt  }
tec
execute0_lowered:
.L_overlay_start_1:
0x0: {  	(tag) =	ssettag $0x1  }
0x1: {  	s4 =	rddreg [dreg:$0x0];
	s1 =	srdreg.scid  }
0x2: {  	s0 =	stileid.u32;
	s2 =	rddreg [dreg:$0x1];
	s3 =	simm.s32 $0x0  }
0x3: {  	s12 =	simm.s32 $0x2800;
	s13 =	simm.s32 $0xC820;
	s14 =	simm.s32 $0x5000  }
0x4: {  	s15 =	simm.s32 $0x7800;
	s16 =	simm.s32 $0xA010;
	s17 =	simm.s32 $0xC830  }
0x5: {  	s5 =	sand.u32 $0x1, s1;
	s6 =	sshll.u32 s0, $0x1;
	s1 =	rddreg [dreg:$0x2]  }
0x6: {  	s18 =	simm.s32 $0x0;
	[smem:$0x7FF] =	sst s3;
	s6 =	sor.u32 s5, s6  }
0x7: {  	_ =	strace $0x80000047;
	s5 =	ssub.s32 $0x2, s5;
	s7 =	smul.u32 $0x500, s6  }
0x8: {  	v0 =	vimm.f32 $0.0e+00;
	vm0 =	vmmov $0x1;
	s8 =	smul.u32 $0x502, s6;
	s6 =	sshll.u32 s6, $0x1;
	s9 =	sshrl.u32 s5, $0x1  }
0x9: {  	vm1 =	vcmask $0x308;
	vm2 =	vcmask $0x70C;
	vm3 =	vcmask $0xB10;
	s10 =	sadd.s32 s6, s4;
	s11 =	ssub.s32 s5, s9;
	s7 =	sadd.s32 s7, s4  }
0xa: {  	vm4 =	vcmask $0xF14;
	vm5 =	vcmask $0x1318;
	vm6 =	vcmask $0x171C;
	s8 =	sadd.s32 s8, s4;
	s9 =	sadd.s32 $0x33E00, s10;
	s10 =	smax.u32 s11, $0x1  }
0xb: {  	vm7 =	vcmask $0x1B20;
	vm8 =	vcmask $0x1F24;
	v1 =	vimm.f32 $1.000000000e+00;
	s11 =	simm.s32 $0x1;
	s4 =	sadd.s32 $0xBA00, s7;
	s5 =	sadd.s32 $0x1A00, s7  }
0xc: {  	v2 =	vimm.s32 $0xF;
	v3 =	vimm.s32 $0x0;
	v4 =	vimm.s32 $0x27FF;
	s6 =	sadd.s32 $0x15A00, s7;
	s7 =	sadd.s32 $0x1FA00, s8;
	s8 =	sadd.s32 $0x29C00, s8  }
.LBB2_1:
0xd: {  	s19 =	simm.s32 $0x40;
	s20 =	simm.s32 $0x0  }
.LBB2_2:
0xe: {  	p0 =	sne.s32 s19, $0x9FC0;
	[tilespmem:s20+$0x5000] =	vst v0;
	s20 =	smov.u32 s19;
	s19 =	sadd.s32 $0x40, s19  }
.Ltmp0:
0xf: {  	(pc) =	sbr.rel @p0 .LBB2_2-.Ltmp0, $2  }
0x10: {  	_ =	sdelay $0x2  }
0x11: {  	s20 =	sshra.s32 s20, $0x2  }
0x12: {  	[tilespmem:s20+$0x5000] =	vst v0;
	s24 =	simm.s32 $0x0  }
0x13: {  	[tilespmem:s24], [sflag:$0x1] =	stream.linear.gather [hbm4b:s4+s24], $0x2800, $0x38;
	[tilespmem:$0xC840] =	vst v63  }
0x14: {  	_ =	swait.ge [sflag:s11], $0x2800  }
0x15: {  	[sflag:s11] =	ssyncset.done $0x0  }
0x16: {  	[sflag:s11] =	ssyncadd.s32 $0xFFFFD800  }
0x17: {  	[tilespmem:s12], [sflag:$0x1] =	stream.linear.gather [hbm4b:s5+s24], $0x2800, $0x38;
	[tilespmem:$0xC840] =	vst v63  }
0x18: {  	_ =	swait.ge [sflag:s11], $0x2800  }
0x19: {  	[sflag:s11] =	ssyncset.done $0x0  }
0x1a: {  	[sflag:s11] =	ssyncadd.s32 $0xFFFFD800  }
0x1b: {  	[tilespmem:s13], [sflag:$0x1] =	stream.linear.gather [hbm4b:s2+s24], $0x10, $0x38;
	[tilespmem:$0xC840] =	vst v63  }
0x1c: {  	_ =	swait.ge [sflag:s11], $0x10  }
0x1d: {  	[sflag:s11] =	ssyncset.done $0x0  }
0x1e: {  	[sflag:s11] =	ssyncadd.s32 $0xFFFFFFF0  }
0x1f: {  	v5 =	vld [tilespmem:$0xC820];
	_ =	sdelay $0x4  }
0x20: {  	v6 =	vnsel vm0, $0x0, v5  }
0x21: {  	(xrf0) =	vadd.scan.msk.s32 $0xffff, v6;
	v6 =	vsel vm1, $0x0, v5  }
0x22: {  	(xrf0) =	vadd.scan.msk.s32 $0xffff, v6;
	v6 =	vsel vm2, $0x0, v5  }
0x23: {  	(xrf0) =	vadd.scan.msk.s32 $0xffff, v6;
	v6 =	vsel vm3, $0x0, v5  }
0x24: {  	(xrf0) =	vadd.scan.msk.s32 $0xffff, v6;
	v6 =	vsel vm4, $0x0, v5  }
0x25: {  	(xrf0) =	vadd.scan.msk.s32 $0xffff, v6;
	v6 =	vsel vm5, $0x0, v5  }
0x26: {  	(xrf0) =	vadd.scan.msk.s32 $0xffff, v6;
	v6 =	vsel vm6, $0x0, v5  }
0x27: {  	v13, _, _ =	vpop (xrf0);
	(xrf0) =	vadd.scan.msk.s32 $0xffff, v6;
	v6 =	vsel vm7, $0x0, v5  }
0x28: {  	v5 =	vsel vm8, $0x0, v5;
	v12, _, _ =	vpop (xrf0);
	(xrf0) =	vadd.scan.msk.s32 $0xffff, v6  }
0x29: {  	v11, _, _ =	vpop (xrf0);
	(xrf0) =	vadd.scan.msk.s32 $0xffff, v5  }
0x2a: {  	v10, _, _ =	vpop (xrf0)  }
0x2b: {  	v8, _, _ =	vpop (xrf0)  }
0x2c: {  	s19 =	simm.s32 $0x0;
	v6, _, _ =	vpop (xrf0)  }
0x2d: {  	v14 =	vld [tilespmem:s19+$0x0];
	v5, _, _ =	vpop (xrf0)  }
0x2e: {  	v7, _, _ =	vpop (xrf0)  }
0x2f: {  	v9, _, _ =	vpop (xrf0)  }
0x30: {  	v9 =	vbroadcast v9, $0xF  }
0x31: {  	v7 =	vbroadcast v7, $0xF  }
0x32: {  	v5 =	vbroadcast v5, $0xF;
	vm9 =	veq.s32 v14, v9  }
0x33: {  	v6 =	vbroadcast v6, $0xF;
	v15 =	vsel vm9, $0x8, v2;
	vm9 =	veq.s32 v14, v7  }
0x34: {  	v8 =	vbroadcast v8, $0xF;
	v15 =	vsel vm9, $0x7, v15;
	vm9 =	veq.s32 v14, v5  }
0x35: {  	v10 =	vbroadcast v10, $0xF;
	v15 =	vsel vm9, $0x6, v15;
	vm9 =	veq.s32 v14, v6  }
0x36: {  	v11 =	vbroadcast v11, $0xF;
	v15 =	vsel vm9, $0x5, v15;
	vm9 =	veq.s32 v14, v8  }
0x37: {  	v12 =	vbroadcast v12, $0xF;
	v15 =	vsel vm9, $0x4, v15;
	vm9 =	veq.s32 v14, v10  }
0x38: {  	[tilespmem:v14+s14+$0x0] =	vst.idx.add.f32.msk $0xffff, v1;
	v13 =	vbroadcast v13, $0xF;
	v15 =	vsel vm9, $0x3, v15;
	vm9 =	veq.s32 v14, v11  }
0x39: {  	v16 =	vld [tilespmem:s19+$0x2800];
	v15 =	vsel vm9, $0x2, v15;
	vm9 =	veq.s32 v14, v12  }
0x3a: {  	v15 =	vsel vm9, $0x1, v15;
	vm9 =	veq.s32 v14, v13  }
0x3b: {  	v14 =	vsel vm9, $0x0, v15  }
0x3c: {  	vm9 =	vlt.u32 v14, $0xF  }
0x3d: {  	v15 =	vsel vm9, $0x1, v3  }
0x3e: {  	[tilespmem:s24+$0x7800] =	vst.msk vm9, v16;
	(xrf0) =	vadd.scan.msk.s32 $0xffff, v15  }
0x3f: {  	[tilespmem:s24+$0xA010] =	vst.msk vm9, v14  }
0x40: {  	v14 =	vld [tilespmem:s19+$0x10];
	_ =	sdelay $0x3  }
0x41: {  	v15, _, _ =	vpop (xrf0)  }
0x42: {  	vm9 =	veq.s32 v14, v9;
	(v2sf) =	vpush v15, $0xF  }
0x43: {  	v16 =	vsel vm9, $0x8, v2;
	vm9 =	veq.s32 v14, v7  }
0x44: {  	v15 =	vsel vm9, $0x7, v16;
	vm9 =	veq.s32 v14, v5  }
0x45: {  	v15 =	vsel vm9, $0x6, v15;
	vm9 =	veq.s32 v14, v6  }
0x46: {  	v15 =	vsel vm9, $0x5, v15;
	vm9 =	veq.s32 v14, v8  }
0x47: {  	v15 =	vsel vm9, $0x4, v15;
	vm9 =	veq.s32 v14, v10  }
0x48: {  	v15 =	vsel vm9, $0x3, v15;
	vm9 =	veq.s32 v14, v11  }
0x49: {  	v15 =	vsel vm9, $0x2, v15;
	vm9 =	veq.s32 v14, v12  }
0x4a: {  	v15 =	vsel vm9, $0x1, v15;
	vm9 =	veq.s32 v14, v13  }
0x4b: {  	v15 =	vsel vm9, $0x0, v15  }
0x4c: {  	vm9 =	vlt.u32 v15, $0xF  }
0x4d: {  	[tilespmem:v14+s14+$0x0] =	vst.idx.add.f32.msk $0xffff, v1;
	v16 =	vsel vm9, $0x1, v3  }
0x4e: {  	v14 =	vld [tilespmem:s19+$0x2810];
	(xrf0) =	vadd.scan.msk.s32 $0xffff, v16;
	_ =	sdelay $0x2  }
0x4f: {  	s25 =	spop (v2sf)  }
0x50: {  	s20 =	sadd.s32 $0x0, s25  }
0x51: {  	[tilespmem:s20+$0x7800] =	vst.msk vm9, v14  }
0x52: {  	v14, _, _ =	vpop (xrf0);
	[tilespmem:s20+$0xA010] =	vst.msk vm9, v15  }
0x53: {  	(v2sf) =	vpush v14, $0xF;
	v14 =	vld [tilespmem:s19+$0x20];
	_ =	sdelay $0x4  }
0x54: {  	vm9 =	veq.s32 v14, v9  }
0x55: {  	v15 =	vsel vm9, $0x8, v2;
	vm9 =	veq.s32 v14, v7  }
0x56: {  	v15 =	vsel vm9, $0x7, v15;
	vm9 =	veq.s32 v14, v5  }
0x57: {  	v15 =	vsel vm9, $0x6, v15;
	vm9 =	veq.s32 v14, v6  }
0x58: {  	v15 =	vsel vm9, $0x5, v15;
	vm9 =	veq.s32 v14, v8  }
0x59: {  	v15 =	vsel vm9, $0x4, v15;
	vm9 =	veq.s32 v14, v10  }
0x5a: {  	[tilespmem:v14+s14+$0x0] =	vst.idx.add.f32.msk $0xffff, v1;
	v15 =	vsel vm9, $0x3, v15;
	vm9 =	veq.s32 v14, v11  }
0x5b: {  	v16 =	vld [tilespmem:s19+$0x2820];
	v15 =	vsel vm9, $0x2, v15;
	vm9 =	veq.s32 v14, v12  }
0x5c: {  	v15 =	vsel vm9, $0x1, v15;
	vm9 =	veq.s32 v14, v13  }
0x5d: {  	v14 =	vsel vm9, $0x0, v15  }
0x5e: {  	s21 =	spop (v2sf);
	vm9 =	vlt.u32 v14, $0xF  }
0x5f: {  	s20 =	sadd.s32 s20, s21;
	v15 =	vsel vm9, $0x1, v3  }
0x60: {  	[tilespmem:s20+$0x7800] =	vst.msk vm9, v16;
	(xrf0) =	vadd.scan.msk.s32 $0xffff, v15  }
0x61: {  	[tilespmem:s20+$0xA010] =	vst.msk vm9, v14  }
0x62: {  	v14 =	vld [tilespmem:s19+$0x30];
	_ =	sdelay $0x3  }
0x63: {  	v15, _, _ =	vpop (xrf0)  }
0x64: {  	vm9 =	veq.s32 v14, v9;
	(v2sf) =	vpush v15, $0xF  }
0x65: {  	v16 =	vsel vm9, $0x8, v2;
	vm9 =	veq.s32 v14, v7  }
0x66: {  	v15 =	vsel vm9, $0x7, v16;
	vm9 =	veq.s32 v14, v5  }
0x67: {  	v15 =	vsel vm9, $0x6, v15;
	vm9 =	veq.s32 v14, v6  }
0x68: {  	v15 =	vsel vm9, $0x5, v15;
	vm9 =	veq.s32 v14, v8  }
0x69: {  	v15 =	vsel vm9, $0x4, v15;
	vm9 =	veq.s32 v14, v10  }
0x6a: {  	v15 =	vsel vm9, $0x3, v15;
	vm9 =	veq.s32 v14, v11  }
0x6b: {  	v15 =	vsel vm9, $0x2, v15;
	vm9 =	veq.s32 v14, v12  }
0x6c: {  	v15 =	vsel vm9, $0x1, v15;
	vm9 =	veq.s32 v14, v13  }
0x6d: {  	v15 =	vsel vm9, $0x0, v15  }
0x6e: {  	vm9 =	vlt.u32 v15, $0xF  }
0x6f: {  	[tilespmem:v14+s14+$0x0] =	vst.idx.add.f32.msk $0xffff, v1;
	v16 =	vsel vm9, $0x1, v3  }
0x70: {  	v14 =	vld [tilespmem:s19+$0x2830];
	(xrf0) =	vadd.scan.msk.s32 $0xffff, v16;
	_ =	sdelay $0x2  }
0x71: {  	s26 =	spop (v2sf)  }
0x72: {  	s20 =	sadd.s32 s20, s26  }
0x73: {  	[tilespmem:s20+$0x7800] =	vst.msk vm9, v14  }
0x74: {  	v14, _, _ =	vpop (xrf0);
	[tilespmem:s20+$0xA010] =	vst.msk vm9, v15  }
0x75: {  	(v2sf) =	vpush v14, $0xF;
	v14 =	vld [tilespmem:s19+$0x40];
	_ =	sdelay $0x4  }
0x76: {  	vm9 =	veq.s32 v14, v9  }
0x77: {  	v15 =	vsel vm9, $0x8, v2;
	vm9 =	veq.s32 v14, v7  }
0x78: {  	v15 =	vsel vm9, $0x7, v15;
	vm9 =	veq.s32 v14, v5  }
0x79: {  	v15 =	vsel vm9, $0x6, v15;
	vm9 =	veq.s32 v14, v6  }
0x7a: {  	v15 =	vsel vm9, $0x5, v15;
	vm9 =	veq.s32 v14, v8  }
0x7b: {  	v15 =	vsel vm9, $0x4, v15;
	vm9 =	veq.s32 v14, v10  }
0x7c: {  	[tilespmem:v14+s14+$0x0] =	vst.idx.add.f32.msk $0xffff, v1;
	v15 =	vsel vm9, $0x3, v15;
	vm9 =	veq.s32 v14, v11  }
0x7d: {  	v16 =	vld [tilespmem:s19+$0x2840];
	v15 =	vsel vm9, $0x2, v15;
	vm9 =	veq.s32 v14, v12  }
0x7e: {  	v15 =	vsel vm9, $0x1, v15;
	vm9 =	veq.s32 v14, v13  }
0x7f: {  	v14 =	vsel vm9, $0x0, v15  }
0x80: {  	s28 =	spop (v2sf);
	vm9 =	vlt.u32 v14, $0xF  }
0x81: {  	s20 =	sadd.s32 s20, s28;
	v15 =	vsel vm9, $0x1, v3  }
0x82: {  	[tilespmem:s20+$0x7800] =	vst.msk vm9, v16;
	(xrf0) =	vadd.scan.msk.s32 $0xffff, v15  }
0x83: {  	[tilespmem:s20+$0xA010] =	vst.msk vm9, v14  }
0x84: {  	v14 =	vld [tilespmem:s19+$0x50];
	_ =	sdelay $0x3  }
0x85: {  	v15, _, _ =	vpop (xrf0)  }
0x86: {  	vm9 =	veq.s32 v14, v9;
	(v2sf) =	vpush v15, $0xF  }
0x87: {  	v16 =	vsel vm9, $0x8, v2;
	vm9 =	veq.s32 v14, v7  }
0x88: {  	v15 =	vsel vm9, $0x7, v16;
	vm9 =	veq.s32 v14, v5  }
0x89: {  	v15 =	vsel vm9, $0x6, v15;
	vm9 =	veq.s32 v14, v6  }
0x8a: {  	v15 =	vsel vm9, $0x5, v15;
	vm9 =	veq.s32 v14, v8  }
0x8b: {  	v15 =	vsel vm9, $0x4, v15;
	vm9 =	veq.s32 v14, v10  }
0x8c: {  	v15 =	vsel vm9, $0x3, v15;
	vm9 =	veq.s32 v14, v11  }
0x8d: {  	v15 =	vsel vm9, $0x2, v15;
	vm9 =	veq.s32 v14, v12  }
0x8e: {  	v15 =	vsel vm9, $0x1, v15;
	vm9 =	veq.s32 v14, v13  }
0x8f: {  	v15 =	vsel vm9, $0x0, v15  }
0x90: {  	vm9 =	vlt.u32 v15, $0xF  }
0x91: {  	[tilespmem:v14+s14+$0x0] =	vst.idx.add.f32.msk $0xffff, v1;
	v16 =	vsel vm9, $0x1, v3  }
0x92: {  	v14 =	vld [tilespmem:s19+$0x2850];
	(xrf0) =	vadd.scan.msk.s32 $0xffff, v16;
	_ =	sdelay $0x2  }
0x93: {  	s29 =	spop (v2sf)  }
0x94: {  	s20 =	sadd.s32 s20, s29  }
0x95: {  	[tilespmem:s20+$0x7800] =	vst.msk vm9, v14  }
0x96: {  	v14, _, _ =	vpop (xrf0);
	[tilespmem:s20+$0xA010] =	vst.msk vm9, v15  }
0x97: {  	(v2sf) =	vpush v14, $0xF;
	v14 =	vld [tilespmem:s19+$0x60];
	_ =	sdelay $0x4  }
0x98: {  	vm9 =	veq.s32 v14, v9  }
0x99: {  	v15 =	vsel vm9, $0x8, v2;
	vm9 =	veq.s32 v14, v7  }
0x9a: {  	v15 =	vsel vm9, $0x7, v15;
	vm9 =	veq.s32 v14, v5  }
0x9b: {  	v15 =	vsel vm9, $0x6, v15;
	vm9 =	veq.s32 v14, v6  }
0x9c: {  	v15 =	vsel vm9, $0x5, v15;
	vm9 =	veq.s32 v14, v8  }
0x9d: {  	v15 =	vsel vm9, $0x4, v15;
	vm9 =	veq.s32 v14, v10  }
0x9e: {  	[tilespmem:v14+s14+$0x0] =	vst.idx.add.f32.msk $0xffff, v1;
	v15 =	vsel vm9, $0x3, v15;
	vm9 =	veq.s32 v14, v11  }
0x9f: {  	v16 =	vld [tilespmem:s19+$0x2860];
	v15 =	vsel vm9, $0x2, v15;
	vm9 =	veq.s32 v14, v12  }
0xa0: {  	v15 =	vsel vm9, $0x1, v15;
	vm9 =	veq.s32 v14, v13  }
0xa1: {  	v14 =	vsel vm9, $0x0, v15  }
0xa2: {  	s30 =	spop (v2sf);
	vm9 =	vlt.u32 v14, $0xF  }
0xa3: {  	s20 =	sadd.s32 s20, s30;
	v15 =	vsel vm9, $0x1, v3  }
0xa4: {  	[tilespmem:s20+$0x7800] =	vst.msk vm9, v16;
	(xrf0) =	vadd.scan.msk.s32 $0xffff, v15  }
0xa5: {  	[tilespmem:s20+$0xA010] =	vst.msk vm9, v14  }
0xa6: {  	v14 =	vld [tilespmem:s19+$0x70];
	_ =	sdelay $0x3  }
0xa7: {  	v15, _, _ =	vpop (xrf0)  }
0xa8: {  	vm9 =	veq.s32 v14, v9;
	(v2sf) =	vpush v15, $0xF  }
0xa9: {  	v16 =	vsel vm9, $0x8, v2;
	vm9 =	veq.s32 v14, v7  }
0xaa: {  	v15 =	vsel vm9, $0x7, v16;
	vm9 =	veq.s32 v14, v5  }
0xab: {  	v15 =	vsel vm9, $0x6, v15;
	vm9 =	veq.s32 v14, v6  }
0xac: {  	v15 =	vsel vm9, $0x5, v15;
	vm9 =	veq.s32 v14, v8  }
0xad: {  	v15 =	vsel vm9, $0x4, v15;
	vm9 =	veq.s32 v14, v10  }
0xae: {  	v15 =	vsel vm9, $0x3, v15;
	vm9 =	veq.s32 v14, v11  }
0xaf: {  	v15 =	vsel vm9, $0x2, v15;
	vm9 =	veq.s32 v14, v12  }
0xb0: {  	v15 =	vsel vm9, $0x1, v15;
	vm9 =	veq.s32 v14, v13  }
0xb1: {  	v15 =	vsel vm9, $0x0, v15  }
0xb2: {  	vm9 =	vlt.u32 v15, $0xF  }
0xb3: {  	[tilespmem:v14+s14+$0x0] =	vst.idx.add.f32.msk $0xffff, v1;
	v16 =	vsel vm9, $0x1, v3  }
0xb4: {  	v14 =	vld [tilespmem:s19+$0x2870];
	(xrf0) =	vadd.scan.msk.s32 $0xffff, v16;
	_ =	sdelay $0x2  }
0xb5: {  	s31 =	spop (v2sf)  }
0xb6: {  	s22 =	sadd.s32 s20, s31  }
0xb7: {  	[tilespmem:s22+$0x7800] =	vst.msk vm9, v14  }
0xb8: {  	s19 =	simm.s32 $0x80;
	v14, _, _ =	vpop (xrf0);
	[tilespmem:s22+$0xA010] =	vst.msk vm9, v15  }
0xb9: {  	(v2sf) =	vpush v14, $0xF;
	v14 =	vld [tilespmem:s19+$0x0];
	_ =	sdelay $0x4  }
0xba: {  	vm9 =	veq.s32 v14, v9  }
0xbb: {  	v15 =	vsel vm9, $0x8, v2;
	vm9 =	veq.s32 v14, v7  }
0xbc: {  	v15 =	vsel vm9, $0x7, v15;
	vm9 =	veq.s32 v14, v5  }
0xbd: {  	v15 =	vsel vm9, $0x6, v15;
	vm9 =	veq.s32 v14, v6  }
0xbe: {  	v15 =	vsel vm9, $0x5, v15;
	vm9 =	veq.s32 v14, v8  }
0xbf: {  	v15 =	vsel vm9, $0x4, v15;
	vm9 =	veq.s32 v14, v10  }
0xc0: {  	v15 =	vsel vm9, $0x3, v15;
	vm9 =	veq.s32 v14, v11  }
0xc1: {  	[tilespmem:v14+s14+$0x0] =	vst.idx.add.f32.msk $0xffff, v1;
	v15 =	vsel vm9, $0x2, v15;
	vm9 =	veq.s32 v14, v12  }
0xc2: {  	v15 =	vsel vm9, $0x1, v15;
	vm9 =	veq.s32 v14, v13;
	v14 =	vld [tilespmem:s19+$0x2800];
	_ =	sdelay $0x1  }
0xc3: {  	s20 =	simm.s32 $0x400;
	v15 =	vsel vm9, $0x0, v15;
	s21 =	spop (v2sf)  }
.LBB2_4:
0xc4: {  	p0 =	sne.s32 s20, $0x9E00  }
0xc5: {  	vm9 =	vlt.u32 v15, $0xF;
	s22 =	sadd.s32 s22, s21;
	s21 =	smov.u32 s20;
	s20 =	sadd.s32 $0x200, s20  }
0xc6: {  	[tilespmem:s22+$0x7800] =	vst.msk vm9, v14;
	v14 =	vsel vm9, $0x1, v3  }
0xc7: {  	[tilespmem:s22+$0xA010] =	vst.msk vm9, v15;
	(xrf0) =	vadd.scan.msk.s32 $0xffff, v14  }
0xc8: {  	v14 =	vld [tilespmem:s19+$0x10];
	_ =	sdelay $0x4  }
0xc9: {  	vm9 =	veq.s32 v14, v9;
	v15, _, _ =	vpop (xrf0)  }
0xca: {  	v16 =	vsel vm9, $0x8, v2;
	vm9 =	veq.s32 v14, v7;
	(v2sf) =	vpush v15, $0xF  }
0xcb: {  	v15 =	vsel vm9, $0x7, v16;
	vm9 =	veq.s32 v14, v5  }
0xcc: {  	v15 =	vsel vm9, $0x6, v15;
	vm9 =	veq.s32 v14, v6  }
0xcd: {  	v15 =	vsel vm9, $0x5, v15;
	vm9 =	veq.s32 v14, v8  }
0xce: {  	v15 =	vsel vm9, $0x4, v15;
	vm9 =	veq.s32 v14, v10  }
0xcf: {  	v15 =	vsel vm9, $0x3, v15;
	vm9 =	veq.s32 v14, v11  }
0xd0: {  	v15 =	vsel vm9, $0x2, v15;
	vm9 =	veq.s32 v14, v12  }
0xd1: {  	v15 =	vsel vm9, $0x1, v15;
	vm9 =	veq.s32 v14, v13  }
0xd2: {  	v15 =	vsel vm9, $0x0, v15  }
0xd3: {  	vm9 =	vlt.u32 v15, $0xF  }
0xd4: {  	v16 =	vsel vm9, $0x1, v3  }
0xd5: {  	[tilespmem:v14+s14+$0x0] =	vst.idx.add.f32.msk $0xffff, v1;
	(xrf0) =	vadd.scan.msk.s32 $0xffff, v16  }
0xd6: {  	v14 =	vld [tilespmem:s19+$0x2810];
	_ =	sdelay $0x2  }
0xd7: {  	s23 =	spop (v2sf)  }
0xd8: {  	s22 =	sadd.s32 s22, s23  }
0xd9: {  	[tilespmem:s22+$0x7800] =	vst.msk vm9, v14;
	v14, _, _ =	vpop (xrf0)  }
0xda: {  	[tilespmem:s22+$0xA010] =	vst.msk vm9, v15;
	(v2sf) =	vpush v14, $0xF  }
0xdb: {  	v14 =	vld [tilespmem:s19+$0x20];
	_ =	sdelay $0x4  }
0xdc: {  	vm9 =	veq.s32 v14, v9  }
0xdd: {  	v15 =	vsel vm9, $0x8, v2;
	vm9 =	veq.s32 v14, v7  }
0xde: {  	v15 =	vsel vm9, $0x7, v15;
	vm9 =	veq.s32 v14, v5  }
0xdf: {  	v15 =	vsel vm9, $0x6, v15;
	vm9 =	veq.s32 v14, v6  }
0xe0: {  	v15 =	vsel vm9, $0x5, v15;
	vm9 =	veq.s32 v14, v8  }
0xe1: {  	[tilespmem:v14+s14+$0x0] =	vst.idx.add.f32.msk $0xffff, v1;
	v15 =	vsel vm9, $0x4, v15;
	vm9 =	veq.s32 v14, v10  }
0xe2: {  	v15 =	vsel vm9, $0x3, v15;
	vm9 =	veq.s32 v14, v11;
	v16 =	vld [tilespmem:s19+$0x2820]  }
0xe3: {  	v15 =	vsel vm9, $0x2, v15;
	vm9 =	veq.s32 v14, v12  }
0xe4: {  	v15 =	vsel vm9, $0x1, v15;
	vm9 =	veq.s32 v14, v13  }
0xe5: {  	v14 =	vsel vm9, $0x0, v15;
	s23 =	spop (v2sf)  }
0xe6: {  	s22 =	sadd.s32 s22, s23;
	vm9 =	vlt.u32 v14, $0xF  }
0xe7: {  	[tilespmem:s22+$0x7800] =	vst.msk vm9, v16;
	v15 =	vsel vm9, $0x1, v3  }
0xe8: {  	[tilespmem:s22+$0xA010] =	vst.msk vm9, v14;
	(xrf0) =	vadd.scan.msk.s32 $0xffff, v15  }
0xe9: {  	v14 =	vld [tilespmem:s19+$0x30];
	_ =	sdelay $0x4  }
0xea: {  	vm9 =	veq.s32 v14, v9;
	v15, _, _ =	vpop (xrf0)  }
0xeb: {  	v16 =	vsel vm9, $0x8, v2;
	vm9 =	veq.s32 v14, v7;
	(v2sf) =	vpush v15, $0xF  }
0xec: {  	v15 =	vsel vm9, $0x7, v16;
	vm9 =	veq.s32 v14, v5  }
0xed: {  	v15 =	vsel vm9, $0x6, v15;
	vm9 =	veq.s32 v14, v6  }
0xee: {  	v15 =	vsel vm9, $0x5, v15;
	vm9 =	veq.s32 v14, v8  }
0xef: {  	v15 =	vsel vm9, $0x4, v15;
	vm9 =	veq.s32 v14, v10  }
0xf0: {  	v15 =	vsel vm9, $0x3, v15;
	vm9 =	veq.s32 v14, v11  }
0xf1: {  	v15 =	vsel vm9, $0x2, v15;
	vm9 =	veq.s32 v14, v12  }
0xf2: {  	v15 =	vsel vm9, $0x1, v15;
	vm9 =	veq.s32 v14, v13  }
0xf3: {  	v15 =	vsel vm9, $0x0, v15  }
0xf4: {  	vm9 =	vlt.u32 v15, $0xF  }
0xf5: {  	v16 =	vsel vm9, $0x1, v3  }
0xf6: {  	[tilespmem:v14+s14+$0x0] =	vst.idx.add.f32.msk $0xffff, v1;
	(xrf0) =	vadd.scan.msk.s32 $0xffff, v16  }
0xf7: {  	v14 =	vld [tilespmem:s19+$0x2830];
	_ =	sdelay $0x2  }
0xf8: {  	s23 =	spop (v2sf)  }
0xf9: {  	s22 =	sadd.s32 s22, s23  }
0xfa: {  	[tilespmem:s22+$0x7800] =	vst.msk vm9, v14;
	v14, _, _ =	vpop (xrf0)  }
0xfb: {  	[tilespmem:s22+$0xA010] =	vst.msk vm9, v15;
	(v2sf) =	vpush v14, $0xF  }
0xfc: {  	v14 =	vld [tilespmem:s19+$0x40];
	_ =	sdelay $0x4  }
0xfd: {  	vm9 =	veq.s32 v14, v9  }
0xfe: {  	v15 =	vsel vm9, $0x8, v2;
	vm9 =	veq.s32 v14, v7  }
0xff: {  	v15 =	vsel vm9, $0x7, v15;
	vm9 =	veq.s32 v14, v5  }
0x100: {  	[tilespmem:v14+s14+$0x0] =	vst.idx.add.f32.msk $0xffff, v1;
	v15 =	vsel vm9, $0x6, v15;
	vm9 =	veq.s32 v14, v6  }
0x101: {  	v15 =	vsel vm9, $0x5, v15;
	vm9 =	veq.s32 v14, v8;
	v16 =	vld [tilespmem:s19+$0x2840]  }
0x102: {  	v15 =	vsel vm9, $0x4, v15;
	vm9 =	veq.s32 v14, v10  }
0x103: {  	v15 =	vsel vm9, $0x3, v15;
	vm9 =	veq.s32 v14, v11  }
0x104: {  	v15 =	vsel vm9, $0x2, v15;
	vm9 =	veq.s32 v14, v12  }
0x105: {  	v15 =	vsel vm9, $0x1, v15;
	vm9 =	veq.s32 v14, v13  }
0x106: {  	v14 =	vsel vm9, $0x0, v15;
	s23 =	spop (v2sf)  }
0x107: {  	s22 =	sadd.s32 s22, s23;
	vm9 =	vlt.u32 v14, $0xF  }
0x108: {  	[tilespmem:s22+$0x7800] =	vst.msk vm9, v16;
	v15 =	vsel vm9, $0x1, v3  }
0x109: {  	[tilespmem:s22+$0xA010] =	vst.msk vm9, v14;
	(xrf0) =	vadd.scan.msk.s32 $0xffff, v15  }
0x10a: {  	v14 =	vld [tilespmem:s19+$0x50];
	_ =	sdelay $0x4  }
0x10b: {  	vm9 =	veq.s32 v14, v9;
	v15, _, _ =	vpop (xrf0)  }
0x10c: {  	v16 =	vsel vm9, $0x8, v2;
	vm9 =	veq.s32 v14, v7;
	(v2sf) =	vpush v15, $0xF  }
0x10d: {  	v15 =	vsel vm9, $0x7, v16;
	vm9 =	veq.s32 v14, v5  }
0x10e: {  	[tilespmem:v14+s14+$0x0] =	vst.idx.add.f32.msk $0xffff, v1;
	v15 =	vsel vm9, $0x6, v15;
	vm9 =	veq.s32 v14, v6  }
0x10f: {  	v15 =	vsel vm9, $0x5, v15;
	vm9 =	veq.s32 v14, v8;
	v16 =	vld [tilespmem:s19+$0x2850]  }
0x110: {  	v15 =	vsel vm9, $0x4, v15;
	vm9 =	veq.s32 v14, v10  }
0x111: {  	v15 =	vsel vm9, $0x3, v15;
	vm9 =	veq.s32 v14, v11  }
0x112: {  	v15 =	vsel vm9, $0x2, v15;
	vm9 =	veq.s32 v14, v12  }
0x113: {  	v15 =	vsel vm9, $0x1, v15;
	vm9 =	veq.s32 v14, v13  }
0x114: {  	v14 =	vsel vm9, $0x0, v15  }
0x115: {  	vm9 =	vlt.u32 v14, $0xF  }
0x116: {  	v15 =	vsel vm9, $0x1, v3  }
0x117: {  	(xrf0) =	vadd.scan.msk.s32 $0xffff, v15;
	_ =	sdelay $0x3  }
0x118: {  	s23 =	spop (v2sf)  }
0x119: {  	s22 =	sadd.s32 s22, s23  }
0x11a: {  	[tilespmem:s22+$0x7800] =	vst.msk vm9, v16;
	v15, _, _ =	vpop (xrf0)  }
0x11b: {  	[tilespmem:s22+$0xA010] =	vst.msk vm9, v14;
	(v2sf) =	vpush v15, $0xF  }
0x11c: {  	v14 =	vld [tilespmem:s19+$0x60];
	_ =	sdelay $0x4  }
0x11d: {  	vm9 =	veq.s32 v14, v9  }
0x11e: {  	v15 =	vsel vm9, $0x8, v2;
	vm9 =	veq.s32 v14, v7  }
0x11f: {  	v15 =	vsel vm9, $0x7, v15;
	vm9 =	veq.s32 v14, v5  }
0x120: {  	[tilespmem:v14+s14+$0x0] =	vst.idx.add.f32.msk $0xffff, v1;
	v15 =	vsel vm9, $0x6, v15;
	vm9 =	veq.s32 v14, v6  }
0x121: {  	v15 =	vsel vm9, $0x5, v15;
	vm9 =	veq.s32 v14, v8;
	v16 =	vld [tilespmem:s19+$0x2860]  }
0x122: {  	v15 =	vsel vm9, $0x4, v15;
	vm9 =	veq.s32 v14, v10  }
0x123: {  	v15 =	vsel vm9, $0x3, v15;
	vm9 =	veq.s32 v14, v11  }
0x124: {  	v15 =	vsel vm9, $0x2, v15;
	vm9 =	veq.s32 v14, v12  }
0x125: {  	v15 =	vsel vm9, $0x1, v15;
	vm9 =	veq.s32 v14, v13  }
0x126: {  	v14 =	vsel vm9, $0x0, v15;
	s23 =	spop (v2sf)  }
0x127: {  	s22 =	sadd.s32 s22, s23;
	vm9 =	vlt.u32 v14, $0xF  }
0x128: {  	[tilespmem:s22+$0x7800] =	vst.msk vm9, v16;
	v15 =	vsel vm9, $0x1, v3  }
0x129: {  	[tilespmem:s22+$0xA010] =	vst.msk vm9, v14;
	(xrf0) =	vadd.scan.msk.s32 $0xffff, v15  }
0x12a: {  	v14 =	vld [tilespmem:s19+$0x70];
	_ =	sdelay $0x4  }
0x12b: {  	vm9 =	veq.s32 v14, v9;
	v15, _, _ =	vpop (xrf0)  }
0x12c: {  	v16 =	vsel vm9, $0x8, v2;
	vm9 =	veq.s32 v14, v7;
	(v2sf) =	vpush v15, $0xF  }
0x12d: {  	v15 =	vsel vm9, $0x7, v16;
	vm9 =	veq.s32 v14, v5  }
0x12e: {  	[tilespmem:v14+s14+$0x0] =	vst.idx.add.f32.msk $0xffff, v1;
	v15 =	vsel vm9, $0x6, v15;
	vm9 =	veq.s32 v14, v6  }
0x12f: {  	v15 =	vsel vm9, $0x5, v15;
	vm9 =	veq.s32 v14, v8;
	v16 =	vld [tilespmem:s19+$0x2870]  }
0x130: {  	v15 =	vsel vm9, $0x4, v15;
	vm9 =	veq.s32 v14, v10  }
0x131: {  	v15 =	vsel vm9, $0x3, v15;
	vm9 =	veq.s32 v14, v11  }
0x132: {  	v15 =	vsel vm9, $0x2, v15;
	vm9 =	veq.s32 v14, v12  }
0x133: {  	v15 =	vsel vm9, $0x1, v15;
	vm9 =	veq.s32 v14, v13  }
0x134: {  	v14 =	vsel vm9, $0x0, v15  }
0x135: {  	vm9 =	vlt.u32 v14, $0xF  }
0x136: {  	v15 =	vsel vm9, $0x1, v3  }
0x137: {  	(xrf0) =	vadd.scan.msk.s32 $0xffff, v15;
	_ =	sdelay $0x3  }
0x138: {  	s19 =	spop (v2sf)  }
0x139: {  	s22 =	sadd.s32 s22, s19  }
0x13a: {  	[tilespmem:s22+$0x7800] =	vst.msk vm9, v16;
	v15, _, _ =	vpop (xrf0)  }
0x13b: {  	s19 =	sshra.s32 s21, $0x2;
	[tilespmem:s22+$0xA010] =	vst.msk vm9, v14;
	(v2sf) =	vpush v15, $0xF  }
0x13c: {  	v15 =	vld [tilespmem:s19+$0x0];
	_ =	sdelay $0x4  }
0x13d: {  	vm9 =	veq.s32 v15, v9  }
0x13e: {  	v14 =	vsel vm9, $0x8, v2;
	vm9 =	veq.s32 v15, v7  }
0x13f: {  	v14 =	vsel vm9, $0x7, v14;
	vm9 =	veq.s32 v15, v5  }
0x140: {  	v14 =	vsel vm9, $0x6, v14;
	vm9 =	veq.s32 v15, v6  }
0x141: {  	v14 =	vsel vm9, $0x5, v14;
	vm9 =	veq.s32 v15, v8  }
.Ltmp1:
0x142: {  	[tilespmem:v15+s14+$0x0] =	vst.idx.add.f32.msk $0xffff, v1;
	v14 =	vsel vm9, $0x4, v14;
	vm9 =	veq.s32 v15, v10;
	(pc) =	sbr.rel @p0 .LBB2_4-.Ltmp1, $4  }
0x143: {  	v16 =	vsel vm9, $0x3, v14;
	vm9 =	veq.s32 v15, v11;
	v14 =	vld [tilespmem:s19+$0x2800]  }
0x144: {  	v16 =	vsel vm9, $0x2, v16;
	vm9 =	veq.s32 v15, v12  }
0x145: {  	v16 =	vsel vm9, $0x1, v16;
	vm9 =	veq.s32 v15, v13  }
0x146: {  	v15 =	vsel vm9, $0x0, v16;
	s21 =	spop (v2sf)  }
0x147: {  	vm9 =	vlt.u32 v15, $0xF;
	s20 =	sadd.s32 s22, s21  }
0x148: {  	[tilespmem:s20+$0x7800] =	vst.msk vm9, v14;
	v39 =	vsel vm9, $0x1, v3  }
0x149: {  	[tilespmem:s20+$0xA010] =	vst.msk vm9, v15;
	(xrf0) =	vadd.scan.msk.s32 $0xffff, v39  }
0x14a: {  	v40 =	vld [tilespmem:s19+$0x10];
	_ =	sdelay $0x4  }
0x14b: {  	vm9 =	veq.s32 v40, v9;
	v41, _, _ =	vpop (xrf0)  }
0x14c: {  	v16 =	vsel vm9, $0x8, v2;
	vm9 =	veq.s32 v40, v7;
	(v2sf) =	vpush v41, $0xF  }
0x14d: {  	v42 =	vsel vm9, $0x7, v16;
	vm9 =	veq.s32 v40, v5  }
0x14e: {  	v15 =	vsel vm9, $0x6, v42;
	vm9 =	veq.s32 v40, v6  }
0x14f: {  	v15 =	vsel vm9, $0x5, v15;
	vm9 =	veq.s32 v40, v8  }
0x150: {  	v15 =	vsel vm9, $0x4, v15;
	vm9 =	veq.s32 v40, v10  }
0x151: {  	v15 =	vsel vm9, $0x3, v15;
	vm9 =	veq.s32 v40, v11  }
0x152: {  	v15 =	vsel vm9, $0x2, v15;
	vm9 =	veq.s32 v40, v12  }
0x153: {  	v15 =	vsel vm9, $0x1, v15;
	vm9 =	veq.s32 v40, v13  }
0x154: {  	v15 =	vsel vm9, $0x0, v15  }
0x155: {  	vm9 =	vlt.u32 v15, $0xF  }
0x156: {  	v43 =	vsel vm9, $0x1, v3  }
0x157: {  	[tilespmem:v40+s14+$0x0] =	vst.idx.add.f32.msk $0xffff, v1;
	(xrf0) =	vadd.scan.msk.s32 $0xffff, v43  }
0x158: {  	v14 =	vld [tilespmem:s19+$0x2810];
	_ =	sdelay $0x2  }
0x159: {  	s23 =	spop (v2sf)  }
0x15a: {  	s20 =	sadd.s32 s20, s23  }
0x15b: {  	[tilespmem:s20+$0x7800] =	vst.msk vm9, v14;
	v44, _, _ =	vpop (xrf0)  }
0x15c: {  	[tilespmem:s20+$0xA010] =	vst.msk vm9, v15;
	(v2sf) =	vpush v44, $0xF  }
0x15d: {  	v45 =	vld [tilespmem:s19+$0x20];
	_ =	sdelay $0x4  }
0x15e: {  	vm9 =	veq.s32 v45, v9  }
0x15f: {  	v46 =	vsel vm9, $0x8, v2;
	vm9 =	veq.s32 v45, v7  }
0x160: {  	v15 =	vsel vm9, $0x7, v46;
	vm9 =	veq.s32 v45, v5  }
0x161: {  	v15 =	vsel vm9, $0x6, v15;
	vm9 =	veq.s32 v45, v6  }
0x162: {  	v15 =	vsel vm9, $0x5, v15;
	vm9 =	veq.s32 v45, v8  }
0x163: {  	[tilespmem:v45+s14+$0x0] =	vst.idx.add.f32.msk $0xffff, v1;
	v15 =	vsel vm9, $0x4, v15;
	vm9 =	veq.s32 v45, v10  }
0x164: {  	v47 =	vld [tilespmem:s19+$0x2820];
	v15 =	vsel vm9, $0x3, v15;
	vm9 =	veq.s32 v45, v11  }
0x165: {  	v15 =	vsel vm9, $0x2, v15;
	vm9 =	veq.s32 v45, v12  }
0x166: {  	v15 =	vsel vm9, $0x1, v15;
	vm9 =	veq.s32 v45, v13  }
0x167: {  	v14 =	vsel vm9, $0x0, v15;
	s24 =	spop (v2sf)  }
0x168: {  	s20 =	sadd.s32 s20, s24;
	vm9 =	vlt.u32 v14, $0xF  }
0x169: {  	[tilespmem:s20+$0x7800] =	vst.msk vm9, v47;
	v48 =	vsel vm9, $0x1, v3  }
0x16a: {  	[tilespmem:s20+$0xA010] =	vst.msk vm9, v14;
	(xrf0) =	vadd.scan.msk.s32 $0xffff, v48  }
0x16b: {  	v14 =	vld [tilespmem:s19+$0x30];
	_ =	sdelay $0x4  }
0x16c: {  	vm9 =	veq.s32 v14, v9;
	v15, _, _ =	vpop (xrf0)  }
0x16d: {  	v49 =	vsel vm9, $0x8, v2;
	vm9 =	veq.s32 v14, v7;
	(v2sf) =	vpush v15, $0xF  }
0x16e: {  	v50 =	vsel vm9, $0x7, v49;
	vm9 =	veq.s32 v14, v5  }
0x16f: {  	v15 =	vsel vm9, $0x6, v50;
	vm9 =	veq.s32 v14, v6  }
0x170: {  	v15 =	vsel vm9, $0x5, v15;
	vm9 =	veq.s32 v14, v8  }
0x171: {  	v15 =	vsel vm9, $0x4, v15;
	vm9 =	veq.s32 v14, v10  }
0x172: {  	v15 =	vsel vm9, $0x3, v15;
	vm9 =	veq.s32 v14, v11  }
0x173: {  	v15 =	vsel vm9, $0x2, v15;
	vm9 =	veq.s32 v14, v12  }
0x174: {  	v15 =	vsel vm9, $0x1, v15;
	vm9 =	veq.s32 v14, v13  }
0x175: {  	v15 =	vsel vm9, $0x0, v15  }
0x176: {  	vm9 =	vlt.u32 v15, $0xF  }
0x177: {  	v51 =	vsel vm9, $0x1, v3  }
0x178: {  	[tilespmem:v14+s14+$0x0] =	vst.idx.add.f32.msk $0xffff, v1;
	(xrf0) =	vadd.scan.msk.s32 $0xffff, v51  }
0x179: {  	v14 =	vld [tilespmem:s19+$0x2830];
	_ =	sdelay $0x2  }
0x17a: {  	s25 =	spop (v2sf)  }
0x17b: {  	s20 =	sadd.s32 s20, s25  }
0x17c: {  	[tilespmem:s20+$0x7800] =	vst.msk vm9, v14;
	v52, _, _ =	vpop (xrf0)  }
0x17d: {  	[tilespmem:s20+$0xA010] =	vst.msk vm9, v15;
	(v2sf) =	vpush v52, $0xF  }
0x17e: {  	v53 =	vld [tilespmem:s19+$0x40];
	_ =	sdelay $0x4  }
0x17f: {  	vm9 =	veq.s32 v53, v9  }
0x180: {  	v54 =	vsel vm9, $0x8, v2;
	vm9 =	veq.s32 v53, v7  }
0x181: {  	v15 =	vsel vm9, $0x7, v54;
	vm9 =	veq.s32 v53, v5  }
0x182: {  	v15 =	vsel vm9, $0x6, v15;
	vm9 =	veq.s32 v53, v6  }
0x183: {  	v15 =	vsel vm9, $0x5, v15;
	vm9 =	veq.s32 v53, v8  }
0x184: {  	[tilespmem:v53+s14+$0x0] =	vst.idx.add.f32.msk $0xffff, v1;
	v15 =	vsel vm9, $0x4, v15;
	vm9 =	veq.s32 v53, v10  }
0x185: {  	v55 =	vld [tilespmem:s19+$0x2840];
	v15 =	vsel vm9, $0x3, v15;
	vm9 =	veq.s32 v53, v11  }
0x186: {  	v15 =	vsel vm9, $0x2, v15;
	vm9 =	veq.s32 v53, v12  }
0x187: {  	v15 =	vsel vm9, $0x1, v15;
	vm9 =	veq.s32 v53, v13  }
0x188: {  	v14 =	vsel vm9, $0x0, v15;
	s26 =	spop (v2sf)  }
0x189: {  	s20 =	sadd.s32 s20, s26;
	vm9 =	vlt.u32 v14, $0xF  }
0x18a: {  	[tilespmem:s20+$0x7800] =	vst.msk vm9, v55;
	v56 =	vsel vm9, $0x1, v3  }
0x18b: {  	[tilespmem:s20+$0xA010] =	vst.msk vm9, v14;
	(xrf0) =	vadd.scan.msk.s32 $0xffff, v56  }
0x18c: {  	v14 =	vld [tilespmem:s19+$0x50];
	_ =	sdelay $0x4  }
0x18d: {  	vm9 =	veq.s32 v14, v9;
	v15, _, _ =	vpop (xrf0)  }
0x18e: {  	v57 =	vsel vm9, $0x8, v2;
	vm9 =	veq.s32 v14, v7;
	(v2sf) =	vpush v15, $0xF  }
0x18f: {  	v58 =	vsel vm9, $0x7, v57;
	vm9 =	veq.s32 v14, v5  }
0x190: {  	v15 =	vsel vm9, $0x6, v58;
	vm9 =	veq.s32 v14, v6  }
0x191: {  	v15 =	vsel vm9, $0x5, v15;
	vm9 =	veq.s32 v14, v8  }
0x192: {  	v15 =	vsel vm9, $0x4, v15;
	vm9 =	veq.s32 v14, v10  }
0x193: {  	v15 =	vsel vm9, $0x3, v15;
	vm9 =	veq.s32 v14, v11  }
0x194: {  	v15 =	vsel vm9, $0x2, v15;
	vm9 =	veq.s32 v14, v12  }
0x195: {  	v15 =	vsel vm9, $0x1, v15;
	vm9 =	veq.s32 v14, v13  }
0x196: {  	v15 =	vsel vm9, $0x0, v15  }
0x197: {  	vm9 =	vlt.u32 v15, $0xF  }
0x198: {  	v59 =	vsel vm9, $0x1, v3  }
0x199: {  	[tilespmem:v14+s14+$0x0] =	vst.idx.add.f32.msk $0xffff, v1;
	(xrf0) =	vadd.scan.msk.s32 $0xffff, v59  }
0x19a: {  	v14 =	vld [tilespmem:s19+$0x2850];
	_ =	sdelay $0x2  }
0x19b: {  	s28 =	spop (v2sf)  }
0x19c: {  	s20 =	sadd.s32 s20, s28  }
0x19d: {  	[tilespmem:s20+$0x7800] =	vst.msk vm9, v14;
	v60, _, _ =	vpop (xrf0)  }
0x19e: {  	[tilespmem:s20+$0xA010] =	vst.msk vm9, v15;
	(v2sf) =	vpush v60, $0xF  }
0x19f: {  	v61 =	vld [tilespmem:s19+$0x60];
	_ =	sdelay $0x4  }
0x1a0: {  	vm9 =	veq.s32 v61, v9  }
0x1a1: {  	v62 =	vsel vm9, $0x8, v2;
	vm9 =	veq.s32 v61, v7  }
0x1a2: {  	v15 =	vsel vm9, $0x7, v62;
	vm9 =	veq.s32 v61, v5  }
0x1a3: {  	v15 =	vsel vm9, $0x6, v15;
	vm9 =	veq.s32 v61, v6  }
0x1a4: {  	v15 =	vsel vm9, $0x5, v15;
	vm9 =	veq.s32 v61, v8  }
0x1a5: {  	[tilespmem:v61+s14+$0x0] =	vst.idx.add.f32.msk $0xffff, v1;
	v15 =	vsel vm9, $0x4, v15;
	vm9 =	veq.s32 v61, v10  }
0x1a6: {  	v63 =	vld [tilespmem:s19+$0x2860];
	v15 =	vsel vm9, $0x3, v15;
	vm9 =	veq.s32 v61, v11  }
0x1a7: {  	v15 =	vsel vm9, $0x2, v15;
	vm9 =	veq.s32 v61, v12  }
0x1a8: {  	v15 =	vsel vm9, $0x1, v15;
	vm9 =	veq.s32 v61, v13  }
0x1a9: {  	v14 =	vsel vm9, $0x0, v15;
	s29 =	spop (v2sf)  }
0x1aa: {  	s20 =	sadd.s32 s20, s29;
	vm9 =	vlt.u32 v14, $0xF  }
0x1ab: {  	[tilespmem:s20+$0x7800] =	vst.msk vm9, v63  }
0x1ac: {  	[tilespmem:s20+$0xA010] =	vst.msk vm9, v14  }
0x1ad: {  	v14 =	vld [tilespmem:s19+$0x70];
	_ =	sdelay $0x4  }
0x1ae: {  	vm10 =	veq.s32 v14, v9  }
0x1af: {  	v9 =	vsel vm10, $0x8, v2;
	vm10 =	veq.s32 v14, v7  }
0x1b0: {  	v7 =	vsel vm10, $0x7, v9;
	vm10 =	veq.s32 v14, v5  }
0x1b1: {  	v5 =	vsel vm10, $0x6, v7;
	vm10 =	veq.s32 v14, v6  }
0x1b2: {  	v5 =	vsel vm10, $0x5, v5;
	vm10 =	veq.s32 v14, v8  }
0x1b3: {  	v5 =	vsel vm10, $0x4, v5;
	vm10 =	veq.s32 v14, v10  }
0x1b4: {  	v5 =	vsel vm10, $0x3, v5;
	vm10 =	veq.s32 v14, v11  }
0x1b5: {  	v5 =	vsel vm10, $0x2, v5;
	vm10 =	veq.s32 v14, v12  }
0x1b6: {  	v5 =	vsel vm10, $0x1, v5;
	vm10 =	veq.s32 v14, v13  }
0x1b7: {  	v6 =	vsel vm9, $0x1, v3;
	v5 =	vsel vm10, $0x0, v5  }
0x1b8: {  	(xrf0) =	vadd.scan.msk.s32 $0xffff, v6;
	vm9 =	vlt.u32 v5, $0xF  }
0x1b9: {  	v6 =	vsel vm9, $0x1, v3  }
0x1ba: {  	(xrf0) =	vadd.scan.msk.s32 $0xffff, v6;
	_ =	sdelay $0x3  }
0x1bb: {  	v6, _, _ =	vpop (xrf0)  }
0x1bc: {  	(v2sf) =	vpush v6, $0xF  }
0x1bd: {  	v6, _, _ =	vpop (xrf0)  }
0x1be: {  	(v2sf) =	vpush v6, $0xF;
	_ =	sdelay $0x8  }
0x1bf: {  	[tilespmem:v14+s14+$0x0] =	vst.idx.add.f32.msk $0xffff, v1  }
0x1c0: {  	v6 =	vld [tilespmem:s19+$0x2870];
	_ =	sdelay $0x2  }
0x1c1: {  	s30 =	spop (v2sf)  }
0x1c2: {  	s19 =	sadd.s32 s20, s30  }
0x1c3: {  	[tilespmem:s19+$0x7800] =	vst.msk vm9, v6;
	s31 =	spop (v2sf)  }
0x1c4: {  	[tilespmem:s19+$0xA010] =	vst.msk vm9, v5;
	s19 =	sadd.s32 s19, s31  }
0x1c5: {  	[tilespmem:s19+$0x7800] =	vst v4;
	v5 =	vmov s19  }
0x1c6: {  	[tilespmem:$0xC830] =	vst v5  }
0x1c7: {  	[hbm4b:s6+s3] =	stream.linear.scatter [tilespmem:s14], [sflag:$0x1], $0x2800, $0x38;
	[tilespmem:$0xC840] =	vst v63  }
0x1c8: {  	_ =	swait.ge [sflag:s11], $0x2800  }
0x1c9: {  	[sflag:s11] =	ssyncset.done $0x0  }
0x1ca: {  	[sflag:s11] =	ssyncadd.s32 $0xFFFFD800  }
0x1cb: {  	[hbm4b:s7+s3] =	stream.linear.scatter [tilespmem:s15], [sflag:$0x1], $0x2810, $0x38;
	[tilespmem:$0xC840] =	vst v63  }
0x1cc: {  	_ =	swait.ge [sflag:s11], $0x2810  }
0x1cd: {  	[sflag:s11] =	ssyncset.done $0x0  }
0x1ce: {  	[sflag:s11] =	ssyncadd.s32 $0xFFFFD7F0  }
0x1cf: {  	[hbm4b:s8+s3] =	stream.linear.scatter [tilespmem:s16], [sflag:$0x1], $0x2810, $0x38;
	[tilespmem:$0xC840] =	vst v63  }
0x1d0: {  	s18 =	sadd.s32 $0x1, s18;
	_ =	swait.ge [sflag:s11], $0x2810  }
0x1d1: {  	p0 =	sne.s32 s18, s10;
	[sflag:s11] =	ssyncset.done $0x0  }
.Ltmp2:
0x1d2: {  	[sflag:s11] =	ssyncadd.s32 $0xFFFFD7F0;
	(pc) =	sbr.rel @p0 .LBB2_1-.Ltmp2, $4  }
0x1d3: {  	[hbm4b:s9+s3] =	stream.linear.scatter [tilespmem:s17], [sflag:$0x1], $0x10, $0x38;
	[tilespmem:$0xC840] =	vst v63  }
0x1d4: {  	_ =	swait.ge [sflag:s11], $0x10  }
0x1d5: {  	[sflag:s11] =	ssyncset.done $0x0  }
0x1d6: {  	[sflag:s11] =	ssyncadd.s32 $0xFFFFFFF0  }
0x1d7: {  	_ =	sfence.sel $0x180000  }
0x1d8: {  	[bflag:$0x0] =	sbarrier.arrive $0xFFFF  }
0x1d9: {  	p0 =	sne.s32 s0, $0x0;
	_ =	strace $0x90000047  }
0x1da: {  	s0 =	sadd.s32 @!p0 $0x100000, s1;
	[bflag:$0x2] =	sbarrier.arrive $0xFFFF  }
0x1db: {  	[sflag:s0] =	ssyncadd.tile.s32 @!p0 $0x1;
	_ =	shalt  }
.Lfunc_end2:
_tile_overlayer_lowered:
.L_overlay_start_2:
0x1dc: {  	(tag) =	ssettag $0x2  }
0x1dd: {  	s0 =	rddreg [dreg:$0x0];
	s2 =	stileid.u32  }
0x1de: {  	s1 =	rddreg [dreg:$0x1];
	p0 =	sne.s32 s2, $0x0  }
0x1df: {  	s3 =	rddreg [dreg:$0x2];
	[bflag:$0x3] =	sbarrier.arrive $0xFFFF;
	s2 =	simm.s32 @!p0 $0x1C01  }
0x1e0: {  	[timem:s3], [sflag:s2] =	dma.local @!p0 [hbm:s0], s1  }
0x1e1: {  	s0 =	simm.s32 @!p0 $0x1  }
0x1e2: {  	_ =	swait.ge @!p0 [sflag:s0], s1  }
0x1e3: {  	s1 =	ssub.s32 @!p0 $0x0, s1;
	[sflag:s0] =	ssyncset.done @!p0 $0x0  }
0x1e4: {  	[sflag:s0] =	ssyncadd.s32 @!p0 s1  }
0x1e5: {  	[bflag:$0x3] =	sbarrier.arrive $0xFFFF  }
0x1e6: {  	_ =	shalt  }

</sc_bundles>
